<compile_context>
chip_gen: v7x
topology: tpu7x:2x2x1
jax: 0.10.2.dev20260603
libtpu: 0.0.44.dev20260713+nightly
codegen_flags: <defaults>
</compile_context>

<pallas_src>
import functools

import jax
import jax.numpy as jnp
from jax import lax
from jax.experimental import pallas as pl
from jax.experimental.pallas import tpu as pltpu
from jax.experimental.pallas import tpu_sc as plsc

NG = 64
NN = 10000
NE = 320000
NT = 30
D = 128
IMD = 4096
PF = 147

NNP = 10240
NC = 2
NS = 16
NW = NC * NS
CH = 80
CPT = 128
EPAD = NW * CPT * CH
RPT = NNP // NS
HIGH = lax.Precision.HIGHEST

_mesh = plsc.VectorSubcoreMesh(core_axis_name="c", subcore_axis_name="s")


@functools.partial(
    pl.kernel,
    out_type=jax.ShapeDtypeStruct((NC, NNP, D), jnp.float32),
    mesh=_mesh,
    scratch_types=[
        pltpu.VMEM((CH,), jnp.int32),
        pltpu.VMEM((CH,), jnp.int32),
        pltpu.VMEM((CH, 16), jnp.float32),
        pltpu.VMEM((CH, 16), jnp.float32),
        pltpu.VMEM((CH, D), jnp.float32),
        pltpu.VMEM((CH, D), jnp.float32),
        pltpu.VMEM_SHARED((NNP, D), jnp.float32),
        pltpu.SemaphoreType.DMA,
        pltpu.SemaphoreType.DMA,
        pltpu.SemaphoreType.DMA,
        pltpu.SemaphoreType.DMA,
    ],
)
def _sc_deg(dst_hbm, wrep_hbm, zero_hbm, out_hbm,
            dst0, dst1, wrow0, wrow1, rows0, rows1,
            acc_sh, fsem0, fsem1, ssem0, ssem1):
    cid = lax.axis_index("c")
    sid = lax.axis_index("s")
    wid = sid * NC + cid
    r0 = sid * RPT
    dsts = (dst0, dst1)
    wrows = (wrow0, wrow1)
    rows = (rows0, rows1)
    fsems = (fsem0, fsem1)
    ssems = (ssem0, ssem1)

    pltpu.sync_copy(zero_hbm.at[pl.ds(0, CH)], rows0)
    for bb in range(RPT // CH):
        pltpu.sync_copy(rows0, acc_sh.at[pl.ds(r0 + bb * CH, CH)])
    plsc.subcore_barrier()

    def fetch(k, b):
        e0 = (wid * CPT + k) * CH
        pltpu.async_copy(dst_hbm.at[pl.ds(e0, CH)], dsts[b], fsems[b])
        pltpu.async_copy(wrep_hbm.at[pl.ds(e0, CH)], wrows[b], fsems[b])

    def consume(b):
        pltpu.make_async_copy(dst_hbm.at[pl.ds(0, CH)], dsts[b], fsems[b]).wait()
        pltpu.make_async_copy(wrep_hbm.at[pl.ds(0, CH)], wrows[b], fsems[b]).wait()
        rv = rows[b]
        wv = wrows[b]

        def edge_body(i, c2):
            wspl = wv[i, pl.ds(0, 16)]
            for j in range(D // 16):
                rv[i, pl.ds(j * 16, 16)] = wspl
            return c2

        lax.fori_loop(0, CH, edge_body, 0)
        pltpu.async_copy(rv, acc_sh.at[dsts[b]], ssems[b], add=True)

    fetch(0, 0)
    fetch(1, 1)

    def pair_body(kk, carry):
        for b in range(2):
            cur = kk * 2 + b
            consume(b)

            @pl.when(cur + 2 < CPT)
            def _():
                pltpu.make_async_copy(rows[b], acc_sh.at[dsts[b]], ssems[b]).wait()
                fetch(cur + 2, b)
        return carry

    lax.fori_loop(0, CPT // 2, pair_body, 0)
    pltpu.make_async_copy(rows0, acc_sh.at[dst0], ssem0).wait()
    pltpu.make_async_copy(rows1, acc_sh.at[dst1], ssem1).wait()
    plsc.subcore_barrier()
    for bb in range(RPT // CH):
        pltpu.sync_copy(acc_sh.at[pl.ds(r0 + bb * CH, CH)], rows0)
        pltpu.sync_copy(rows0, out_hbm.at[cid, pl.ds(r0 + bb * CH, CH)])


@functools.partial(
    pl.kernel,
    out_type=jax.ShapeDtypeStruct((NC, NNP, D), jnp.float32),
    mesh=_mesh,
    scratch_types=[
        pltpu.VMEM((CH,), jnp.int32),
        pltpu.VMEM((CH,), jnp.int32),
        pltpu.VMEM((CH,), jnp.int32),
        pltpu.VMEM((CH,), jnp.int32),
        pltpu.VMEM((CH, 16), jnp.float32),
        pltpu.VMEM((CH, 16), jnp.float32),
        pltpu.VMEM((CH, D), jnp.float32),
        pltpu.VMEM((CH, D), jnp.float32),
        pltpu.VMEM_SHARED((NNP, D), jnp.float32),
        pltpu.SemaphoreType.DMA,
        pltpu.SemaphoreType.DMA,
        pltpu.SemaphoreType.DMA,
        pltpu.SemaphoreType.DMA,
        pltpu.SemaphoreType.DMA,
        pltpu.SemaphoreType.DMA,
    ],
)
def _sc_agg(hp_hbm, src_hbm, dst_hbm, wrep_hbm, zero_hbm, out_hbm,
            src0, src1, dst0, dst1, wrow0, wrow1, rows0, rows1,
            acc_sh, fsem0, fsem1, gsem0, gsem1, ssem0, ssem1):
    cid = lax.axis_index("c")
    sid = lax.axis_index("s")
    wid = sid * NC + cid
    r0 = sid * RPT
    srcs = (src0, src1)
    dsts = (dst0, dst1)
    wrows = (wrow0, wrow1)
    rows = (rows0, rows1)
    fsems = (fsem0, fsem1)
    gsems = (gsem0, gsem1)
    ssems = (ssem0, ssem1)

    pltpu.sync_copy(zero_hbm.at[pl.ds(0, CH)], rows0)
    for bb in range(RPT // CH):
        pltpu.sync_copy(rows0, acc_sh.at[pl.ds(r0 + bb * CH, CH)])
    plsc.subcore_barrier()

    def fetch(k, b):
        e0 = (wid * CPT + k) * CH
        pltpu.sync_copy(src_hbm.at[pl.ds(e0, CH)], srcs[b])
        pltpu.async_copy(wrep_hbm.at[pl.ds(e0, CH)], wrows[b], fsems[b])
        pltpu.async_copy(dst_hbm.at[pl.ds(e0, CH)], dsts[b], fsems[b])
        pltpu.async_copy(hp_hbm.at[srcs[b]], rows[b], gsems[b])

    def consume(b):
        pltpu.make_async_copy(wrep_hbm.at[pl.ds(0, CH)], wrows[b], fsems[b]).wait()
        pltpu.make_async_copy(dst_hbm.at[pl.ds(0, CH)], dsts[b], fsems[b]).wait()
        pltpu.make_async_copy(hp_hbm.at[srcs[b]], rows[b], gsems[b]).wait()
        rv = rows[b]
        wv = wrows[b]

        def edge_body(i, c2):
            wspl = wv[i, pl.ds(0, 16)]
            for j in range(D // 16):
                rv[i, pl.ds(j * 16, 16)] = rv[i, pl.ds(j * 16, 16)] * wspl
            return c2

        lax.fori_loop(0, CH, edge_body, 0)
        pltpu.async_copy(rv, acc_sh.at[dsts[b]], ssems[b], add=True)

    fetch(0, 0)
    fetch(1, 1)

    def pair_body(kk, carry):
        for b in range(2):
            cur = kk * 2 + b
            consume(b)

            @pl.when(cur + 2 < CPT)
            def _():
                pltpu.make_async_copy(rows[b], acc_sh.at[dsts[b]], ssems[b]).wait()
                fetch(cur + 2, b)
        return carry

    lax.fori_loop(0, CPT // 2, pair_body, 0)
    pltpu.make_async_copy(rows0, acc_sh.at[dst0], ssem0).wait()
    pltpu.make_async_copy(rows1, acc_sh.at[dst1], ssem1).wait()
    plsc.subcore_barrier()
    for bb in range(RPT // CH):
        pltpu.sync_copy(acc_sh.at[pl.ds(r0 + bb * CH, CH)], rows0)
        pltpu.sync_copy(rows0, out_hbm.at[cid, pl.ds(r0 + bb * CH, CH)])


_B = 2048
_WB = 16384


def _wrep_body(w_ref, out_ref):
    out_ref[...] = jnp.broadcast_to(w_ref[...], (_WB, 16))


def _wrep(w_p2):
    return pl.pallas_call(
        _wrep_body,
        grid=(EPAD // _WB,),
        in_specs=[pl.BlockSpec((_WB, 1), lambda i: (i, 0))],
        out_specs=pl.BlockSpec((_WB, 16), lambda i: (i, 0)),
        out_shape=jax.ShapeDtypeStruct((EPAD, 16), jnp.float32),
    )(w_p2)


def _tc1_body(gx_ref, tbl_ref, w1_ref, degp_ref, dinv_ref, hp_ref):
    gx = gx_ref[...]
    onehot = (gx == lax.broadcasted_iota(jnp.int32, (_B, NT), 1)).astype(jnp.float32)
    x0 = jnp.dot(onehot, tbl_ref[...], precision=HIGH)
    deg = degp_ref[0, :, 0:1] + degp_ref[1, :, 0:1] + 1.0
    dinv = lax.rsqrt(deg)
    dinv_ref[...] = dinv
    hp_ref[...] = jnp.dot(x0, w1_ref[...], precision=HIGH) * dinv


def _tc1(gx2, node_table, W1, degp):
    return pl.pallas_call(
        _tc1_body,
        grid=(NNP // _B,),
        in_specs=[
            pl.BlockSpec((_B, 1), lambda i: (i, 0)),
            pl.BlockSpec((NT, D), lambda i: (0, 0)),
            pl.BlockSpec((D, D), lambda i: (0, 0)),
            pl.BlockSpec((NC, _B, D), lambda i: (0, i, 0)),
        ],
        out_specs=[
            pl.BlockSpec((_B, 1), lambda i: (i, 0)),
            pl.BlockSpec((_B, D), lambda i: (i, 0)),
        ],
        out_shape=[
            jax.ShapeDtypeStruct((NNP, 1), jnp.float32),
            jax.ShapeDtypeStruct((NNP, D), jnp.float32),
        ],
    )(gx2, node_table, W1, degp)


def _tc_mid_body(acc_ref, hp_ref, dinv_ref, b_ref, wn_ref, out_ref):
    dinv = dinv_ref[...]
    x = dinv * (acc_ref[0] + acc_ref[1] + hp_ref[...]) + b_ref[...]
    x = jnp.maximum(x, 0.0)
    out_ref[...] = jnp.dot(x, wn_ref[...], precision=HIGH) * dinv


def _tc_mid(acc, hp, dinv, b, Wn):
    return pl.pallas_call(
        _tc_mid_body,
        grid=(NNP // _B,),
        in_specs=[
            pl.BlockSpec((NC, _B, D), lambda i: (0, i, 0)),
            pl.BlockSpec((_B, D), lambda i: (i, 0)),
            pl.BlockSpec((_B, 1), lambda i: (i, 0)),
            pl.BlockSpec((1, D), lambda i: (0, 0)),
            pl.BlockSpec((D, D), lambda i: (0, 0)),
        ],
        out_specs=pl.BlockSpec((_B, D), lambda i: (i, 0)),
        out_shape=jax.ShapeDtypeStruct((NNP, D), jnp.float32),
    )(acc, hp, dinv, b, Wn)


def _tc_fin_a_body(acc_ref, hp_ref, dinv_ref, b_ref, out_ref):
    dinv = dinv_ref[...]
    out_ref[...] = dinv * (acc_ref[0] + acc_ref[1] + hp_ref[...]) + b_ref[...]


def _tc_fin_a(acc, hp, dinv, b):
    return pl.pallas_call(
        _tc_fin_a_body,
        grid=(NNP // _B,),
        in_specs=[
            pl.BlockSpec((NC, _B, D), lambda i: (0, i, 0)),
            pl.BlockSpec((_B, D), lambda i: (i, 0)),
            pl.BlockSpec((_B, 1), lambda i: (i, 0)),
            pl.BlockSpec((1, D), lambda i: (0, 0)),
        ],
        out_specs=pl.BlockSpec((_B, D), lambda i: (i, 0)),
        out_shape=jax.ShapeDtypeStruct((NNP, D), jnp.float32),
    )(acc, hp, dinv, b)


_IR = NG * 3 * 7
_IC = 32 * 224
_IB = _IR // 8


def _img_body(img_ref, out_ref):
    r = lax.broadcasted_iota(jnp.int32, (_IC, 8), 0)
    c = lax.broadcasted_iota(jnp.int32, (_IC, 8), 1)
    q = jnp.where((r % 224) // 32 == c, 1.0 / 1024.0, 0.0)
    out_ref[...] = jnp.dot(img_ref[...], q, precision=HIGH)


def _img(img2d):
    return pl.pallas_call(
        _img_body,
        grid=(8,),
        in_specs=[pl.BlockSpec((_IB, _IC), lambda i: (i, 0))],
        out_specs=pl.BlockSpec((_IB, 8), lambda i: (i, 0)),
        out_shape=jax.ShapeDtypeStruct((_IR, 8), jnp.float32),
    )(img2d)


def _tc_fin_b_body(x3_ref, batch_ref, wg_ref, bg_ref, p147_ref, wimg_ref,
                   bimg_ref, wi_ref, bi_ref, oimg_ref, ogr_ref):
    onehot = (lax.broadcasted_iota(jnp.int32, (NG, NNP), 0)
              == batch_ref[...]).astype(jnp.float32)
    sums = jnp.dot(onehot, x3_ref[...], precision=HIGH)
    counts = jnp.sum(onehot, axis=1, keepdims=True)
    pooled = sums / jnp.maximum(counts, 1.0)
    xg = jnp.dot(pooled, wg_ref[...], precision=HIGH) + bg_ref[...]
    ogr_ref[...] = xg / jnp.sqrt(jnp.sum(xg * xg, axis=1, keepdims=True))
    wc = jnp.dot(wimg_ref[...], wi_ref[...], precision=HIGH)
    bc = jnp.dot(bimg_ref[...], wi_ref[...], precision=HIGH) + bi_ref[...]
    xi = jnp.dot(p147_ref[...], wc, precision=HIGH) + bc
    oimg_ref[...] = xi / jnp.sqrt(jnp.sum(xi * xi, axis=1, keepdims=True))


def _tc_fin_b(x3, batch2, Wg, bg, p147, Wimg, bimg, Wi, bi):
    return pl.pallas_call(
        _tc_fin_b_body,
        out_shape=[
            jax.ShapeDtypeStruct((NG, D), jnp.float32),
            jax.ShapeDtypeStruct((NG, D), jnp.float32),
        ],
    )(x3, batch2, Wg, bg, p147, Wimg, bimg, Wi, bi)


def kernel(images, graph_x, edge_index, edge_attr, batch, node_table,
           W1, b1, W2, b2, W3, b3, W_g, b_g, W_i, b_i, W_img, b_img):
    f32 = jnp.float32
    src = edge_index[0].astype(jnp.int32)
    dst = edge_index[1].astype(jnp.int32)
    w = edge_attr.astype(f32)
    npad = EPAD - NE
    src_p = jnp.concatenate([src, jnp.zeros((npad,), jnp.int32)])
    dst_p = jnp.concatenate([dst, jnp.zeros((npad,), jnp.int32)])
    w_p = jnp.concatenate([w, jnp.zeros((npad,), f32)])
    zeroD = jnp.zeros((NNP, D), f32)

    wrep = _wrep(w_p.reshape(EPAD, 1))
    degp = _sc_deg(dst_p, wrep, zeroD)
    gx2 = jnp.concatenate([graph_x.astype(jnp.int32),
                           jnp.zeros((NNP - NN,), jnp.int32)]).reshape(NNP, 1)
    dinv, hp1 = _tc1(gx2, node_table, W1, degp)

    acc1 = _sc_agg(hp1, src_p, dst_p, wrep, zeroD)
    hp2 = _tc_mid(acc1, hp1, dinv, b1.reshape(1, D), W2)
    acc2 = _sc_agg(hp2, src_p, dst_p, wrep, zeroD)
    hp3 = _tc_mid(acc2, hp2, dinv, b2.reshape(1, D), W3)
    acc3 = _sc_agg(hp3, src_p, dst_p, wrep, zeroD)
    x3 = _tc_fin_a(acc3, hp3, dinv, b3.reshape(1, D))

    img2d = images.reshape(_IR, _IC)
    pooledp = _img(img2d)
    p147 = pooledp[:, :7].reshape(NG, PF)

    out_images, out_graphs = _tc_fin_b(
        x3, jnp.concatenate([batch.astype(jnp.int32), jnp.full((NNP - NN,), NG, jnp.int32)]).reshape(1, NNP), W_g, b_g.reshape(1, D),
        p147, W_img, b_img.reshape(1, IMD), W_i, b_i.reshape(1, D))
    return (out_images, out_graphs)

# --- scband reference (transcript-rebuilt; emitter-appended) ---
"""Pipeline reference for scband-visual-graph-embedding-60129542661 (READ-ONLY COPY).

The authoritative reference and input builder live on the scoring server;
editing this copy changes nothing except your own understanding.
"""

import jax, jax.numpy as jnp
import numpy as np

N_GRAPHS = 64
N_NODES = 10000
N_EDGES = 320000
N_NODE_TYPES = 30
EMBED_DIM = 128
IMAGE_DIM = 4096
POOL_FEAT = 3 * 7 * 7


def gcn_conv(x, edge_index, edge_weight, W, b):
    n = x.shape[0]
    src = edge_index[0]
    dst = edge_index[1]
    loop = jnp.arange(n)
    src_f = jnp.concatenate([src, loop])
    dst_f = jnp.concatenate([dst, loop])
    w_f = jnp.concatenate([edge_weight, jnp.ones((n,), dtype=x.dtype)])
    deg = jax.ops.segment_sum(w_f, dst_f, num_segments=n)
    dinv = jnp.where(deg > 0, jax.lax.rsqrt(jnp.maximum(deg, 1e-12)), 0.0)
    norm = dinv[src_f] * w_f * dinv[dst_f]
    h = x @ W
    msg = h[src_f] * norm[:, None]
    out = jax.ops.segment_sum(msg, dst_f, num_segments=n)
    return out + b


def image_model_apply(images, W_img, b_img):
    # stand-in for frozen image_model with output dim 4096:
    # 32x32 average pooling to 7x7 grid then a linear projection to 4096
    b = images.shape[0]
    pooled = images.reshape(b, 3, 7, 32, 7, 32).mean(axis=(3, 5))
    return pooled.reshape(b, -1) @ W_img + b_img


def setup_inputs(seed: int = 0):
    key = jax.random.key(seed)
    ks = jax.random.split(key, 16)
    s = 1.0 / np.sqrt(EMBED_DIM)
    inp = {}
    inp["images"] = jax.random.normal(ks[0], (N_GRAPHS, 3, 224, 224), dtype=jnp.float32)
    inp["graph_x"] = jax.random.randint(ks[1], (N_NODES,), 0, N_NODE_TYPES)
    inp["edge_index"] = jax.random.randint(ks[2], (2, N_EDGES), 0, N_NODES)
    inp["edge_attr"] = jax.random.uniform(ks[3], (N_EDGES,), dtype=jnp.float32)
    inp["batch"] = jnp.sort(jax.random.randint(ks[4], (N_NODES,), 0, N_GRAPHS))
    inp["node_table"] = jax.random.normal(ks[5], (N_NODE_TYPES, EMBED_DIM), dtype=jnp.float32) * s
    inp["W1"] = jax.random.normal(ks[6], (EMBED_DIM, EMBED_DIM), dtype=jnp.float32) * s
    inp["b1"] = jnp.zeros((EMBED_DIM,), dtype=jnp.float32)
    inp["W2"] = jax.random.normal(ks[7], (EMBED_DIM, EMBED_DIM), dtype=jnp.float32) * s
    inp["b2"] = jnp.zeros((EMBED_DIM,), dtype=jnp.float32)
    inp["W3"] = jax.random.normal(ks[8], (EMBED_DIM, EMBED_DIM), dtype=jnp.float32) * s
    inp["b3"] = jnp.zeros((EMBED_DIM,), dtype=jnp.float32)
    inp["W_g"] = jax.random.normal(ks[9], (EMBED_DIM, EMBED_DIM), dtype=jnp.float32) * s
    inp["b_g"] = jnp.zeros((EMBED_DIM,), dtype=jnp.float32)
    inp["W_i"] = jax.random.normal(ks[10], (IMAGE_DIM, EMBED_DIM), dtype=jnp.float32) * (1.0 / np.sqrt(IMAGE_DIM))
    inp["b_i"] = jnp.zeros((EMBED_DIM,), dtype=jnp.float32)
    inp["W_img"] = jax.random.normal(ks[11], (POOL_FEAT, IMAGE_DIM), dtype=jnp.float32) * (1.0 / np.sqrt(POOL_FEAT))
    inp["b_img"] = jnp.zeros((IMAGE_DIM,), dtype=jnp.float32)
    return inp


def reference(images, graph_x, edge_index, edge_attr, batch, node_table, W1, b1, W2, b2, W3, b3, W_g, b_g, W_i, b_i, W_img, b_img):
    # encode_images
    q = image_model_apply(images, W_img, b_img)
    xi = q @ W_i + b_i
    out_images = xi / jnp.linalg.norm(xi, axis=1, keepdims=True)
    # encode_graphs
    x = node_table[graph_x]
    x = jax.nn.relu(gcn_conv(x, edge_index, edge_attr, W1, b1))
    x = jax.nn.relu(gcn_conv(x, edge_index, edge_attr, W2, b2))
    x = gcn_conv(x, edge_index, edge_attr, W3, b3)
    # global_mean_pool
    sums = jax.ops.segment_sum(x, batch, num_segments=N_GRAPHS)
    counts = jax.ops.segment_sum(jnp.ones((x.shape[0],), dtype=x.dtype), batch, num_segments=N_GRAPHS)
    pooled = sums / jnp.maximum(counts, 1.0)[:, None]
    xg = pooled @ W_g + b_g
    out_graphs = xg / jnp.linalg.norm(xg, axis=1, keepdims=True)
    return (out_images, out_graphs)

if __name__ == "__main__":
    import jax
    _d = setup_inputs()
    print(jax.jit(kernel)(*tuple(_d.values())))

</pallas_src>

<mosaic_0001>
#map = affine_map<(d0, d1) -> (0, 0)>
#map1 = affine_map<(d0, d1) -> (0)>
#map2 = affine_map<(d0, d1) -> (0, 0, 0)>
module attributes {stable_mosaic.version = 14 : i64} {
  func.func @_sc_agg(%arg0: i32, %arg1: i32, %arg2: memref<10240x128xf32, #tpu.memory_space<hbm>>, %arg3: memref<327680xi32, #tpu.memory_space<hbm>>, %arg4: memref<327680xi32, #tpu.memory_space<hbm>>, %arg5: memref<327680x16xf32, #tpu.memory_space<hbm>>, %arg6: memref<10240x128xf32, #tpu.memory_space<hbm>>, %arg7: memref<2x10240x128xf32, #tpu.memory_space<hbm>>, %arg8: memref<80xi32, #tpu.memory_space<vmem>>, %arg9: memref<80xi32, #tpu.memory_space<vmem>>, %arg10: memref<80xi32, #tpu.memory_space<vmem>>, %arg11: memref<80xi32, #tpu.memory_space<vmem>>, %arg12: memref<80x16xf32, #tpu.memory_space<vmem>>, %arg13: memref<80x16xf32, #tpu.memory_space<vmem>>, %arg14: memref<80x128xf32, #tpu.memory_space<vmem>>, %arg15: memref<80x128xf32, #tpu.memory_space<vmem>>, %arg16: memref<10240x128xf32, #tpu.memory_space<vmem_shared>>, %arg17: memref<!tpu.dma_semaphore, #tpu.memory_space<semaphore_mem>>, %arg18: memref<!tpu.dma_semaphore, #tpu.memory_space<semaphore_mem>>, %arg19: memref<!tpu.dma_semaphore, #tpu.memory_space<semaphore_mem>>, %arg20: memref<!tpu.dma_semaphore, #tpu.memory_space<semaphore_mem>>, %arg21: memref<!tpu.dma_semaphore, #tpu.memory_space<semaphore_mem>>, %arg22: memref<!tpu.dma_semaphore, #tpu.memory_space<semaphore_mem>>) attributes {dimension_semantics = [#tpu.dimension_semantics<core_parallel>, #tpu.dimension_semantics<subcore_parallel>], iteration_bounds = array<i64: 2, 16>, scalar_prefetch = 0 : i64, scratch_operands = 15 : i64, tpu.core_type = #tpu.core_type<sc_vector_subcore>, window_params = [{transform_indices = #map}, {transform_indices = #map1}, {transform_indices = #map1}, {transform_indices = #map}, {transform_indices = #map}, {transform_indices = #map2}]} {
    %mul3A = arith.constant 2 : i32
    %mul3A_0 = arith.muli %arg1, %mul3A : i32
    %add3A = arith.addi %mul3A_0, %arg0 : i32
    %mul3A_1 = arith.constant 640 : i32
    %mul3A_2 = arith.muli %arg1, %mul3A_1 : i32
    "tpu.region"() ({
      %run_scoped3A = tpu.sem_alloc : memref<!tpu.dma_semaphore, #tpu.memory_space<semaphore_mem>>
      %dma_start3A_91 = arith.constant 0 : i32
      %dma_start3A_92 = arith.constant 0 : i32
      %dma_start3A_93 = tpu.memref_slice %arg6[%dma_start3A_91, %dma_start3A_92] : memref<10240x128xf32, #tpu.memory_space<hbm>> -> memref<80x128xf32, #tpu.memory_space<hbm>>
      %dma_start3A_94 = arith.constant 0 : i32
      %dma_start3A_95 = arith.constant 0 : i32
      %dma_start3A_96 = tpu.memref_slice %arg6[%dma_start3A_94, %dma_start3A_95] : memref<10240x128xf32, #tpu.memory_space<hbm>> -> memref<80x128xf32, #tpu.memory_space<hbm>>
      tpu.enqueue_dma source(%dma_start3A_96 : memref<80x128xf32, #tpu.memory_space<hbm>>) target(%arg14 : memref<80x128xf32, #tpu.memory_space<vmem>>) target_semaphore(%run_scoped3A : memref<!tpu.dma_semaphore, #tpu.memory_space<semaphore_mem>>)
      %dma_wait3A_97 = arith.constant 0 : i32
      %dma_wait3A_98 = arith.constant 0 : i32
      %dma_wait3A_99 = tpu.memref_slice %arg6[%dma_wait3A_97, %dma_wait3A_98] : memref<10240x128xf32, #tpu.memory_space<hbm>> -> memref<80x128xf32, #tpu.memory_space<hbm>>
      %dma_wait3A_100 = arith.constant 0 : i32
      %dma_wait3A_101 = arith.constant 0 : i32
      %dma_wait3A_102 = tpu.memref_slice %arg6[%dma_wait3A_100, %dma_wait3A_101] : memref<10240x128xf32, #tpu.memory_space<hbm>> -> memref<80x128xf32, #tpu.memory_space<hbm>>
      tpu.wait_dma2 semaphore(%run_scoped3A : memref<!tpu.dma_semaphore, #tpu.memory_space<semaphore_mem>>) src(%dma_wait3A_102 : memref<80x128xf32, #tpu.memory_space<hbm>>) dst(%arg14 : memref<80x128xf32, #tpu.memory_space<vmem>>)
      tpu.yield
    }) : () -> ()
    %add3A_3 = arith.constant 0 : i32
    %add3A_4 = arith.addi %mul3A_2, %add3A_3 : i32
    "tpu.region"() ({
      %run_scoped3A = tpu.sem_alloc : memref<!tpu.dma_semaphore, #tpu.memory_space<semaphore_mem>>
      %dma_start3A_91 = arith.constant 0 : i32
      %dma_start3A_92 = tpu.memref_slice %arg16[%add3A_4, %dma_start3A_91] : memref<10240x128xf32, #tpu.memory_space<vmem_shared>> -> memref<80x128xf32, #tpu.memory_space<vmem_shared>>
      %dma_start3A_93 = arith.constant 0 : i32
      %dma_start3A_94 = tpu.memref_slice %arg16[%add3A_4, %dma_start3A_93] : memref<10240x128xf32, #tpu.memory_space<vmem_shared>> -> memref<80x128xf32, #tpu.memory_space<vmem_shared>>
      tpu.enqueue_dma source(%arg14 : memref<80x128xf32, #tpu.memory_space<vmem>>) target(%dma_start3A_94 : memref<80x128xf32, #tpu.memory_space<vmem_shared>>) target_semaphore(%run_scoped3A : memref<!tpu.dma_semaphore, #tpu.memory_space<semaphore_mem>>)
      %dma_wait3A_95 = arith.constant 0 : i32
      %dma_wait3A_96 = tpu.memref_slice %arg16[%add3A_4, %dma_wait3A_95] : memref<10240x128xf32, #tpu.memory_space<vmem_shared>> -> memref<80x128xf32, #tpu.memory_space<vmem_shared>>
      %dma_wait3A_97 = arith.constant 0 : i32
      %dma_wait3A_98 = tpu.memref_slice %arg16[%add3A_4, %dma_wait3A_97] : memref<10240x128xf32, #tpu.memory_space<vmem_shared>> -> memref<80x128xf32, #tpu.memory_space<vmem_shared>>
      tpu.wait_dma2 semaphore(%run_scoped3A : memref<!tpu.dma_semaphore, #tpu.memory_space<semaphore_mem>>) src(%arg14 : memref<80x128xf32, #tpu.memory_space<vmem>>) dst(%dma_wait3A_98 : memref<80x128xf32, #tpu.memory_space<vmem_shared>>)
      tpu.yield
    }) : () -> ()
    %add3A_5 = arith.constant 80 : i32
    %add3A_6 = arith.addi %mul3A_2, %add3A_5 : i32
    "tpu.region"() ({
      %run_scoped3A = tpu.sem_alloc : memref<!tpu.dma_semaphore, #tpu.memory_space<semaphore_mem>>
      %dma_start3A_91 = arith.constant 0 : i32
      %dma_start3A_92 = tpu.memref_slice %arg16[%add3A_6, %dma_start3A_91] : memref<10240x128xf32, #tpu.memory_space<vmem_shared>> -> memref<80x128xf32, #tpu.memory_space<vmem_shared>>
      %dma_start3A_93 = arith.constant 0 : i32
      %dma_start3A_94 = tpu.memref_slice %arg16[%add3A_6, %dma_start3A_93] : memref<10240x128xf32, #tpu.memory_space<vmem_shared>> -> memref<80x128xf32, #tpu.memory_space<vmem_shared>>
      tpu.enqueue_dma source(%arg14 : memref<80x128xf32, #tpu.memory_space<vmem>>) target(%dma_start3A_94 : memref<80x128xf32, #tpu.memory_space<vmem_shared>>) target_semaphore(%run_scoped3A : memref<!tpu.dma_semaphore, #tpu.memory_space<semaphore_mem>>)
      %dma_wait3A_95 = arith.constant 0 : i32
      %dma_wait3A_96 = tpu.memref_slice %arg16[%add3A_6, %dma_wait3A_95] : memref<10240x128xf32, #tpu.memory_space<vmem_shared>> -> memref<80x128xf32, #tpu.memory_space<vmem_shared>>
      %dma_wait3A_97 = arith.constant 0 : i32
      %dma_wait3A_98 = tpu.memref_slice %arg16[%add3A_6, %dma_wait3A_97] : memref<10240x128xf32, #tpu.memory_space<vmem_shared>> -> memref<80x128xf32, #tpu.memory_space<vmem_shared>>
      tpu.wait_dma2 semaphore(%run_scoped3A : memref<!tpu.dma_semaphore, #tpu.memory_space<semaphore_mem>>) src(%arg14 : memref<80x128xf32, #tpu.memory_space<vmem>>) dst(%dma_wait3A_98 : memref<80x128xf32, #tpu.memory_space<vmem_shared>>)
      tpu.yield
    }) : () -> ()
    %add3A_7 = arith.constant 160 : i32
    %add3A_8 = arith.addi %mul3A_2, %add3A_7 : i32
    "tpu.region"() ({
      %run_scoped3A = tpu.sem_alloc : memref<!tpu.dma_semaphore, #tpu.memory_space<semaphore_mem>>
      %dma_start3A_91 = arith.constant 0 : i32
      %dma_start3A_92 = tpu.memref_slice %arg16[%add3A_8, %dma_start3A_91] : memref<10240x128xf32, #tpu.memory_space<vmem_shared>> -> memref<80x128xf32, #tpu.memory_space<vmem_shared>>
      %dma_start3A_93 = arith.constant 0 : i32
      %dma_start3A_94 = tpu.memref_slice %arg16[%add3A_8, %dma_start3A_93] : memref<10240x128xf32, #tpu.memory_space<vmem_shared>> -> memref<80x128xf32, #tpu.memory_space<vmem_shared>>
      tpu.enqueue_dma source(%arg14 : memref<80x128xf32, #tpu.memory_space<vmem>>) target(%dma_start3A_94 : memref<80x128xf32, #tpu.memory_space<vmem_shared>>) target_semaphore(%run_scoped3A : memref<!tpu.dma_semaphore, #tpu.memory_space<semaphore_mem>>)
      %dma_wait3A_95 = arith.constant 0 : i32
      %dma_wait3A_96 = tpu.memref_slice %arg16[%add3A_8, %dma_wait3A_95] : memref<10240x128xf32, #tpu.memory_space<vmem_shared>> -> memref<80x128xf32, #tpu.memory_space<vmem_shared>>
      %dma_wait3A_97 = arith.constant 0 : i32
      %dma_wait3A_98 = tpu.memref_slice %arg16[%add3A_8, %dma_wait3A_97] : memref<10240x128xf32, #tpu.memory_space<vmem_shared>> -> memref<80x128xf32, #tpu.memory_space<vmem_shared>>
      tpu.wait_dma2 semaphore(%run_scoped3A : memref<!tpu.dma_semaphore, #tpu.memory_space<semaphore_mem>>) src(%arg14 : memref<80x128xf32, #tpu.memory_space<vmem>>) dst(%dma_wait3A_98 : memref<80x128xf32, #tpu.memory_space<vmem_shared>>)
      tpu.yield
    }) : () -> ()
    %add3A_9 = arith.constant 240 : i32
    %add3A_10 = arith.addi %mul3A_2, %add3A_9 : i32
    "tpu.region"() ({
      %run_scoped3A = tpu.sem_alloc : memref<!tpu.dma_semaphore, #tpu.memory_space<semaphore_mem>>
      %dma_start3A_91 = arith.constant 0 : i32
      %dma_start3A_92 = tpu.memref_slice %arg16[%add3A_10, %dma_start3A_91] : memref<10240x128xf32, #tpu.memory_space<vmem_shared>> -> memref<80x128xf32, #tpu.memory_space<vmem_shared>>
      %dma_start3A_93 = arith.constant 0 : i32
      %dma_start3A_94 = tpu.memref_slice %arg16[%add3A_10, %dma_start3A_93] : memref<10240x128xf32, #tpu.memory_space<vmem_shared>> -> memref<80x128xf32, #tpu.memory_space<vmem_shared>>
      tpu.enqueue_dma source(%arg14 : memref<80x128xf32, #tpu.memory_space<vmem>>) target(%dma_start3A_94 : memref<80x128xf32, #tpu.memory_space<vmem_shared>>) target_semaphore(%run_scoped3A : memref<!tpu.dma_semaphore, #tpu.memory_space<semaphore_mem>>)
      %dma_wait3A_95 = arith.constant 0 : i32
      %dma_wait3A_96 = tpu.memref_slice %arg16[%add3A_10, %dma_wait3A_95] : memref<10240x128xf32, #tpu.memory_space<vmem_shared>> -> memref<80x128xf32, #tpu.memory_space<vmem_shared>>
      %dma_wait3A_97 = arith.constant 0 : i32
      %dma_wait3A_98 = tpu.memref_slice %arg16[%add3A_10, %dma_wait3A_97] : memref<10240x128xf32, #tpu.memory_space<vmem_shared>> -> memref<80x128xf32, #tpu.memory_space<vmem_shared>>
      tpu.wait_dma2 semaphore(%run_scoped3A : memref<!tpu.dma_semaphore, #tpu.memory_space<semaphore_mem>>) src(%arg14 : memref<80x128xf32, #tpu.memory_space<vmem>>) dst(%dma_wait3A_98 : memref<80x128xf32, #tpu.memory_space<vmem_shared>>)
      tpu.yield
    }) : () -> ()
    %add3A_11 = arith.constant 320 : i32
    %add3A_12 = arith.addi %mul3A_2, %add3A_11 : i32
    "tpu.region"() ({
      %run_scoped3A = tpu.sem_alloc : memref<!tpu.dma_semaphore, #tpu.memory_space<semaphore_mem>>
      %dma_start3A_91 = arith.constant 0 : i32
      %dma_start3A_92 = tpu.memref_slice %arg16[%add3A_12, %dma_start3A_91] : memref<10240x128xf32, #tpu.memory_space<vmem_shared>> -> memref<80x128xf32, #tpu.memory_space<vmem_shared>>
      %dma_start3A_93 = arith.constant 0 : i32
      %dma_start3A_94 = tpu.memref_slice %arg16[%add3A_12, %dma_start3A_93] : memref<10240x128xf32, #tpu.memory_space<vmem_shared>> -> memref<80x128xf32, #tpu.memory_space<vmem_shared>>
      tpu.enqueue_dma source(%arg14 : memref<80x128xf32, #tpu.memory_space<vmem>>) target(%dma_start3A_94 : memref<80x128xf32, #tpu.memory_space<vmem_shared>>) target_semaphore(%run_scoped3A : memref<!tpu.dma_semaphore, #tpu.memory_space<semaphore_mem>>)
      %dma_wait3A_95 = arith.constant 0 : i32
      %dma_wait3A_96 = tpu.memref_slice %arg16[%add3A_12, %dma_wait3A_95] : memref<10240x128xf32, #tpu.memory_space<vmem_shared>> -> memref<80x128xf32, #tpu.memory_space<vmem_shared>>
      %dma_wait3A_97 = arith.constant 0 : i32
      %dma_wait3A_98 = tpu.memref_slice %arg16[%add3A_12, %dma_wait3A_97] : memref<10240x128xf32, #tpu.memory_space<vmem_shared>> -> memref<80x128xf32, #tpu.memory_space<vmem_shared>>
      tpu.wait_dma2 semaphore(%run_scoped3A : memref<!tpu.dma_semaphore, #tpu.memory_space<semaphore_mem>>) src(%arg14 : memref<80x128xf32, #tpu.memory_space<vmem>>) dst(%dma_wait3A_98 : memref<80x128xf32, #tpu.memory_space<vmem_shared>>)
      tpu.yield
    }) : () -> ()
    %add3A_13 = arith.constant 400 : i32
    %add3A_14 = arith.addi %mul3A_2, %add3A_13 : i32
    "tpu.region"() ({
      %run_scoped3A = tpu.sem_alloc : memref<!tpu.dma_semaphore, #tpu.memory_space<semaphore_mem>>
      %dma_start3A_91 = arith.constant 0 : i32
      %dma_start3A_92 = tpu.memref_slice %arg16[%add3A_14, %dma_start3A_91] : memref<10240x128xf32, #tpu.memory_space<vmem_shared>> -> memref<80x128xf32, #tpu.memory_space<vmem_shared>>
      %dma_start3A_93 = arith.constant 0 : i32
      %dma_start3A_94 = tpu.memref_slice %arg16[%add3A_14, %dma_start3A_93] : memref<10240x128xf32, #tpu.memory_space<vmem_shared>> -> memref<80x128xf32, #tpu.memory_space<vmem_shared>>
      tpu.enqueue_dma source(%arg14 : memref<80x128xf32, #tpu.memory_space<vmem>>) target(%dma_start3A_94 : memref<80x128xf32, #tpu.memory_space<vmem_shared>>) target_semaphore(%run_scoped3A : memref<!tpu.dma_semaphore, #tpu.memory_space<semaphore_mem>>)
      %dma_wait3A_95 = arith.constant 0 : i32
      %dma_wait3A_96 = tpu.memref_slice %arg16[%add3A_14, %dma_wait3A_95] : memref<10240x128xf32, #tpu.memory_space<vmem_shared>> -> memref<80x128xf32, #tpu.memory_space<vmem_shared>>
      %dma_wait3A_97 = arith.constant 0 : i32
      %dma_wait3A_98 = tpu.memref_slice %arg16[%add3A_14, %dma_wait3A_97] : memref<10240x128xf32, #tpu.memory_space<vmem_shared>> -> memref<80x128xf32, #tpu.memory_space<vmem_shared>>
      tpu.wait_dma2 semaphore(%run_scoped3A : memref<!tpu.dma_semaphore, #tpu.memory_space<semaphore_mem>>) src(%arg14 : memref<80x128xf32, #tpu.memory_space<vmem>>) dst(%dma_wait3A_98 : memref<80x128xf32, #tpu.memory_space<vmem_shared>>)
      tpu.yield
    }) : () -> ()
    %add3A_15 = arith.constant 480 : i32
    %add3A_16 = arith.addi %mul3A_2, %add3A_15 : i32
    "tpu.region"() ({
      %run_scoped3A = tpu.sem_alloc : memref<!tpu.dma_semaphore, #tpu.memory_space<semaphore_mem>>
      %dma_start3A_91 = arith.constant 0 : i32
      %dma_start3A_92 = tpu.memref_slice %arg16[%add3A_16, %dma_start3A_91] : memref<10240x128xf32, #tpu.memory_space<vmem_shared>> -> memref<80x128xf32, #tpu.memory_space<vmem_shared>>
      %dma_start3A_93 = arith.constant 0 : i32
      %dma_start3A_94 = tpu.memref_slice %arg16[%add3A_16, %dma_start3A_93] : memref<10240x128xf32, #tpu.memory_space<vmem_shared>> -> memref<80x128xf32, #tpu.memory_space<vmem_shared>>
      tpu.enqueue_dma source(%arg14 : memref<80x128xf32, #tpu.memory_space<vmem>>) target(%dma_start3A_94 : memref<80x128xf32, #tpu.memory_space<vmem_shared>>) target_semaphore(%run_scoped3A : memref<!tpu.dma_semaphore, #tpu.memory_space<semaphore_mem>>)
      %dma_wait3A_95 = arith.constant 0 : i32
      %dma_wait3A_96 = tpu.memref_slice %arg16[%add3A_16, %dma_wait3A_95] : memref<10240x128xf32, #tpu.memory_space<vmem_shared>> -> memref<80x128xf32, #tpu.memory_space<vmem_shared>>
      %dma_wait3A_97 = arith.constant 0 : i32
      %dma_wait3A_98 = tpu.memref_slice %arg16[%add3A_16, %dma_wait3A_97] : memref<10240x128xf32, #tpu.memory_space<vmem_shared>> -> memref<80x128xf32, #tpu.memory_space<vmem_shared>>
      tpu.wait_dma2 semaphore(%run_scoped3A : memref<!tpu.dma_semaphore, #tpu.memory_space<semaphore_mem>>) src(%arg14 : memref<80x128xf32, #tpu.memory_space<vmem>>) dst(%dma_wait3A_98 : memref<80x128xf32, #tpu.memory_space<vmem_shared>>)
      tpu.yield
    }) : () -> ()
    %add3A_17 = arith.constant 560 : i32
    %add3A_18 = arith.addi %mul3A_2, %add3A_17 : i32
    "tpu.region"() ({
      %run_scoped3A = tpu.sem_alloc : memref<!tpu.dma_semaphore, #tpu.memory_space<semaphore_mem>>
      %dma_start3A_91 = arith.constant 0 : i32
      %dma_start3A_92 = tpu.memref_slice %arg16[%add3A_18, %dma_start3A_91] : memref<10240x128xf32, #tpu.memory_space<vmem_shared>> -> memref<80x128xf32, #tpu.memory_space<vmem_shared>>
      %dma_start3A_93 = arith.constant 0 : i32
      %dma_start3A_94 = tpu.memref_slice %arg16[%add3A_18, %dma_start3A_93] : memref<10240x128xf32, #tpu.memory_space<vmem_shared>> -> memref<80x128xf32, #tpu.memory_space<vmem_shared>>
      tpu.enqueue_dma source(%arg14 : memref<80x128xf32, #tpu.memory_space<vmem>>) target(%dma_start3A_94 : memref<80x128xf32, #tpu.memory_space<vmem_shared>>) target_semaphore(%run_scoped3A : memref<!tpu.dma_semaphore, #tpu.memory_space<semaphore_mem>>)
      %dma_wait3A_95 = arith.constant 0 : i32
      %dma_wait3A_96 = tpu.memref_slice %arg16[%add3A_18, %dma_wait3A_95] : memref<10240x128xf32, #tpu.memory_space<vmem_shared>> -> memref<80x128xf32, #tpu.memory_space<vmem_shared>>
      %dma_wait3A_97 = arith.constant 0 : i32
      %dma_wait3A_98 = tpu.memref_slice %arg16[%add3A_18, %dma_wait3A_97] : memref<10240x128xf32, #tpu.memory_space<vmem_shared>> -> memref<80x128xf32, #tpu.memory_space<vmem_shared>>
      tpu.wait_dma2 semaphore(%run_scoped3A : memref<!tpu.dma_semaphore, #tpu.memory_space<semaphore_mem>>) src(%arg14 : memref<80x128xf32, #tpu.memory_space<vmem>>) dst(%dma_wait3A_98 : memref<80x128xf32, #tpu.memory_space<vmem_shared>>)
      tpu.yield
    }) : () -> ()
    %barrier3A = arith.constant 0 : index
    tpu.barrier barrier_id(%barrier3A)
    %mul3A_19 = arith.constant 128 : i32
    %mul3A_20 = arith.muli %add3A, %mul3A_19 : i32
    %add3A_21 = arith.constant 0 : i32
    %add3A_22 = arith.addi %mul3A_20, %add3A_21 : i32
    %mul3A_23 = arith.constant 80 : i32
    %mul3A_24 = arith.muli %add3A_22, %mul3A_23 : i32
    "tpu.region"() ({
      %run_scoped3A = tpu.sem_alloc : memref<!tpu.dma_semaphore, #tpu.memory_space<semaphore_mem>>
      %dma_start3A_91 = tpu.memref_slice %arg3[%mul3A_24] : memref<327680xi32, #tpu.memory_space<hbm>> -> memref<80xi32, #tpu.memory_space<hbm>>
      %dma_start3A_92 = tpu.memref_slice %arg3[%mul3A_24] : memref<327680xi32, #tpu.memory_space<hbm>> -> memref<80xi32, #tpu.memory_space<hbm>>
      tpu.enqueue_dma source(%dma_start3A_92 : memref<80xi32, #tpu.memory_space<hbm>>) target(%arg8 : memref<80xi32, #tpu.memory_space<vmem>>) target_semaphore(%run_scoped3A : memref<!tpu.dma_semaphore, #tpu.memory_space<semaphore_mem>>)
      %dma_wait3A_93 = tpu.memref_slice %arg3[%mul3A_24] : memref<327680xi32, #tpu.memory_space<hbm>> -> memref<80xi32, #tpu.memory_space<hbm>>
      %dma_wait3A_94 = tpu.memref_slice %arg3[%mul3A_24] : memref<327680xi32, #tpu.memory_space<hbm>> -> memref<80xi32, #tpu.memory_space<hbm>>
      tpu.wait_dma2 semaphore(%run_scoped3A : memref<!tpu.dma_semaphore, #tpu.memory_space<semaphore_mem>>) src(%dma_wait3A_94 : memref<80xi32, #tpu.memory_space<hbm>>) dst(%arg8 : memref<80xi32, #tpu.memory_space<vmem>>)
      tpu.yield
    }) : () -> ()
    %dma_start3A = arith.constant 0 : i32
    %dma_start3A_25 = tpu.memref_slice %arg5[%mul3A_24, %dma_start3A] : memref<327680x16xf32, #tpu.memory_space<hbm>> -> memref<80x16xf32, #tpu.memory_space<hbm>>
    %dma_start3A_26 = arith.constant 0 : i32
    %dma_start3A_27 = tpu.memref_slice %arg5[%mul3A_24, %dma_start3A_26] : memref<327680x16xf32, #tpu.memory_space<hbm>> -> memref<80x16xf32, #tpu.memory_space<hbm>>
    tpu.enqueue_dma source(%dma_start3A_27 : memref<80x16xf32, #tpu.memory_space<hbm>>) target(%arg12 : memref<80x16xf32, #tpu.memory_space<vmem>>) target_semaphore(%arg17 : memref<!tpu.dma_semaphore, #tpu.memory_space<semaphore_mem>>)
    %dma_start3A_28 = tpu.memref_slice %arg4[%mul3A_24] : memref<327680xi32, #tpu.memory_space<hbm>> -> memref<80xi32, #tpu.memory_space<hbm>>
    %dma_start3A_29 = tpu.memref_slice %arg4[%mul3A_24] : memref<327680xi32, #tpu.memory_space<hbm>> -> memref<80xi32, #tpu.memory_space<hbm>>
    tpu.enqueue_dma source(%dma_start3A_29 : memref<80xi32, #tpu.memory_space<hbm>>) target(%arg10 : memref<80xi32, #tpu.memory_space<vmem>>) target_semaphore(%arg17 : memref<!tpu.dma_semaphore, #tpu.memory_space<semaphore_mem>>)
    %dma_start3A_30 = arith.constant 0 : i32
    %dma_start3A_31 = arith.constant 0 : i32
    %dma_start3A_32 = tpu.memref_slice %arg2[%dma_start3A_30, %dma_start3A_31] : memref<10240x128xf32, #tpu.memory_space<hbm>> -> memref<10240x128xf32, #tpu.memory_space<hbm>>
    tpu.enqueue_indirect_dma source(%dma_start3A_32 : memref<10240x128xf32, #tpu.memory_space<hbm>>) target(%arg14 : memref<80x128xf32, #tpu.memory_space<vmem>>) offsets(%arg8 : memref<80xi32, #tpu.memory_space<vmem>>) semaphore(%arg19 : memref<!tpu.dma_semaphore, #tpu.memory_space<semaphore_mem>>)
    %mul3A_33 = arith.constant 128 : i32
    %mul3A_34 = arith.muli %add3A, %mul3A_33 : i32
    %add3A_35 = arith.constant 1 : i32
    %add3A_36 = arith.addi %mul3A_34, %add3A_35 : i32
    %mul3A_37 = arith.constant 80 : i32
    %mul3A_38 = arith.muli %add3A_36, %mul3A_37 : i32
    "tpu.region"() ({
      %run_scoped3A = tpu.sem_alloc : memref<!tpu.dma_semaphore, #tpu.memory_space<semaphore_mem>>
      %dma_start3A_91 = tpu.memref_slice %arg3[%mul3A_38] : memref<327680xi32, #tpu.memory_space<hbm>> -> memref<80xi32, #tpu.memory_space<hbm>>
      %dma_start3A_92 = tpu.memref_slice %arg3[%mul3A_38] : memref<327680xi32, #tpu.memory_space<hbm>> -> memref<80xi32, #tpu.memory_space<hbm>>
      tpu.enqueue_dma source(%dma_start3A_92 : memref<80xi32, #tpu.memory_space<hbm>>) target(%arg9 : memref<80xi32, #tpu.memory_space<vmem>>) target_semaphore(%run_scoped3A : memref<!tpu.dma_semaphore, #tpu.memory_space<semaphore_mem>>)
      %dma_wait3A_93 = tpu.memref_slice %arg3[%mul3A_38] : memref<327680xi32, #tpu.memory_space<hbm>> -> memref<80xi32, #tpu.memory_space<hbm>>
      %dma_wait3A_94 = tpu.memref_slice %arg3[%mul3A_38] : memref<327680xi32, #tpu.memory_space<hbm>> -> memref<80xi32, #tpu.memory_space<hbm>>
      tpu.wait_dma2 semaphore(%run_scoped3A : memref<!tpu.dma_semaphore, #tpu.memory_space<semaphore_mem>>) src(%dma_wait3A_94 : memref<80xi32, #tpu.memory_space<hbm>>) dst(%arg9 : memref<80xi32, #tpu.memory_space<vmem>>)
      tpu.yield
    }) : () -> ()
    %dma_start3A_39 = arith.constant 0 : i32
    %dma_start3A_40 = tpu.memref_slice %arg5[%mul3A_38, %dma_start3A_39] : memref<327680x16xf32, #tpu.memory_space<hbm>> -> memref<80x16xf32, #tpu.memory_space<hbm>>
    %dma_start3A_41 = arith.constant 0 : i32
    %dma_start3A_42 = tpu.memref_slice %arg5[%mul3A_38, %dma_start3A_41] : memref<327680x16xf32, #tpu.memory_space<hbm>> -> memref<80x16xf32, #tpu.memory_space<hbm>>
    tpu.enqueue_dma source(%dma_start3A_42 : memref<80x16xf32, #tpu.memory_space<hbm>>) target(%arg13 : memref<80x16xf32, #tpu.memory_space<vmem>>) target_semaphore(%arg18 : memref<!tpu.dma_semaphore, #tpu.memory_space<semaphore_mem>>)
    %dma_start3A_43 = tpu.memref_slice %arg4[%mul3A_38] : memref<327680xi32, #tpu.memory_space<hbm>> -> memref<80xi32, #tpu.memory_space<hbm>>
    %dma_start3A_44 = tpu.memref_slice %arg4[%mul3A_38] : memref<327680xi32, #tpu.memory_space<hbm>> -> memref<80xi32, #tpu.memory_space<hbm>>
    tpu.enqueue_dma source(%dma_start3A_44 : memref<80xi32, #tpu.memory_space<hbm>>) target(%arg11 : memref<80xi32, #tpu.memory_space<vmem>>) target_semaphore(%arg18 : memref<!tpu.dma_semaphore, #tpu.memory_space<semaphore_mem>>)
    %dma_start3A_45 = arith.constant 0 : i32
    %dma_start3A_46 = arith.constant 0 : i32
    %dma_start3A_47 = tpu.memref_slice %arg2[%dma_start3A_45, %dma_start3A_46] : memref<10240x128xf32, #tpu.memory_space<hbm>> -> memref<10240x128xf32, #tpu.memory_space<hbm>>
    tpu.enqueue_indirect_dma source(%dma_start3A_47 : memref<10240x128xf32, #tpu.memory_space<hbm>>) target(%arg15 : memref<80x128xf32, #tpu.memory_space<vmem>>) offsets(%arg9 : memref<80xi32, #tpu.memory_space<vmem>>) semaphore(%arg20 : memref<!tpu.dma_semaphore, #tpu.memory_space<semaphore_mem>>)
    %scan3A = arith.constant 0 : i32
    %scan3A_48 = arith.constant 0 : i32
    %scan3A_49 = arith.constant 64 : i32
    %scan3A_50 = arith.addi %scan3A_48, %scan3A_49 : i32
    %scan3A_51 = arith.constant 1 : i32
    scf.for %scan3A_91 = %scan3A_48 to %scan3A_50 step %scan3A_51  : i32 {
      %mul3A_92 = arith.constant 2 : i32
      %mul3A_93 = arith.muli %scan3A_91, %mul3A_92 : i32
      %add3A_94 = arith.constant 0 : i32
      %add3A_95 = arith.addi %mul3A_93, %add3A_94 : i32
      %dma_wait3A_96 = arith.constant 0 : i32
      %dma_wait3A_97 = arith.constant 0 : i32
      %dma_wait3A_98 = tpu.memref_slice %arg5[%dma_wait3A_96, %dma_wait3A_97] : memref<327680x16xf32, #tpu.memory_space<hbm>> -> memref<80x16xf32, #tpu.memory_space<hbm>>
      %dma_wait3A_99 = arith.constant 0 : i32
      %dma_wait3A_100 = arith.constant 0 : i32
      %dma_wait3A_101 = tpu.memref_slice %arg5[%dma_wait3A_99, %dma_wait3A_100] : memref<327680x16xf32, #tpu.memory_space<hbm>> -> memref<80x16xf32, #tpu.memory_space<hbm>>
      tpu.wait_dma2 semaphore(%arg17 : memref<!tpu.dma_semaphore, #tpu.memory_space<semaphore_mem>>) src(%dma_wait3A_101 : memref<80x16xf32, #tpu.memory_space<hbm>>) dst(%arg12 : memref<80x16xf32, #tpu.memory_space<vmem>>)
      %dma_wait3A_102 = arith.constant 0 : i32
      %dma_wait3A_103 = tpu.memref_slice %arg4[%dma_wait3A_102] : memref<327680xi32, #tpu.memory_space<hbm>> -> memref<80xi32, #tpu.memory_space<hbm>>
      %dma_wait3A_104 = arith.constant 0 : i32
      %dma_wait3A_105 = tpu.memref_slice %arg4[%dma_wait3A_104] : memref<327680xi32, #tpu.memory_space<hbm>> -> memref<80xi32, #tpu.memory_space<hbm>>
      tpu.wait_dma2 semaphore(%arg17 : memref<!tpu.dma_semaphore, #tpu.memory_space<semaphore_mem>>) src(%dma_wait3A_105 : memref<80xi32, #tpu.memory_space<hbm>>) dst(%arg10 : memref<80xi32, #tpu.memory_space<vmem>>)
      %dma_wait3A_106 = arith.constant 0 : i32
      %dma_wait3A_107 = arith.constant 0 : i32
      %dma_wait3A_108 = tpu.memref_slice %arg2[%dma_wait3A_106, %dma_wait3A_107] : memref<10240x128xf32, #tpu.memory_space<hbm>> -> memref<10240x128xf32, #tpu.memory_space<hbm>>
      tpu.wait_indirect_dma semaphore(%arg19 : memref<!tpu.dma_semaphore, #tpu.memory_space<semaphore_mem>>) src(%dma_wait3A_108 : memref<10240x128xf32, #tpu.memory_space<hbm>>) dst(%arg14 : memref<80x128xf32, #tpu.memory_space<vmem>>)
      %scan3A_109 = arith.constant 0 : i32
      %scan3A_110 = arith.constant 0 : i32
      %scan3A_111 = arith.constant 80 : i32
      %scan3A_112 = arith.addi %scan3A_110, %scan3A_111 : i32
      %scan3A_113 = arith.constant 1 : i32
      scf.for %scan3A_155 = %scan3A_110 to %scan3A_112 step %scan3A_113  : i32 {
        %get3A = arith.index_cast %scan3A_155 : i32 to index
        %get3A_156 = arith.constant 0 : index
        %get3A_157 = tpu.vector_load %arg12[%get3A, %get3A_156] {strides = array<i32>} : memref<80x16xf32, #tpu.memory_space<vmem>>, vector<1x16xf32>,
        %get3A_158 = vector.shape_cast %get3A_157 : vector<1x16xf32> to vector<16xf32>
        %get3A_159 = arith.index_cast %scan3A_155 : i32 to index
        %get3A_160 = arith.constant 0 : index
        %get3A_161 = tpu.vector_load %arg14[%get3A_159, %get3A_160] {strides = array<i32>} : memref<80x128xf32, #tpu.memory_space<vmem>>, vector<1x16xf32>,
        %get3A_162 = vector.shape_cast %get3A_161 : vector<1x16xf32> to vector<16xf32>
        %mul3A_163 = arith.mulf %get3A_162, %get3A_158 : vector<16xf32>
        %swap3A = arith.index_cast %scan3A_155 : i32 to index
        %swap3A_164 = arith.constant 0 : index
        %swap3A_165 = tpu.vector_load %arg14[%swap3A, %swap3A_164] {strides = array<i32>} : memref<80x128xf32, #tpu.memory_space<vmem>>, vector<1x16xf32>,
        %swap3A_166 = vector.shape_cast %swap3A_165 : vector<1x16xf32> to vector<16xf32>
        %swap3A_167 = vector.shape_cast %mul3A_163 : vector<16xf32> to vector<1x16xf32>
        tpu.vector_store %arg14[%swap3A, %swap3A_164], %swap3A_167 {strides = array<i32>} : memref<80x128xf32, #tpu.memory_space<vmem>>, vector<1x16xf32>,
        %get3A_168 = arith.index_cast %scan3A_155 : i32 to index
        %get3A_169 = arith.constant 16 : index
        %get3A_170 = tpu.vector_load %arg14[%get3A_168, %get3A_169] {strides = array<i32>} : memref<80x128xf32, #tpu.memory_space<vmem>>, vector<1x16xf32>,
        %get3A_171 = vector.shape_cast %get3A_170 : vector<1x16xf32> to vector<16xf32>
        %mul3A_172 = arith.mulf %get3A_171, %get3A_158 : vector<16xf32>
        %swap3A_173 = arith.index_cast %scan3A_155 : i32 to index
        %swap3A_174 = arith.constant 16 : index
        %swap3A_175 = tpu.vector_load %arg14[%swap3A_173, %swap3A_174] {strides = array<i32>} : memref<80x128xf32, #tpu.memory_space<vmem>>, vector<1x16xf32>,
        %swap3A_176 = vector.shape_cast %swap3A_175 : vector<1x16xf32> to vector<16xf32>
        %swap3A_177 = vector.shape_cast %mul3A_172 : vector<16xf32> to vector<1x16xf32>
        tpu.vector_store %arg14[%swap3A_173, %swap3A_174], %swap3A_177 {strides = array<i32>} : memref<80x128xf32, #tpu.memory_space<vmem>>, vector<1x16xf32>,
        %get3A_178 = arith.index_cast %scan3A_155 : i32 to index
        %get3A_179 = arith.constant 32 : index
        %get3A_180 = tpu.vector_load %arg14[%get3A_178, %get3A_179] {strides = array<i32>} : memref<80x128xf32, #tpu.memory_space<vmem>>, vector<1x16xf32>,
        %get3A_181 = vector.shape_cast %get3A_180 : vector<1x16xf32> to vector<16xf32>
        %mul3A_182 = arith.mulf %get3A_181, %get3A_158 : vector<16xf32>
        %swap3A_183 = arith.index_cast %scan3A_155 : i32 to index
        %swap3A_184 = arith.constant 32 : index
        %swap3A_185 = tpu.vector_load %arg14[%swap3A_183, %swap3A_184] {strides = array<i32>} : memref<80x128xf32, #tpu.memory_space<vmem>>, vector<1x16xf32>,
        %swap3A_186 = vector.shape_cast %swap3A_185 : vector<1x16xf32> to vector<16xf32>
        %swap3A_187 = vector.shape_cast %mul3A_182 : vector<16xf32> to vector<1x16xf32>
        tpu.vector_store %arg14[%swap3A_183, %swap3A_184], %swap3A_187 {strides = array<i32>} : memref<80x128xf32, #tpu.memory_space<vmem>>, vector<1x16xf32>,
        %get3A_188 = arith.index_cast %scan3A_155 : i32 to index
        %get3A_189 = arith.constant 48 : index
        %get3A_190 = tpu.vector_load %arg14[%get3A_188, %get3A_189] {strides = array<i32>} : memref<80x128xf32, #tpu.memory_space<vmem>>, vector<1x16xf32>,
        %get3A_191 = vector.shape_cast %get3A_190 : vector<1x16xf32> to vector<16xf32>
        %mul3A_192 = arith.mulf %get3A_191, %get3A_158 : vector<16xf32>
        %swap3A_193 = arith.index_cast %scan3A_155 : i32 to index
        %swap3A_194 = arith.constant 48 : index
        %swap3A_195 = tpu.vector_load %arg14[%swap3A_193, %swap3A_194] {strides = array<i32>} : memref<80x128xf32, #tpu.memory_space<vmem>>, vector<1x16xf32>,
        %swap3A_196 = vector.shape_cast %swap3A_195 : vector<1x16xf32> to vector<16xf32>
        %swap3A_197 = vector.shape_cast %mul3A_192 : vector<16xf32> to vector<1x16xf32>
        tpu.vector_store %arg14[%swap3A_193, %swap3A_194], %swap3A_197 {strides = array<i32>} : memref<80x128xf32, #tpu.memory_space<vmem>>, vector<1x16xf32>,
        %get3A_198 = arith.index_cast %scan3A_155 : i32 to index
        %get3A_199 = arith.constant 64 : index
        %get3A_200 = tpu.vector_load %arg14[%get3A_198, %get3A_199] {strides = array<i32>} : memref<80x128xf32, #tpu.memory_space<vmem>>, vector<1x16xf32>,
        %get3A_201 = vector.shape_cast %get3A_200 : vector<1x16xf32> to vector<16xf32>
        %mul3A_202 = arith.mulf %get3A_201, %get3A_158 : vector<16xf32>
        %swap3A_203 = arith.index_cast %scan3A_155 : i32 to index
        %swap3A_204 = arith.constant 64 : index
        %swap3A_205 = tpu.vector_load %arg14[%swap3A_203, %swap3A_204] {strides = array<i32>} : memref<80x128xf32, #tpu.memory_space<vmem>>, vector<1x16xf32>,
        %swap3A_206 = vector.shape_cast %swap3A_205 : vector<1x16xf32> to vector<16xf32>
        %swap3A_207 = vector.shape_cast %mul3A_202 : vector<16xf32> to vector<1x16xf32>
        tpu.vector_store %arg14[%swap3A_203, %swap3A_204], %swap3A_207 {strides = array<i32>} : memref<80x128xf32, #tpu.memory_space<vmem>>, vector<1x16xf32>,
        %get3A_208 = arith.index_cast %scan3A_155 : i32 to index
        %get3A_209 = arith.constant 80 : index
        %get3A_210 = tpu.vector_load %arg14[%get3A_208, %get3A_209] {strides = array<i32>} : memref<80x128xf32, #tpu.memory_space<vmem>>, vector<1x16xf32>,
        %get3A_211 = vector.shape_cast %get3A_210 : vector<1x16xf32> to vector<16xf32>
        %mul3A_212 = arith.mulf %get3A_211, %get3A_158 : vector<16xf32>
        %swap3A_213 = arith.index_cast %scan3A_155 : i32 to index
        %swap3A_214 = arith.constant 80 : index
        %swap3A_215 = tpu.vector_load %arg14[%swap3A_213, %swap3A_214] {strides = array<i32>} : memref<80x128xf32, #tpu.memory_space<vmem>>, vector<1x16xf32>,
        %swap3A_216 = vector.shape_cast %swap3A_215 : vector<1x16xf32> to vector<16xf32>
        %swap3A_217 = vector.shape_cast %mul3A_212 : vector<16xf32> to vector<1x16xf32>
        tpu.vector_store %arg14[%swap3A_213, %swap3A_214], %swap3A_217 {strides = array<i32>} : memref<80x128xf32, #tpu.memory_space<vmem>>, vector<1x16xf32>,
        %get3A_218 = arith.index_cast %scan3A_155 : i32 to index
        %get3A_219 = arith.constant 96 : index
        %get3A_220 = tpu.vector_load %arg14[%get3A_218, %get3A_219] {strides = array<i32>} : memref<80x128xf32, #tpu.memory_space<vmem>>, vector<1x16xf32>,
        %get3A_221 = vector.shape_cast %get3A_220 : vector<1x16xf32> to vector<16xf32>
        %mul3A_222 = arith.mulf %get3A_221, %get3A_158 : vector<16xf32>
        %swap3A_223 = arith.index_cast %scan3A_155 : i32 to index
        %swap3A_224 = arith.constant 96 : index
        %swap3A_225 = tpu.vector_load %arg14[%swap3A_223, %swap3A_224] {strides = array<i32>} : memref<80x128xf32, #tpu.memory_space<vmem>>, vector<1x16xf32>,
        %swap3A_226 = vector.shape_cast %swap3A_225 : vector<1x16xf32> to vector<16xf32>
        %swap3A_227 = vector.shape_cast %mul3A_222 : vector<16xf32> to vector<1x16xf32>
        tpu.vector_store %arg14[%swap3A_223, %swap3A_224], %swap3A_227 {strides = array<i32>} : memref<80x128xf32, #tpu.memory_space<vmem>>, vector<1x16xf32>,
        %get3A_228 = arith.index_cast %scan3A_155 : i32 to index
        %get3A_229 = arith.constant 112 : index
        %get3A_230 = tpu.vector_load %arg14[%get3A_228, %get3A_229] {strides = array<i32>} : memref<80x128xf32, #tpu.memory_space<vmem>>, vector<1x16xf32>,
        %get3A_231 = vector.shape_cast %get3A_230 : vector<1x16xf32> to vector<16xf32>
        %mul3A_232 = arith.mulf %get3A_231, %get3A_158 : vector<16xf32>
        %swap3A_233 = arith.index_cast %scan3A_155 : i32 to index
        %swap3A_234 = arith.constant 112 : index
        %swap3A_235 = tpu.vector_load %arg14[%swap3A_233, %swap3A_234] {strides = array<i32>} : memref<80x128xf32, #tpu.memory_space<vmem>>, vector<1x16xf32>,
        %swap3A_236 = vector.shape_cast %swap3A_235 : vector<1x16xf32> to vector<16xf32>
        %swap3A_237 = vector.shape_cast %mul3A_232 : vector<16xf32> to vector<1x16xf32>
        tpu.vector_store %arg14[%swap3A_233, %swap3A_234], %swap3A_237 {strides = array<i32>} : memref<80x128xf32, #tpu.memory_space<vmem>>, vector<1x16xf32>,
      }
      %scan3A_114 = arith.constant 80 : i32
      %dma_start3A_115 = arith.constant 0 : i32
      %dma_start3A_116 = arith.constant 0 : i32
      %dma_start3A_117 = tpu.memref_slice %arg16[%dma_start3A_115, %dma_start3A_116] : memref<10240x128xf32, #tpu.memory_space<vmem_shared>> -> memref<10240x128xf32, #tpu.memory_space<vmem_shared>>
      tpu.enqueue_indirect_dma source(%arg14 : memref<80x128xf32, #tpu.memory_space<vmem>>) target(%dma_start3A_117 : memref<10240x128xf32, #tpu.memory_space<vmem_shared>>) offsets(%arg10 : memref<80xi32, #tpu.memory_space<vmem>>) semaphore(%arg21 : memref<!tpu.dma_semaphore, #tpu.memory_space<semaphore_mem>>) {add = true}
      %add3A_118 = arith.constant 2 : i32
      %add3A_119 = arith.addi %add3A_95, %add3A_118 : i32
      %lt3A = arith.constant 128 : i32
      %lt3A_120 = arith.cmpi slt, %add3A_119, %lt3A : i32
      %convert_element_type3A = arith.extui %lt3A_120 : i1 to i32
      %cond3A = arith.constant 0 : i32
      %cond3A_121 = arith.cmpi ne, %convert_element_type3A, %cond3A : i32
      scf.if %cond3A_121 {
        %dma_wait3A_155 = arith.constant 0 : i32
        %dma_wait3A_156 = arith.constant 0 : i32
        %dma_wait3A_157 = tpu.memref_slice %arg16[%dma_wait3A_155, %dma_wait3A_156] : memref<10240x128xf32, #tpu.memory_space<vmem_shared>> -> memref<10240x128xf32, #tpu.memory_space<vmem_shared>>
        tpu.wait_indirect_dma semaphore(%arg21 : memref<!tpu.dma_semaphore, #tpu.memory_space<semaphore_mem>>) src(%arg14 : memref<80x128xf32, #tpu.memory_space<vmem>>) dst(%dma_wait3A_157 : memref<10240x128xf32, #tpu.memory_space<vmem_shared>>)
        %add3A_158 = arith.constant 2 : i32
        %add3A_159 = arith.addi %add3A_95, %add3A_158 : i32
        %mul3A_160 = arith.constant 128 : i32
        %mul3A_161 = arith.muli %add3A, %mul3A_160 : i32
        %add3A_162 = arith.addi %mul3A_161, %add3A_159 : i32
        %mul3A_163 = arith.constant 80 : i32
        %mul3A_164 = arith.muli %add3A_162, %mul3A_163 : i32
        "tpu.region"() ({
          %run_scoped3A = tpu.sem_alloc : memref<!tpu.dma_semaphore, #tpu.memory_space<semaphore_mem>>
          %dma_start3A_174 = tpu.memref_slice %arg3[%mul3A_164] : memref<327680xi32, #tpu.memory_space<hbm>> -> memref<80xi32, #tpu.memory_space<hbm>>
          %dma_start3A_175 = tpu.memref_slice %arg3[%mul3A_164] : memref<327680xi32, #tpu.memory_space<hbm>> -> memref<80xi32, #tpu.memory_space<hbm>>
          tpu.enqueue_dma source(%dma_start3A_175 : memref<80xi32, #tpu.memory_space<hbm>>) target(%arg8 : memref<80xi32, #tpu.memory_space<vmem>>) target_semaphore(%run_scoped3A : memref<!tpu.dma_semaphore, #tpu.memory_space<semaphore_mem>>)
          %dma_wait3A_176 = tpu.memref_slice %arg3[%mul3A_164] : memref<327680xi32, #tpu.memory_space<hbm>> -> memref<80xi32, #tpu.memory_space<hbm>>
          %dma_wait3A_177 = tpu.memref_slice %arg3[%mul3A_164] : memref<327680xi32, #tpu.memory_space<hbm>> -> memref<80xi32, #tpu.memory_space<hbm>>
          tpu.wait_dma2 semaphore(%run_scoped3A : memref<!tpu.dma_semaphore, #tpu.memory_space<semaphore_mem>>) src(%dma_wait3A_177 : memref<80xi32, #tpu.memory_space<hbm>>) dst(%arg8 : memref<80xi32, #tpu.memory_space<vmem>>)
          tpu.yield
        }) : () -> ()
        %dma_start3A_165 = arith.constant 0 : i32
        %dma_start3A_166 = tpu.memref_slice %arg5[%mul3A_164, %dma_start3A_165] : memref<327680x16xf32, #tpu.memory_space<hbm>> -> memref<80x16xf32, #tpu.memory_space<hbm>>
        %dma_start3A_167 = arith.constant 0 : i32
        %dma_start3A_168 = tpu.memref_slice %arg5[%mul3A_164, %dma_start3A_167] : memref<327680x16xf32, #tpu.memory_space<hbm>> -> memref<80x16xf32, #tpu.memory_space<hbm>>
        tpu.enqueue_dma source(%dma_start3A_168 : memref<80x16xf32, #tpu.memory_space<hbm>>) target(%arg12 : memref<80x16xf32, #tpu.memory_space<vmem>>) target_semaphore(%arg17 : memref<!tpu.dma_semaphore, #tpu.memory_space<semaphore_mem>>)
        %dma_start3A_169 = tpu.memref_slice %arg4[%mul3A_164] : memref<327680xi32, #tpu.memory_space<hbm>> -> memref<80xi32, #tpu.memory_space<hbm>>
        %dma_start3A_170 = tpu.memref_slice %arg4[%mul3A_164] : memref<327680xi32, #tpu.memory_space<hbm>> -> memref<80xi32, #tpu.memory_space<hbm>>
        tpu.enqueue_dma source(%dma_start3A_170 : memref<80xi32, #tpu.memory_space<hbm>>) target(%arg10 : memref<80xi32, #tpu.memory_space<vmem>>) target_semaphore(%arg17 : memref<!tpu.dma_semaphore, #tpu.memory_space<semaphore_mem>>)
        %dma_start3A_171 = arith.constant 0 : i32
        %dma_start3A_172 = arith.constant 0 : i32
        %dma_start3A_173 = tpu.memref_slice %arg2[%dma_start3A_171, %dma_start3A_172] : memref<10240x128xf32, #tpu.memory_space<hbm>> -> memref<10240x128xf32, #tpu.memory_space<hbm>>
        tpu.enqueue_indirect_dma source(%dma_start3A_173 : memref<10240x128xf32, #tpu.memory_space<hbm>>) target(%arg14 : memref<80x128xf32, #tpu.memory_space<vmem>>) offsets(%arg8 : memref<80xi32, #tpu.memory_space<vmem>>) semaphore(%arg19 : memref<!tpu.dma_semaphore, #tpu.memory_space<semaphore_mem>>)
      } else {
      }
      %mul3A_122 = arith.constant 2 : i32
      %mul3A_123 = arith.muli %scan3A_91, %mul3A_122 : i32
      %add3A_124 = arith.constant 1 : i32
      %add3A_125 = arith.addi %mul3A_123, %add3A_124 : i32
      %dma_wait3A_126 = arith.constant 0 : i32
      %dma_wait3A_127 = arith.constant 0 : i32
      %dma_wait3A_128 = tpu.memref_slice %arg5[%dma_wait3A_126, %dma_wait3A_127] : memref<327680x16xf32, #tpu.memory_space<hbm>> -> memref<80x16xf32, #tpu.memory_space<hbm>>
      %dma_wait3A_129 = arith.constant 0 : i32
      %dma_wait3A_130 = arith.constant 0 : i32
      %dma_wait3A_131 = tpu.memref_slice %arg5[%dma_wait3A_129, %dma_wait3A_130] : memref<327680x16xf32, #tpu.memory_space<hbm>> -> memref<80x16xf32, #tpu.memory_space<hbm>>
      tpu.wait_dma2 semaphore(%arg18 : memref<!tpu.dma_semaphore, #tpu.memory_space<semaphore_mem>>) src(%dma_wait3A_131 : memref<80x16xf32, #tpu.memory_space<hbm>>) dst(%arg13 : memref<80x16xf32, #tpu.memory_space<vmem>>)
      %dma_wait3A_132 = arith.constant 0 : i32
      %dma_wait3A_133 = tpu.memref_slice %arg4[%dma_wait3A_132] : memref<327680xi32, #tpu.memory_space<hbm>> -> memref<80xi32, #tpu.memory_space<hbm>>
      %dma_wait3A_134 = arith.constant 0 : i32
      %dma_wait3A_135 = tpu.memref_slice %arg4[%dma_wait3A_134] : memref<327680xi32, #tpu.memory_space<hbm>> -> memref<80xi32, #tpu.memory_space<hbm>>
      tpu.wait_dma2 semaphore(%arg18 : memref<!tpu.dma_semaphore, #tpu.memory_space<semaphore_mem>>) src(%dma_wait3A_135 : memref<80xi32, #tpu.memory_space<hbm>>) dst(%arg11 : memref<80xi32, #tpu.memory_space<vmem>>)
      %dma_wait3A_136 = arith.constant 0 : i32
      %dma_wait3A_137 = arith.constant 0 : i32
      %dma_wait3A_138 = tpu.memref_slice %arg2[%dma_wait3A_136, %dma_wait3A_137] : memref<10240x128xf32, #tpu.memory_space<hbm>> -> memref<10240x128xf32, #tpu.memory_space<hbm>>
      tpu.wait_indirect_dma semaphore(%arg20 : memref<!tpu.dma_semaphore, #tpu.memory_space<semaphore_mem>>) src(%dma_wait3A_138 : memref<10240x128xf32, #tpu.memory_space<hbm>>) dst(%arg15 : memref<80x128xf32, #tpu.memory_space<vmem>>)
      %scan3A_139 = arith.constant 0 : i32
      %scan3A_140 = arith.constant 0 : i32
      %scan3A_141 = arith.constant 80 : i32
      %scan3A_142 = arith.addi %scan3A_140, %scan3A_141 : i32
      %scan3A_143 = arith.constant 1 : i32
      scf.for %scan3A_155 = %scan3A_140 to %scan3A_142 step %scan3A_143  : i32 {
        %get3A = arith.index_cast %scan3A_155 : i32 to index
        %get3A_156 = arith.constant 0 : index
        %get3A_157 = tpu.vector_load %arg13[%get3A, %get3A_156] {strides = array<i32>} : memref<80x16xf32, #tpu.memory_space<vmem>>, vector<1x16xf32>,
        %get3A_158 = vector.shape_cast %get3A_157 : vector<1x16xf32> to vector<16xf32>
        %get3A_159 = arith.index_cast %scan3A_155 : i32 to index
        %get3A_160 = arith.constant 0 : index
        %get3A_161 = tpu.vector_load %arg15[%get3A_159, %get3A_160] {strides = array<i32>} : memref<80x128xf32, #tpu.memory_space<vmem>>, vector<1x16xf32>,
        %get3A_162 = vector.shape_cast %get3A_161 : vector<1x16xf32> to vector<16xf32>
        %mul3A_163 = arith.mulf %get3A_162, %get3A_158 : vector<16xf32>
        %swap3A = arith.index_cast %scan3A_155 : i32 to index
        %swap3A_164 = arith.constant 0 : index
        %swap3A_165 = tpu.vector_load %arg15[%swap3A, %swap3A_164] {strides = array<i32>} : memref<80x128xf32, #tpu.memory_space<vmem>>, vector<1x16xf32>,
        %swap3A_166 = vector.shape_cast %swap3A_165 : vector<1x16xf32> to vector<16xf32>
        %swap3A_167 = vector.shape_cast %mul3A_163 : vector<16xf32> to vector<1x16xf32>
        tpu.vector_store %arg15[%swap3A, %swap3A_164], %swap3A_167 {strides = array<i32>} : memref<80x128xf32, #tpu.memory_space<vmem>>, vector<1x16xf32>,
        %get3A_168 = arith.index_cast %scan3A_155 : i32 to index
        %get3A_169 = arith.constant 16 : index
        %get3A_170 = tpu.vector_load %arg15[%get3A_168, %get3A_169] {strides = array<i32>} : memref<80x128xf32, #tpu.memory_space<vmem>>, vector<1x16xf32>,
        %get3A_171 = vector.shape_cast %get3A_170 : vector<1x16xf32> to vector<16xf32>
        %mul3A_172 = arith.mulf %get3A_171, %get3A_158 : vector<16xf32>
        %swap3A_173 = arith.index_cast %scan3A_155 : i32 to index
        %swap3A_174 = arith.constant 16 : index
        %swap3A_175 = tpu.vector_load %arg15[%swap3A_173, %swap3A_174] {strides = array<i32>} : memref<80x128xf32, #tpu.memory_space<vmem>>, vector<1x16xf32>,
        %swap3A_176 = vector.shape_cast %swap3A_175 : vector<1x16xf32> to vector<16xf32>
        %swap3A_177 = vector.shape_cast %mul3A_172 : vector<16xf32> to vector<1x16xf32>
        tpu.vector_store %arg15[%swap3A_173, %swap3A_174], %swap3A_177 {strides = array<i32>} : memref<80x128xf32, #tpu.memory_space<vmem>>, vector<1x16xf32>,
        %get3A_178 = arith.index_cast %scan3A_155 : i32 to index
        %get3A_179 = arith.constant 32 : index
        %get3A_180 = tpu.vector_load %arg15[%get3A_178, %get3A_179] {strides = array<i32>} : memref<80x128xf32, #tpu.memory_space<vmem>>, vector<1x16xf32>,
        %get3A_181 = vector.shape_cast %get3A_180 : vector<1x16xf32> to vector<16xf32>
        %mul3A_182 = arith.mulf %get3A_181, %get3A_158 : vector<16xf32>
        %swap3A_183 = arith.index_cast %scan3A_155 : i32 to index
        %swap3A_184 = arith.constant 32 : index
        %swap3A_185 = tpu.vector_load %arg15[%swap3A_183, %swap3A_184] {strides = array<i32>} : memref<80x128xf32, #tpu.memory_space<vmem>>, vector<1x16xf32>,
        %swap3A_186 = vector.shape_cast %swap3A_185 : vector<1x16xf32> to vector<16xf32>
        %swap3A_187 = vector.shape_cast %mul3A_182 : vector<16xf32> to vector<1x16xf32>
        tpu.vector_store %arg15[%swap3A_183, %swap3A_184], %swap3A_187 {strides = array<i32>} : memref<80x128xf32, #tpu.memory_space<vmem>>, vector<1x16xf32>,
        %get3A_188 = arith.index_cast %scan3A_155 : i32 to index
        %get3A_189 = arith.constant 48 : index
        %get3A_190 = tpu.vector_load %arg15[%get3A_188, %get3A_189] {strides = array<i32>} : memref<80x128xf32, #tpu.memory_space<vmem>>, vector<1x16xf32>,
        %get3A_191 = vector.shape_cast %get3A_190 : vector<1x16xf32> to vector<16xf32>
        %mul3A_192 = arith.mulf %get3A_191, %get3A_158 : vector<16xf32>
        %swap3A_193 = arith.index_cast %scan3A_155 : i32 to index
        %swap3A_194 = arith.constant 48 : index
        %swap3A_195 = tpu.vector_load %arg15[%swap3A_193, %swap3A_194] {strides = array<i32>} : memref<80x128xf32, #tpu.memory_space<vmem>>, vector<1x16xf32>,
        %swap3A_196 = vector.shape_cast %swap3A_195 : vector<1x16xf32> to vector<16xf32>
        %swap3A_197 = vector.shape_cast %mul3A_192 : vector<16xf32> to vector<1x16xf32>
        tpu.vector_store %arg15[%swap3A_193, %swap3A_194], %swap3A_197 {strides = array<i32>} : memref<80x128xf32, #tpu.memory_space<vmem>>, vector<1x16xf32>,
        %get3A_198 = arith.index_cast %scan3A_155 : i32 to index
        %get3A_199 = arith.constant 64 : index
        %get3A_200 = tpu.vector_load %arg15[%get3A_198, %get3A_199] {strides = array<i32>} : memref<80x128xf32, #tpu.memory_space<vmem>>, vector<1x16xf32>,
        %get3A_201 = vector.shape_cast %get3A_200 : vector<1x16xf32> to vector<16xf32>
        %mul3A_202 = arith.mulf %get3A_201, %get3A_158 : vector<16xf32>
        %swap3A_203 = arith.index_cast %scan3A_155 : i32 to index
        %swap3A_204 = arith.constant 64 : index
        %swap3A_205 = tpu.vector_load %arg15[%swap3A_203, %swap3A_204] {strides = array<i32>} : memref<80x128xf32, #tpu.memory_space<vmem>>, vector<1x16xf32>,
        %swap3A_206 = vector.shape_cast %swap3A_205 : vector<1x16xf32> to vector<16xf32>
        %swap3A_207 = vector.shape_cast %mul3A_202 : vector<16xf32> to vector<1x16xf32>
        tpu.vector_store %arg15[%swap3A_203, %swap3A_204], %swap3A_207 {strides = array<i32>} : memref<80x128xf32, #tpu.memory_space<vmem>>, vector<1x16xf32>,
        %get3A_208 = arith.index_cast %scan3A_155 : i32 to index
        %get3A_209 = arith.constant 80 : index
        %get3A_210 = tpu.vector_load %arg15[%get3A_208, %get3A_209] {strides = array<i32>} : memref<80x128xf32, #tpu.memory_space<vmem>>, vector<1x16xf32>,
        %get3A_211 = vector.shape_cast %get3A_210 : vector<1x16xf32> to vector<16xf32>
        %mul3A_212 = arith.mulf %get3A_211, %get3A_158 : vector<16xf32>
        %swap3A_213 = arith.index_cast %scan3A_155 : i32 to index
        %swap3A_214 = arith.constant 80 : index
        %swap3A_215 = tpu.vector_load %arg15[%swap3A_213, %swap3A_214] {strides = array<i32>} : memref<80x128xf32, #tpu.memory_space<vmem>>, vector<1x16xf32>,
        %swap3A_216 = vector.shape_cast %swap3A_215 : vector<1x16xf32> to vector<16xf32>
        %swap3A_217 = vector.shape_cast %mul3A_212 : vector<16xf32> to vector<1x16xf32>
        tpu.vector_store %arg15[%swap3A_213, %swap3A_214], %swap3A_217 {strides = array<i32>} : memref<80x128xf32, #tpu.memory_space<vmem>>, vector<1x16xf32>,
        %get3A_218 = arith.index_cast %scan3A_155 : i32 to index
        %get3A_219 = arith.constant 96 : index
        %get3A_220 = tpu.vector_load %arg15[%get3A_218, %get3A_219] {strides = array<i32>} : memref<80x128xf32, #tpu.memory_space<vmem>>, vector<1x16xf32>,
        %get3A_221 = vector.shape_cast %get3A_220 : vector<1x16xf32> to vector<16xf32>
        %mul3A_222 = arith.mulf %get3A_221, %get3A_158 : vector<16xf32>
        %swap3A_223 = arith.index_cast %scan3A_155 : i32 to index
        %swap3A_224 = arith.constant 96 : index
        %swap3A_225 = tpu.vector_load %arg15[%swap3A_223, %swap3A_224] {strides = array<i32>} : memref<80x128xf32, #tpu.memory_space<vmem>>, vector<1x16xf32>,
        %swap3A_226 = vector.shape_cast %swap3A_225 : vector<1x16xf32> to vector<16xf32>
        %swap3A_227 = vector.shape_cast %mul3A_222 : vector<16xf32> to vector<1x16xf32>
        tpu.vector_store %arg15[%swap3A_223, %swap3A_224], %swap3A_227 {strides = array<i32>} : memref<80x128xf32, #tpu.memory_space<vmem>>, vector<1x16xf32>,
        %get3A_228 = arith.index_cast %scan3A_155 : i32 to index
        %get3A_229 = arith.constant 112 : index
        %get3A_230 = tpu.vector_load %arg15[%get3A_228, %get3A_229] {strides = array<i32>} : memref<80x128xf32, #tpu.memory_space<vmem>>, vector<1x16xf32>,
        %get3A_231 = vector.shape_cast %get3A_230 : vector<1x16xf32> to vector<16xf32>
        %mul3A_232 = arith.mulf %get3A_231, %get3A_158 : vector<16xf32>
        %swap3A_233 = arith.index_cast %scan3A_155 : i32 to index
        %swap3A_234 = arith.constant 112 : index
        %swap3A_235 = tpu.vector_load %arg15[%swap3A_233, %swap3A_234] {strides = array<i32>} : memref<80x128xf32, #tpu.memory_space<vmem>>, vector<1x16xf32>,
        %swap3A_236 = vector.shape_cast %swap3A_235 : vector<1x16xf32> to vector<16xf32>
        %swap3A_237 = vector.shape_cast %mul3A_232 : vector<16xf32> to vector<1x16xf32>
        tpu.vector_store %arg15[%swap3A_233, %swap3A_234], %swap3A_237 {strides = array<i32>} : memref<80x128xf32, #tpu.memory_space<vmem>>, vector<1x16xf32>,
      }
      %scan3A_144 = arith.constant 80 : i32
      %dma_start3A_145 = arith.constant 0 : i32
      %dma_start3A_146 = arith.constant 0 : i32
      %dma_start3A_147 = tpu.memref_slice %arg16[%dma_start3A_145, %dma_start3A_146] : memref<10240x128xf32, #tpu.memory_space<vmem_shared>> -> memref<10240x128xf32, #tpu.memory_space<vmem_shared>>
      tpu.enqueue_indirect_dma source(%arg15 : memref<80x128xf32, #tpu.memory_space<vmem>>) target(%dma_start3A_147 : memref<10240x128xf32, #tpu.memory_space<vmem_shared>>) offsets(%arg11 : memref<80xi32, #tpu.memory_space<vmem>>) semaphore(%arg22 : memref<!tpu.dma_semaphore, #tpu.memory_space<semaphore_mem>>) {add = true}
      %add3A_148 = arith.constant 2 : i32
      %add3A_149 = arith.addi %add3A_125, %add3A_148 : i32
      %lt3A_150 = arith.constant 128 : i32
      %lt3A_151 = arith.cmpi slt, %add3A_149, %lt3A_150 : i32
      %convert_element_type3A_152 = arith.extui %lt3A_151 : i1 to i32
      %cond3A_153 = arith.constant 0 : i32
      %cond3A_154 = arith.cmpi ne, %convert_element_type3A_152, %cond3A_153 : i32
      scf.if %cond3A_154 {
        %dma_wait3A_155 = arith.constant 0 : i32
        %dma_wait3A_156 = arith.constant 0 : i32
        %dma_wait3A_157 = tpu.memref_slice %arg16[%dma_wait3A_155, %dma_wait3A_156] : memref<10240x128xf32, #tpu.memory_space<vmem_shared>> -> memref<10240x128xf32, #tpu.memory_space<vmem_shared>>
        tpu.wait_indirect_dma semaphore(%arg22 : memref<!tpu.dma_semaphore, #tpu.memory_space<semaphore_mem>>) src(%arg15 : memref<80x128xf32, #tpu.memory_space<vmem>>) dst(%dma_wait3A_157 : memref<10240x128xf32, #tpu.memory_space<vmem_shared>>)
        %add3A_158 = arith.constant 2 : i32
        %add3A_159 = arith.addi %add3A_125, %add3A_158 : i32
        %mul3A_160 = arith.constant 128 : i32
        %mul3A_161 = arith.muli %add3A, %mul3A_160 : i32
        %add3A_162 = arith.addi %mul3A_161, %add3A_159 : i32
        %mul3A_163 = arith.constant 80 : i32
        %mul3A_164 = arith.muli %add3A_162, %mul3A_163 : i32
        "tpu.region"() ({
          %run_scoped3A = tpu.sem_alloc : memref<!tpu.dma_semaphore, #tpu.memory_space<semaphore_mem>>
          %dma_start3A_174 = tpu.memref_slice %arg3[%mul3A_164] : memref<327680xi32, #tpu.memory_space<hbm>> -> memref<80xi32, #tpu.memory_space<hbm>>
          %dma_start3A_175 = tpu.memref_slice %arg3[%mul3A_164] : memref<327680xi32, #tpu.memory_space<hbm>> -> memref<80xi32, #tpu.memory_space<hbm>>
          tpu.enqueue_dma source(%dma_start3A_175 : memref<80xi32, #tpu.memory_space<hbm>>) target(%arg9 : memref<80xi32, #tpu.memory_space<vmem>>) target_semaphore(%run_scoped3A : memref<!tpu.dma_semaphore, #tpu.memory_space<semaphore_mem>>)
          %dma_wait3A_176 = tpu.memref_slice %arg3[%mul3A_164] : memref<327680xi32, #tpu.memory_space<hbm>> -> memref<80xi32, #tpu.memory_space<hbm>>
          %dma_wait3A_177 = tpu.memref_slice %arg3[%mul3A_164] : memref<327680xi32, #tpu.memory_space<hbm>> -> memref<80xi32, #tpu.memory_space<hbm>>
          tpu.wait_dma2 semaphore(%run_scoped3A : memref<!tpu.dma_semaphore, #tpu.memory_space<semaphore_mem>>) src(%dma_wait3A_177 : memref<80xi32, #tpu.memory_space<hbm>>) dst(%arg9 : memref<80xi32, #tpu.memory_space<vmem>>)
          tpu.yield
        }) : () -> ()
        %dma_start3A_165 = arith.constant 0 : i32
        %dma_start3A_166 = tpu.memref_slice %arg5[%mul3A_164, %dma_start3A_165] : memref<327680x16xf32, #tpu.memory_space<hbm>> -> memref<80x16xf32, #tpu.memory_space<hbm>>
        %dma_start3A_167 = arith.constant 0 : i32
        %dma_start3A_168 = tpu.memref_slice %arg5[%mul3A_164, %dma_start3A_167] : memref<327680x16xf32, #tpu.memory_space<hbm>> -> memref<80x16xf32, #tpu.memory_space<hbm>>
        tpu.enqueue_dma source(%dma_start3A_168 : memref<80x16xf32, #tpu.memory_space<hbm>>) target(%arg13 : memref<80x16xf32, #tpu.memory_space<vmem>>) target_semaphore(%arg18 : memref<!tpu.dma_semaphore, #tpu.memory_space<semaphore_mem>>)
        %dma_start3A_169 = tpu.memref_slice %arg4[%mul3A_164] : memref<327680xi32, #tpu.memory_space<hbm>> -> memref<80xi32, #tpu.memory_space<hbm>>
        %dma_start3A_170 = tpu.memref_slice %arg4[%mul3A_164] : memref<327680xi32, #tpu.memory_space<hbm>> -> memref<80xi32, #tpu.memory_space<hbm>>
        tpu.enqueue_dma source(%dma_start3A_170 : memref<80xi32, #tpu.memory_space<hbm>>) target(%arg11 : memref<80xi32, #tpu.memory_space<vmem>>) target_semaphore(%arg18 : memref<!tpu.dma_semaphore, #tpu.memory_space<semaphore_mem>>)
        %dma_start3A_171 = arith.constant 0 : i32
        %dma_start3A_172 = arith.constant 0 : i32
        %dma_start3A_173 = tpu.memref_slice %arg2[%dma_start3A_171, %dma_start3A_172] : memref<10240x128xf32, #tpu.memory_space<hbm>> -> memref<10240x128xf32, #tpu.memory_space<hbm>>
        tpu.enqueue_indirect_dma source(%dma_start3A_173 : memref<10240x128xf32, #tpu.memory_space<hbm>>) target(%arg15 : memref<80x128xf32, #tpu.memory_space<vmem>>) offsets(%arg9 : memref<80xi32, #tpu.memory_space<vmem>>) semaphore(%arg20 : memref<!tpu.dma_semaphore, #tpu.memory_space<semaphore_mem>>)
      } else {
      }
    }
    %scan3A_52 = arith.constant 64 : i32
    %dma_wait3A = arith.constant 0 : i32
    %dma_wait3A_53 = arith.constant 0 : i32
    %dma_wait3A_54 = tpu.memref_slice %arg16[%dma_wait3A, %dma_wait3A_53] : memref<10240x128xf32, #tpu.memory_space<vmem_shared>> -> memref<10240x128xf32, #tpu.memory_space<vmem_shared>>
    tpu.wait_indirect_dma semaphore(%arg21 : memref<!tpu.dma_semaphore, #tpu.memory_space<semaphore_mem>>) src(%arg14 : memref<80x128xf32, #tpu.memory_space<vmem>>) dst(%dma_wait3A_54 : memref<10240x128xf32, #tpu.memory_space<vmem_shared>>)
    %dma_wait3A_55 = arith.constant 0 : i32
    %dma_wait3A_56 = arith.constant 0 : i32
    %dma_wait3A_57 = tpu.memref_slice %arg16[%dma_wait3A_55, %dma_wait3A_56] : memref<10240x128xf32, #tpu.memory_space<vmem_shared>> -> memref<10240x128xf32, #tpu.memory_space<vmem_shared>>
    tpu.wait_indirect_dma semaphore(%arg22 : memref<!tpu.dma_semaphore, #tpu.memory_space<semaphore_mem>>) src(%arg15 : memref<80x128xf32, #tpu.memory_space<vmem>>) dst(%dma_wait3A_57 : memref<10240x128xf32, #tpu.memory_space<vmem_shared>>)
    %barrier3A_58 = arith.constant 0 : index
    tpu.barrier barrier_id(%barrier3A_58)
    %add3A_59 = arith.constant 0 : i32
    %add3A_60 = arith.addi %mul3A_2, %add3A_59 : i32
    "tpu.region"() ({
      %run_scoped3A = tpu.sem_alloc : memref<!tpu.dma_semaphore, #tpu.memory_space<semaphore_mem>>
      %dma_start3A_91 = arith.constant 0 : i32
      %dma_start3A_92 = tpu.memref_slice %arg16[%add3A_60, %dma_start3A_91] : memref<10240x128xf32, #tpu.memory_space<vmem_shared>> -> memref<80x128xf32, #tpu.memory_space<vmem_shared>>
      %dma_start3A_93 = arith.constant 0 : i32
      %dma_start3A_94 = tpu.memref_slice %arg16[%add3A_60, %dma_start3A_93] : memref<10240x128xf32, #tpu.memory_space<vmem_shared>> -> memref<80x128xf32, #tpu.memory_space<vmem_shared>>
      tpu.enqueue_dma source(%dma_start3A_94 : memref<80x128xf32, #tpu.memory_space<vmem_shared>>) target(%arg14 : memref<80x128xf32, #tpu.memory_space<vmem>>) target_semaphore(%run_scoped3A : memref<!tpu.dma_semaphore, #tpu.memory_space<semaphore_mem>>)
      %dma_wait3A_95 = arith.constant 0 : i32
      %dma_wait3A_96 = tpu.memref_slice %arg16[%add3A_60, %dma_wait3A_95] : memref<10240x128xf32, #tpu.memory_space<vmem_shared>> -> memref<80x128xf32, #tpu.memory_space<vmem_shared>>
      %dma_wait3A_97 = arith.constant 0 : i32
      %dma_wait3A_98 = tpu.memref_slice %arg16[%add3A_60, %dma_wait3A_97] : memref<10240x128xf32, #tpu.memory_space<vmem_shared>> -> memref<80x128xf32, #tpu.memory_space<vmem_shared>>
      tpu.wait_dma2 semaphore(%run_scoped3A : memref<!tpu.dma_semaphore, #tpu.memory_space<semaphore_mem>>) src(%dma_wait3A_98 : memref<80x128xf32, #tpu.memory_space<vmem_shared>>) dst(%arg14 : memref<80x128xf32, #tpu.memory_space<vmem>>)
      tpu.yield
    }) : () -> ()
    %add3A_61 = arith.constant 0 : i32
    %add3A_62 = arith.addi %mul3A_2, %add3A_61 : i32
    "tpu.region"() ({
      %run_scoped3A = tpu.sem_alloc : memref<!tpu.dma_semaphore, #tpu.memory_space<semaphore_mem>>
      %dma_start3A_91 = arith.constant 0 : i32
      %dma_start3A_92 = tpu.memref_slice %arg7[%arg0, %add3A_62, %dma_start3A_91] : memref<2x10240x128xf32, #tpu.memory_space<hbm>> -> memref<1x80x128xf32, #tpu.memory_space<hbm>>
      %dma_start3A_93 = tpu.memref_squeeze %dma_start3A_92 : memref<1x80x128xf32, #tpu.memory_space<hbm>> -> memref<80x128xf32, #tpu.memory_space<hbm>>
      %dma_start3A_94 = arith.constant 0 : i32
      %dma_start3A_95 = tpu.memref_slice %arg7[%arg0, %add3A_62, %dma_start3A_94] : memref<2x10240x128xf32, #tpu.memory_space<hbm>> -> memref<1x80x128xf32, #tpu.memory_space<hbm>>
      %dma_start3A_96 = tpu.memref_squeeze %dma_start3A_95 : memref<1x80x128xf32, #tpu.memory_space<hbm>> -> memref<80x128xf32, #tpu.memory_space<hbm>>
      tpu.enqueue_dma source(%arg14 : memref<80x128xf32, #tpu.memory_space<vmem>>) target(%dma_start3A_96 : memref<80x128xf32, #tpu.memory_space<hbm>>) target_semaphore(%run_scoped3A : memref<!tpu.dma_semaphore, #tpu.memory_space<semaphore_mem>>)
      %dma_wait3A_97 = arith.constant 0 : i32
      %dma_wait3A_98 = tpu.memref_slice %arg7[%arg0, %add3A_62, %dma_wait3A_97] : memref<2x10240x128xf32, #tpu.memory_space<hbm>> -> memref<1x80x128xf32, #tpu.memory_space<hbm>>
      %dma_wait3A_99 = tpu.memref_squeeze %dma_wait3A_98 : memref<1x80x128xf32, #tpu.memory_space<hbm>> -> memref<80x128xf32, #tpu.memory_space<hbm>>
      %dma_wait3A_100 = arith.constant 0 : i32
      %dma_wait3A_101 = tpu.memref_slice %arg7[%arg0, %add3A_62, %dma_wait3A_100] : memref<2x10240x128xf32, #tpu.memory_space<hbm>> -> memref<1x80x128xf32, #tpu.memory_space<hbm>>
      %dma_wait3A_102 = tpu.memref_squeeze %dma_wait3A_101 : memref<1x80x128xf32, #tpu.memory_space<hbm>> -> memref<80x128xf32, #tpu.memory_space<hbm>>
      tpu.wait_dma2 semaphore(%run_scoped3A : memref<!tpu.dma_semaphore, #tpu.memory_space<semaphore_mem>>) src(%arg14 : memref<80x128xf32, #tpu.memory_space<vmem>>) dst(%dma_wait3A_102 : memref<80x128xf32, #tpu.memory_space<hbm>>)
      tpu.yield
    }) : () -> ()
    %add3A_63 = arith.constant 80 : i32
    %add3A_64 = arith.addi %mul3A_2, %add3A_63 : i32
    "tpu.region"() ({
      %run_scoped3A = tpu.sem_alloc : memref<!tpu.dma_semaphore, #tpu.memory_space<semaphore_mem>>
      %dma_start3A_91 = arith.constant 0 : i32
      %dma_start3A_92 = tpu.memref_slice %arg16[%add3A_64, %dma_start3A_91] : memref<10240x128xf32, #tpu.memory_space<vmem_shared>> -> memref<80x128xf32, #tpu.memory_space<vmem_shared>>
      %dma_start3A_93 = arith.constant 0 : i32
      %dma_start3A_94 = tpu.memref_slice %arg16[%add3A_64, %dma_start3A_93] : memref<10240x128xf32, #tpu.memory_space<vmem_shared>> -> memref<80x128xf32, #tpu.memory_space<vmem_shared>>
      tpu.enqueue_dma source(%dma_start3A_94 : memref<80x128xf32, #tpu.memory_space<vmem_shared>>) target(%arg14 : memref<80x128xf32, #tpu.memory_space<vmem>>) target_semaphore(%run_scoped3A : memref<!tpu.dma_semaphore, #tpu.memory_space<semaphore_mem>>)
      %dma_wait3A_95 = arith.constant 0 : i32
      %dma_wait3A_96 = tpu.memref_slice %arg16[%add3A_64, %dma_wait3A_95] : memref<10240x128xf32, #tpu.memory_space<vmem_shared>> -> memref<80x128xf32, #tpu.memory_space<vmem_shared>>
      %dma_wait3A_97 = arith.constant 0 : i32
      %dma_wait3A_98 = tpu.memref_slice %arg16[%add3A_64, %dma_wait3A_97] : memref<10240x128xf32, #tpu.memory_space<vmem_shared>> -> memref<80x128xf32, #tpu.memory_space<vmem_shared>>
      tpu.wait_dma2 semaphore(%run_scoped3A : memref<!tpu.dma_semaphore, #tpu.memory_space<semaphore_mem>>) src(%dma_wait3A_98 : memref<80x128xf32, #tpu.memory_space<vmem_shared>>) dst(%arg14 : memref<80x128xf32, #tpu.memory_space<vmem>>)
      tpu.yield
    }) : () -> ()
    %add3A_65 = arith.constant 80 : i32
    %add3A_66 = arith.addi %mul3A_2, %add3A_65 : i32
    "tpu.region"() ({
      %run_scoped3A = tpu.sem_alloc : memref<!tpu.dma_semaphore, #tpu.memory_space<semaphore_mem>>
      %dma_start3A_91 = arith.constant 0 : i32
      %dma_start3A_92 = tpu.memref_slice %arg7[%arg0, %add3A_66, %dma_start3A_91] : memref<2x10240x128xf32, #tpu.memory_space<hbm>> -> memref<1x80x128xf32, #tpu.memory_space<hbm>>
      %dma_start3A_93 = tpu.memref_squeeze %dma_start3A_92 : memref<1x80x128xf32, #tpu.memory_space<hbm>> -> memref<80x128xf32, #tpu.memory_space<hbm>>
      %dma_start3A_94 = arith.constant 0 : i32
      %dma_start3A_95 = tpu.memref_slice %arg7[%arg0, %add3A_66, %dma_start3A_94] : memref<2x10240x128xf32, #tpu.memory_space<hbm>> -> memref<1x80x128xf32, #tpu.memory_space<hbm>>
      %dma_start3A_96 = tpu.memref_squeeze %dma_start3A_95 : memref<1x80x128xf32, #tpu.memory_space<hbm>> -> memref<80x128xf32, #tpu.memory_space<hbm>>
      tpu.enqueue_dma source(%arg14 : memref<80x128xf32, #tpu.memory_space<vmem>>) target(%dma_start3A_96 : memref<80x128xf32, #tpu.memory_space<hbm>>) target_semaphore(%run_scoped3A : memref<!tpu.dma_semaphore, #tpu.memory_space<semaphore_mem>>)
      %dma_wait3A_97 = arith.constant 0 : i32
      %dma_wait3A_98 = tpu.memref_slice %arg7[%arg0, %add3A_66, %dma_wait3A_97] : memref<2x10240x128xf32, #tpu.memory_space<hbm>> -> memref<1x80x128xf32, #tpu.memory_space<hbm>>
      %dma_wait3A_99 = tpu.memref_squeeze %dma_wait3A_98 : memref<1x80x128xf32, #tpu.memory_space<hbm>> -> memref<80x128xf32, #tpu.memory_space<hbm>>
      %dma_wait3A_100 = arith.constant 0 : i32
      %dma_wait3A_101 = tpu.memref_slice %arg7[%arg0, %add3A_66, %dma_wait3A_100] : memref<2x10240x128xf32, #tpu.memory_space<hbm>> -> memref<1x80x128xf32, #tpu.memory_space<hbm>>
      %dma_wait3A_102 = tpu.memref_squeeze %dma_wait3A_101 : memref<1x80x128xf32, #tpu.memory_space<hbm>> -> memref<80x128xf32, #tpu.memory_space<hbm>>
      tpu.wait_dma2 semaphore(%run_scoped3A : memref<!tpu.dma_semaphore, #tpu.memory_space<semaphore_mem>>) src(%arg14 : memref<80x128xf32, #tpu.memory_space<vmem>>) dst(%dma_wait3A_102 : memref<80x128xf32, #tpu.memory_space<hbm>>)
      tpu.yield
    }) : () -> ()
    %add3A_67 = arith.constant 160 : i32
    %add3A_68 = arith.addi %mul3A_2, %add3A_67 : i32
    "tpu.region"() ({
      %run_scoped3A = tpu.sem_alloc : memref<!tpu.dma_semaphore, #tpu.memory_space<semaphore_mem>>
      %dma_start3A_91 = arith.constant 0 : i32
      %dma_start3A_92 = tpu.memref_slice %arg16[%add3A_68, %dma_start3A_91] : memref<10240x128xf32, #tpu.memory_space<vmem_shared>> -> memref<80x128xf32, #tpu.memory_space<vmem_shared>>
      %dma_start3A_93 = arith.constant 0 : i32
      %dma_start3A_94 = tpu.memref_slice %arg16[%add3A_68, %dma_start3A_93] : memref<10240x128xf32, #tpu.memory_space<vmem_shared>> -> memref<80x128xf32, #tpu.memory_space<vmem_shared>>
      tpu.enqueue_dma source(%dma_start3A_94 : memref<80x128xf32, #tpu.memory_space<vmem_shared>>) target(%arg14 : memref<80x128xf32, #tpu.memory_space<vmem>>) target_semaphore(%run_scoped3A : memref<!tpu.dma_semaphore, #tpu.memory_space<semaphore_mem>>)
      %dma_wait3A_95 = arith.constant 0 : i32
      %dma_wait3A_96 = tpu.memref_slice %arg16[%add3A_68, %dma_wait3A_95] : memref<10240x128xf32, #tpu.memory_space<vmem_shared>> -> memref<80x128xf32, #tpu.memory_space<vmem_shared>>
      %dma_wait3A_97 = arith.constant 0 : i32
      %dma_wait3A_98 = tpu.memref_slice %arg16[%add3A_68, %dma_wait3A_97] : memref<10240x128xf32, #tpu.memory_space<vmem_shared>> -> memref<80x128xf32, #tpu.memory_space<vmem_shared>>
      tpu.wait_dma2 semaphore(%run_scoped3A : memref<!tpu.dma_semaphore, #tpu.memory_space<semaphore_mem>>) src(%dma_wait3A_98 : memref<80x128xf32, #tpu.memory_space<vmem_shared>>) dst(%arg14 : memref<80x128xf32, #tpu.memory_space<vmem>>)
      tpu.yield
    }) : () -> ()
    %add3A_69 = arith.constant 160 : i32
    %add3A_70 = arith.addi %mul3A_2, %add3A_69 : i32
    "tpu.region"() ({
      %run_scoped3A = tpu.sem_alloc : memref<!tpu.dma_semaphore, #tpu.memory_space<semaphore_mem>>
      %dma_start3A_91 = arith.constant 0 : i32
      %dma_start3A_92 = tpu.memref_slice %arg7[%arg0, %add3A_70, %dma_start3A_91] : memref<2x10240x128xf32, #tpu.memory_space<hbm>> -> memref<1x80x128xf32, #tpu.memory_space<hbm>>
      %dma_start3A_93 = tpu.memref_squeeze %dma_start3A_92 : memref<1x80x128xf32, #tpu.memory_space<hbm>> -> memref<80x128xf32, #tpu.memory_space<hbm>>
      %dma_start3A_94 = arith.constant 0 : i32
      %dma_start3A_95 = tpu.memref_slice %arg7[%arg0, %add3A_70, %dma_start3A_94] : memref<2x10240x128xf32, #tpu.memory_space<hbm>> -> memref<1x80x128xf32, #tpu.memory_space<hbm>>
      %dma_start3A_96 = tpu.memref_squeeze %dma_start3A_95 : memref<1x80x128xf32, #tpu.memory_space<hbm>> -> memref<80x128xf32, #tpu.memory_space<hbm>>
      tpu.enqueue_dma source(%arg14 : memref<80x128xf32, #tpu.memory_space<vmem>>) target(%dma_start3A_96 : memref<80x128xf32, #tpu.memory_space<hbm>>) target_semaphore(%run_scoped3A : memref<!tpu.dma_semaphore, #tpu.memory_space<semaphore_mem>>)
      %dma_wait3A_97 = arith.constant 0 : i32
      %dma_wait3A_98 = tpu.memref_slice %arg7[%arg0, %add3A_70, %dma_wait3A_97] : memref<2x10240x128xf32, #tpu.memory_space<hbm>> -> memref<1x80x128xf32, #tpu.memory_space<hbm>>
      %dma_wait3A_99 = tpu.memref_squeeze %dma_wait3A_98 : memref<1x80x128xf32, #tpu.memory_space<hbm>> -> memref<80x128xf32, #tpu.memory_space<hbm>>
      %dma_wait3A_100 = arith.constant 0 : i32
      %dma_wait3A_101 = tpu.memref_slice %arg7[%arg0, %add3A_70, %dma_wait3A_100] : memref<2x10240x128xf32, #tpu.memory_space<hbm>> -> memref<1x80x128xf32, #tpu.memory_space<hbm>>
      %dma_wait3A_102 = tpu.memref_squeeze %dma_wait3A_101 : memref<1x80x128xf32, #tpu.memory_space<hbm>> -> memref<80x128xf32, #tpu.memory_space<hbm>>
      tpu.wait_dma2 semaphore(%run_scoped3A : memref<!tpu.dma_semaphore, #tpu.memory_space<semaphore_mem>>) src(%arg14 : memref<80x128xf32, #tpu.memory_space<vmem>>) dst(%dma_wait3A_102 : memref<80x128xf32, #tpu.memory_space<hbm>>)
      tpu.yield
    }) : () -> ()
    %add3A_71 = arith.constant 240 : i32
    %add3A_72 = arith.addi %mul3A_2, %add3A_71 : i32
    "tpu.region"() ({
      %run_scoped3A = tpu.sem_alloc : memref<!tpu.dma_semaphore, #tpu.memory_space<semaphore_mem>>
      %dma_start3A_91 = arith.constant 0 : i32
      %dma_start3A_92 = tpu.memref_slice %arg16[%add3A_72, %dma_start3A_91] : memref<10240x128xf32, #tpu.memory_space<vmem_shared>> -> memref<80x128xf32, #tpu.memory_space<vmem_shared>>
      %dma_start3A_93 = arith.constant 0 : i32
      %dma_start3A_94 = tpu.memref_slice %arg16[%add3A_72, %dma_start3A_93] : memref<10240x128xf32, #tpu.memory_space<vmem_shared>> -> memref<80x128xf32, #tpu.memory_space<vmem_shared>>
      tpu.enqueue_dma source(%dma_start3A_94 : memref<80x128xf32, #tpu.memory_space<vmem_shared>>) target(%arg14 : memref<80x128xf32, #tpu.memory_space<vmem>>) target_semaphore(%run_scoped3A : memref<!tpu.dma_semaphore, #tpu.memory_space<semaphore_mem>>)
      %dma_wait3A_95 = arith.constant 0 : i32
      %dma_wait3A_96 = tpu.memref_slice %arg16[%add3A_72, %dma_wait3A_95] : memref<10240x128xf32, #tpu.memory_space<vmem_shared>> -> memref<80x128xf32, #tpu.memory_space<vmem_shared>>
      %dma_wait3A_97 = arith.constant 0 : i32
      %dma_wait3A_98 = tpu.memref_slice %arg16[%add3A_72, %dma_wait3A_97] : memref<10240x128xf32, #tpu.memory_space<vmem_shared>> -> memref<80x128xf32, #tpu.memory_space<vmem_shared>>
      tpu.wait_dma2 semaphore(%run_scoped3A : memref<!tpu.dma_semaphore, #tpu.memory_space<semaphore_mem>>) src(%dma_wait3A_98 : memref<80x128xf32, #tpu.memory_space<vmem_shared>>) dst(%arg14 : memref<80x128xf32, #tpu.memory_space<vmem>>)
      tpu.yield
    }) : () -> ()
    %add3A_73 = arith.constant 240 : i32
    %add3A_74 = arith.addi %mul3A_2, %add3A_73 : i32
    "tpu.region"() ({
      %run_scoped3A = tpu.sem_alloc : memref<!tpu.dma_semaphore, #tpu.memory_space<semaphore_mem>>
      %dma_start3A_91 = arith.constant 0 : i32
      %dma_start3A_92 = tpu.memref_slice %arg7[%arg0, %add3A_74, %dma_start3A_91] : memref<2x10240x128xf32, #tpu.memory_space<hbm>> -> memref<1x80x128xf32, #tpu.memory_space<hbm>>
      %dma_start3A_93 = tpu.memref_squeeze %dma_start3A_92 : memref<1x80x128xf32, #tpu.memory_space<hbm>> -> memref<80x128xf32, #tpu.memory_space<hbm>>
      %dma_start3A_94 = arith.constant 0 : i32
      %dma_start3A_95 = tpu.memref_slice %arg7[%arg0, %add3A_74, %dma_start3A_94] : memref<2x10240x128xf32, #tpu.memory_space<hbm>> -> memref<1x80x128xf32, #tpu.memory_space<hbm>>
      %dma_start3A_96 = tpu.memref_squeeze %dma_start3A_95 : memref<1x80x128xf32, #tpu.memory_space<hbm>> -> memref<80x128xf32, #tpu.memory_space<hbm>>
      tpu.enqueue_dma source(%arg14 : memref<80x128xf32, #tpu.memory_space<vmem>>) target(%dma_start3A_96 : memref<80x128xf32, #tpu.memory_space<hbm>>) target_semaphore(%run_scoped3A : memref<!tpu.dma_semaphore, #tpu.memory_space<semaphore_mem>>)
      %dma_wait3A_97 = arith.constant 0 : i32
      %dma_wait3A_98 = tpu.memref_slice %arg7[%arg0, %add3A_74, %dma_wait3A_97] : memref<2x10240x128xf32, #tpu.memory_space<hbm>> -> memref<1x80x128xf32, #tpu.memory_space<hbm>>
      %dma_wait3A_99 = tpu.memref_squeeze %dma_wait3A_98 : memref<1x80x128xf32, #tpu.memory_space<hbm>> -> memref<80x128xf32, #tpu.memory_space<hbm>>
      %dma_wait3A_100 = arith.constant 0 : i32
      %dma_wait3A_101 = tpu.memref_slice %arg7[%arg0, %add3A_74, %dma_wait3A_100] : memref<2x10240x128xf32, #tpu.memory_space<hbm>> -> memref<1x80x128xf32, #tpu.memory_space<hbm>>
      %dma_wait3A_102 = tpu.memref_squeeze %dma_wait3A_101 : memref<1x80x128xf32, #tpu.memory_space<hbm>> -> memref<80x128xf32, #tpu.memory_space<hbm>>
      tpu.wait_dma2 semaphore(%run_scoped3A : memref<!tpu.dma_semaphore, #tpu.memory_space<semaphore_mem>>) src(%arg14 : memref<80x128xf32, #tpu.memory_space<vmem>>) dst(%dma_wait3A_102 : memref<80x128xf32, #tpu.memory_space<hbm>>)
      tpu.yield
    }) : () -> ()
    %add3A_75 = arith.constant 320 : i32
    %add3A_76 = arith.addi %mul3A_2, %add3A_75 : i32
    "tpu.region"() ({
      %run_scoped3A = tpu.sem_alloc : memref<!tpu.dma_semaphore, #tpu.memory_space<semaphore_mem>>
      %dma_start3A_91 = arith.constant 0 : i32
      %dma_start3A_92 = tpu.memref_slice %arg16[%add3A_76, %dma_start3A_91] : memref<10240x128xf32, #tpu.memory_space<vmem_shared>> -> memref<80x128xf32, #tpu.memory_space<vmem_shared>>
      %dma_start3A_93 = arith.constant 0 : i32
      %dma_start3A_94 = tpu.memref_slice %arg16[%add3A_76, %dma_start3A_93] : memref<10240x128xf32, #tpu.memory_space<vmem_shared>> -> memref<80x128xf32, #tpu.memory_space<vmem_shared>>
      tpu.enqueue_dma source(%dma_start3A_94 : memref<80x128xf32, #tpu.memory_space<vmem_shared>>) target(%arg14 : memref<80x128xf32, #tpu.memory_space<vmem>>) target_semaphore(%run_scoped3A : memref<!tpu.dma_semaphore, #tpu.memory_space<semaphore_mem>>)
      %dma_wait3A_95 = arith.constant 0 : i32
      %dma_wait3A_96 = tpu.memref_slice %arg16[%add3A_76, %dma_wait3A_95] : memref<10240x128xf32, #tpu.memory_space<vmem_shared>> -> memref<80x128xf32, #tpu.memory_space<vmem_shared>>
      %dma_wait3A_97 = arith.constant 0 : i32
      %dma_wait3A_98 = tpu.memref_slice %arg16[%add3A_76, %dma_wait3A_97] : memref<10240x128xf32, #tpu.memory_space<vmem_shared>> -> memref<80x128xf32, #tpu.memory_space<vmem_shared>>
      tpu.wait_dma2 semaphore(%run_scoped3A : memref<!tpu.dma_semaphore, #tpu.memory_space<semaphore_mem>>) src(%dma_wait3A_98 : memref<80x128xf32, #tpu.memory_space<vmem_shared>>) dst(%arg14 : memref<80x128xf32, #tpu.memory_space<vmem>>)
      tpu.yield
    }) : () -> ()
    %add3A_77 = arith.constant 320 : i32
    %add3A_78 = arith.addi %mul3A_2, %add3A_77 : i32
    "tpu.region"() ({
      %run_scoped3A = tpu.sem_alloc : memref<!tpu.dma_semaphore, #tpu.memory_space<semaphore_mem>>
      %dma_start3A_91 = arith.constant 0 : i32
      %dma_start3A_92 = tpu.memref_slice %arg7[%arg0, %add3A_78, %dma_start3A_91] : memref<2x10240x128xf32, #tpu.memory_space<hbm>> -> memref<1x80x128xf32, #tpu.memory_space<hbm>>
      %dma_start3A_93 = tpu.memref_squeeze %dma_start3A_92 : memref<1x80x128xf32, #tpu.memory_space<hbm>> -> memref<80x128xf32, #tpu.memory_space<hbm>>
      %dma_start3A_94 = arith.constant 0 : i32
      %dma_start3A_95 = tpu.memref_slice %arg7[%arg0, %add3A_78, %dma_start3A_94] : memref<2x10240x128xf32, #tpu.memory_space<hbm>> -> memref<1x80x128xf32, #tpu.memory_space<hbm>>
      %dma_start3A_96 = tpu.memref_squeeze %dma_start3A_95 : memref<1x80x128xf32, #tpu.memory_space<hbm>> -> memref<80x128xf32, #tpu.memory_space<hbm>>
      tpu.enqueue_dma source(%arg14 : memref<80x128xf32, #tpu.memory_space<vmem>>) target(%dma_start3A_96 : memref<80x128xf32, #tpu.memory_space<hbm>>) target_semaphore(%run_scoped3A : memref<!tpu.dma_semaphore, #tpu.memory_space<semaphore_mem>>)
      %dma_wait3A_97 = arith.constant 0 : i32
      %dma_wait3A_98 = tpu.memref_slice %arg7[%arg0, %add3A_78, %dma_wait3A_97] : memref<2x10240x128xf32, #tpu.memory_space<hbm>> -> memref<1x80x128xf32, #tpu.memory_space<hbm>>
      %dma_wait3A_99 = tpu.memref_squeeze %dma_wait3A_98 : memref<1x80x128xf32, #tpu.memory_space<hbm>> -> memref<80x128xf32, #tpu.memory_space<hbm>>
      %dma_wait3A_100 = arith.constant 0 : i32
      %dma_wait3A_101 = tpu.memref_slice %arg7[%arg0, %add3A_78, %dma_wait3A_100] : memref<2x10240x128xf32, #tpu.memory_space<hbm>> -> memref<1x80x128xf32, #tpu.memory_space<hbm>>
      %dma_wait3A_102 = tpu.memref_squeeze %dma_wait3A_101 : memref<1x80x128xf32, #tpu.memory_space<hbm>> -> memref<80x128xf32, #tpu.memory_space<hbm>>
      tpu.wait_dma2 semaphore(%run_scoped3A : memref<!tpu.dma_semaphore, #tpu.memory_space<semaphore_mem>>) src(%arg14 : memref<80x128xf32, #tpu.memory_space<vmem>>) dst(%dma_wait3A_102 : memref<80x128xf32, #tpu.memory_space<hbm>>)
      tpu.yield
    }) : () -> ()
    %add3A_79 = arith.constant 400 : i32
    %add3A_80 = arith.addi %mul3A_2, %add3A_79 : i32
    "tpu.region"() ({
      %run_scoped3A = tpu.sem_alloc : memref<!tpu.dma_semaphore, #tpu.memory_space<semaphore_mem>>
      %dma_start3A_91 = arith.constant 0 : i32
      %dma_start3A_92 = tpu.memref_slice %arg16[%add3A_80, %dma_start3A_91] : memref<10240x128xf32, #tpu.memory_space<vmem_shared>> -> memref<80x128xf32, #tpu.memory_space<vmem_shared>>
      %dma_start3A_93 = arith.constant 0 : i32
      %dma_start3A_94 = tpu.memref_slice %arg16[%add3A_80, %dma_start3A_93] : memref<10240x128xf32, #tpu.memory_space<vmem_shared>> -> memref<80x128xf32, #tpu.memory_space<vmem_shared>>
      tpu.enqueue_dma source(%dma_start3A_94 : memref<80x128xf32, #tpu.memory_space<vmem_shared>>) target(%arg14 : memref<80x128xf32, #tpu.memory_space<vmem>>) target_semaphore(%run_scoped3A : memref<!tpu.dma_semaphore, #tpu.memory_space<semaphore_mem>>)
      %dma_wait3A_95 = arith.constant 0 : i32
      %dma_wait3A_96 = tpu.memref_slice %arg16[%add3A_80, %dma_wait3A_95] : memref<10240x128xf32, #tpu.memory_space<vmem_shared>> -> memref<80x128xf32, #tpu.memory_space<vmem_shared>>
      %dma_wait3A_97 = arith.constant 0 : i32
      %dma_wait3A_98 = tpu.memref_slice %arg16[%add3A_80, %dma_wait3A_97] : memref<10240x128xf32, #tpu.memory_space<vmem_shared>> -> memref<80x128xf32, #tpu.memory_space<vmem_shared>>
      tpu.wait_dma2 semaphore(%run_scoped3A : memref<!tpu.dma_semaphore, #tpu.memory_space<semaphore_mem>>) src(%dma_wait3A_98 : memref<80x128xf32, #tpu.memory_space<vmem_shared>>) dst(%arg14 : memref<80x128xf32, #tpu.memory_space<vmem>>)
      tpu.yield
    }) : () -> ()
    %add3A_81 = arith.constant 400 : i32
    %add3A_82 = arith.addi %mul3A_2, %add3A_81 : i32
    "tpu.region"() ({
      %run_scoped3A = tpu.sem_alloc : memref<!tpu.dma_semaphore, #tpu.memory_space<semaphore_mem>>
      %dma_start3A_91 = arith.constant 0 : i32
      %dma_start3A_92 = tpu.memref_slice %arg7[%arg0, %add3A_82, %dma_start3A_91] : memref<2x10240x128xf32, #tpu.memory_space<hbm>> -> memref<1x80x128xf32, #tpu.memory_space<hbm>>
      %dma_start3A_93 = tpu.memref_squeeze %dma_start3A_92 : memref<1x80x128xf32, #tpu.memory_space<hbm>> -> memref<80x128xf32, #tpu.memory_space<hbm>>
      %dma_start3A_94 = arith.constant 0 : i32
      %dma_start3A_95 = tpu.memref_slice %arg7[%arg0, %add3A_82, %dma_start3A_94] : memref<2x10240x128xf32, #tpu.memory_space<hbm>> -> memref<1x80x128xf32, #tpu.memory_space<hbm>>
      %dma_start3A_96 = tpu.memref_squeeze %dma_start3A_95 : memref<1x80x128xf32, #tpu.memory_space<hbm>> -> memref<80x128xf32, #tpu.memory_space<hbm>>
      tpu.enqueue_dma source(%arg14 : memref<80x128xf32, #tpu.memory_space<vmem>>) target(%dma_start3A_96 : memref<80x128xf32, #tpu.memory_space<hbm>>) target_semaphore(%run_scoped3A : memref<!tpu.dma_semaphore, #tpu.memory_space<semaphore_mem>>)
      %dma_wait3A_97 = arith.constant 0 : i32
      %dma_wait3A_98 = tpu.memref_slice %arg7[%arg0, %add3A_82, %dma_wait3A_97] : memref<2x10240x128xf32, #tpu.memory_space<hbm>> -> memref<1x80x128xf32, #tpu.memory_space<hbm>>
      %dma_wait3A_99 = tpu.memref_squeeze %dma_wait3A_98 : memref<1x80x128xf32, #tpu.memory_space<hbm>> -> memref<80x128xf32, #tpu.memory_space<hbm>>
      %dma_wait3A_100 = arith.constant 0 : i32
      %dma_wait3A_101 = tpu.memref_slice %arg7[%arg0, %add3A_82, %dma_wait3A_100] : memref<2x10240x128xf32, #tpu.memory_space<hbm>> -> memref<1x80x128xf32, #tpu.memory_space<hbm>>
      %dma_wait3A_102 = tpu.memref_squeeze %dma_wait3A_101 : memref<1x80x128xf32, #tpu.memory_space<hbm>> -> memref<80x128xf32, #tpu.memory_space<hbm>>
      tpu.wait_dma2 semaphore(%run_scoped3A : memref<!tpu.dma_semaphore, #tpu.memory_space<semaphore_mem>>) src(%arg14 : memref<80x128xf32, #tpu.memory_space<vmem>>) dst(%dma_wait3A_102 : memref<80x128xf32, #tpu.memory_space<hbm>>)
      tpu.yield
    }) : () -> ()
    %add3A_83 = arith.constant 480 : i32
    %add3A_84 = arith.addi %mul3A_2, %add3A_83 : i32
    "tpu.region"() ({
      %run_scoped3A = tpu.sem_alloc : memref<!tpu.dma_semaphore, #tpu.memory_space<semaphore_mem>>
      %dma_start3A_91 = arith.constant 0 : i32
      %dma_start3A_92 = tpu.memref_slice %arg16[%add3A_84, %dma_start3A_91] : memref<10240x128xf32, #tpu.memory_space<vmem_shared>> -> memref<80x128xf32, #tpu.memory_space<vmem_shared>>
      %dma_start3A_93 = arith.constant 0 : i32
      %dma_start3A_94 = tpu.memref_slice %arg16[%add3A_84, %dma_start3A_93] : memref<10240x128xf32, #tpu.memory_space<vmem_shared>> -> memref<80x128xf32, #tpu.memory_space<vmem_shared>>
      tpu.enqueue_dma source(%dma_start3A_94 : memref<80x128xf32, #tpu.memory_space<vmem_shared>>) target(%arg14 : memref<80x128xf32, #tpu.memory_space<vmem>>) target_semaphore(%run_scoped3A : memref<!tpu.dma_semaphore, #tpu.memory_space<semaphore_mem>>)
      %dma_wait3A_95 = arith.constant 0 : i32
      %dma_wait3A_96 = tpu.memref_slice %arg16[%add3A_84, %dma_wait3A_95] : memref<10240x128xf32, #tpu.memory_space<vmem_shared>> -> memref<80x128xf32, #tpu.memory_space<vmem_shared>>
      %dma_wait3A_97 = arith.constant 0 : i32
      %dma_wait3A_98 = tpu.memref_slice %arg16[%add3A_84, %dma_wait3A_97] : memref<10240x128xf32, #tpu.memory_space<vmem_shared>> -> memref<80x128xf32, #tpu.memory_space<vmem_shared>>
      tpu.wait_dma2 semaphore(%run_scoped3A : memref<!tpu.dma_semaphore, #tpu.memory_space<semaphore_mem>>) src(%dma_wait3A_98 : memref<80x128xf32, #tpu.memory_space<vmem_shared>>) dst(%arg14 : memref<80x128xf32, #tpu.memory_space<vmem>>)
      tpu.yield
    }) : () -> ()
    %add3A_85 = arith.constant 480 : i32
    %add3A_86 = arith.addi %mul3A_2, %add3A_85 : i32
    "tpu.region"() ({
      %run_scoped3A = tpu.sem_alloc : memref<!tpu.dma_semaphore, #tpu.memory_space<semaphore_mem>>
      %dma_start3A_91 = arith.constant 0 : i32
      %dma_start3A_92 = tpu.memref_slice %arg7[%arg0, %add3A_86, %dma_start3A_91] : memref<2x10240x128xf32, #tpu.memory_space<hbm>> -> memref<1x80x128xf32, #tpu.memory_space<hbm>>
      %dma_start3A_93 = tpu.memref_squeeze %dma_start3A_92 : memref<1x80x128xf32, #tpu.memory_space<hbm>> -> memref<80x128xf32, #tpu.memory_space<hbm>>
      %dma_start3A_94 = arith.constant 0 : i32
      %dma_start3A_95 = tpu.memref_slice %arg7[%arg0, %add3A_86, %dma_start3A_94] : memref<2x10240x128xf32, #tpu.memory_space<hbm>> -> memref<1x80x128xf32, #tpu.memory_space<hbm>>
      %dma_start3A_96 = tpu.memref_squeeze %dma_start3A_95 : memref<1x80x128xf32, #tpu.memory_space<hbm>> -> memref<80x128xf32, #tpu.memory_space<hbm>>
      tpu.enqueue_dma source(%arg14 : memref<80x128xf32, #tpu.memory_space<vmem>>) target(%dma_start3A_96 : memref<80x128xf32, #tpu.memory_space<hbm>>) target_semaphore(%run_scoped3A : memref<!tpu.dma_semaphore, #tpu.memory_space<semaphore_mem>>)
      %dma_wait3A_97 = arith.constant 0 : i32
      %dma_wait3A_98 = tpu.memref_slice %arg7[%arg0, %add3A_86, %dma_wait3A_97] : memref<2x10240x128xf32, #tpu.memory_space<hbm>> -> memref<1x80x128xf32, #tpu.memory_space<hbm>>
      %dma_wait3A_99 = tpu.memref_squeeze %dma_wait3A_98 : memref<1x80x128xf32, #tpu.memory_space<hbm>> -> memref<80x128xf32, #tpu.memory_space<hbm>>
      %dma_wait3A_100 = arith.constant 0 : i32
      %dma_wait3A_101 = tpu.memref_slice %arg7[%arg0, %add3A_86, %dma_wait3A_100] : memref<2x10240x128xf32, #tpu.memory_space<hbm>> -> memref<1x80x128xf32, #tpu.memory_space<hbm>>
      %dma_wait3A_102 = tpu.memref_squeeze %dma_wait3A_101 : memref<1x80x128xf32, #tpu.memory_space<hbm>> -> memref<80x128xf32, #tpu.memory_space<hbm>>
      tpu.wait_dma2 semaphore(%run_scoped3A : memref<!tpu.dma_semaphore, #tpu.memory_space<semaphore_mem>>) src(%arg14 : memref<80x128xf32, #tpu.memory_space<vmem>>) dst(%dma_wait3A_102 : memref<80x128xf32, #tpu.memory_space<hbm>>)
      tpu.yield
    }) : () -> ()
    %add3A_87 = arith.constant 560 : i32
    %add3A_88 = arith.addi %mul3A_2, %add3A_87 : i32
    "tpu.region"() ({
      %run_scoped3A = tpu.sem_alloc : memref<!tpu.dma_semaphore, #tpu.memory_space<semaphore_mem>>
      %dma_start3A_91 = arith.constant 0 : i32
      %dma_start3A_92 = tpu.memref_slice %arg16[%add3A_88, %dma_start3A_91] : memref<10240x128xf32, #tpu.memory_space<vmem_shared>> -> memref<80x128xf32, #tpu.memory_space<vmem_shared>>
      %dma_start3A_93 = arith.constant 0 : i32
      %dma_start3A_94 = tpu.memref_slice %arg16[%add3A_88, %dma_start3A_93] : memref<10240x128xf32, #tpu.memory_space<vmem_shared>> -> memref<80x128xf32, #tpu.memory_space<vmem_shared>>
      tpu.enqueue_dma source(%dma_start3A_94 : memref<80x128xf32, #tpu.memory_space<vmem_shared>>) target(%arg14 : memref<80x128xf32, #tpu.memory_space<vmem>>) target_semaphore(%run_scoped3A : memref<!tpu.dma_semaphore, #tpu.memory_space<semaphore_mem>>)
      %dma_wait3A_95 = arith.constant 0 : i32
      %dma_wait3A_96 = tpu.memref_slice %arg16[%add3A_88, %dma_wait3A_95] : memref<10240x128xf32, #tpu.memory_space<vmem_shared>> -> memref<80x128xf32, #tpu.memory_space<vmem_shared>>
      %dma_wait3A_97 = arith.constant 0 : i32
      %dma_wait3A_98 = tpu.memref_slice %arg16[%add3A_88, %dma_wait3A_97] : memref<10240x128xf32, #tpu.memory_space<vmem_shared>> -> memref<80x128xf32, #tpu.memory_space<vmem_shared>>
      tpu.wait_dma2 semaphore(%run_scoped3A : memref<!tpu.dma_semaphore, #tpu.memory_space<semaphore_mem>>) src(%dma_wait3A_98 : memref<80x128xf32, #tpu.memory_space<vmem_shared>>) dst(%arg14 : memref<80x128xf32, #tpu.memory_space<vmem>>)
      tpu.yield
    }) : () -> ()
    %add3A_89 = arith.constant 560 : i32
    %add3A_90 = arith.addi %mul3A_2, %add3A_89 : i32
    "tpu.region"() ({
      %run_scoped3A = tpu.sem_alloc : memref<!tpu.dma_semaphore, #tpu.memory_space<semaphore_mem>>
      %dma_start3A_91 = arith.constant 0 : i32
      %dma_start3A_92 = tpu.memref_slice %arg7[%arg0, %add3A_90, %dma_start3A_91] : memref<2x10240x128xf32, #tpu.memory_space<hbm>> -> memref<1x80x128xf32, #tpu.memory_space<hbm>>
      %dma_start3A_93 = tpu.memref_squeeze %dma_start3A_92 : memref<1x80x128xf32, #tpu.memory_space<hbm>> -> memref<80x128xf32, #tpu.memory_space<hbm>>
      %dma_start3A_94 = arith.constant 0 : i32
      %dma_start3A_95 = tpu.memref_slice %arg7[%arg0, %add3A_90, %dma_start3A_94] : memref<2x10240x128xf32, #tpu.memory_space<hbm>> -> memref<1x80x128xf32, #tpu.memory_space<hbm>>
      %dma_start3A_96 = tpu.memref_squeeze %dma_start3A_95 : memref<1x80x128xf32, #tpu.memory_space<hbm>> -> memref<80x128xf32, #tpu.memory_space<hbm>>
      tpu.enqueue_dma source(%arg14 : memref<80x128xf32, #tpu.memory_space<vmem>>) target(%dma_start3A_96 : memref<80x128xf32, #tpu.memory_space<hbm>>) target_semaphore(%run_scoped3A : memref<!tpu.dma_semaphore, #tpu.memory_space<semaphore_mem>>)
      %dma_wait3A_97 = arith.constant 0 : i32
      %dma_wait3A_98 = tpu.memref_slice %arg7[%arg0, %add3A_90, %dma_wait3A_97] : memref<2x10240x128xf32, #tpu.memory_space<hbm>> -> memref<1x80x128xf32, #tpu.memory_space<hbm>>
      %dma_wait3A_99 = tpu.memref_squeeze %dma_wait3A_98 : memref<1x80x128xf32, #tpu.memory_space<hbm>> -> memref<80x128xf32, #tpu.memory_space<hbm>>
      %dma_wait3A_100 = arith.constant 0 : i32
      %dma_wait3A_101 = tpu.memref_slice %arg7[%arg0, %add3A_90, %dma_wait3A_100] : memref<2x10240x128xf32, #tpu.memory_space<hbm>> -> memref<1x80x128xf32, #tpu.memory_space<hbm>>
      %dma_wait3A_102 = tpu.memref_squeeze %dma_wait3A_101 : memref<1x80x128xf32, #tpu.memory_space<hbm>> -> memref<80x128xf32, #tpu.memory_space<hbm>>
      tpu.wait_dma2 semaphore(%run_scoped3A : memref<!tpu.dma_semaphore, #tpu.memory_space<semaphore_mem>>) src(%arg14 : memref<80x128xf32, #tpu.memory_space<vmem>>) dst(%dma_wait3A_102 : memref<80x128xf32, #tpu.memory_space<hbm>>)
      tpu.yield
    }) : () -> ()
    return
  }
}

#map = affine_map<(d0, d1) -> (0, 0)>
#map1 = affine_map<(d0, d1) -> (0)>
#map2 = affine_map<(d0, d1) -> (0, 0, 0)>
module attributes {stable_mosaic.version = 14 : i64} {
  func.func @_sc_agg(%arg0: i32, %arg1: i32, %arg2: memref<10240x128xf32, #tpu.memory_space<hbm>>, %arg3: memref<327680xi32, #tpu.memory_space<hbm>>, %arg4: memref<327680xi32, #tpu.memory_space<hbm>>, %arg5: memref<327680x16xf32, #tpu.memory_space<hbm>>, %arg6: memref<10240x128xf32, #tpu.memory_space<hbm>>, %arg7: memref<2x10240x128xf32, #tpu.memory_space<hbm>>, %arg8: memref<80xi32, #tpu.memory_space<vmem>>, %arg9: memref<80xi32, #tpu.memory_space<vmem>>, %arg10: memref<80xi32, #tpu.memory_space<vmem>>, %arg11: memref<80xi32, #tpu.memory_space<vmem>>, %arg12: memref<80x16xf32, #tpu.memory_space<vmem>>, %arg13: memref<80x16xf32, #tpu.memory_space<vmem>>, %arg14: memref<80x128xf32, #tpu.memory_space<vmem>>, %arg15: memref<80x128xf32, #tpu.memory_space<vmem>>, %arg16: memref<10240x128xf32, #tpu.memory_space<vmem_shared>>, %arg17: memref<!tpu.dma_semaphore, #tpu.memory_space<semaphore_mem>>, %arg18: memref<!tpu.dma_semaphore, #tpu.memory_space<semaphore_mem>>, %arg19: memref<!tpu.dma_semaphore, #tpu.memory_space<semaphore_mem>>, %arg20: memref<!tpu.dma_semaphore, #tpu.memory_space<semaphore_mem>>, %arg21: memref<!tpu.dma_semaphore, #tpu.memory_space<semaphore_mem>>, %arg22: memref<!tpu.dma_semaphore, #tpu.memory_space<semaphore_mem>>) attributes {dimension_semantics = [#tpu.dimension_semantics<core_parallel>, #tpu.dimension_semantics<subcore_parallel>], iteration_bounds = array<i64: 2, 16>, scalar_prefetch = 0 : i64, scratch_operands = 15 : i64, tpu.core_type = #tpu.core_type<sc_vector_subcore>, window_params = [{transform_indices = #map}, {transform_indices = #map1}, {transform_indices = #map1}, {transform_indices = #map}, {transform_indices = #map}, {transform_indices = #map2}]} {
    %mul3A = arith.constant 2 : i32
    %mul3A_0 = arith.muli %arg1, %mul3A : i32
    %add3A = arith.addi %mul3A_0, %arg0 : i32
    %mul3A_1 = arith.constant 640 : i32
    %mul3A_2 = arith.muli %arg1, %mul3A_1 : i32
    "tpu.region"() ({
      %run_scoped3A = tpu.sem_alloc : memref<!tpu.dma_semaphore, #tpu.memory_space<semaphore_mem>>
      %dma_start3A_91 = arith.constant 0 : i32
      %dma_start3A_92 = arith.constant 0 : i32
      %dma_start3A_93 = tpu.memref_slice %arg6[%dma_start3A_91, %dma_start3A_92] : memref<10240x128xf32, #tpu.memory_space<hbm>> -> memref<80x128xf32, #tpu.memory_space<hbm>>
      %dma_start3A_94 = arith.constant 0 : i32
      %dma_start3A_95 = arith.constant 0 : i32
      %dma_start3A_96 = tpu.memref_slice %arg6[%dma_start3A_94, %dma_start3A_95] : memref<10240x128xf32, #tpu.memory_space<hbm>> -> memref<80x128xf32, #tpu.memory_space<hbm>>
      tpu.enqueue_dma source(%dma_start3A_96 : memref<80x128xf32, #tpu.memory_space<hbm>>) target(%arg14 : memref<80x128xf32, #tpu.memory_space<vmem>>) target_semaphore(%run_scoped3A : memref<!tpu.dma_semaphore, #tpu.memory_space<semaphore_mem>>)
      %dma_wait3A_97 = arith.constant 0 : i32
      %dma_wait3A_98 = arith.constant 0 : i32
      %dma_wait3A_99 = tpu.memref_slice %arg6[%dma_wait3A_97, %dma_wait3A_98] : memref<10240x128xf32, #tpu.memory_space<hbm>> -> memref<80x128xf32, #tpu.memory_space<hbm>>
      %dma_wait3A_100 = arith.constant 0 : i32
      %dma_wait3A_101 = arith.constant 0 : i32
      %dma_wait3A_102 = tpu.memref_slice %arg6[%dma_wait3A_100, %dma_wait3A_101] : memref<10240x128xf32, #tpu.memory_space<hbm>> -> memref<80x128xf32, #tpu.memory_space<hbm>>
      tpu.wait_dma2 semaphore(%run_scoped3A : memref<!tpu.dma_semaphore, #tpu.memory_space<semaphore_mem>>) src(%dma_wait3A_102 : memref<80x128xf32, #tpu.memory_space<hbm>>) dst(%arg14 : memref<80x128xf32, #tpu.memory_space<vmem>>)
      tpu.yield
    }) : () -> ()
    %add3A_3 = arith.constant 0 : i32
    %add3A_4 = arith.addi %mul3A_2, %add3A_3 : i32
    "tpu.region"() ({
      %run_scoped3A = tpu.sem_alloc : memref<!tpu.dma_semaphore, #tpu.memory_space<semaphore_mem>>
      %dma_start3A_91 = arith.constant 0 : i32
      %dma_start3A_92 = tpu.memref_slice %arg16[%add3A_4, %dma_start3A_91] : memref<10240x128xf32, #tpu.memory_space<vmem_shared>> -> memref<80x128xf32, #tpu.memory_space<vmem_shared>>
      %dma_start3A_93 = arith.constant 0 : i32
      %dma_start3A_94 = tpu.memref_slice %arg16[%add3A_4, %dma_start3A_93] : memref<10240x128xf32, #tpu.memory_space<vmem_shared>> -> memref<80x128xf32, #tpu.memory_space<vmem_shared>>
      tpu.enqueue_dma source(%arg14 : memref<80x128xf32, #tpu.memory_space<vmem>>) target(%dma_start3A_94 : memref<80x128xf32, #tpu.memory_space<vmem_shared>>) target_semaphore(%run_scoped3A : memref<!tpu.dma_semaphore, #tpu.memory_space<semaphore_mem>>)
      %dma_wait3A_95 = arith.constant 0 : i32
      %dma_wait3A_96 = tpu.memref_slice %arg16[%add3A_4, %dma_wait3A_95] : memref<10240x128xf32, #tpu.memory_space<vmem_shared>> -> memref<80x128xf32, #tpu.memory_space<vmem_shared>>
      %dma_wait3A_97 = arith.constant 0 : i32
      %dma_wait3A_98 = tpu.memref_slice %arg16[%add3A_4, %dma_wait3A_97] : memref<10240x128xf32, #tpu.memory_space<vmem_shared>> -> memref<80x128xf32, #tpu.memory_space<vmem_shared>>
      tpu.wait_dma2 semaphore(%run_scoped3A : memref<!tpu.dma_semaphore, #tpu.memory_space<semaphore_mem>>) src(%arg14 : memref<80x128xf32, #tpu.memory_space<vmem>>) dst(%dma_wait3A_98 : memref<80x128xf32, #tpu.memory_space<vmem_shared>>)
      tpu.yield
    }) : () -> ()
    %add3A_5 = arith.constant 80 : i32
    %add3A_6 = arith.addi %mul3A_2, %add3A_5 : i32
    "tpu.region"() ({
      %run_scoped3A = tpu.sem_alloc : memref<!tpu.dma_semaphore, #tpu.memory_space<semaphore_mem>>
      %dma_start3A_91 = arith.constant 0 : i32
      %dma_start3A_92 = tpu.memref_slice %arg16[%add3A_6, %dma_start3A_91] : memref<10240x128xf32, #tpu.memory_space<vmem_shared>> -> memref<80x128xf32, #tpu.memory_space<vmem_shared>>
      %dma_start3A_93 = arith.constant 0 : i32
      %dma_start3A_94 = tpu.memref_slice %arg16[%add3A_6, %dma_start3A_93] : memref<10240x128xf32, #tpu.memory_space<vmem_shared>> -> memref<80x128xf32, #tpu.memory_space<vmem_shared>>
      tpu.enqueue_dma source(%arg14 : memref<80x128xf32, #tpu.memory_space<vmem>>) target(%dma_start3A_94 : memref<80x128xf32, #tpu.memory_space<vmem_shared>>) target_semaphore(%run_scoped3A : memref<!tpu.dma_semaphore, #tpu.memory_space<semaphore_mem>>)
      %dma_wait3A_95 = arith.constant 0 : i32
      %dma_wait3A_96 = tpu.memref_slice %arg16[%add3A_6, %dma_wait3A_95] : memref<10240x128xf32, #tpu.memory_space<vmem_shared>> -> memref<80x128xf32, #tpu.memory_space<vmem_shared>>
      %dma_wait3A_97 = arith.constant 0 : i32
      %dma_wait3A_98 = tpu.memref_slice %arg16[%add3A_6, %dma_wait3A_97] : memref<10240x128xf32, #tpu.memory_space<vmem_shared>> -> memref<80x128xf32, #tpu.memory_space<vmem_shared>>
      tpu.wait_dma2 semaphore(%run_scoped3A : memref<!tpu.dma_semaphore, #tpu.memory_space<semaphore_mem>>) src(%arg14 : memref<80x128xf32, #tpu.memory_space<vmem>>) dst(%dma_wait3A_98 : memref<80x128xf32, #tpu.memory_space<vmem_shared>>)
      tpu.yield
    }) : () -> ()
    %add3A_7 = arith.constant 160 : i32
    %add3A_8 = arith.addi %mul3A_2, %add3A_7 : i32
    "tpu.region"() ({
      %run_scoped3A = tpu.sem_alloc : memref<!tpu.dma_semaphore, #tpu.memory_space<semaphore_mem>>
      %dma_start3A_91 = arith.constant 0 : i32
      %dma_start3A_92 = tpu.memref_slice %arg16[%add3A_8, %dma_start3A_91] : memref<10240x128xf32, #tpu.memory_space<vmem_shared>> -> memref<80x128xf32, #tpu.memory_space<vmem_shared>>
      %dma_start3A_93 = arith.constant 0 : i32
      %dma_start3A_94 = tpu.memref_slice %arg16[%add3A_8, %dma_start3A_93] : memref<10240x128xf32, #tpu.memory_space<vmem_shared>> -> memref<80x128xf32, #tpu.memory_space<vmem_shared>>
      tpu.enqueue_dma source(%arg14 : memref<80x128xf32, #tpu.memory_space<vmem>>) target(%dma_start3A_94 : memref<80x128xf32, #tpu.memory_space<vmem_shared>>) target_semaphore(%run_scoped3A : memref<!tpu.dma_semaphore, #tpu.memory_space<semaphore_mem>>)
      %dma_wait3A_95 = arith.constant 0 : i32
      %dma_wait3A_96 = tpu.memref_slice %arg16[%add3A_8, %dma_wait3A_95] : memref<10240x128xf32, #tpu.memory_space<vmem_shared>> -> memref<80x128xf32, #tpu.memory_space<vmem_shared>>
      %dma_wait3A_97 = arith.constant 0 : i32
      %dma_wait3A_98 = tpu.memref_slice %arg16[%add3A_8, %dma_wait3A_97] : memref<10240x128xf32, #tpu.memory_space<vmem_shared>> -> memref<80x128xf32, #tpu.memory_space<vmem_shared>>
      tpu.wait_dma2 semaphore(%run_scoped3A : memref<!tpu.dma_semaphore, #tpu.memory_space<semaphore_mem>>) src(%arg14 : memref<80x128xf32, #tpu.memory_space<vmem>>) dst(%dma_wait3A_98 : memref<80x128xf32, #tpu.memory_space<vmem_shared>>)
      tpu.yield
    }) : () -> ()
    %add3A_9 = arith.constant 240 : i32
    %add3A_10 = arith.addi %mul3A_2, %add3A_9 : i32
    "tpu.region"() ({
      %run_scoped3A = tpu.sem_alloc : memref<!tpu.dma_semaphore, #tpu.memory_space<semaphore_mem>>
      %dma_start3A_91 = arith.constant 0 : i32
      %dma_start3A_92 = tpu.memref_slice %arg16[%add3A_10, %dma_start3A_91] : memref<10240x128xf32, #tpu.memory_space<vmem_shared>> -> memref<80x128xf32, #tpu.memory_space<vmem_shared>>
      %dma_start3A_93 = arith.constant 0 : i32
      %dma_start3A_94 = tpu.memref_slice %arg16[%add3A_10, %dma_start3A_93] : memref<10240x128xf32, #tpu.memory_space<vmem_shared>> -> memref<80x128xf32, #tpu.memory_space<vmem_shared>>
      tpu.enqueue_dma source(%arg14 : memref<80x128xf32, #tpu.memory_space<vmem>>) target(%dma_start3A_94 : memref<80x128xf32, #tpu.memory_space<vmem_shared>>) target_semaphore(%run_scoped3A : memref<!tpu.dma_semaphore, #tpu.memory_space<semaphore_mem>>)
      %dma_wait3A_95 = arith.constant 0 : i32
      %dma_wait3A_96 = tpu.memref_slice %arg16[%add3A_10, %dma_wait3A_95] : memref<10240x128xf32, #tpu.memory_space<vmem_shared>> -> memref<80x128xf32, #tpu.memory_space<vmem_shared>>
      %dma_wait3A_97 = arith.constant 0 : i32
      %dma_wait3A_98 = tpu.memref_slice %arg16[%add3A_10, %dma_wait3A_97] : memref<10240x128xf32, #tpu.memory_space<vmem_shared>> -> memref<80x128xf32, #tpu.memory_space<vmem_shared>>
      tpu.wait_dma2 semaphore(%run_scoped3A : memref<!tpu.dma_semaphore, #tpu.memory_space<semaphore_mem>>) src(%arg14 : memref<80x128xf32, #tpu.memory_space<vmem>>) dst(%dma_wait3A_98 : memref<80x128xf32, #tpu.memory_space<vmem_shared>>)
      tpu.yield
    }) : () -> ()
    %add3A_11 = arith.constant 320 : i32
    %add3A_12 = arith.addi %mul3A_2, %add3A_11 : i32
    "tpu.region"() ({
      %run_scoped3A = tpu.sem_alloc : memref<!tpu.dma_semaphore, #tpu.memory_space<semaphore_mem>>
      %dma_start3A_91 = arith.constant 0 : i32
      %dma_start3A_92 = tpu.memref_slice %arg16[%add3A_12, %dma_start3A_91] : memref<10240x128xf32, #tpu.memory_space<vmem_shared>> -> memref<80x128xf32, #tpu.memory_space<vmem_shared>>
      %dma_start3A_93 = arith.constant 0 : i32
      %dma_start3A_94 = tpu.memref_slice %arg16[%add3A_12, %dma_start3A_93] : memref<10240x128xf32, #tpu.memory_space<vmem_shared>> -> memref<80x128xf32, #tpu.memory_space<vmem_shared>>
      tpu.enqueue_dma source(%arg14 : memref<80x128xf32, #tpu.memory_space<vmem>>) target(%dma_start3A_94 : memref<80x128xf32, #tpu.memory_space<vmem_shared>>) target_semaphore(%run_scoped3A : memref<!tpu.dma_semaphore, #tpu.memory_space<semaphore_mem>>)
      %dma_wait3A_95 = arith.constant 0 : i32
      %dma_wait3A_96 = tpu.memref_slice %arg16[%add3A_12, %dma_wait3A_95] : memref<10240x128xf32, #tpu.memory_space<vmem_shared>> -> memref<80x128xf32, #tpu.memory_space<vmem_shared>>
      %dma_wait3A_97 = arith.constant 0 : i32
      %dma_wait3A_98 = tpu.memref_slice %arg16[%add3A_12, %dma_wait3A_97] : memref<10240x128xf32, #tpu.memory_space<vmem_shared>> -> memref<80x128xf32, #tpu.memory_space<vmem_shared>>
      tpu.wait_dma2 semaphore(%run_scoped3A : memref<!tpu.dma_semaphore, #tpu.memory_space<semaphore_mem>>) src(%arg14 : memref<80x128xf32, #tpu.memory_space<vmem>>) dst(%dma_wait3A_98 : memref<80x128xf32, #tpu.memory_space<vmem_shared>>)
      tpu.yield
    }) : () -> ()
    %add3A_13 = arith.constant 400 : i32
    %add3A_14 = arith.addi %mul3A_2, %add3A_13 : i32
    "tpu.region"() ({
      %run_scoped3A = tpu.sem_alloc : memref<!tpu.dma_semaphore, #tpu.memory_space<semaphore_mem>>
      %dma_start3A_91 = arith.constant 0 : i32
      %dma_start3A_92 = tpu.memref_slice %arg16[%add3A_14, %dma_start3A_91] : memref<10240x128xf32, #tpu.memory_space<vmem_shared>> -> memref<80x128xf32, #tpu.memory_space<vmem_shared>>
      %dma_start3A_93 = arith.constant 0 : i32
      %dma_start3A_94 = tpu.memref_slice %arg16[%add3A_14, %dma_start3A_93] : memref<10240x128xf32, #tpu.memory_space<vmem_shared>> -> memref<80x128xf32, #tpu.memory_space<vmem_shared>>
      tpu.enqueue_dma source(%arg14 : memref<80x128xf32, #tpu.memory_space<vmem>>) target(%dma_start3A_94 : memref<80x128xf32, #tpu.memory_space<vmem_shared>>) target_semaphore(%run_scoped3A : memref<!tpu.dma_semaphore, #tpu.memory_space<semaphore_mem>>)
      %dma_wait3A_95 = arith.constant 0 : i32
      %dma_wait3A_96 = tpu.memref_slice %arg16[%add3A_14, %dma_wait3A_95] : memref<10240x128xf32, #tpu.memory_space<vmem_shared>> -> memref<80x128xf32, #tpu.memory_space<vmem_shared>>
      %dma_wait3A_97 = arith.constant 0 : i32
      %dma_wait3A_98 = tpu.memref_slice %arg16[%add3A_14, %dma_wait3A_97] : memref<10240x128xf32, #tpu.memory_space<vmem_shared>> -> memref<80x128xf32, #tpu.memory_space<vmem_shared>>
      tpu.wait_dma2 semaphore(%run_scoped3A : memref<!tpu.dma_semaphore, #tpu.memory_space<semaphore_mem>>) src(%arg14 : memref<80x128xf32, #tpu.memory_space<vmem>>) dst(%dma_wait3A_98 : memref<80x128xf32, #tpu.memory_space<vmem_shared>>)
      tpu.yield
    }) : () -> ()
    %add3A_15 = arith.constant 480 : i32
    %add3A_16 = arith.addi %mul3A_2, %add3A_15 : i32
    "tpu.region"() ({
      %run_scoped3A = tpu.sem_alloc : memref<!tpu.dma_semaphore, #tpu.memory_space<semaphore_mem>>
      %dma_start3A_91 = arith.constant 0 : i32
      %dma_start3A_92 = tpu.memref_slice %arg16[%add3A_16, %dma_start3A_91] : memref<10240x128xf32, #tpu.memory_space<vmem_shared>> -> memref<80x128xf32, #tpu.memory_space<vmem_shared>>
      %dma_start3A_93 = arith.constant 0 : i32
      %dma_start3A_94 = tpu.memref_slice %arg16[%add3A_16, %dma_start3A_93] : memref<10240x128xf32, #tpu.memory_space<vmem_shared>> -> memref<80x128xf32, #tpu.memory_space<vmem_shared>>
      tpu.enqueue_dma source(%arg14 : memref<80x128xf32, #tpu.memory_space<vmem>>) target(%dma_start3A_94 : memref<80x128xf32, #tpu.memory_space<vmem_shared>>) target_semaphore(%run_scoped3A : memref<!tpu.dma_semaphore, #tpu.memory_space<semaphore_mem>>)
      %dma_wait3A_95 = arith.constant 0 : i32
      %dma_wait3A_96 = tpu.memref_slice %arg16[%add3A_16, %dma_wait3A_95] : memref<10240x128xf32, #tpu.memory_space<vmem_shared>> -> memref<80x128xf32, #tpu.memory_space<vmem_shared>>
      %dma_wait3A_97 = arith.constant 0 : i32
      %dma_wait3A_98 = tpu.memref_slice %arg16[%add3A_16, %dma_wait3A_97] : memref<10240x128xf32, #tpu.memory_space<vmem_shared>> -> memref<80x128xf32, #tpu.memory_space<vmem_shared>>
      tpu.wait_dma2 semaphore(%run_scoped3A : memref<!tpu.dma_semaphore, #tpu.memory_space<semaphore_mem>>) src(%arg14 : memref<80x128xf32, #tpu.memory_space<vmem>>) dst(%dma_wait3A_98 : memref<80x128xf32, #tpu.memory_space<vmem_shared>>)
      tpu.yield
    }) : () -> ()
    %add3A_17 = arith.constant 560 : i32
    %add3A_18 = arith.addi %mul3A_2, %add3A_17 : i32
    "tpu.region"() ({
      %run_scoped3A = tpu.sem_alloc : memref<!tpu.dma_semaphore, #tpu.memory_space<semaphore_mem>>
      %dma_start3A_91 = arith.constant 0 : i32
      %dma_start3A_92 = tpu.memref_slice %arg16[%add3A_18, %dma_start3A_91] : memref<10240x128xf32, #tpu.memory_space<vmem_shared>> -> memref<80x128xf32, #tpu.memory_space<vmem_shared>>
      %dma_start3A_93 = arith.constant 0 : i32
      %dma_start3A_94 = tpu.memref_slice %arg16[%add3A_18, %dma_start3A_93] : memref<10240x128xf32, #tpu.memory_space<vmem_shared>> -> memref<80x128xf32, #tpu.memory_space<vmem_shared>>
      tpu.enqueue_dma source(%arg14 : memref<80x128xf32, #tpu.memory_space<vmem>>) target(%dma_start3A_94 : memref<80x128xf32, #tpu.memory_space<vmem_shared>>) target_semaphore(%run_scoped3A : memref<!tpu.dma_semaphore, #tpu.memory_space<semaphore_mem>>)
      %dma_wait3A_95 = arith.constant 0 : i32
      %dma_wait3A_96 = tpu.memref_slice %arg16[%add3A_18, %dma_wait3A_95] : memref<10240x128xf32, #tpu.memory_space<vmem_shared>> -> memref<80x128xf32, #tpu.memory_space<vmem_shared>>
      %dma_wait3A_97 = arith.constant 0 : i32
      %dma_wait3A_98 = tpu.memref_slice %arg16[%add3A_18, %dma_wait3A_97] : memref<10240x128xf32, #tpu.memory_space<vmem_shared>> -> memref<80x128xf32, #tpu.memory_space<vmem_shared>>
      tpu.wait_dma2 semaphore(%run_scoped3A : memref<!tpu.dma_semaphore, #tpu.memory_space<semaphore_mem>>) src(%arg14 : memref<80x128xf32, #tpu.memory_space<vmem>>) dst(%dma_wait3A_98 : memref<80x128xf32, #tpu.memory_space<vmem_shared>>)
      tpu.yield
    }) : () -> ()
    %barrier3A = arith.constant 0 : index
    tpu.barrier barrier_id(%barrier3A)
    %mul3A_19 = arith.constant 128 : i32
    %mul3A_20 = arith.muli %add3A, %mul3A_19 : i32
    %add3A_21 = arith.constant 0 : i32
    %add3A_22 = arith.addi %mul3A_20, %add3A_21 : i32
    %mul3A_23 = arith.constant 80 : i32
    %mul3A_24 = arith.muli %add3A_22, %mul3A_23 : i32
    "tpu.region"() ({
      %run_scoped3A = tpu.sem_alloc : memref<!tpu.dma_semaphore, #tpu.memory_space<semaphore_mem>>
      %dma_start3A_91 = tpu.memref_slice %arg3[%mul3A_24] : memref<327680xi32, #tpu.memory_space<hbm>> -> memref<80xi32, #tpu.memory_space<hbm>>
      %dma_start3A_92 = tpu.memref_slice %arg3[%mul3A_24] : memref<327680xi32, #tpu.memory_space<hbm>> -> memref<80xi32, #tpu.memory_space<hbm>>
      tpu.enqueue_dma source(%dma_start3A_92 : memref<80xi32, #tpu.memory_space<hbm>>) target(%arg8 : memref<80xi32, #tpu.memory_space<vmem>>) target_semaphore(%run_scoped3A : memref<!tpu.dma_semaphore, #tpu.memory_space<semaphore_mem>>)
      %dma_wait3A_93 = tpu.memref_slice %arg3[%mul3A_24] : memref<327680xi32, #tpu.memory_space<hbm>> -> memref<80xi32, #tpu.memory_space<hbm>>
      %dma_wait3A_94 = tpu.memref_slice %arg3[%mul3A_24] : memref<327680xi32, #tpu.memory_space<hbm>> -> memref<80xi32, #tpu.memory_space<hbm>>
      tpu.wait_dma2 semaphore(%run_scoped3A : memref<!tpu.dma_semaphore, #tpu.memory_space<semaphore_mem>>) src(%dma_wait3A_94 : memref<80xi32, #tpu.memory_space<hbm>>) dst(%arg8 : memref<80xi32, #tpu.memory_space<vmem>>)
      tpu.yield
    }) : () -> ()
    %dma_start3A = arith.constant 0 : i32
    %dma_start3A_25 = tpu.memref_slice %arg5[%mul3A_24, %dma_start3A] : memref<327680x16xf32, #tpu.memory_space<hbm>> -> memref<80x16xf32, #tpu.memory_space<hbm>>
    %dma_start3A_26 = arith.constant 0 : i32
    %dma_start3A_27 = tpu.memref_slice %arg5[%mul3A_24, %dma_start3A_26] : memref<327680x16xf32, #tpu.memory_space<hbm>> -> memref<80x16xf32, #tpu.memory_space<hbm>>
    tpu.enqueue_dma source(%dma_start3A_27 : memref<80x16xf32, #tpu.memory_space<hbm>>) target(%arg12 : memref<80x16xf32, #tpu.memory_space<vmem>>) target_semaphore(%arg17 : memref<!tpu.dma_semaphore, #tpu.memory_space<semaphore_mem>>)
    %dma_start3A_28 = tpu.memref_slice %arg4[%mul3A_24] : memref<327680xi32, #tpu.memory_space<hbm>> -> memref<80xi32, #tpu.memory_space<hbm>>
    %dma_start3A_29 = tpu.memref_slice %arg4[%mul3A_24] : memref<327680xi32, #tpu.memory_space<hbm>> -> memref<80xi32, #tpu.memory_space<hbm>>
    tpu.enqueue_dma source(%dma_start3A_29 : memref<80xi32, #tpu.memory_space<hbm>>) target(%arg10 : memref<80xi32, #tpu.memory_space<vmem>>) target_semaphore(%arg17 : memref<!tpu.dma_semaphore, #tpu.memory_space<semaphore_mem>>)
    %dma_start3A_30 = arith.constant 0 : i32
    %dma_start3A_31 = arith.constant 0 : i32
    %dma_start3A_32 = tpu.memref_slice %arg2[%dma_start3A_30, %dma_start3A_31] : memref<10240x128xf32, #tpu.memory_space<hbm>> -> memref<10240x128xf32, #tpu.memory_space<hbm>>
    tpu.enqueue_indirect_dma source(%dma_start3A_32 : memref<10240x128xf32, #tpu.memory_space<hbm>>) target(%arg14 : memref<80x128xf32, #tpu.memory_space<vmem>>) offsets(%arg8 : memref<80xi32, #tpu.memory_space<vmem>>) semaphore(%arg19 : memref<!tpu.dma_semaphore, #tpu.memory_space<semaphore_mem>>)
    %mul3A_33 = arith.constant 128 : i32
    %mul3A_34 = arith.muli %add3A, %mul3A_33 : i32
    %add3A_35 = arith.constant 1 : i32
    %add3A_36 = arith.addi %mul3A_34, %add3A_35 : i32
    %mul3A_37 = arith.constant 80 : i32
    %mul3A_38 = arith.muli %add3A_36, %mul3A_37 : i32
    "tpu.region"() ({
      %run_scoped3A = tpu.sem_alloc : memref<!tpu.dma_semaphore, #tpu.memory_space<semaphore_mem>>
      %dma_start3A_91 = tpu.memref_slice %arg3[%mul3A_38] : memref<327680xi32, #tpu.memory_space<hbm>> -> memref<80xi32, #tpu.memory_space<hbm>>
      %dma_start3A_92 = tpu.memref_slice %arg3[%mul3A_38] : memref<327680xi32, #tpu.memory_space<hbm>> -> memref<80xi32, #tpu.memory_space<hbm>>
      tpu.enqueue_dma source(%dma_start3A_92 : memref<80xi32, #tpu.memory_space<hbm>>) target(%arg9 : memref<80xi32, #tpu.memory_space<vmem>>) target_semaphore(%run_scoped3A : memref<!tpu.dma_semaphore, #tpu.memory_space<semaphore_mem>>)
      %dma_wait3A_93 = tpu.memref_slice %arg3[%mul3A_38] : memref<327680xi32, #tpu.memory_space<hbm>> -> memref<80xi32, #tpu.memory_space<hbm>>
      %dma_wait3A_94 = tpu.memref_slice %arg3[%mul3A_38] : memref<327680xi32, #tpu.memory_space<hbm>> -> memref<80xi32, #tpu.memory_space<hbm>>
      tpu.wait_dma2 semaphore(%run_scoped3A : memref<!tpu.dma_semaphore, #tpu.memory_space<semaphore_mem>>) src(%dma_wait3A_94 : memref<80xi32, #tpu.memory_space<hbm>>) dst(%arg9 : memref<80xi32, #tpu.memory_space<vmem>>)
      tpu.yield
    }) : () -> ()
    %dma_start3A_39 = arith.constant 0 : i32
    %dma_start3A_40 = tpu.memref_slice %arg5[%mul3A_38, %dma_start3A_39] : memref<327680x16xf32, #tpu.memory_space<hbm>> -> memref<80x16xf32, #tpu.memory_space<hbm>>
    %dma_start3A_41 = arith.constant 0 : i32
    %dma_start3A_42 = tpu.memref_slice %arg5[%mul3A_38, %dma_start3A_41] : memref<327680x16xf32, #tpu.memory_space<hbm>> -> memref<80x16xf32, #tpu.memory_space<hbm>>
    tpu.enqueue_dma source(%dma_start3A_42 : memref<80x16xf32, #tpu.memory_space<hbm>>) target(%arg13 : memref<80x16xf32, #tpu.memory_space<vmem>>) target_semaphore(%arg18 : memref<!tpu.dma_semaphore, #tpu.memory_space<semaphore_mem>>)
    %dma_start3A_43 = tpu.memref_slice %arg4[%mul3A_38] : memref<327680xi32, #tpu.memory_space<hbm>> -> memref<80xi32, #tpu.memory_space<hbm>>
    %dma_start3A_44 = tpu.memref_slice %arg4[%mul3A_38] : memref<327680xi32, #tpu.memory_space<hbm>> -> memref<80xi32, #tpu.memory_space<hbm>>
    tpu.enqueue_dma source(%dma_start3A_44 : memref<80xi32, #tpu.memory_space<hbm>>) target(%arg11 : memref<80xi32, #tpu.memory_space<vmem>>) target_semaphore(%arg18 : memref<!tpu.dma_semaphore, #tpu.memory_space<semaphore_mem>>)
    %dma_start3A_45 = arith.constant 0 : i32
    %dma_start3A_46 = arith.constant 0 : i32
    %dma_start3A_47 = tpu.memref_slice %arg2[%dma_start3A_45, %dma_start3A_46] : memref<10240x128xf32, #tpu.memory_space<hbm>> -> memref<10240x128xf32, #tpu.memory_space<hbm>>
    tpu.enqueue_indirect_dma source(%dma_start3A_47 : memref<10240x128xf32, #tpu.memory_space<hbm>>) target(%arg15 : memref<80x128xf32, #tpu.memory_space<vmem>>) offsets(%arg9 : memref<80xi32, #tpu.memory_space<vmem>>) semaphore(%arg20 : memref<!tpu.dma_semaphore, #tpu.memory_space<semaphore_mem>>)
    %scan3A = arith.constant 0 : i32
    %scan3A_48 = arith.constant 0 : i32
    %scan3A_49 = arith.constant 64 : i32
    %scan3A_50 = arith.addi %scan3A_48, %scan3A_49 : i32
    %scan3A_51 = arith.constant 1 : i32
    scf.for %scan3A_91 = %scan3A_48 to %scan3A_50 step %scan3A_51  : i32 {
      %mul3A_92 = arith.constant 2 : i32
      %mul3A_93 = arith.muli %scan3A_91, %mul3A_92 : i32
      %add3A_94 = arith.constant 0 : i32
      %add3A_95 = arith.addi %mul3A_93, %add3A_94 : i32
      %dma_wait3A_96 = arith.constant 0 : i32
      %dma_wait3A_97 = arith.constant 0 : i32
      %dma_wait3A_98 = tpu.memref_slice %arg5[%dma_wait3A_96, %dma_wait3A_97] : memref<327680x16xf32, #tpu.memory_space<hbm>> -> memref<80x16xf32, #tpu.memory_space<hbm>>
      %dma_wait3A_99 = arith.constant 0 : i32
      %dma_wait3A_100 = arith.constant 0 : i32
      %dma_wait3A_101 = tpu.memref_slice %arg5[%dma_wait3A_99, %dma_wait3A_100] : memref<327680x16xf32, #tpu.memory_space<hbm>> -> memref<80x16xf32, #tpu.memory_space<hbm>>
      tpu.wait_dma2 semaphore(%arg17 : memref<!tpu.dma_semaphore, #tpu.memory_space<semaphore_mem>>) src(%dma_wait3A_101 : memref<80x16xf32, #tpu.memory_space<hbm>>) dst(%arg12 : memref<80x16xf32, #tpu.memory_space<vmem>>)
      %dma_wait3A_102 = arith.constant 0 : i32
      %dma_wait3A_103 = tpu.memref_slice %arg4[%dma_wait3A_102] : memref<327680xi32, #tpu.memory_space<hbm>> -> memref<80xi32, #tpu.memory_space<hbm>>
      %dma_wait3A_104 = arith.constant 0 : i32
      %dma_wait3A_105 = tpu.memref_slice %arg4[%dma_wait3A_104] : memref<327680xi32, #tpu.memory_space<hbm>> -> memref<80xi32, #tpu.memory_space<hbm>>
      tpu.wait_dma2 semaphore(%arg17 : memref<!tpu.dma_semaphore, #tpu.memory_space<semaphore_mem>>) src(%dma_wait3A_105 : memref<80xi32, #tpu.memory_space<hbm>>) dst(%arg10 : memref<80xi32, #tpu.memory_space<vmem>>)
      %dma_wait3A_106 = arith.constant 0 : i32
      %dma_wait3A_107 = arith.constant 0 : i32
      %dma_wait3A_108 = tpu.memref_slice %arg2[%dma_wait3A_106, %dma_wait3A_107] : memref<10240x128xf32, #tpu.memory_space<hbm>> -> memref<10240x128xf32, #tpu.memory_space<hbm>>
      tpu.wait_indirect_dma semaphore(%arg19 : memref<!tpu.dma_semaphore, #tpu.memory_space<semaphore_mem>>) src(%dma_wait3A_108 : memref<10240x128xf32, #tpu.memory_space<hbm>>) dst(%arg14 : memref<80x128xf32, #tpu.memory_space<vmem>>)
      %scan3A_109 = arith.constant 0 : i32
      %scan3A_110 = arith.constant 0 : i32
      %scan3A_111 = arith.constant 80 : i32
      %scan3A_112 = arith.addi %scan3A_110, %scan3A_111 : i32
      %scan3A_113 = arith.constant 1 : i32
      scf.for %scan3A_155 = %scan3A_110 to %scan3A_112 step %scan3A_113  : i32 {
        %get3A = arith.index_cast %scan3A_155 : i32 to index
        %get3A_156 = arith.constant 0 : index
        %get3A_157 = tpu.vector_load %arg12[%get3A, %get3A_156] {strides = array<i32>} : memref<80x16xf32, #tpu.memory_space<vmem>>, vector<1x16xf32>,
        %get3A_158 = vector.shape_cast %get3A_157 : vector<1x16xf32> to vector<16xf32>
        %get3A_159 = arith.index_cast %scan3A_155 : i32 to index
        %get3A_160 = arith.constant 0 : index
        %get3A_161 = tpu.vector_load %arg14[%get3A_159, %get3A_160] {strides = array<i32>} : memref<80x128xf32, #tpu.memory_space<vmem>>, vector<1x16xf32>,
        %get3A_162 = vector.shape_cast %get3A_161 : vector<1x16xf32> to vector<16xf32>
        %mul3A_163 = arith.mulf %get3A_162, %get3A_158 : vector<16xf32>
        %swap3A = arith.index_cast %scan3A_155 : i32 to index
        %swap3A_164 = arith.constant 0 : index
        %swap3A_165 = tpu.vector_load %arg14[%swap3A, %swap3A_164] {strides = array<i32>} : memref<80x128xf32, #tpu.memory_space<vmem>>, vector<1x16xf32>,
        %swap3A_166 = vector.shape_cast %swap3A_165 : vector<1x16xf32> to vector<16xf32>
        %swap3A_167 = vector.shape_cast %mul3A_163 : vector<16xf32> to vector<1x16xf32>
        tpu.vector_store %arg14[%swap3A, %swap3A_164], %swap3A_167 {strides = array<i32>} : memref<80x128xf32, #tpu.memory_space<vmem>>, vector<1x16xf32>,
        %get3A_168 = arith.index_cast %scan3A_155 : i32 to index
        %get3A_169 = arith.constant 16 : index
        %get3A_170 = tpu.vector_load %arg14[%get3A_168, %get3A_169] {strides = array<i32>} : memref<80x128xf32, #tpu.memory_space<vmem>>, vector<1x16xf32>,
        %get3A_171 = vector.shape_cast %get3A_170 : vector<1x16xf32> to vector<16xf32>
        %mul3A_172 = arith.mulf %get3A_171, %get3A_158 : vector<16xf32>
        %swap3A_173 = arith.index_cast %scan3A_155 : i32 to index
        %swap3A_174 = arith.constant 16 : index
        %swap3A_175 = tpu.vector_load %arg14[%swap3A_173, %swap3A_174] {strides = array<i32>} : memref<80x128xf32, #tpu.memory_space<vmem>>, vector<1x16xf32>,
        %swap3A_176 = vector.shape_cast %swap3A_175 : vector<1x16xf32> to vector<16xf32>
        %swap3A_177 = vector.shape_cast %mul3A_172 : vector<16xf32> to vector<1x16xf32>
        tpu.vector_store %arg14[%swap3A_173, %swap3A_174], %swap3A_177 {strides = array<i32>} : memref<80x128xf32, #tpu.memory_space<vmem>>, vector<1x16xf32>,
        %get3A_178 = arith.index_cast %scan3A_155 : i32 to index
        %get3A_179 = arith.constant 32 : index
        %get3A_180 = tpu.vector_load %arg14[%get3A_178, %get3A_179] {strides = array<i32>} : memref<80x128xf32, #tpu.memory_space<vmem>>, vector<1x16xf32>,
        %get3A_181 = vector.shape_cast %get3A_180 : vector<1x16xf32> to vector<16xf32>
        %mul3A_182 = arith.mulf %get3A_181, %get3A_158 : vector<16xf32>
        %swap3A_183 = arith.index_cast %scan3A_155 : i32 to index
        %swap3A_184 = arith.constant 32 : index
        %swap3A_185 = tpu.vector_load %arg14[%swap3A_183, %swap3A_184] {strides = array<i32>} : memref<80x128xf32, #tpu.memory_space<vmem>>, vector<1x16xf32>,
        %swap3A_186 = vector.shape_cast %swap3A_185 : vector<1x16xf32> to vector<16xf32>
        %swap3A_187 = vector.shape_cast %mul3A_182 : vector<16xf32> to vector<1x16xf32>
        tpu.vector_store %arg14[%swap3A_183, %swap3A_184], %swap3A_187 {strides = array<i32>} : memref<80x128xf32, #tpu.memory_space<vmem>>, vector<1x16xf32>,
        %get3A_188 = arith.index_cast %scan3A_155 : i32 to index
        %get3A_189 = arith.constant 48 : index
        %get3A_190 = tpu.vector_load %arg14[%get3A_188, %get3A_189] {strides = array<i32>} : memref<80x128xf32, #tpu.memory_space<vmem>>, vector<1x16xf32>,
        %get3A_191 = vector.shape_cast %get3A_190 : vector<1x16xf32> to vector<16xf32>
        %mul3A_192 = arith.mulf %get3A_191, %get3A_158 : vector<16xf32>
        %swap3A_193 = arith.index_cast %scan3A_155 : i32 to index
        %swap3A_194 = arith.constant 48 : index
        %swap3A_195 = tpu.vector_load %arg14[%swap3A_193, %swap3A_194] {strides = array<i32>} : memref<80x128xf32, #tpu.memory_space<vmem>>, vector<1x16xf32>,
        %swap3A_196 = vector.shape_cast %swap3A_195 : vector<1x16xf32> to vector<16xf32>
        %swap3A_197 = vector.shape_cast %mul3A_192 : vector<16xf32> to vector<1x16xf32>
        tpu.vector_store %arg14[%swap3A_193, %swap3A_194], %swap3A_197 {strides = array<i32>} : memref<80x128xf32, #tpu.memory_space<vmem>>, vector<1x16xf32>,
        %get3A_198 = arith.index_cast %scan3A_155 : i32 to index
        %get3A_199 = arith.constant 64 : index
        %get3A_200 = tpu.vector_load %arg14[%get3A_198, %get3A_199] {strides = array<i32>} : memref<80x128xf32, #tpu.memory_space<vmem>>, vector<1x16xf32>,
        %get3A_201 = vector.shape_cast %get3A_200 : vector<1x16xf32> to vector<16xf32>
        %mul3A_202 = arith.mulf %get3A_201, %get3A_158 : vector<16xf32>
        %swap3A_203 = arith.index_cast %scan3A_155 : i32 to index
        %swap3A_204 = arith.constant 64 : index
        %swap3A_205 = tpu.vector_load %arg14[%swap3A_203, %swap3A_204] {strides = array<i32>} : memref<80x128xf32, #tpu.memory_space<vmem>>, vector<1x16xf32>,
        %swap3A_206 = vector.shape_cast %swap3A_205 : vector<1x16xf32> to vector<16xf32>
        %swap3A_207 = vector.shape_cast %mul3A_202 : vector<16xf32> to vector<1x16xf32>
        tpu.vector_store %arg14[%swap3A_203, %swap3A_204], %swap3A_207 {strides = array<i32>} : memref<80x128xf32, #tpu.memory_space<vmem>>, vector<1x16xf32>,
        %get3A_208 = arith.index_cast %scan3A_155 : i32 to index
        %get3A_209 = arith.constant 80 : index
        %get3A_210 = tpu.vector_load %arg14[%get3A_208, %get3A_209] {strides = array<i32>} : memref<80x128xf32, #tpu.memory_space<vmem>>, vector<1x16xf32>,
        %get3A_211 = vector.shape_cast %get3A_210 : vector<1x16xf32> to vector<16xf32>
        %mul3A_212 = arith.mulf %get3A_211, %get3A_158 : vector<16xf32>
        %swap3A_213 = arith.index_cast %scan3A_155 : i32 to index
        %swap3A_214 = arith.constant 80 : index
        %swap3A_215 = tpu.vector_load %arg14[%swap3A_213, %swap3A_214] {strides = array<i32>} : memref<80x128xf32, #tpu.memory_space<vmem>>, vector<1x16xf32>,
        %swap3A_216 = vector.shape_cast %swap3A_215 : vector<1x16xf32> to vector<16xf32>
        %swap3A_217 = vector.shape_cast %mul3A_212 : vector<16xf32> to vector<1x16xf32>
        tpu.vector_store %arg14[%swap3A_213, %swap3A_214], %swap3A_217 {strides = array<i32>} : memref<80x128xf32, #tpu.memory_space<vmem>>, vector<1x16xf32>,
        %get3A_218 = arith.index_cast %scan3A_155 : i32 to index
        %get3A_219 = arith.constant 96 : index
        %get3A_220 = tpu.vector_load %arg14[%get3A_218, %get3A_219] {strides = array<i32>} : memref<80x128xf32, #tpu.memory_space<vmem>>, vector<1x16xf32>,
        %get3A_221 = vector.shape_cast %get3A_220 : vector<1x16xf32> to vector<16xf32>
        %mul3A_222 = arith.mulf %get3A_221, %get3A_158 : vector<16xf32>
        %swap3A_223 = arith.index_cast %scan3A_155 : i32 to index
        %swap3A_224 = arith.constant 96 : index
        %swap3A_225 = tpu.vector_load %arg14[%swap3A_223, %swap3A_224] {strides = array<i32>} : memref<80x128xf32, #tpu.memory_space<vmem>>, vector<1x16xf32>,
        %swap3A_226 = vector.shape_cast %swap3A_225 : vector<1x16xf32> to vector<16xf32>
        %swap3A_227 = vector.shape_cast %mul3A_222 : vector<16xf32> to vector<1x16xf32>
        tpu.vector_store %arg14[%swap3A_223, %swap3A_224], %swap3A_227 {strides = array<i32>} : memref<80x128xf32, #tpu.memory_space<vmem>>, vector<1x16xf32>,
        %get3A_228 = arith.index_cast %scan3A_155 : i32 to index
        %get3A_229 = arith.constant 112 : index
        %get3A_230 = tpu.vector_load %arg14[%get3A_228, %get3A_229] {strides = array<i32>} : memref<80x128xf32, #tpu.memory_space<vmem>>, vector<1x16xf32>,
        %get3A_231 = vector.shape_cast %get3A_230 : vector<1x16xf32> to vector<16xf32>
        %mul3A_232 = arith.mulf %get3A_231, %get3A_158 : vector<16xf32>
        %swap3A_233 = arith.index_cast %scan3A_155 : i32 to index
        %swap3A_234 = arith.constant 112 : index
        %swap3A_235 = tpu.vector_load %arg14[%swap3A_233, %swap3A_234] {strides = array<i32>} : memref<80x128xf32, #tpu.memory_space<vmem>>, vector<1x16xf32>,
        %swap3A_236 = vector.shape_cast %swap3A_235 : vector<1x16xf32> to vector<16xf32>
        %swap3A_237 = vector.shape_cast %mul3A_232 : vector<16xf32> to vector<1x16xf32>
        tpu.vector_store %arg14[%swap3A_233, %swap3A_234], %swap3A_237 {strides = array<i32>} : memref<80x128xf32, #tpu.memory_space<vmem>>, vector<1x16xf32>,
      }
      %scan3A_114 = arith.constant 80 : i32
      %dma_start3A_115 = arith.constant 0 : i32
      %dma_start3A_116 = arith.constant 0 : i32
      %dma_start3A_117 = tpu.memref_slice %arg16[%dma_start3A_115, %dma_start3A_116] : memref<10240x128xf32, #tpu.memory_space<vmem_shared>> -> memref<10240x128xf32, #tpu.memory_space<vmem_shared>>
      tpu.enqueue_indirect_dma source(%arg14 : memref<80x128xf32, #tpu.memory_space<vmem>>) target(%dma_start3A_117 : memref<10240x128xf32, #tpu.memory_space<vmem_shared>>) offsets(%arg10 : memref<80xi32, #tpu.memory_space<vmem>>) semaphore(%arg21 : memref<!tpu.dma_semaphore, #tpu.memory_space<semaphore_mem>>) {add = true}
      %add3A_118 = arith.constant 2 : i32
      %add3A_119 = arith.addi %add3A_95, %add3A_118 : i32
      %lt3A = arith.constant 128 : i32
      %lt3A_120 = arith.cmpi slt, %add3A_119, %lt3A : i32
      %convert_element_type3A = arith.extui %lt3A_120 : i1 to i32
      %cond3A = arith.constant 0 : i32
      %cond3A_121 = arith.cmpi ne, %convert_element_type3A, %cond3A : i32
      scf.if %cond3A_121 {
        %dma_wait3A_155 = arith.constant 0 : i32
        %dma_wait3A_156 = arith.constant 0 : i32
        %dma_wait3A_157 = tpu.memref_slice %arg16[%dma_wait3A_155, %dma_wait3A_156] : memref<10240x128xf32, #tpu.memory_space<vmem_shared>> -> memref<10240x128xf32, #tpu.memory_space<vmem_shared>>
        tpu.wait_indirect_dma semaphore(%arg21 : memref<!tpu.dma_semaphore, #tpu.memory_space<semaphore_mem>>) src(%arg14 : memref<80x128xf32, #tpu.memory_space<vmem>>) dst(%dma_wait3A_157 : memref<10240x128xf32, #tpu.memory_space<vmem_shared>>)
        %add3A_158 = arith.constant 2 : i32
        %add3A_159 = arith.addi %add3A_95, %add3A_158 : i32
        %mul3A_160 = arith.constant 128 : i32
        %mul3A_161 = arith.muli %add3A, %mul3A_160 : i32
        %add3A_162 = arith.addi %mul3A_161, %add3A_159 : i32
        %mul3A_163 = arith.constant 80 : i32
        %mul3A_164 = arith.muli %add3A_162, %mul3A_163 : i32
        "tpu.region"() ({
          %run_scoped3A = tpu.sem_alloc : memref<!tpu.dma_semaphore, #tpu.memory_space<semaphore_mem>>
          %dma_start3A_174 = tpu.memref_slice %arg3[%mul3A_164] : memref<327680xi32, #tpu.memory_space<hbm>> -> memref<80xi32, #tpu.memory_space<hbm>>
          %dma_start3A_175 = tpu.memref_slice %arg3[%mul3A_164] : memref<327680xi32, #tpu.memory_space<hbm>> -> memref<80xi32, #tpu.memory_space<hbm>>
          tpu.enqueue_dma source(%dma_start3A_175 : memref<80xi32, #tpu.memory_space<hbm>>) target(%arg8 : memref<80xi32, #tpu.memory_space<vmem>>) target_semaphore(%run_scoped3A : memref<!tpu.dma_semaphore, #tpu.memory_space<semaphore_mem>>)
          %dma_wait3A_176 = tpu.memref_slice %arg3[%mul3A_164] : memref<327680xi32, #tpu.memory_space<hbm>> -> memref<80xi32, #tpu.memory_space<hbm>>
          %dma_wait3A_177 = tpu.memref_slice %arg3[%mul3A_164] : memref<327680xi32, #tpu.memory_space<hbm>> -> memref<80xi32, #tpu.memory_space<hbm>>
          tpu.wait_dma2 semaphore(%run_scoped3A : memref<!tpu.dma_semaphore, #tpu.memory_space<semaphore_mem>>) src(%dma_wait3A_177 : memref<80xi32, #tpu.memory_space<hbm>>) dst(%arg8 : memref<80xi32, #tpu.memory_space<vmem>>)
          tpu.yield
        }) : () -> ()
        %dma_start3A_165 = arith.constant 0 : i32
        %dma_start3A_166 = tpu.memref_slice %arg5[%mul3A_164, %dma_start3A_165] : memref<327680x16xf32, #tpu.memory_space<hbm>> -> memref<80x16xf32, #tpu.memory_space<hbm>>
        %dma_start3A_167 = arith.constant 0 : i32
        %dma_start3A_168 = tpu.memref_slice %arg5[%mul3A_164, %dma_start3A_167] : memref<327680x16xf32, #tpu.memory_space<hbm>> -> memref<80x16xf32, #tpu.memory_space<hbm>>
        tpu.enqueue_dma source(%dma_start3A_168 : memref<80x16xf32, #tpu.memory_space<hbm>>) target(%arg12 : memref<80x16xf32, #tpu.memory_space<vmem>>) target_semaphore(%arg17 : memref<!tpu.dma_semaphore, #tpu.memory_space<semaphore_mem>>)
        %dma_start3A_169 = tpu.memref_slice %arg4[%mul3A_164] : memref<327680xi32, #tpu.memory_space<hbm>> -> memref<80xi32, #tpu.memory_space<hbm>>
        %dma_start3A_170 = tpu.memref_slice %arg4[%mul3A_164] : memref<327680xi32, #tpu.memory_space<hbm>> -> memref<80xi32, #tpu.memory_space<hbm>>
        tpu.enqueue_dma source(%dma_start3A_170 : memref<80xi32, #tpu.memory_space<hbm>>) target(%arg10 : memref<80xi32, #tpu.memory_space<vmem>>) target_semaphore(%arg17 : memref<!tpu.dma_semaphore, #tpu.memory_space<semaphore_mem>>)
        %dma_start3A_171 = arith.constant 0 : i32
        %dma_start3A_172 = arith.constant 0 : i32
        %dma_start3A_173 = tpu.memref_slice %arg2[%dma_start3A_171, %dma_start3A_172] : memref<10240x128xf32, #tpu.memory_space<hbm>> -> memref<10240x128xf32, #tpu.memory_space<hbm>>
        tpu.enqueue_indirect_dma source(%dma_start3A_173 : memref<10240x128xf32, #tpu.memory_space<hbm>>) target(%arg14 : memref<80x128xf32, #tpu.memory_space<vmem>>) offsets(%arg8 : memref<80xi32, #tpu.memory_space<vmem>>) semaphore(%arg19 : memref<!tpu.dma_semaphore, #tpu.memory_space<semaphore_mem>>)
      } else {
      }
      %mul3A_122 = arith.constant 2 : i32
      %mul3A_123 = arith.muli %scan3A_91, %mul3A_122 : i32
      %add3A_124 = arith.constant 1 : i32
      %add3A_125 = arith.addi %mul3A_123, %add3A_124 : i32
      %dma_wait3A_126 = arith.constant 0 : i32
      %dma_wait3A_127 = arith.constant 0 : i32
      %dma_wait3A_128 = tpu.memref_slice %arg5[%dma_wait3A_126, %dma_wait3A_127] : memref<327680x16xf32, #tpu.memory_space<hbm>> -> memref<80x16xf32, #tpu.memory_space<hbm>>
      %dma_wait3A_129 = arith.constant 0 : i32
      %dma_wait3A_130 = arith.constant 0 : i32
      %dma_wait3A_131 = tpu.memref_slice %arg5[%dma_wait3A_129, %dma_wait3A_130] : memref<327680x16xf32, #tpu.memory_space<hbm>> -> memref<80x16xf32, #tpu.memory_space<hbm>>
      tpu.wait_dma2 semaphore(%arg18 : memref<!tpu.dma_semaphore, #tpu.memory_space<semaphore_mem>>) src(%dma_wait3A_131 : memref<80x16xf32, #tpu.memory_space<hbm>>) dst(%arg13 : memref<80x16xf32, #tpu.memory_space<vmem>>)
      %dma_wait3A_132 = arith.constant 0 : i32
      %dma_wait3A_133 = tpu.memref_slice %arg4[%dma_wait3A_132] : memref<327680xi32, #tpu.memory_space<hbm>> -> memref<80xi32, #tpu.memory_space<hbm>>
      %dma_wait3A_134 = arith.constant 0 : i32
      %dma_wait3A_135 = tpu.memref_slice %arg4[%dma_wait3A_134] : memref<327680xi32, #tpu.memory_space<hbm>> -> memref<80xi32, #tpu.memory_space<hbm>>
      tpu.wait_dma2 semaphore(%arg18 : memref<!tpu.dma_semaphore, #tpu.memory_space<semaphore_mem>>) src(%dma_wait3A_135 : memref<80xi32, #tpu.memory_space<hbm>>) dst(%arg11 : memref<80xi32, #tpu.memory_space<vmem>>)
      %dma_wait3A_136 = arith.constant 0 : i32
      %dma_wait3A_137 = arith.constant 0 : i32
      %dma_wait3A_138 = tpu.memref_slice %arg2[%dma_wait3A_136, %dma_wait3A_137] : memref<10240x128xf32, #tpu.memory_space<hbm>> -> memref<10240x128xf32, #tpu.memory_space<hbm>>
      tpu.wait_indirect_dma semaphore(%arg20 : memref<!tpu.dma_semaphore, #tpu.memory_space<semaphore_mem>>) src(%dma_wait3A_138 : memref<10240x128xf32, #tpu.memory_space<hbm>>) dst(%arg15 : memref<80x128xf32, #tpu.memory_space<vmem>>)
      %scan3A_139 = arith.constant 0 : i32
      %scan3A_140 = arith.constant 0 : i32
      %scan3A_141 = arith.constant 80 : i32
      %scan3A_142 = arith.addi %scan3A_140, %scan3A_141 : i32
      %scan3A_143 = arith.constant 1 : i32
      scf.for %scan3A_155 = %scan3A_140 to %scan3A_142 step %scan3A_143  : i32 {
        %get3A = arith.index_cast %scan3A_155 : i32 to index
        %get3A_156 = arith.constant 0 : index
        %get3A_157 = tpu.vector_load %arg13[%get3A, %get3A_156] {strides = array<i32>} : memref<80x16xf32, #tpu.memory_space<vmem>>, vector<1x16xf32>,
        %get3A_158 = vector.shape_cast %get3A_157 : vector<1x16xf32> to vector<16xf32>
        %get3A_159 = arith.index_cast %scan3A_155 : i32 to index
        %get3A_160 = arith.constant 0 : index
        %get3A_161 = tpu.vector_load %arg15[%get3A_159, %get3A_160] {strides = array<i32>} : memref<80x128xf32, #tpu.memory_space<vmem>>, vector<1x16xf32>,
        %get3A_162 = vector.shape_cast %get3A_161 : vector<1x16xf32> to vector<16xf32>
        %mul3A_163 = arith.mulf %get3A_162, %get3A_158 : vector<16xf32>
        %swap3A = arith.index_cast %scan3A_155 : i32 to index
        %swap3A_164 = arith.constant 0 : index
        %swap3A_165 = tpu.vector_load %arg15[%swap3A, %swap3A_164] {strides = array<i32>} : memref<80x128xf32, #tpu.memory_space<vmem>>, vector<1x16xf32>,
        %swap3A_166 = vector.shape_cast %swap3A_165 : vector<1x16xf32> to vector<16xf32>
        %swap3A_167 = vector.shape_cast %mul3A_163 : vector<16xf32> to vector<1x16xf32>
        tpu.vector_store %arg15[%swap3A, %swap3A_164], %swap3A_167 {strides = array<i32>} : memref<80x128xf32, #tpu.memory_space<vmem>>, vector<1x16xf32>,
        %get3A_168 = arith.index_cast %scan3A_155 : i32 to index
        %get3A_169 = arith.constant 16 : index
        %get3A_170 = tpu.vector_load %arg15[%get3A_168, %get3A_169] {strides = array<i32>} : memref<80x128xf32, #tpu.memory_space<vmem>>, vector<1x16xf32>,
        %get3A_171 = vector.shape_cast %get3A_170 : vector<1x16xf32> to vector<16xf32>
        %mul3A_172 = arith.mulf %get3A_171, %get3A_158 : vector<16xf32>
        %swap3A_173 = arith.index_cast %scan3A_155 : i32 to index
        %swap3A_174 = arith.constant 16 : index
        %swap3A_175 = tpu.vector_load %arg15[%swap3A_173, %swap3A_174] {strides = array<i32>} : memref<80x128xf32, #tpu.memory_space<vmem>>, vector<1x16xf32>,
        %swap3A_176 = vector.shape_cast %swap3A_175 : vector<1x16xf32> to vector<16xf32>
        %swap3A_177 = vector.shape_cast %mul3A_172 : vector<16xf32> to vector<1x16xf32>
        tpu.vector_store %arg15[%swap3A_173, %swap3A_174], %swap3A_177 {strides = array<i32>} : memref<80x128xf32, #tpu.memory_space<vmem>>, vector<1x16xf32>,
        %get3A_178 = arith.index_cast %scan3A_155 : i32 to index
        %get3A_179 = arith.constant 32 : index
        %get3A_180 = tpu.vector_load %arg15[%get3A_178, %get3A_179] {strides = array<i32>} : memref<80x128xf32, #tpu.memory_space<vmem>>, vector<1x16xf32>,
        %get3A_181 = vector.shape_cast %get3A_180 : vector<1x16xf32> to vector<16xf32>
        %mul3A_182 = arith.mulf %get3A_181, %get3A_158 : vector<16xf32>
        %swap3A_183 = arith.index_cast %scan3A_155 : i32 to index
        %swap3A_184 = arith.constant 32 : index
        %swap3A_185 = tpu.vector_load %arg15[%swap3A_183, %swap3A_184] {strides = array<i32>} : memref<80x128xf32, #tpu.memory_space<vmem>>, vector<1x16xf32>,
        %swap3A_186 = vector.shape_cast %swap3A_185 : vector<1x16xf32> to vector<16xf32>
        %swap3A_187 = vector.shape_cast %mul3A_182 : vector<16xf32> to vector<1x16xf32>
        tpu.vector_store %arg15[%swap3A_183, %swap3A_184], %swap3A_187 {strides = array<i32>} : memref<80x128xf32, #tpu.memory_space<vmem>>, vector<1x16xf32>,
        %get3A_188 = arith.index_cast %scan3A_155 : i32 to index
        %get3A_189 = arith.constant 48 : index
        %get3A_190 = tpu.vector_load %arg15[%get3A_188, %get3A_189] {strides = array<i32>} : memref<80x128xf32, #tpu.memory_space<vmem>>, vector<1x16xf32>,
        %get3A_191 = vector.shape_cast %get3A_190 : vector<1x16xf32> to vector<16xf32>
        %mul3A_192 = arith.mulf %get3A_191, %get3A_158 : vector<16xf32>
        %swap3A_193 = arith.index_cast %scan3A_155 : i32 to index
        %swap3A_194 = arith.constant 48 : index
        %swap3A_195 = tpu.vector_load %arg15[%swap3A_193, %swap3A_194] {strides = array<i32>} : memref<80x128xf32, #tpu.memory_space<vmem>>, vector<1x16xf32>,
        %swap3A_196 = vector.shape_cast %swap3A_195 : vector<1x16xf32> to vector<16xf32>
        %swap3A_197 = vector.shape_cast %mul3A_192 : vector<16xf32> to vector<1x16xf32>
        tpu.vector_store %arg15[%swap3A_193, %swap3A_194], %swap3A_197 {strides = array<i32>} : memref<80x128xf32, #tpu.memory_space<vmem>>, vector<1x16xf32>,
        %get3A_198 = arith.index_cast %scan3A_155 : i32 to index
        %get3A_199 = arith.constant 64 : index
        %get3A_200 = tpu.vector_load %arg15[%get3A_198, %get3A_199] {strides = array<i32>} : memref<80x128xf32, #tpu.memory_space<vmem>>, vector<1x16xf32>,
        %get3A_201 = vector.shape_cast %get3A_200 : vector<1x16xf32> to vector<16xf32>
        %mul3A_202 = arith.mulf %get3A_201, %get3A_158 : vector<16xf32>
        %swap3A_203 = arith.index_cast %scan3A_155 : i32 to index
        %swap3A_204 = arith.constant 64 : index
        %swap3A_205 = tpu.vector_load %arg15[%swap3A_203, %swap3A_204] {strides = array<i32>} : memref<80x128xf32, #tpu.memory_space<vmem>>, vector<1x16xf32>,
        %swap3A_206 = vector.shape_cast %swap3A_205 : vector<1x16xf32> to vector<16xf32>
        %swap3A_207 = vector.shape_cast %mul3A_202 : vector<16xf32> to vector<1x16xf32>
        tpu.vector_store %arg15[%swap3A_203, %swap3A_204], %swap3A_207 {strides = array<i32>} : memref<80x128xf32, #tpu.memory_space<vmem>>, vector<1x16xf32>,
        %get3A_208 = arith.index_cast %scan3A_155 : i32 to index
        %get3A_209 = arith.constant 80 : index
        %get3A_210 = tpu.vector_load %arg15[%get3A_208, %get3A_209] {strides = array<i32>} : memref<80x128xf32, #tpu.memory_space<vmem>>, vector<1x16xf32>,
        %get3A_211 = vector.shape_cast %get3A_210 : vector<1x16xf32> to vector<16xf32>
        %mul3A_212 = arith.mulf %get3A_211, %get3A_158 : vector<16xf32>
        %swap3A_213 = arith.index_cast %scan3A_155 : i32 to index
        %swap3A_214 = arith.constant 80 : index
        %swap3A_215 = tpu.vector_load %arg15[%swap3A_213, %swap3A_214] {strides = array<i32>} : memref<80x128xf32, #tpu.memory_space<vmem>>, vector<1x16xf32>,
        %swap3A_216 = vector.shape_cast %swap3A_215 : vector<1x16xf32> to vector<16xf32>
        %swap3A_217 = vector.shape_cast %mul3A_212 : vector<16xf32> to vector<1x16xf32>
        tpu.vector_store %arg15[%swap3A_213, %swap3A_214], %swap3A_217 {strides = array<i32>} : memref<80x128xf32, #tpu.memory_space<vmem>>, vector<1x16xf32>,
        %get3A_218 = arith.index_cast %scan3A_155 : i32 to index
        %get3A_219 = arith.constant 96 : index
        %get3A_220 = tpu.vector_load %arg15[%get3A_218, %get3A_219] {strides = array<i32>} : memref<80x128xf32, #tpu.memory_space<vmem>>, vector<1x16xf32>,
        %get3A_221 = vector.shape_cast %get3A_220 : vector<1x16xf32> to vector<16xf32>
        %mul3A_222 = arith.mulf %get3A_221, %get3A_158 : vector<16xf32>
        %swap3A_223 = arith.index_cast %scan3A_155 : i32 to index
        %swap3A_224 = arith.constant 96 : index
        %swap3A_225 = tpu.vector_load %arg15[%swap3A_223, %swap3A_224] {strides = array<i32>} : memref<80x128xf32, #tpu.memory_space<vmem>>, vector<1x16xf32>,
        %swap3A_226 = vector.shape_cast %swap3A_225 : vector<1x16xf32> to vector<16xf32>
        %swap3A_227 = vector.shape_cast %mul3A_222 : vector<16xf32> to vector<1x16xf32>
        tpu.vector_store %arg15[%swap3A_223, %swap3A_224], %swap3A_227 {strides = array<i32>} : memref<80x128xf32, #tpu.memory_space<vmem>>, vector<1x16xf32>,
        %get3A_228 = arith.index_cast %scan3A_155 : i32 to index
        %get3A_229 = arith.constant 112 : index
        %get3A_230 = tpu.vector_load %arg15[%get3A_228, %get3A_229] {strides = array<i32>} : memref<80x128xf32, #tpu.memory_space<vmem>>, vector<1x16xf32>,
        %get3A_231 = vector.shape_cast %get3A_230 : vector<1x16xf32> to vector<16xf32>
        %mul3A_232 = arith.mulf %get3A_231, %get3A_158 : vector<16xf32>
        %swap3A_233 = arith.index_cast %scan3A_155 : i32 to index
        %swap3A_234 = arith.constant 112 : index
        %swap3A_235 = tpu.vector_load %arg15[%swap3A_233, %swap3A_234] {strides = array<i32>} : memref<80x128xf32, #tpu.memory_space<vmem>>, vector<1x16xf32>,
        %swap3A_236 = vector.shape_cast %swap3A_235 : vector<1x16xf32> to vector<16xf32>
        %swap3A_237 = vector.shape_cast %mul3A_232 : vector<16xf32> to vector<1x16xf32>
        tpu.vector_store %arg15[%swap3A_233, %swap3A_234], %swap3A_237 {strides = array<i32>} : memref<80x128xf32, #tpu.memory_space<vmem>>, vector<1x16xf32>,
      }
      %scan3A_144 = arith.constant 80 : i32
      %dma_start3A_145 = arith.constant 0 : i32
      %dma_start3A_146 = arith.constant 0 : i32
      %dma_start3A_147 = tpu.memref_slice %arg16[%dma_start3A_145, %dma_start3A_146] : memref<10240x128xf32, #tpu.memory_space<vmem_shared>> -> memref<10240x128xf32, #tpu.memory_space<vmem_shared>>
      tpu.enqueue_indirect_dma source(%arg15 : memref<80x128xf32, #tpu.memory_space<vmem>>) target(%dma_start3A_147 : memref<10240x128xf32, #tpu.memory_space<vmem_shared>>) offsets(%arg11 : memref<80xi32, #tpu.memory_space<vmem>>) semaphore(%arg22 : memref<!tpu.dma_semaphore, #tpu.memory_space<semaphore_mem>>) {add = true}
      %add3A_148 = arith.constant 2 : i32
      %add3A_149 = arith.addi %add3A_125, %add3A_148 : i32
      %lt3A_150 = arith.constant 128 : i32
      %lt3A_151 = arith.cmpi slt, %add3A_149, %lt3A_150 : i32
      %convert_element_type3A_152 = arith.extui %lt3A_151 : i1 to i32
      %cond3A_153 = arith.constant 0 : i32
      %cond3A_154 = arith.cmpi ne, %convert_element_type3A_152, %cond3A_153 : i32
      scf.if %cond3A_154 {
        %dma_wait3A_155 = arith.constant 0 : i32
        %dma_wait3A_156 = arith.constant 0 : i32
        %dma_wait3A_157 = tpu.memref_slice %arg16[%dma_wait3A_155, %dma_wait3A_156] : memref<10240x128xf32, #tpu.memory_space<vmem_shared>> -> memref<10240x128xf32, #tpu.memory_space<vmem_shared>>
        tpu.wait_indirect_dma semaphore(%arg22 : memref<!tpu.dma_semaphore, #tpu.memory_space<semaphore_mem>>) src(%arg15 : memref<80x128xf32, #tpu.memory_space<vmem>>) dst(%dma_wait3A_157 : memref<10240x128xf32, #tpu.memory_space<vmem_shared>>)
        %add3A_158 = arith.constant 2 : i32
        %add3A_159 = arith.addi %add3A_125, %add3A_158 : i32
        %mul3A_160 = arith.constant 128 : i32
        %mul3A_161 = arith.muli %add3A, %mul3A_160 : i32
        %add3A_162 = arith.addi %mul3A_161, %add3A_159 : i32
        %mul3A_163 = arith.constant 80 : i32
        %mul3A_164 = arith.muli %add3A_162, %mul3A_163 : i32
        "tpu.region"() ({
          %run_scoped3A = tpu.sem_alloc : memref<!tpu.dma_semaphore, #tpu.memory_space<semaphore_mem>>
          %dma_start3A_174 = tpu.memref_slice %arg3[%mul3A_164] : memref<327680xi32, #tpu.memory_space<hbm>> -> memref<80xi32, #tpu.memory_space<hbm>>
          %dma_start3A_175 = tpu.memref_slice %arg3[%mul3A_164] : memref<327680xi32, #tpu.memory_space<hbm>> -> memref<80xi32, #tpu.memory_space<hbm>>
          tpu.enqueue_dma source(%dma_start3A_175 : memref<80xi32, #tpu.memory_space<hbm>>) target(%arg9 : memref<80xi32, #tpu.memory_space<vmem>>) target_semaphore(%run_scoped3A : memref<!tpu.dma_semaphore, #tpu.memory_space<semaphore_mem>>)
          %dma_wait3A_176 = tpu.memref_slice %arg3[%mul3A_164] : memref<327680xi32, #tpu.memory_space<hbm>> -> memref<80xi32, #tpu.memory_space<hbm>>
          %dma_wait3A_177 = tpu.memref_slice %arg3[%mul3A_164] : memref<327680xi32, #tpu.memory_space<hbm>> -> memref<80xi32, #tpu.memory_space<hbm>>
          tpu.wait_dma2 semaphore(%run_scoped3A : memref<!tpu.dma_semaphore, #tpu.memory_space<semaphore_mem>>) src(%dma_wait3A_177 : memref<80xi32, #tpu.memory_space<hbm>>) dst(%arg9 : memref<80xi32, #tpu.memory_space<vmem>>)
          tpu.yield
        }) : () -> ()
        %dma_start3A_165 = arith.constant 0 : i32
        %dma_start3A_166 = tpu.memref_slice %arg5[%mul3A_164, %dma_start3A_165] : memref<327680x16xf32, #tpu.memory_space<hbm>> -> memref<80x16xf32, #tpu.memory_space<hbm>>
        %dma_start3A_167 = arith.constant 0 : i32
        %dma_start3A_168 = tpu.memref_slice %arg5[%mul3A_164, %dma_start3A_167] : memref<327680x16xf32, #tpu.memory_space<hbm>> -> memref<80x16xf32, #tpu.memory_space<hbm>>
        tpu.enqueue_dma source(%dma_start3A_168 : memref<80x16xf32, #tpu.memory_space<hbm>>) target(%arg13 : memref<80x16xf32, #tpu.memory_space<vmem>>) target_semaphore(%arg18 : memref<!tpu.dma_semaphore, #tpu.memory_space<semaphore_mem>>)
        %dma_start3A_169 = tpu.memref_slice %arg4[%mul3A_164] : memref<327680xi32, #tpu.memory_space<hbm>> -> memref<80xi32, #tpu.memory_space<hbm>>
        %dma_start3A_170 = tpu.memref_slice %arg4[%mul3A_164] : memref<327680xi32, #tpu.memory_space<hbm>> -> memref<80xi32, #tpu.memory_space<hbm>>
        tpu.enqueue_dma source(%dma_start3A_170 : memref<80xi32, #tpu.memory_space<hbm>>) target(%arg11 : memref<80xi32, #tpu.memory_space<vmem>>) target_semaphore(%arg18 : memref<!tpu.dma_semaphore, #tpu.memory_space<semaphore_mem>>)
        %dma_start3A_171 = arith.constant 0 : i32
        %dma_start3A_172 = arith.constant 0 : i32
        %dma_start3A_173 = tpu.memref_slice %arg2[%dma_start3A_171, %dma_start3A_172] : memref<10240x128xf32, #tpu.memory_space<hbm>> -> memref<10240x128xf32, #tpu.memory_space<hbm>>
        tpu.enqueue_indirect_dma source(%dma_start3A_173 : memref<10240x128xf32, #tpu.memory_space<hbm>>) target(%arg15 : memref<80x128xf32, #tpu.memory_space<vmem>>) offsets(%arg9 : memref<80xi32, #tpu.memory_space<vmem>>) semaphore(%arg20 : memref<!tpu.dma_semaphore, #tpu.memory_space<semaphore_mem>>)
      } else {
      }
    }
    %scan3A_52 = arith.constant 64 : i32
    %dma_wait3A = arith.constant 0 : i32
    %dma_wait3A_53 = arith.constant 0 : i32
    %dma_wait3A_54 = tpu.memref_slice %arg16[%dma_wait3A, %dma_wait3A_53] : memref<10240x128xf32, #tpu.memory_space<vmem_shared>> -> memref<10240x128xf32, #tpu.memory_space<vmem_shared>>
    tpu.wait_indirect_dma semaphore(%arg21 : memref<!tpu.dma_semaphore, #tpu.memory_space<semaphore_mem>>) src(%arg14 : memref<80x128xf32, #tpu.memory_space<vmem>>) dst(%dma_wait3A_54 : memref<10240x128xf32, #tpu.memory_space<vmem_shared>>)
    %dma_wait3A_55 = arith.constant 0 : i32
    %dma_wait3A_56 = arith.constant 0 : i32
    %dma_wait3A_57 = tpu.memref_slice %arg16[%dma_wait3A_55, %dma_wait3A_56] : memref<10240x128xf32, #tpu.memory_space<vmem_shared>> -> memref<10240x128xf32, #tpu.memory_space<vmem_shared>>
    tpu.wait_indirect_dma semaphore(%arg22 : memref<!tpu.dma_semaphore, #tpu.memory_space<semaphore_mem>>) src(%arg15 : memref<80x128xf32, #tpu.memory_space<vmem>>) dst(%dma_wait3A_57 : memref<10240x128xf32, #tpu.memory_space<vmem_shared>>)
    %barrier3A_58 = arith.constant 0 : index
    tpu.barrier barrier_id(%barrier3A_58)
    %add3A_59 = arith.constant 0 : i32
    %add3A_60 = arith.addi %mul3A_2, %add3A_59 : i32
    "tpu.region"() ({
      %run_scoped3A = tpu.sem_alloc : memref<!tpu.dma_semaphore, #tpu.memory_space<semaphore_mem>>
      %dma_start3A_91 = arith.constant 0 : i32
      %dma_start3A_92 = tpu.memref_slice %arg16[%add3A_60, %dma_start3A_91] : memref<10240x128xf32, #tpu.memory_space<vmem_shared>> -> memref<80x128xf32, #tpu.memory_space<vmem_shared>>
      %dma_start3A_93 = arith.constant 0 : i32
      %dma_start3A_94 = tpu.memref_slice %arg16[%add3A_60, %dma_start3A_93] : memref<10240x128xf32, #tpu.memory_space<vmem_shared>> -> memref<80x128xf32, #tpu.memory_space<vmem_shared>>
      tpu.enqueue_dma source(%dma_start3A_94 : memref<80x128xf32, #tpu.memory_space<vmem_shared>>) target(%arg14 : memref<80x128xf32, #tpu.memory_space<vmem>>) target_semaphore(%run_scoped3A : memref<!tpu.dma_semaphore, #tpu.memory_space<semaphore_mem>>)
      %dma_wait3A_95 = arith.constant 0 : i32
      %dma_wait3A_96 = tpu.memref_slice %arg16[%add3A_60, %dma_wait3A_95] : memref<10240x128xf32, #tpu.memory_space<vmem_shared>> -> memref<80x128xf32, #tpu.memory_space<vmem_shared>>
      %dma_wait3A_97 = arith.constant 0 : i32
      %dma_wait3A_98 = tpu.memref_slice %arg16[%add3A_60, %dma_wait3A_97] : memref<10240x128xf32, #tpu.memory_space<vmem_shared>> -> memref<80x128xf32, #tpu.memory_space<vmem_shared>>
      tpu.wait_dma2 semaphore(%run_scoped3A : memref<!tpu.dma_semaphore, #tpu.memory_space<semaphore_mem>>) src(%dma_wait3A_98 : memref<80x128xf32, #tpu.memory_space<vmem_shared>>) dst(%arg14 : memref<80x128xf32, #tpu.memory_space<vmem>>)
      tpu.yield
    }) : () -> ()
    %add3A_61 = arith.constant 0 : i32
    %add3A_62 = arith.addi %mul3A_2, %add3A_61 : i32
    "tpu.region"() ({
      %run_scoped3A = tpu.sem_alloc : memref<!tpu.dma_semaphore, #tpu.memory_space<semaphore_mem>>
      %dma_start3A_91 = arith.constant 0 : i32
      %dma_start3A_92 = tpu.memref_slice %arg7[%arg0, %add3A_62, %dma_start3A_91] : memref<2x10240x128xf32, #tpu.memory_space<hbm>> -> memref<1x80x128xf32, #tpu.memory_space<hbm>>
      %dma_start3A_93 = tpu.memref_squeeze %dma_start3A_92 : memref<1x80x128xf32, #tpu.memory_space<hbm>> -> memref<80x128xf32, #tpu.memory_space<hbm>>
      %dma_start3A_94 = arith.constant 0 : i32
      %dma_start3A_95 = tpu.memref_slice %arg7[%arg0, %add3A_62, %dma_start3A_94] : memref<2x10240x128xf32, #tpu.memory_space<hbm>> -> memref<1x80x128xf32, #tpu.memory_space<hbm>>
      %dma_start3A_96 = tpu.memref_squeeze %dma_start3A_95 : memref<1x80x128xf32, #tpu.memory_space<hbm>> -> memref<80x128xf32, #tpu.memory_space<hbm>>
      tpu.enqueue_dma source(%arg14 : memref<80x128xf32, #tpu.memory_space<vmem>>) target(%dma_start3A_96 : memref<80x128xf32, #tpu.memory_space<hbm>>) target_semaphore(%run_scoped3A : memref<!tpu.dma_semaphore, #tpu.memory_space<semaphore_mem>>)
      %dma_wait3A_97 = arith.constant 0 : i32
      %dma_wait3A_98 = tpu.memref_slice %arg7[%arg0, %add3A_62, %dma_wait3A_97] : memref<2x10240x128xf32, #tpu.memory_space<hbm>> -> memref<1x80x128xf32, #tpu.memory_space<hbm>>
      %dma_wait3A_99 = tpu.memref_squeeze %dma_wait3A_98 : memref<1x80x128xf32, #tpu.memory_space<hbm>> -> memref<80x128xf32, #tpu.memory_space<hbm>>
      %dma_wait3A_100 = arith.constant 0 : i32
      %dma_wait3A_101 = tpu.memref_slice %arg7[%arg0, %add3A_62, %dma_wait3A_100] : memref<2x10240x128xf32, #tpu.memory_space<hbm>> -> memref<1x80x128xf32, #tpu.memory_space<hbm>>
      %dma_wait3A_102 = tpu.memref_squeeze %dma_wait3A_101 : memref<1x80x128xf32, #tpu.memory_space<hbm>> -> memref<80x128xf32, #tpu.memory_space<hbm>>
      tpu.wait_dma2 semaphore(%run_scoped3A : memref<!tpu.dma_semaphore, #tpu.memory_space<semaphore_mem>>) src(%arg14 : memref<80x128xf32, #tpu.memory_space<vmem>>) dst(%dma_wait3A_102 : memref<80x128xf32, #tpu.memory_space<hbm>>)
      tpu.yield
    }) : () -> ()
    %add3A_63 = arith.constant 80 : i32
    %add3A_64 = arith.addi %mul3A_2, %add3A_63 : i32
    "tpu.region"() ({
      %run_scoped3A = tpu.sem_alloc : memref<!tpu.dma_semaphore, #tpu.memory_space<semaphore_mem>>
      %dma_start3A_91 = arith.constant 0 : i32
      %dma_start3A_92 = tpu.memref_slice %arg16[%add3A_64, %dma_start3A_91] : memref<10240x128xf32, #tpu.memory_space<vmem_shared>> -> memref<80x128xf32, #tpu.memory_space<vmem_shared>>
      %dma_start3A_93 = arith.constant 0 : i32
      %dma_start3A_94 = tpu.memref_slice %arg16[%add3A_64, %dma_start3A_93] : memref<10240x128xf32, #tpu.memory_space<vmem_shared>> -> memref<80x128xf32, #tpu.memory_space<vmem_shared>>
      tpu.enqueue_dma source(%dma_start3A_94 : memref<80x128xf32, #tpu.memory_space<vmem_shared>>) target(%arg14 : memref<80x128xf32, #tpu.memory_space<vmem>>) target_semaphore(%run_scoped3A : memref<!tpu.dma_semaphore, #tpu.memory_space<semaphore_mem>>)
      %dma_wait3A_95 = arith.constant 0 : i32
      %dma_wait3A_96 = tpu.memref_slice %arg16[%add3A_64, %dma_wait3A_95] : memref<10240x128xf32, #tpu.memory_space<vmem_shared>> -> memref<80x128xf32, #tpu.memory_space<vmem_shared>>
      %dma_wait3A_97 = arith.constant 0 : i32
      %dma_wait3A_98 = tpu.memref_slice %arg16[%add3A_64, %dma_wait3A_97] : memref<10240x128xf32, #tpu.memory_space<vmem_shared>> -> memref<80x128xf32, #tpu.memory_space<vmem_shared>>
      tpu.wait_dma2 semaphore(%run_scoped3A : memref<!tpu.dma_semaphore, #tpu.memory_space<semaphore_mem>>) src(%dma_wait3A_98 : memref<80x128xf32, #tpu.memory_space<vmem_shared>>) dst(%arg14 : memref<80x128xf32, #tpu.memory_space<vmem>>)
      tpu.yield
    }) : () -> ()
    %add3A_65 = arith.constant 80 : i32
    %add3A_66 = arith.addi %mul3A_2, %add3A_65 : i32
    "tpu.region"() ({
      %run_scoped3A = tpu.sem_alloc : memref<!tpu.dma_semaphore, #tpu.memory_space<semaphore_mem>>
      %dma_start3A_91 = arith.constant 0 : i32
      %dma_start3A_92 = tpu.memref_slice %arg7[%arg0, %add3A_66, %dma_start3A_91] : memref<2x10240x128xf32, #tpu.memory_space<hbm>> -> memref<1x80x128xf32, #tpu.memory_space<hbm>>
      %dma_start3A_93 = tpu.memref_squeeze %dma_start3A_92 : memref<1x80x128xf32, #tpu.memory_space<hbm>> -> memref<80x128xf32, #tpu.memory_space<hbm>>
      %dma_start3A_94 = arith.constant 0 : i32
      %dma_start3A_95 = tpu.memref_slice %arg7[%arg0, %add3A_66, %dma_start3A_94] : memref<2x10240x128xf32, #tpu.memory_space<hbm>> -> memref<1x80x128xf32, #tpu.memory_space<hbm>>
      %dma_start3A_96 = tpu.memref_squeeze %dma_start3A_95 : memref<1x80x128xf32, #tpu.memory_space<hbm>> -> memref<80x128xf32, #tpu.memory_space<hbm>>
      tpu.enqueue_dma source(%arg14 : memref<80x128xf32, #tpu.memory_space<vmem>>) target(%dma_start3A_96 : memref<80x128xf32, #tpu.memory_space<hbm>>) target_semaphore(%run_scoped3A : memref<!tpu.dma_semaphore, #tpu.memory_space<semaphore_mem>>)
      %dma_wait3A_97 = arith.constant 0 : i32
      %dma_wait3A_98 = tpu.memref_slice %arg7[%arg0, %add3A_66, %dma_wait3A_97] : memref<2x10240x128xf32, #tpu.memory_space<hbm>> -> memref<1x80x128xf32, #tpu.memory_space<hbm>>
      %dma_wait3A_99 = tpu.memref_squeeze %dma_wait3A_98 : memref<1x80x128xf32, #tpu.memory_space<hbm>> -> memref<80x128xf32, #tpu.memory_space<hbm>>
      %dma_wait3A_100 = arith.constant 0 : i32
      %dma_wait3A_101 = tpu.memref_slice %arg7[%arg0, %add3A_66, %dma_wait3A_100] : memref<2x10240x128xf32, #tpu.memory_space<hbm>> -> memref<1x80x128xf32, #tpu.memory_space<hbm>>
      %dma_wait3A_102 = tpu.memref_squeeze %dma_wait3A_101 : memref<1x80x128xf32, #tpu.memory_space<hbm>> -> memref<80x128xf32, #tpu.memory_space<hbm>>
      tpu.wait_dma2 semaphore(%run_scoped3A : memref<!tpu.dma_semaphore, #tpu.memory_space<semaphore_mem>>) src(%arg14 : memref<80x128xf32, #tpu.memory_space<vmem>>) dst(%dma_wait3A_102 : memref<80x128xf32, #tpu.memory_space<hbm>>)
      tpu.yield
    }) : () -> ()
    %add3A_67 = arith.constant 160 : i32
    %add3A_68 = arith.addi %mul3A_2, %add3A_67 : i32
    "tpu.region"() ({
      %run_scoped3A = tpu.sem_alloc : memref<!tpu.dma_semaphore, #tpu.memory_space<semaphore_mem>>
      %dma_start3A_91 = arith.constant 0 : i32
      %dma_start3A_92 = tpu.memref_slice %arg16[%add3A_68, %dma_start3A_91] : memref<10240x128xf32, #tpu.memory_space<vmem_shared>> -> memref<80x128xf32, #tpu.memory_space<vmem_shared>>
      %dma_start3A_93 = arith.constant 0 : i32
      %dma_start3A_94 = tpu.memref_slice %arg16[%add3A_68, %dma_start3A_93] : memref<10240x128xf32, #tpu.memory_space<vmem_shared>> -> memref<80x128xf32, #tpu.memory_space<vmem_shared>>
      tpu.enqueue_dma source(%dma_start3A_94 : memref<80x128xf32, #tpu.memory_space<vmem_shared>>) target(%arg14 : memref<80x128xf32, #tpu.memory_space<vmem>>) target_semaphore(%run_scoped3A : memref<!tpu.dma_semaphore, #tpu.memory_space<semaphore_mem>>)
      %dma_wait3A_95 = arith.constant 0 : i32
      %dma_wait3A_96 = tpu.memref_slice %arg16[%add3A_68, %dma_wait3A_95] : memref<10240x128xf32, #tpu.memory_space<vmem_shared>> -> memref<80x128xf32, #tpu.memory_space<vmem_shared>>
      %dma_wait3A_97 = arith.constant 0 : i32
      %dma_wait3A_98 = tpu.memref_slice %arg16[%add3A_68, %dma_wait3A_97] : memref<10240x128xf32, #tpu.memory_space<vmem_shared>> -> memref<80x128xf32, #tpu.memory_space<vmem_shared>>
      tpu.wait_dma2 semaphore(%run_scoped3A : memref<!tpu.dma_semaphore, #tpu.memory_space<semaphore_mem>>) src(%dma_wait3A_98 : memref<80x128xf32, #tpu.memory_space<vmem_shared>>) dst(%arg14 : memref<80x128xf32, #tpu.memory_space<vmem>>)
      tpu.yield
    }) : () -> ()
    %add3A_69 = arith.constant 160 : i32
    %add3A_70 = arith.addi %mul3A_2, %add3A_69 : i32
    "tpu.region"() ({
      %run_scoped3A = tpu.sem_alloc : memref<!tpu.dma_semaphore, #tpu.memory_space<semaphore_mem>>
      %dma_start3A_91 = arith.constant 0 : i32
      %dma_start3A_92 = tpu.memref_slice %arg7[%arg0, %add3A_70, %dma_start3A_91] : memref<2x10240x128xf32, #tpu.memory_space<hbm>> -> memref<1x80x128xf32, #tpu.memory_space<hbm>>
      %dma_start3A_93 = tpu.memref_squeeze %dma_start3A_92 : memref<1x80x128xf32, #tpu.memory_space<hbm>> -> memref<80x128xf32, #tpu.memory_space<hbm>>
      %dma_start3A_94 = arith.constant 0 : i32
      %dma_start3A_95 = tpu.memref_slice %arg7[%arg0, %add3A_70, %dma_start3A_94] : memref<2x10240x128xf32, #tpu.memory_space<hbm>> -> memref<1x80x128xf32, #tpu.memory_space<hbm>>
      %dma_start3A_96 = tpu.memref_squeeze %dma_start3A_95 : memref<1x80x128xf32, #tpu.memory_space<hbm>> -> memref<80x128xf32, #tpu.memory_space<hbm>>
      tpu.enqueue_dma source(%arg14 : memref<80x128xf32, #tpu.memory_space<vmem>>) target(%dma_start3A_96 : memref<80x128xf32, #tpu.memory_space<hbm>>) target_semaphore(%run_scoped3A : memref<!tpu.dma_semaphore, #tpu.memory_space<semaphore_mem>>)
      %dma_wait3A_97 = arith.constant 0 : i32
      %dma_wait3A_98 = tpu.memref_slice %arg7[%arg0, %add3A_70, %dma_wait3A_97] : memref<2x10240x128xf32, #tpu.memory_space<hbm>> -> memref<1x80x128xf32, #tpu.memory_space<hbm>>
      %dma_wait3A_99 = tpu.memref_squeeze %dma_wait3A_98 : memref<1x80x128xf32, #tpu.memory_space<hbm>> -> memref<80x128xf32, #tpu.memory_space<hbm>>
      %dma_wait3A_100 = arith.constant 0 : i32
      %dma_wait3A_101 = tpu.memref_slice %arg7[%arg0, %add3A_70, %dma_wait3A_100] : memref<2x10240x128xf32, #tpu.memory_space<hbm>> -> memref<1x80x128xf32, #tpu.memory_space<hbm>>
      %dma_wait3A_102 = tpu.memref_squeeze %dma_wait3A_101 : memref<1x80x128xf32, #tpu.memory_space<hbm>> -> memref<80x128xf32, #tpu.memory_space<hbm>>
      tpu.wait_dma2 semaphore(%run_scoped3A : memref<!tpu.dma_semaphore, #tpu.memory_space<semaphore_mem>>) src(%arg14 : memref<80x128xf32, #tpu.memory_space<vmem>>) dst(%dma_wait3A_102 : memref<80x128xf32, #tpu.memory_space<hbm>>)
      tpu.yield
    }) : () -> ()
    %add3A_71 = arith.constant 240 : i32
    %add3A_72 = arith.addi %mul3A_2, %add3A_71 : i32
    "tpu.region"() ({
      %run_scoped3A = tpu.sem_alloc : memref<!tpu.dma_semaphore, #tpu.memory_space<semaphore_mem>>
      %dma_start3A_91 = arith.constant 0 : i32
      %dma_start3A_92 = tpu.memref_slice %arg16[%add3A_72, %dma_start3A_91] : memref<10240x128xf32, #tpu.memory_space<vmem_shared>> -> memref<80x128xf32, #tpu.memory_space<vmem_shared>>
      %dma_start3A_93 = arith.constant 0 : i32
      %dma_start3A_94 = tpu.memref_slice %arg16[%add3A_72, %dma_start3A_93] : memref<10240x128xf32, #tpu.memory_space<vmem_shared>> -> memref<80x128xf32, #tpu.memory_space<vmem_shared>>
      tpu.enqueue_dma source(%dma_start3A_94 : memref<80x128xf32, #tpu.memory_space<vmem_shared>>) target(%arg14 : memref<80x128xf32, #tpu.memory_space<vmem>>) target_semaphore(%run_scoped3A : memref<!tpu.dma_semaphore, #tpu.memory_space<semaphore_mem>>)
      %dma_wait3A_95 = arith.constant 0 : i32
      %dma_wait3A_96 = tpu.memref_slice %arg16[%add3A_72, %dma_wait3A_95] : memref<10240x128xf32, #tpu.memory_space<vmem_shared>> -> memref<80x128xf32, #tpu.memory_space<vmem_shared>>
      %dma_wait3A_97 = arith.constant 0 : i32
      %dma_wait3A_98 = tpu.memref_slice %arg16[%add3A_72, %dma_wait3A_97] : memref<10240x128xf32, #tpu.memory_space<vmem_shared>> -> memref<80x128xf32, #tpu.memory_space<vmem_shared>>
      tpu.wait_dma2 semaphore(%run_scoped3A : memref<!tpu.dma_semaphore, #tpu.memory_space<semaphore_mem>>) src(%dma_wait3A_98 : memref<80x128xf32, #tpu.memory_space<vmem_shared>>) dst(%arg14 : memref<80x128xf32, #tpu.memory_space<vmem>>)
      tpu.yield
    }) : () -> ()
    %add3A_73 = arith.constant 240 : i32
    %add3A_74 = arith.addi %mul3A_2, %add3A_73 : i32
    "tpu.region"() ({
      %run_scoped3A = tpu.sem_alloc : memref<!tpu.dma_semaphore, #tpu.memory_space<semaphore_mem>>
      %dma_start3A_91 = arith.constant 0 : i32
      %dma_start3A_92 = tpu.memref_slice %arg7[%arg0, %add3A_74, %dma_start3A_91] : memref<2x10240x128xf32, #tpu.memory_space<hbm>> -> memref<1x80x128xf32, #tpu.memory_space<hbm>>
      %dma_start3A_93 = tpu.memref_squeeze %dma_start3A_92 : memref<1x80x128xf32, #tpu.memory_space<hbm>> -> memref<80x128xf32, #tpu.memory_space<hbm>>
      %dma_start3A_94 = arith.constant 0 : i32
      %dma_start3A_95 = tpu.memref_slice %arg7[%arg0, %add3A_74, %dma_start3A_94] : memref<2x10240x128xf32, #tpu.memory_space<hbm>> -> memref<1x80x128xf32, #tpu.memory_space<hbm>>
      %dma_start3A_96 = tpu.memref_squeeze %dma_start3A_95 : memref<1x80x128xf32, #tpu.memory_space<hbm>> -> memref<80x128xf32, #tpu.memory_space<hbm>>
      tpu.enqueue_dma source(%arg14 : memref<80x128xf32, #tpu.memory_space<vmem>>) target(%dma_start3A_96 : memref<80x128xf32, #tpu.memory_space<hbm>>) target_semaphore(%run_scoped3A : memref<!tpu.dma_semaphore, #tpu.memory_space<semaphore_mem>>)
      %dma_wait3A_97 = arith.constant 0 : i32
      %dma_wait3A_98 = tpu.memref_slice %arg7[%arg0, %add3A_74, %dma_wait3A_97] : memref<2x10240x128xf32, #tpu.memory_space<hbm>> -> memref<1x80x128xf32, #tpu.memory_space<hbm>>
      %dma_wait3A_99 = tpu.memref_squeeze %dma_wait3A_98 : memref<1x80x128xf32, #tpu.memory_space<hbm>> -> memref<80x128xf32, #tpu.memory_space<hbm>>
      %dma_wait3A_100 = arith.constant 0 : i32
      %dma_wait3A_101 = tpu.memref_slice %arg7[%arg0, %add3A_74, %dma_wait3A_100] : memref<2x10240x128xf32, #tpu.memory_space<hbm>> -> memref<1x80x128xf32, #tpu.memory_space<hbm>>
      %dma_wait3A_102 = tpu.memref_squeeze %dma_wait3A_101 : memref<1x80x128xf32, #tpu.memory_space<hbm>> -> memref<80x128xf32, #tpu.memory_space<hbm>>
      tpu.wait_dma2 semaphore(%run_scoped3A : memref<!tpu.dma_semaphore, #tpu.memory_space<semaphore_mem>>) src(%arg14 : memref<80x128xf32, #tpu.memory_space<vmem>>) dst(%dma_wait3A_102 : memref<80x128xf32, #tpu.memory_space<hbm>>)
      tpu.yield
    }) : () -> ()
    %add3A_75 = arith.constant 320 : i32
    %add3A_76 = arith.addi %mul3A_2, %add3A_75 : i32
    "tpu.region"() ({
      %run_scoped3A = tpu.sem_alloc : memref<!tpu.dma_semaphore, #tpu.memory_space<semaphore_mem>>
      %dma_start3A_91 = arith.constant 0 : i32
      %dma_start3A_92 = tpu.memref_slice %arg16[%add3A_76, %dma_start3A_91] : memref<10240x128xf32, #tpu.memory_space<vmem_shared>> -> memref<80x128xf32, #tpu.memory_space<vmem_shared>>
      %dma_start3A_93 = arith.constant 0 : i32
      %dma_start3A_94 = tpu.memref_slice %arg16[%add3A_76, %dma_start3A_93] : memref<10240x128xf32, #tpu.memory_space<vmem_shared>> -> memref<80x128xf32, #tpu.memory_space<vmem_shared>>
      tpu.enqueue_dma source(%dma_start3A_94 : memref<80x128xf32, #tpu.memory_space<vmem_shared>>) target(%arg14 : memref<80x128xf32, #tpu.memory_space<vmem>>) target_semaphore(%run_scoped3A : memref<!tpu.dma_semaphore, #tpu.memory_space<semaphore_mem>>)
      %dma_wait3A_95 = arith.constant 0 : i32
      %dma_wait3A_96 = tpu.memref_slice %arg16[%add3A_76, %dma_wait3A_95] : memref<10240x128xf32, #tpu.memory_space<vmem_shared>> -> memref<80x128xf32, #tpu.memory_space<vmem_shared>>
      %dma_wait3A_97 = arith.constant 0 : i32
      %dma_wait3A_98 = tpu.memref_slice %arg16[%add3A_76, %dma_wait3A_97] : memref<10240x128xf32, #tpu.memory_space<vmem_shared>> -> memref<80x128xf32, #tpu.memory_space<vmem_shared>>
      tpu.wait_dma2 semaphore(%run_scoped3A : memref<!tpu.dma_semaphore, #tpu.memory_space<semaphore_mem>>) src(%dma_wait3A_98 : memref<80x128xf32, #tpu.memory_space<vmem_shared>>) dst(%arg14 : memref<80x128xf32, #tpu.memory_space<vmem>>)
      tpu.yield
    }) : () -> ()
    %add3A_77 = arith.constant 320 : i32
    %add3A_78 = arith.addi %mul3A_2, %add3A_77 : i32
    "tpu.region"() ({
      %run_scoped3A = tpu.sem_alloc : memref<!tpu.dma_semaphore, #tpu.memory_space<semaphore_mem>>
      %dma_start3A_91 = arith.constant 0 : i32
      %dma_start3A_92 = tpu.memref_slice %arg7[%arg0, %add3A_78, %dma_start3A_91] : memref<2x10240x128xf32, #tpu.memory_space<hbm>> -> memref<1x80x128xf32, #tpu.memory_space<hbm>>
      %dma_start3A_93 = tpu.memref_squeeze %dma_start3A_92 : memref<1x80x128xf32, #tpu.memory_space<hbm>> -> memref<80x128xf32, #tpu.memory_space<hbm>>
      %dma_start3A_94 = arith.constant 0 : i32
      %dma_start3A_95 = tpu.memref_slice %arg7[%arg0, %add3A_78, %dma_start3A_94] : memref<2x10240x128xf32, #tpu.memory_space<hbm>> -> memref<1x80x128xf32, #tpu.memory_space<hbm>>
      %dma_start3A_96 = tpu.memref_squeeze %dma_start3A_95 : memref<1x80x128xf32, #tpu.memory_space<hbm>> -> memref<80x128xf32, #tpu.memory_space<hbm>>
      tpu.enqueue_dma source(%arg14 : memref<80x128xf32, #tpu.memory_space<vmem>>) target(%dma_start3A_96 : memref<80x128xf32, #tpu.memory_space<hbm>>) target_semaphore(%run_scoped3A : memref<!tpu.dma_semaphore, #tpu.memory_space<semaphore_mem>>)
      %dma_wait3A_97 = arith.constant 0 : i32
      %dma_wait3A_98 = tpu.memref_slice %arg7[%arg0, %add3A_78, %dma_wait3A_97] : memref<2x10240x128xf32, #tpu.memory_space<hbm>> -> memref<1x80x128xf32, #tpu.memory_space<hbm>>
      %dma_wait3A_99 = tpu.memref_squeeze %dma_wait3A_98 : memref<1x80x128xf32, #tpu.memory_space<hbm>> -> memref<80x128xf32, #tpu.memory_space<hbm>>
      %dma_wait3A_100 = arith.constant 0 : i32
      %dma_wait3A_101 = tpu.memref_slice %arg7[%arg0, %add3A_78, %dma_wait3A_100] : memref<2x10240x128xf32, #tpu.memory_space<hbm>> -> memref<1x80x128xf32, #tpu.memory_space<hbm>>
      %dma_wait3A_102 = tpu.memref_squeeze %dma_wait3A_101 : memref<1x80x128xf32, #tpu.memory_space<hbm>> -> memref<80x128xf32, #tpu.memory_space<hbm>>
      tpu.wait_dma2 semaphore(%run_scoped3A : memref<!tpu.dma_semaphore, #tpu.memory_space<semaphore_mem>>) src(%arg14 : memref<80x128xf32, #tpu.memory_space<vmem>>) dst(%dma_wait3A_102 : memref<80x128xf32, #tpu.memory_space<hbm>>)
      tpu.yield
    }) : () -> ()
    %add3A_79 = arith.constant 400 : i32
    %add3A_80 = arith.addi %mul3A_2, %add3A_79 : i32
    "tpu.region"() ({
      %run_scoped3A = tpu.sem_alloc : memref<!tpu.dma_semaphore, #tpu.memory_space<semaphore_mem>>
      %dma_start3A_91 = arith.constant 0 : i32
      %dma_start3A_92 = tpu.memref_slice %arg16[%add3A_80, %dma_start3A_91] : memref<10240x128xf32, #tpu.memory_space<vmem_shared>> -> memref<80x128xf32, #tpu.memory_space<vmem_shared>>
      %dma_start3A_93 = arith.constant 0 : i32
      %dma_start3A_94 = tpu.memref_slice %arg16[%add3A_80, %dma_start3A_93] : memref<10240x128xf32, #tpu.memory_space<vmem_shared>> -> memref<80x128xf32, #tpu.memory_space<vmem_shared>>
      tpu.enqueue_dma source(%dma_start3A_94 : memref<80x128xf32, #tpu.memory_space<vmem_shared>>) target(%arg14 : memref<80x128xf32, #tpu.memory_space<vmem>>) target_semaphore(%run_scoped3A : memref<!tpu.dma_semaphore, #tpu.memory_space<semaphore_mem>>)
      %dma_wait3A_95 = arith.constant 0 : i32
      %dma_wait3A_96 = tpu.memref_slice %arg16[%add3A_80, %dma_wait3A_95] : memref<10240x128xf32, #tpu.memory_space<vmem_shared>> -> memref<80x128xf32, #tpu.memory_space<vmem_shared>>
      %dma_wait3A_97 = arith.constant 0 : i32
      %dma_wait3A_98 = tpu.memref_slice %arg16[%add3A_80, %dma_wait3A_97] : memref<10240x128xf32, #tpu.memory_space<vmem_shared>> -> memref<80x128xf32, #tpu.memory_space<vmem_shared>>
      tpu.wait_dma2 semaphore(%run_scoped3A : memref<!tpu.dma_semaphore, #tpu.memory_space<semaphore_mem>>) src(%dma_wait3A_98 : memref<80x128xf32, #tpu.memory_space<vmem_shared>>) dst(%arg14 : memref<80x128xf32, #tpu.memory_space<vmem>>)
      tpu.yield
    }) : () -> ()
    %add3A_81 = arith.constant 400 : i32
    %add3A_82 = arith.addi %mul3A_2, %add3A_81 : i32
    "tpu.region"() ({
      %run_scoped3A = tpu.sem_alloc : memref<!tpu.dma_semaphore, #tpu.memory_space<semaphore_mem>>
      %dma_start3A_91 = arith.constant 0 : i32
      %dma_start3A_92 = tpu.memref_slice %arg7[%arg0, %add3A_82, %dma_start3A_91] : memref<2x10240x128xf32, #tpu.memory_space<hbm>> -> memref<1x80x128xf32, #tpu.memory_space<hbm>>
      %dma_start3A_93 = tpu.memref_squeeze %dma_start3A_92 : memref<1x80x128xf32, #tpu.memory_space<hbm>> -> memref<80x128xf32, #tpu.memory_space<hbm>>
      %dma_start3A_94 = arith.constant 0 : i32
      %dma_start3A_95 = tpu.memref_slice %arg7[%arg0, %add3A_82, %dma_start3A_94] : memref<2x10240x128xf32, #tpu.memory_space<hbm>> -> memref<1x80x128xf32, #tpu.memory_space<hbm>>
      %dma_start3A_96 = tpu.memref_squeeze %dma_start3A_95 : memref<1x80x128xf32, #tpu.memory_space<hbm>> -> memref<80x128xf32, #tpu.memory_space<hbm>>
      tpu.enqueue_dma source(%arg14 : memref<80x128xf32, #tpu.memory_space<vmem>>) target(%dma_start3A_96 : memref<80x128xf32, #tpu.memory_space<hbm>>) target_semaphore(%run_scoped3A : memref<!tpu.dma_semaphore, #tpu.memory_space<semaphore_mem>>)
      %dma_wait3A_97 = arith.constant 0 : i32
      %dma_wait3A_98 = tpu.memref_slice %arg7[%arg0, %add3A_82, %dma_wait3A_97] : memref<2x10240x128xf32, #tpu.memory_space<hbm>> -> memref<1x80x128xf32, #tpu.memory_space<hbm>>
      %dma_wait3A_99 = tpu.memref_squeeze %dma_wait3A_98 : memref<1x80x128xf32, #tpu.memory_space<hbm>> -> memref<80x128xf32, #tpu.memory_space<hbm>>
      %dma_wait3A_100 = arith.constant 0 : i32
      %dma_wait3A_101 = tpu.memref_slice %arg7[%arg0, %add3A_82, %dma_wait3A_100] : memref<2x10240x128xf32, #tpu.memory_space<hbm>> -> memref<1x80x128xf32, #tpu.memory_space<hbm>>
      %dma_wait3A_102 = tpu.memref_squeeze %dma_wait3A_101 : memref<1x80x128xf32, #tpu.memory_space<hbm>> -> memref<80x128xf32, #tpu.memory_space<hbm>>
      tpu.wait_dma2 semaphore(%run_scoped3A : memref<!tpu.dma_semaphore, #tpu.memory_space<semaphore_mem>>) src(%arg14 : memref<80x128xf32, #tpu.memory_space<vmem>>) dst(%dma_wait3A_102 : memref<80x128xf32, #tpu.memory_space<hbm>>)
      tpu.yield
    }) : () -> ()
    %add3A_83 = arith.constant 480 : i32
    %add3A_84 = arith.addi %mul3A_2, %add3A_83 : i32
    "tpu.region"() ({
      %run_scoped3A = tpu.sem_alloc : memref<!tpu.dma_semaphore, #tpu.memory_space<semaphore_mem>>
      %dma_start3A_91 = arith.constant 0 : i32
      %dma_start3A_92 = tpu.memref_slice %arg16[%add3A_84, %dma_start3A_91] : memref<10240x128xf32, #tpu.memory_space<vmem_shared>> -> memref<80x128xf32, #tpu.memory_space<vmem_shared>>
      %dma_start3A_93 = arith.constant 0 : i32
      %dma_start3A_94 = tpu.memref_slice %arg16[%add3A_84, %dma_start3A_93] : memref<10240x128xf32, #tpu.memory_space<vmem_shared>> -> memref<80x128xf32, #tpu.memory_space<vmem_shared>>
      tpu.enqueue_dma source(%dma_start3A_94 : memref<80x128xf32, #tpu.memory_space<vmem_shared>>) target(%arg14 : memref<80x128xf32, #tpu.memory_space<vmem>>) target_semaphore(%run_scoped3A : memref<!tpu.dma_semaphore, #tpu.memory_space<semaphore_mem>>)
      %dma_wait3A_95 = arith.constant 0 : i32
      %dma_wait3A_96 = tpu.memref_slice %arg16[%add3A_84, %dma_wait3A_95] : memref<10240x128xf32, #tpu.memory_space<vmem_shared>> -> memref<80x128xf32, #tpu.memory_space<vmem_shared>>
      %dma_wait3A_97 = arith.constant 0 : i32
      %dma_wait3A_98 = tpu.memref_slice %arg16[%add3A_84, %dma_wait3A_97] : memref<10240x128xf32, #tpu.memory_space<vmem_shared>> -> memref<80x128xf32, #tpu.memory_space<vmem_shared>>
      tpu.wait_dma2 semaphore(%run_scoped3A : memref<!tpu.dma_semaphore, #tpu.memory_space<semaphore_mem>>) src(%dma_wait3A_98 : memref<80x128xf32, #tpu.memory_space<vmem_shared>>) dst(%arg14 : memref<80x128xf32, #tpu.memory_space<vmem>>)
      tpu.yield
    }) : () -> ()
    %add3A_85 = arith.constant 480 : i32
    %add3A_86 = arith.addi %mul3A_2, %add3A_85 : i32
    "tpu.region"() ({
      %run_scoped3A = tpu.sem_alloc : memref<!tpu.dma_semaphore, #tpu.memory_space<semaphore_mem>>
      %dma_start3A_91 = arith.constant 0 : i32
      %dma_start3A_92 = tpu.memref_slice %arg7[%arg0, %add3A_86, %dma_start3A_91] : memref<2x10240x128xf32, #tpu.memory_space<hbm>> -> memref<1x80x128xf32, #tpu.memory_space<hbm>>
      %dma_start3A_93 = tpu.memref_squeeze %dma_start3A_92 : memref<1x80x128xf32, #tpu.memory_space<hbm>> -> memref<80x128xf32, #tpu.memory_space<hbm>>
      %dma_start3A_94 = arith.constant 0 : i32
      %dma_start3A_95 = tpu.memref_slice %arg7[%arg0, %add3A_86, %dma_start3A_94] : memref<2x10240x128xf32, #tpu.memory_space<hbm>> -> memref<1x80x128xf32, #tpu.memory_space<hbm>>
      %dma_start3A_96 = tpu.memref_squeeze %dma_start3A_95 : memref<1x80x128xf32, #tpu.memory_space<hbm>> -> memref<80x128xf32, #tpu.memory_space<hbm>>
      tpu.enqueue_dma source(%arg14 : memref<80x128xf32, #tpu.memory_space<vmem>>) target(%dma_start3A_96 : memref<80x128xf32, #tpu.memory_space<hbm>>) target_semaphore(%run_scoped3A : memref<!tpu.dma_semaphore, #tpu.memory_space<semaphore_mem>>)
      %dma_wait3A_97 = arith.constant 0 : i32
      %dma_wait3A_98 = tpu.memref_slice %arg7[%arg0, %add3A_86, %dma_wait3A_97] : memref<2x10240x128xf32, #tpu.memory_space<hbm>> -> memref<1x80x128xf32, #tpu.memory_space<hbm>>
      %dma_wait3A_99 = tpu.memref_squeeze %dma_wait3A_98 : memref<1x80x128xf32, #tpu.memory_space<hbm>> -> memref<80x128xf32, #tpu.memory_space<hbm>>
      %dma_wait3A_100 = arith.constant 0 : i32
      %dma_wait3A_101 = tpu.memref_slice %arg7[%arg0, %add3A_86, %dma_wait3A_100] : memref<2x10240x128xf32, #tpu.memory_space<hbm>> -> memref<1x80x128xf32, #tpu.memory_space<hbm>>
      %dma_wait3A_102 = tpu.memref_squeeze %dma_wait3A_101 : memref<1x80x128xf32, #tpu.memory_space<hbm>> -> memref<80x128xf32, #tpu.memory_space<hbm>>
      tpu.wait_dma2 semaphore(%run_scoped3A : memref<!tpu.dma_semaphore, #tpu.memory_space<semaphore_mem>>) src(%arg14 : memref<80x128xf32, #tpu.memory_space<vmem>>) dst(%dma_wait3A_102 : memref<80x128xf32, #tpu.memory_space<hbm>>)
      tpu.yield
    }) : () -> ()
    %add3A_87 = arith.constant 560 : i32
    %add3A_88 = arith.addi %mul3A_2, %add3A_87 : i32
    "tpu.region"() ({
      %run_scoped3A = tpu.sem_alloc : memref<!tpu.dma_semaphore, #tpu.memory_space<semaphore_mem>>
      %dma_start3A_91 = arith.constant 0 : i32
      %dma_start3A_92 = tpu.memref_slice %arg16[%add3A_88, %dma_start3A_91] : memref<10240x128xf32, #tpu.memory_space<vmem_shared>> -> memref<80x128xf32, #tpu.memory_space<vmem_shared>>
      %dma_start3A_93 = arith.constant 0 : i32
      %dma_start3A_94 = tpu.memref_slice %arg16[%add3A_88, %dma_start3A_93] : memref<10240x128xf32, #tpu.memory_space<vmem_shared>> -> memref<80x128xf32, #tpu.memory_space<vmem_shared>>
      tpu.enqueue_dma source(%dma_start3A_94 : memref<80x128xf32, #tpu.memory_space<vmem_shared>>) target(%arg14 : memref<80x128xf32, #tpu.memory_space<vmem>>) target_semaphore(%run_scoped3A : memref<!tpu.dma_semaphore, #tpu.memory_space<semaphore_mem>>)
      %dma_wait3A_95 = arith.constant 0 : i32
      %dma_wait3A_96 = tpu.memref_slice %arg16[%add3A_88, %dma_wait3A_95] : memref<10240x128xf32, #tpu.memory_space<vmem_shared>> -> memref<80x128xf32, #tpu.memory_space<vmem_shared>>
      %dma_wait3A_97 = arith.constant 0 : i32
      %dma_wait3A_98 = tpu.memref_slice %arg16[%add3A_88, %dma_wait3A_97] : memref<10240x128xf32, #tpu.memory_space<vmem_shared>> -> memref<80x128xf32, #tpu.memory_space<vmem_shared>>
      tpu.wait_dma2 semaphore(%run_scoped3A : memref<!tpu.dma_semaphore, #tpu.memory_space<semaphore_mem>>) src(%dma_wait3A_98 : memref<80x128xf32, #tpu.memory_space<vmem_shared>>) dst(%arg14 : memref<80x128xf32, #tpu.memory_space<vmem>>)
      tpu.yield
    }) : () -> ()
    %add3A_89 = arith.constant 560 : i32
    %add3A_90 = arith.addi %mul3A_2, %add3A_89 : i32
    "tpu.region"() ({
      %run_scoped3A = tpu.sem_alloc : memref<!tpu.dma_semaphore, #tpu.memory_space<semaphore_mem>>
      %dma_start3A_91 = arith.constant 0 : i32
      %dma_start3A_92 = tpu.memref_slice %arg7[%arg0, %add3A_90, %dma_start3A_91] : memref<2x10240x128xf32, #tpu.memory_space<hbm>> -> memref<1x80x128xf32, #tpu.memory_space<hbm>>
      %dma_start3A_93 = tpu.memref_squeeze %dma_start3A_92 : memref<1x80x128xf32, #tpu.memory_space<hbm>> -> memref<80x128xf32, #tpu.memory_space<hbm>>
      %dma_start3A_94 = arith.constant 0 : i32
      %dma_start3A_95 = tpu.memref_slice %arg7[%arg0, %add3A_90, %dma_start3A_94] : memref<2x10240x128xf32, #tpu.memory_space<hbm>> -> memref<1x80x128xf32, #tpu.memory_space<hbm>>
      %dma_start3A_96 = tpu.memref_squeeze %dma_start3A_95 : memref<1x80x128xf32, #tpu.memory_space<hbm>> -> memref<80x128xf32, #tpu.memory_space<hbm>>
      tpu.enqueue_dma source(%arg14 : memref<80x128xf32, #tpu.memory_space<vmem>>) target(%dma_start3A_96 : memref<80x128xf32, #tpu.memory_space<hbm>>) target_semaphore(%run_scoped3A : memref<!tpu.dma_semaphore, #tpu.memory_space<semaphore_mem>>)
      %dma_wait3A_97 = arith.constant 0 : i32
      %dma_wait3A_98 = tpu.memref_slice %arg7[%arg0, %add3A_90, %dma_wait3A_97] : memref<2x10240x128xf32, #tpu.memory_space<hbm>> -> memref<1x80x128xf32, #tpu.memory_space<hbm>>
      %dma_wait3A_99 = tpu.memref_squeeze %dma_wait3A_98 : memref<1x80x128xf32, #tpu.memory_space<hbm>> -> memref<80x128xf32, #tpu.memory_space<hbm>>
      %dma_wait3A_100 = arith.constant 0 : i32
      %dma_wait3A_101 = tpu.memref_slice %arg7[%arg0, %add3A_90, %dma_wait3A_100] : memref<2x10240x128xf32, #tpu.memory_space<hbm>> -> memref<1x80x128xf32, #tpu.memory_space<hbm>>
      %dma_wait3A_102 = tpu.memref_squeeze %dma_wait3A_101 : memref<1x80x128xf32, #tpu.memory_space<hbm>> -> memref<80x128xf32, #tpu.memory_space<hbm>>
      tpu.wait_dma2 semaphore(%run_scoped3A : memref<!tpu.dma_semaphore, #tpu.memory_space<semaphore_mem>>) src(%arg14 : memref<80x128xf32, #tpu.memory_space<vmem>>) dst(%dma_wait3A_102 : memref<80x128xf32, #tpu.memory_space<hbm>>)
      tpu.yield
    }) : () -> ()
    return
  }
}

#map = affine_map<(d0, d1) -> (0)>
#map1 = affine_map<(d0, d1) -> (0, 0)>
#map2 = affine_map<(d0, d1) -> (0, 0, 0)>
module attributes {stable_mosaic.version = 14 : i64} {
  func.func @_sc_deg(%arg0: i32, %arg1: i32, %arg2: memref<327680xi32, #tpu.memory_space<hbm>>, %arg3: memref<327680x16xf32, #tpu.memory_space<hbm>>, %arg4: memref<10240x128xf32, #tpu.memory_space<hbm>>, %arg5: memref<2x10240x128xf32, #tpu.memory_space<hbm>>, %arg6: memref<80xi32, #tpu.memory_space<vmem>>, %arg7: memref<80xi32, #tpu.memory_space<vmem>>, %arg8: memref<80x16xf32, #tpu.memory_space<vmem>>, %arg9: memref<80x16xf32, #tpu.memory_space<vmem>>, %arg10: memref<80x128xf32, #tpu.memory_space<vmem>>, %arg11: memref<80x128xf32, #tpu.memory_space<vmem>>, %arg12: memref<10240x128xf32, #tpu.memory_space<vmem_shared>>, %arg13: memref<!tpu.dma_semaphore, #tpu.memory_space<semaphore_mem>>, %arg14: memref<!tpu.dma_semaphore, #tpu.memory_space<semaphore_mem>>, %arg15: memref<!tpu.dma_semaphore, #tpu.memory_space<semaphore_mem>>, %arg16: memref<!tpu.dma_semaphore, #tpu.memory_space<semaphore_mem>>) attributes {dimension_semantics = [#tpu.dimension_semantics<core_parallel>, #tpu.dimension_semantics<subcore_parallel>], iteration_bounds = array<i64: 2, 16>, scalar_prefetch = 0 : i64, scratch_operands = 11 : i64, tpu.core_type = #tpu.core_type<sc_vector_subcore>, window_params = [{transform_indices = #map}, {transform_indices = #map1}, {transform_indices = #map1}, {transform_indices = #map2}]} {
    %mul3A = arith.constant 2 : i32
    %mul3A_0 = arith.muli %arg1, %mul3A : i32
    %add3A = arith.addi %mul3A_0, %arg0 : i32
    %mul3A_1 = arith.constant 640 : i32
    %mul3A_2 = arith.muli %arg1, %mul3A_1 : i32
    "tpu.region"() ({
      %run_scoped3A = tpu.sem_alloc : memref<!tpu.dma_semaphore, #tpu.memory_space<semaphore_mem>>
      %dma_start3A_85 = arith.constant 0 : i32
      %dma_start3A_86 = arith.constant 0 : i32
      %dma_start3A_87 = tpu.memref_slice %arg4[%dma_start3A_85, %dma_start3A_86] : memref<10240x128xf32, #tpu.memory_space<hbm>> -> memref<80x128xf32, #tpu.memory_space<hbm>>
      %dma_start3A_88 = arith.constant 0 : i32
      %dma_start3A_89 = arith.constant 0 : i32
      %dma_start3A_90 = tpu.memref_slice %arg4[%dma_start3A_88, %dma_start3A_89] : memref<10240x128xf32, #tpu.memory_space<hbm>> -> memref<80x128xf32, #tpu.memory_space<hbm>>
      tpu.enqueue_dma source(%dma_start3A_90 : memref<80x128xf32, #tpu.memory_space<hbm>>) target(%arg10 : memref<80x128xf32, #tpu.memory_space<vmem>>) target_semaphore(%run_scoped3A : memref<!tpu.dma_semaphore, #tpu.memory_space<semaphore_mem>>)
      %dma_wait3A_91 = arith.constant 0 : i32
      %dma_wait3A_92 = arith.constant 0 : i32
      %dma_wait3A_93 = tpu.memref_slice %arg4[%dma_wait3A_91, %dma_wait3A_92] : memref<10240x128xf32, #tpu.memory_space<hbm>> -> memref<80x128xf32, #tpu.memory_space<hbm>>
      %dma_wait3A_94 = arith.constant 0 : i32
      %dma_wait3A_95 = arith.constant 0 : i32
      %dma_wait3A_96 = tpu.memref_slice %arg4[%dma_wait3A_94, %dma_wait3A_95] : memref<10240x128xf32, #tpu.memory_space<hbm>> -> memref<80x128xf32, #tpu.memory_space<hbm>>
      tpu.wait_dma2 semaphore(%run_scoped3A : memref<!tpu.dma_semaphore, #tpu.memory_space<semaphore_mem>>) src(%dma_wait3A_96 : memref<80x128xf32, #tpu.memory_space<hbm>>) dst(%arg10 : memref<80x128xf32, #tpu.memory_space<vmem>>)
      tpu.yield
    }) : () -> ()
    %add3A_3 = arith.constant 0 : i32
    %add3A_4 = arith.addi %mul3A_2, %add3A_3 : i32
    "tpu.region"() ({
      %run_scoped3A = tpu.sem_alloc : memref<!tpu.dma_semaphore, #tpu.memory_space<semaphore_mem>>
      %dma_start3A_85 = arith.constant 0 : i32
      %dma_start3A_86 = tpu.memref_slice %arg12[%add3A_4, %dma_start3A_85] : memref<10240x128xf32, #tpu.memory_space<vmem_shared>> -> memref<80x128xf32, #tpu.memory_space<vmem_shared>>
      %dma_start3A_87 = arith.constant 0 : i32
      %dma_start3A_88 = tpu.memref_slice %arg12[%add3A_4, %dma_start3A_87] : memref<10240x128xf32, #tpu.memory_space<vmem_shared>> -> memref<80x128xf32, #tpu.memory_space<vmem_shared>>
      tpu.enqueue_dma source(%arg10 : memref<80x128xf32, #tpu.memory_space<vmem>>) target(%dma_start3A_88 : memref<80x128xf32, #tpu.memory_space<vmem_shared>>) target_semaphore(%run_scoped3A : memref<!tpu.dma_semaphore, #tpu.memory_space<semaphore_mem>>)
      %dma_wait3A_89 = arith.constant 0 : i32
      %dma_wait3A_90 = tpu.memref_slice %arg12[%add3A_4, %dma_wait3A_89] : memref<10240x128xf32, #tpu.memory_space<vmem_shared>> -> memref<80x128xf32, #tpu.memory_space<vmem_shared>>
      %dma_wait3A_91 = arith.constant 0 : i32
      %dma_wait3A_92 = tpu.memref_slice %arg12[%add3A_4, %dma_wait3A_91] : memref<10240x128xf32, #tpu.memory_space<vmem_shared>> -> memref<80x128xf32, #tpu.memory_space<vmem_shared>>
      tpu.wait_dma2 semaphore(%run_scoped3A : memref<!tpu.dma_semaphore, #tpu.memory_space<semaphore_mem>>) src(%arg10 : memref<80x128xf32, #tpu.memory_space<vmem>>) dst(%dma_wait3A_92 : memref<80x128xf32, #tpu.memory_space<vmem_shared>>)
      tpu.yield
    }) : () -> ()
    %add3A_5 = arith.constant 80 : i32
    %add3A_6 = arith.addi %mul3A_2, %add3A_5 : i32
    "tpu.region"() ({
      %run_scoped3A = tpu.sem_alloc : memref<!tpu.dma_semaphore, #tpu.memory_space<semaphore_mem>>
      %dma_start3A_85 = arith.constant 0 : i32
      %dma_start3A_86 = tpu.memref_slice %arg12[%add3A_6, %dma_start3A_85] : memref<10240x128xf32, #tpu.memory_space<vmem_shared>> -> memref<80x128xf32, #tpu.memory_space<vmem_shared>>
      %dma_start3A_87 = arith.constant 0 : i32
      %dma_start3A_88 = tpu.memref_slice %arg12[%add3A_6, %dma_start3A_87] : memref<10240x128xf32, #tpu.memory_space<vmem_shared>> -> memref<80x128xf32, #tpu.memory_space<vmem_shared>>
      tpu.enqueue_dma source(%arg10 : memref<80x128xf32, #tpu.memory_space<vmem>>) target(%dma_start3A_88 : memref<80x128xf32, #tpu.memory_space<vmem_shared>>) target_semaphore(%run_scoped3A : memref<!tpu.dma_semaphore, #tpu.memory_space<semaphore_mem>>)
      %dma_wait3A_89 = arith.constant 0 : i32
      %dma_wait3A_90 = tpu.memref_slice %arg12[%add3A_6, %dma_wait3A_89] : memref<10240x128xf32, #tpu.memory_space<vmem_shared>> -> memref<80x128xf32, #tpu.memory_space<vmem_shared>>
      %dma_wait3A_91 = arith.constant 0 : i32
      %dma_wait3A_92 = tpu.memref_slice %arg12[%add3A_6, %dma_wait3A_91] : memref<10240x128xf32, #tpu.memory_space<vmem_shared>> -> memref<80x128xf32, #tpu.memory_space<vmem_shared>>
      tpu.wait_dma2 semaphore(%run_scoped3A : memref<!tpu.dma_semaphore, #tpu.memory_space<semaphore_mem>>) src(%arg10 : memref<80x128xf32, #tpu.memory_space<vmem>>) dst(%dma_wait3A_92 : memref<80x128xf32, #tpu.memory_space<vmem_shared>>)
      tpu.yield
    }) : () -> ()
    %add3A_7 = arith.constant 160 : i32
    %add3A_8 = arith.addi %mul3A_2, %add3A_7 : i32
    "tpu.region"() ({
      %run_scoped3A = tpu.sem_alloc : memref<!tpu.dma_semaphore, #tpu.memory_space<semaphore_mem>>
      %dma_start3A_85 = arith.constant 0 : i32
      %dma_start3A_86 = tpu.memref_slice %arg12[%add3A_8, %dma_start3A_85] : memref<10240x128xf32, #tpu.memory_space<vmem_shared>> -> memref<80x128xf32, #tpu.memory_space<vmem_shared>>
      %dma_start3A_87 = arith.constant 0 : i32
      %dma_start3A_88 = tpu.memref_slice %arg12[%add3A_8, %dma_start3A_87] : memref<10240x128xf32, #tpu.memory_space<vmem_shared>> -> memref<80x128xf32, #tpu.memory_space<vmem_shared>>
      tpu.enqueue_dma source(%arg10 : memref<80x128xf32, #tpu.memory_space<vmem>>) target(%dma_start3A_88 : memref<80x128xf32, #tpu.memory_space<vmem_shared>>) target_semaphore(%run_scoped3A : memref<!tpu.dma_semaphore, #tpu.memory_space<semaphore_mem>>)
      %dma_wait3A_89 = arith.constant 0 : i32
      %dma_wait3A_90 = tpu.memref_slice %arg12[%add3A_8, %dma_wait3A_89] : memref<10240x128xf32, #tpu.memory_space<vmem_shared>> -> memref<80x128xf32, #tpu.memory_space<vmem_shared>>
      %dma_wait3A_91 = arith.constant 0 : i32
      %dma_wait3A_92 = tpu.memref_slice %arg12[%add3A_8, %dma_wait3A_91] : memref<10240x128xf32, #tpu.memory_space<vmem_shared>> -> memref<80x128xf32, #tpu.memory_space<vmem_shared>>
      tpu.wait_dma2 semaphore(%run_scoped3A : memref<!tpu.dma_semaphore, #tpu.memory_space<semaphore_mem>>) src(%arg10 : memref<80x128xf32, #tpu.memory_space<vmem>>) dst(%dma_wait3A_92 : memref<80x128xf32, #tpu.memory_space<vmem_shared>>)
      tpu.yield
    }) : () -> ()
    %add3A_9 = arith.constant 240 : i32
    %add3A_10 = arith.addi %mul3A_2, %add3A_9 : i32
    "tpu.region"() ({
      %run_scoped3A = tpu.sem_alloc : memref<!tpu.dma_semaphore, #tpu.memory_space<semaphore_mem>>
      %dma_start3A_85 = arith.constant 0 : i32
      %dma_start3A_86 = tpu.memref_slice %arg12[%add3A_10, %dma_start3A_85] : memref<10240x128xf32, #tpu.memory_space<vmem_shared>> -> memref<80x128xf32, #tpu.memory_space<vmem_shared>>
      %dma_start3A_87 = arith.constant 0 : i32
      %dma_start3A_88 = tpu.memref_slice %arg12[%add3A_10, %dma_start3A_87] : memref<10240x128xf32, #tpu.memory_space<vmem_shared>> -> memref<80x128xf32, #tpu.memory_space<vmem_shared>>
      tpu.enqueue_dma source(%arg10 : memref<80x128xf32, #tpu.memory_space<vmem>>) target(%dma_start3A_88 : memref<80x128xf32, #tpu.memory_space<vmem_shared>>) target_semaphore(%run_scoped3A : memref<!tpu.dma_semaphore, #tpu.memory_space<semaphore_mem>>)
      %dma_wait3A_89 = arith.constant 0 : i32
      %dma_wait3A_90 = tpu.memref_slice %arg12[%add3A_10, %dma_wait3A_89] : memref<10240x128xf32, #tpu.memory_space<vmem_shared>> -> memref<80x128xf32, #tpu.memory_space<vmem_shared>>
      %dma_wait3A_91 = arith.constant 0 : i32
      %dma_wait3A_92 = tpu.memref_slice %arg12[%add3A_10, %dma_wait3A_91] : memref<10240x128xf32, #tpu.memory_space<vmem_shared>> -> memref<80x128xf32, #tpu.memory_space<vmem_shared>>
      tpu.wait_dma2 semaphore(%run_scoped3A : memref<!tpu.dma_semaphore, #tpu.memory_space<semaphore_mem>>) src(%arg10 : memref<80x128xf32, #tpu.memory_space<vmem>>) dst(%dma_wait3A_92 : memref<80x128xf32, #tpu.memory_space<vmem_shared>>)
      tpu.yield
    }) : () -> ()
    %add3A_11 = arith.constant 320 : i32
    %add3A_12 = arith.addi %mul3A_2, %add3A_11 : i32
    "tpu.region"() ({
      %run_scoped3A = tpu.sem_alloc : memref<!tpu.dma_semaphore, #tpu.memory_space<semaphore_mem>>
      %dma_start3A_85 = arith.constant 0 : i32
      %dma_start3A_86 = tpu.memref_slice %arg12[%add3A_12, %dma_start3A_85] : memref<10240x128xf32, #tpu.memory_space<vmem_shared>> -> memref<80x128xf32, #tpu.memory_space<vmem_shared>>
      %dma_start3A_87 = arith.constant 0 : i32
      %dma_start3A_88 = tpu.memref_slice %arg12[%add3A_12, %dma_start3A_87] : memref<10240x128xf32, #tpu.memory_space<vmem_shared>> -> memref<80x128xf32, #tpu.memory_space<vmem_shared>>
      tpu.enqueue_dma source(%arg10 : memref<80x128xf32, #tpu.memory_space<vmem>>) target(%dma_start3A_88 : memref<80x128xf32, #tpu.memory_space<vmem_shared>>) target_semaphore(%run_scoped3A : memref<!tpu.dma_semaphore, #tpu.memory_space<semaphore_mem>>)
      %dma_wait3A_89 = arith.constant 0 : i32
      %dma_wait3A_90 = tpu.memref_slice %arg12[%add3A_12, %dma_wait3A_89] : memref<10240x128xf32, #tpu.memory_space<vmem_shared>> -> memref<80x128xf32, #tpu.memory_space<vmem_shared>>
      %dma_wait3A_91 = arith.constant 0 : i32
      %dma_wait3A_92 = tpu.memref_slice %arg12[%add3A_12, %dma_wait3A_91] : memref<10240x128xf32, #tpu.memory_space<vmem_shared>> -> memref<80x128xf32, #tpu.memory_space<vmem_shared>>
      tpu.wait_dma2 semaphore(%run_scoped3A : memref<!tpu.dma_semaphore, #tpu.memory_space<semaphore_mem>>) src(%arg10 : memref<80x128xf32, #tpu.memory_space<vmem>>) dst(%dma_wait3A_92 : memref<80x128xf32, #tpu.memory_space<vmem_shared>>)
      tpu.yield
    }) : () -> ()
    %add3A_13 = arith.constant 400 : i32
    %add3A_14 = arith.addi %mul3A_2, %add3A_13 : i32
    "tpu.region"() ({
      %run_scoped3A = tpu.sem_alloc : memref<!tpu.dma_semaphore, #tpu.memory_space<semaphore_mem>>
      %dma_start3A_85 = arith.constant 0 : i32
      %dma_start3A_86 = tpu.memref_slice %arg12[%add3A_14, %dma_start3A_85] : memref<10240x128xf32, #tpu.memory_space<vmem_shared>> -> memref<80x128xf32, #tpu.memory_space<vmem_shared>>
      %dma_start3A_87 = arith.constant 0 : i32
      %dma_start3A_88 = tpu.memref_slice %arg12[%add3A_14, %dma_start3A_87] : memref<10240x128xf32, #tpu.memory_space<vmem_shared>> -> memref<80x128xf32, #tpu.memory_space<vmem_shared>>
      tpu.enqueue_dma source(%arg10 : memref<80x128xf32, #tpu.memory_space<vmem>>) target(%dma_start3A_88 : memref<80x128xf32, #tpu.memory_space<vmem_shared>>) target_semaphore(%run_scoped3A : memref<!tpu.dma_semaphore, #tpu.memory_space<semaphore_mem>>)
      %dma_wait3A_89 = arith.constant 0 : i32
      %dma_wait3A_90 = tpu.memref_slice %arg12[%add3A_14, %dma_wait3A_89] : memref<10240x128xf32, #tpu.memory_space<vmem_shared>> -> memref<80x128xf32, #tpu.memory_space<vmem_shared>>
      %dma_wait3A_91 = arith.constant 0 : i32
      %dma_wait3A_92 = tpu.memref_slice %arg12[%add3A_14, %dma_wait3A_91] : memref<10240x128xf32, #tpu.memory_space<vmem_shared>> -> memref<80x128xf32, #tpu.memory_space<vmem_shared>>
      tpu.wait_dma2 semaphore(%run_scoped3A : memref<!tpu.dma_semaphore, #tpu.memory_space<semaphore_mem>>) src(%arg10 : memref<80x128xf32, #tpu.memory_space<vmem>>) dst(%dma_wait3A_92 : memref<80x128xf32, #tpu.memory_space<vmem_shared>>)
      tpu.yield
    }) : () -> ()
    %add3A_15 = arith.constant 480 : i32
    %add3A_16 = arith.addi %mul3A_2, %add3A_15 : i32
    "tpu.region"() ({
      %run_scoped3A = tpu.sem_alloc : memref<!tpu.dma_semaphore, #tpu.memory_space<semaphore_mem>>
      %dma_start3A_85 = arith.constant 0 : i32
      %dma_start3A_86 = tpu.memref_slice %arg12[%add3A_16, %dma_start3A_85] : memref<10240x128xf32, #tpu.memory_space<vmem_shared>> -> memref<80x128xf32, #tpu.memory_space<vmem_shared>>
      %dma_start3A_87 = arith.constant 0 : i32
      %dma_start3A_88 = tpu.memref_slice %arg12[%add3A_16, %dma_start3A_87] : memref<10240x128xf32, #tpu.memory_space<vmem_shared>> -> memref<80x128xf32, #tpu.memory_space<vmem_shared>>
      tpu.enqueue_dma source(%arg10 : memref<80x128xf32, #tpu.memory_space<vmem>>) target(%dma_start3A_88 : memref<80x128xf32, #tpu.memory_space<vmem_shared>>) target_semaphore(%run_scoped3A : memref<!tpu.dma_semaphore, #tpu.memory_space<semaphore_mem>>)
      %dma_wait3A_89 = arith.constant 0 : i32
      %dma_wait3A_90 = tpu.memref_slice %arg12[%add3A_16, %dma_wait3A_89] : memref<10240x128xf32, #tpu.memory_space<vmem_shared>> -> memref<80x128xf32, #tpu.memory_space<vmem_shared>>
      %dma_wait3A_91 = arith.constant 0 : i32
      %dma_wait3A_92 = tpu.memref_slice %arg12[%add3A_16, %dma_wait3A_91] : memref<10240x128xf32, #tpu.memory_space<vmem_shared>> -> memref<80x128xf32, #tpu.memory_space<vmem_shared>>
      tpu.wait_dma2 semaphore(%run_scoped3A : memref<!tpu.dma_semaphore, #tpu.memory_space<semaphore_mem>>) src(%arg10 : memref<80x128xf32, #tpu.memory_space<vmem>>) dst(%dma_wait3A_92 : memref<80x128xf32, #tpu.memory_space<vmem_shared>>)
      tpu.yield
    }) : () -> ()
    %add3A_17 = arith.constant 560 : i32
    %add3A_18 = arith.addi %mul3A_2, %add3A_17 : i32
    "tpu.region"() ({
      %run_scoped3A = tpu.sem_alloc : memref<!tpu.dma_semaphore, #tpu.memory_space<semaphore_mem>>
      %dma_start3A_85 = arith.constant 0 : i32
      %dma_start3A_86 = tpu.memref_slice %arg12[%add3A_18, %dma_start3A_85] : memref<10240x128xf32, #tpu.memory_space<vmem_shared>> -> memref<80x128xf32, #tpu.memory_space<vmem_shared>>
      %dma_start3A_87 = arith.constant 0 : i32
      %dma_start3A_88 = tpu.memref_slice %arg12[%add3A_18, %dma_start3A_87] : memref<10240x128xf32, #tpu.memory_space<vmem_shared>> -> memref<80x128xf32, #tpu.memory_space<vmem_shared>>
      tpu.enqueue_dma source(%arg10 : memref<80x128xf32, #tpu.memory_space<vmem>>) target(%dma_start3A_88 : memref<80x128xf32, #tpu.memory_space<vmem_shared>>) target_semaphore(%run_scoped3A : memref<!tpu.dma_semaphore, #tpu.memory_space<semaphore_mem>>)
      %dma_wait3A_89 = arith.constant 0 : i32
      %dma_wait3A_90 = tpu.memref_slice %arg12[%add3A_18, %dma_wait3A_89] : memref<10240x128xf32, #tpu.memory_space<vmem_shared>> -> memref<80x128xf32, #tpu.memory_space<vmem_shared>>
      %dma_wait3A_91 = arith.constant 0 : i32
      %dma_wait3A_92 = tpu.memref_slice %arg12[%add3A_18, %dma_wait3A_91] : memref<10240x128xf32, #tpu.memory_space<vmem_shared>> -> memref<80x128xf32, #tpu.memory_space<vmem_shared>>
      tpu.wait_dma2 semaphore(%run_scoped3A : memref<!tpu.dma_semaphore, #tpu.memory_space<semaphore_mem>>) src(%arg10 : memref<80x128xf32, #tpu.memory_space<vmem>>) dst(%dma_wait3A_92 : memref<80x128xf32, #tpu.memory_space<vmem_shared>>)
      tpu.yield
    }) : () -> ()
    %barrier3A = arith.constant 0 : index
    tpu.barrier barrier_id(%barrier3A)
    %mul3A_19 = arith.constant 128 : i32
    %mul3A_20 = arith.muli %add3A, %mul3A_19 : i32
    %add3A_21 = arith.constant 0 : i32
    %add3A_22 = arith.addi %mul3A_20, %add3A_21 : i32
    %mul3A_23 = arith.constant 80 : i32
    %mul3A_24 = arith.muli %add3A_22, %mul3A_23 : i32
    %dma_start3A = tpu.memref_slice %arg2[%mul3A_24] : memref<327680xi32, #tpu.memory_space<hbm>> -> memref<80xi32, #tpu.memory_space<hbm>>
    %dma_start3A_25 = tpu.memref_slice %arg2[%mul3A_24] : memref<327680xi32, #tpu.memory_space<hbm>> -> memref<80xi32, #tpu.memory_space<hbm>>
    tpu.enqueue_dma source(%dma_start3A_25 : memref<80xi32, #tpu.memory_space<hbm>>) target(%arg6 : memref<80xi32, #tpu.memory_space<vmem>>) target_semaphore(%arg13 : memref<!tpu.dma_semaphore, #tpu.memory_space<semaphore_mem>>)
    %dma_start3A_26 = arith.constant 0 : i32
    %dma_start3A_27 = tpu.memref_slice %arg3[%mul3A_24, %dma_start3A_26] : memref<327680x16xf32, #tpu.memory_space<hbm>> -> memref<80x16xf32, #tpu.memory_space<hbm>>
    %dma_start3A_28 = arith.constant 0 : i32
    %dma_start3A_29 = tpu.memref_slice %arg3[%mul3A_24, %dma_start3A_28] : memref<327680x16xf32, #tpu.memory_space<hbm>> -> memref<80x16xf32, #tpu.memory_space<hbm>>
    tpu.enqueue_dma source(%dma_start3A_29 : memref<80x16xf32, #tpu.memory_space<hbm>>) target(%arg8 : memref<80x16xf32, #tpu.memory_space<vmem>>) target_semaphore(%arg13 : memref<!tpu.dma_semaphore, #tpu.memory_space<semaphore_mem>>)
    %mul3A_30 = arith.constant 128 : i32
    %mul3A_31 = arith.muli %add3A, %mul3A_30 : i32
    %add3A_32 = arith.constant 1 : i32
    %add3A_33 = arith.addi %mul3A_31, %add3A_32 : i32
    %mul3A_34 = arith.constant 80 : i32
    %mul3A_35 = arith.muli %add3A_33, %mul3A_34 : i32
    %dma_start3A_36 = tpu.memref_slice %arg2[%mul3A_35] : memref<327680xi32, #tpu.memory_space<hbm>> -> memref<80xi32, #tpu.memory_space<hbm>>
    %dma_start3A_37 = tpu.memref_slice %arg2[%mul3A_35] : memref<327680xi32, #tpu.memory_space<hbm>> -> memref<80xi32, #tpu.memory_space<hbm>>
    tpu.enqueue_dma source(%dma_start3A_37 : memref<80xi32, #tpu.memory_space<hbm>>) target(%arg7 : memref<80xi32, #tpu.memory_space<vmem>>) target_semaphore(%arg14 : memref<!tpu.dma_semaphore, #tpu.memory_space<semaphore_mem>>)
    %dma_start3A_38 = arith.constant 0 : i32
    %dma_start3A_39 = tpu.memref_slice %arg3[%mul3A_35, %dma_start3A_38] : memref<327680x16xf32, #tpu.memory_space<hbm>> -> memref<80x16xf32, #tpu.memory_space<hbm>>
    %dma_start3A_40 = arith.constant 0 : i32
    %dma_start3A_41 = tpu.memref_slice %arg3[%mul3A_35, %dma_start3A_40] : memref<327680x16xf32, #tpu.memory_space<hbm>> -> memref<80x16xf32, #tpu.memory_space<hbm>>
    tpu.enqueue_dma source(%dma_start3A_41 : memref<80x16xf32, #tpu.memory_space<hbm>>) target(%arg9 : memref<80x16xf32, #tpu.memory_space<vmem>>) target_semaphore(%arg14 : memref<!tpu.dma_semaphore, #tpu.memory_space<semaphore_mem>>)
    %scan3A = arith.constant 0 : i32
    %scan3A_42 = arith.constant 0 : i32
    %scan3A_43 = arith.constant 64 : i32
    %scan3A_44 = arith.addi %scan3A_42, %scan3A_43 : i32
    %scan3A_45 = arith.constant 1 : i32
    scf.for %scan3A_85 = %scan3A_42 to %scan3A_44 step %scan3A_45  : i32 {
      %mul3A_86 = arith.constant 2 : i32
      %mul3A_87 = arith.muli %scan3A_85, %mul3A_86 : i32
      %add3A_88 = arith.constant 0 : i32
      %add3A_89 = arith.addi %mul3A_87, %add3A_88 : i32
      %dma_wait3A_90 = arith.constant 0 : i32
      %dma_wait3A_91 = tpu.memref_slice %arg2[%dma_wait3A_90] : memref<327680xi32, #tpu.memory_space<hbm>> -> memref<80xi32, #tpu.memory_space<hbm>>
      %dma_wait3A_92 = arith.constant 0 : i32
      %dma_wait3A_93 = tpu.memref_slice %arg2[%dma_wait3A_92] : memref<327680xi32, #tpu.memory_space<hbm>> -> memref<80xi32, #tpu.memory_space<hbm>>
      tpu.wait_dma2 semaphore(%arg13 : memref<!tpu.dma_semaphore, #tpu.memory_space<semaphore_mem>>) src(%dma_wait3A_93 : memref<80xi32, #tpu.memory_space<hbm>>) dst(%arg6 : memref<80xi32, #tpu.memory_space<vmem>>)
      %dma_wait3A_94 = arith.constant 0 : i32
      %dma_wait3A_95 = arith.constant 0 : i32
      %dma_wait3A_96 = tpu.memref_slice %arg3[%dma_wait3A_94, %dma_wait3A_95] : memref<327680x16xf32, #tpu.memory_space<hbm>> -> memref<80x16xf32, #tpu.memory_space<hbm>>
      %dma_wait3A_97 = arith.constant 0 : i32
      %dma_wait3A_98 = arith.constant 0 : i32
      %dma_wait3A_99 = tpu.memref_slice %arg3[%dma_wait3A_97, %dma_wait3A_98] : memref<327680x16xf32, #tpu.memory_space<hbm>> -> memref<80x16xf32, #tpu.memory_space<hbm>>
      tpu.wait_dma2 semaphore(%arg13 : memref<!tpu.dma_semaphore, #tpu.memory_space<semaphore_mem>>) src(%dma_wait3A_99 : memref<80x16xf32, #tpu.memory_space<hbm>>) dst(%arg8 : memref<80x16xf32, #tpu.memory_space<vmem>>)
      %scan3A_100 = arith.constant 0 : i32
      %scan3A_101 = arith.constant 0 : i32
      %scan3A_102 = arith.constant 80 : i32
      %scan3A_103 = arith.addi %scan3A_101, %scan3A_102 : i32
      %scan3A_104 = arith.constant 1 : i32
      scf.for %scan3A_143 = %scan3A_101 to %scan3A_103 step %scan3A_104  : i32 {
        %get3A = arith.index_cast %scan3A_143 : i32 to index
        %get3A_144 = arith.constant 0 : index
        %get3A_145 = tpu.vector_load %arg8[%get3A, %get3A_144] {strides = array<i32>} : memref<80x16xf32, #tpu.memory_space<vmem>>, vector<1x16xf32>,
        %get3A_146 = vector.shape_cast %get3A_145 : vector<1x16xf32> to vector<16xf32>
        %swap3A = arith.index_cast %scan3A_143 : i32 to index
        %swap3A_147 = arith.constant 0 : index
        %swap3A_148 = tpu.vector_load %arg10[%swap3A, %swap3A_147] {strides = array<i32>} : memref<80x128xf32, #tpu.memory_space<vmem>>, vector<1x16xf32>,
        %swap3A_149 = vector.shape_cast %swap3A_148 : vector<1x16xf32> to vector<16xf32>
        %swap3A_150 = vector.shape_cast %get3A_146 : vector<16xf32> to vector<1x16xf32>
        tpu.vector_store %arg10[%swap3A, %swap3A_147], %swap3A_150 {strides = array<i32>} : memref<80x128xf32, #tpu.memory_space<vmem>>, vector<1x16xf32>,
        %swap3A_151 = arith.index_cast %scan3A_143 : i32 to index
        %swap3A_152 = arith.constant 16 : index
        %swap3A_153 = tpu.vector_load %arg10[%swap3A_151, %swap3A_152] {strides = array<i32>} : memref<80x128xf32, #tpu.memory_space<vmem>>, vector<1x16xf32>,
        %swap3A_154 = vector.shape_cast %swap3A_153 : vector<1x16xf32> to vector<16xf32>
        %swap3A_155 = vector.shape_cast %get3A_146 : vector<16xf32> to vector<1x16xf32>
        tpu.vector_store %arg10[%swap3A_151, %swap3A_152], %swap3A_155 {strides = array<i32>} : memref<80x128xf32, #tpu.memory_space<vmem>>, vector<1x16xf32>,
        %swap3A_156 = arith.index_cast %scan3A_143 : i32 to index
        %swap3A_157 = arith.constant 32 : index
        %swap3A_158 = tpu.vector_load %arg10[%swap3A_156, %swap3A_157] {strides = array<i32>} : memref<80x128xf32, #tpu.memory_space<vmem>>, vector<1x16xf32>,
        %swap3A_159 = vector.shape_cast %swap3A_158 : vector<1x16xf32> to vector<16xf32>
        %swap3A_160 = vector.shape_cast %get3A_146 : vector<16xf32> to vector<1x16xf32>
        tpu.vector_store %arg10[%swap3A_156, %swap3A_157], %swap3A_160 {strides = array<i32>} : memref<80x128xf32, #tpu.memory_space<vmem>>, vector<1x16xf32>,
        %swap3A_161 = arith.index_cast %scan3A_143 : i32 to index
        %swap3A_162 = arith.constant 48 : index
        %swap3A_163 = tpu.vector_load %arg10[%swap3A_161, %swap3A_162] {strides = array<i32>} : memref<80x128xf32, #tpu.memory_space<vmem>>, vector<1x16xf32>,
        %swap3A_164 = vector.shape_cast %swap3A_163 : vector<1x16xf32> to vector<16xf32>
        %swap3A_165 = vector.shape_cast %get3A_146 : vector<16xf32> to vector<1x16xf32>
        tpu.vector_store %arg10[%swap3A_161, %swap3A_162], %swap3A_165 {strides = array<i32>} : memref<80x128xf32, #tpu.memory_space<vmem>>, vector<1x16xf32>,
        %swap3A_166 = arith.index_cast %scan3A_143 : i32 to index
        %swap3A_167 = arith.constant 64 : index
        %swap3A_168 = tpu.vector_load %arg10[%swap3A_166, %swap3A_167] {strides = array<i32>} : memref<80x128xf32, #tpu.memory_space<vmem>>, vector<1x16xf32>,
        %swap3A_169 = vector.shape_cast %swap3A_168 : vector<1x16xf32> to vector<16xf32>
        %swap3A_170 = vector.shape_cast %get3A_146 : vector<16xf32> to vector<1x16xf32>
        tpu.vector_store %arg10[%swap3A_166, %swap3A_167], %swap3A_170 {strides = array<i32>} : memref<80x128xf32, #tpu.memory_space<vmem>>, vector<1x16xf32>,
        %swap3A_171 = arith.index_cast %scan3A_143 : i32 to index
        %swap3A_172 = arith.constant 80 : index
        %swap3A_173 = tpu.vector_load %arg10[%swap3A_171, %swap3A_172] {strides = array<i32>} : memref<80x128xf32, #tpu.memory_space<vmem>>, vector<1x16xf32>,
        %swap3A_174 = vector.shape_cast %swap3A_173 : vector<1x16xf32> to vector<16xf32>
        %swap3A_175 = vector.shape_cast %get3A_146 : vector<16xf32> to vector<1x16xf32>
        tpu.vector_store %arg10[%swap3A_171, %swap3A_172], %swap3A_175 {strides = array<i32>} : memref<80x128xf32, #tpu.memory_space<vmem>>, vector<1x16xf32>,
        %swap3A_176 = arith.index_cast %scan3A_143 : i32 to index
        %swap3A_177 = arith.constant 96 : index
        %swap3A_178 = tpu.vector_load %arg10[%swap3A_176, %swap3A_177] {strides = array<i32>} : memref<80x128xf32, #tpu.memory_space<vmem>>, vector<1x16xf32>,
        %swap3A_179 = vector.shape_cast %swap3A_178 : vector<1x16xf32> to vector<16xf32>
        %swap3A_180 = vector.shape_cast %get3A_146 : vector<16xf32> to vector<1x16xf32>
        tpu.vector_store %arg10[%swap3A_176, %swap3A_177], %swap3A_180 {strides = array<i32>} : memref<80x128xf32, #tpu.memory_space<vmem>>, vector<1x16xf32>,
        %swap3A_181 = arith.index_cast %scan3A_143 : i32 to index
        %swap3A_182 = arith.constant 112 : index
        %swap3A_183 = tpu.vector_load %arg10[%swap3A_181, %swap3A_182] {strides = array<i32>} : memref<80x128xf32, #tpu.memory_space<vmem>>, vector<1x16xf32>,
        %swap3A_184 = vector.shape_cast %swap3A_183 : vector<1x16xf32> to vector<16xf32>
        %swap3A_185 = vector.shape_cast %get3A_146 : vector<16xf32> to vector<1x16xf32>
        tpu.vector_store %arg10[%swap3A_181, %swap3A_182], %swap3A_185 {strides = array<i32>} : memref<80x128xf32, #tpu.memory_space<vmem>>, vector<1x16xf32>,
      }
      %scan3A_105 = arith.constant 80 : i32
      %dma_start3A_106 = arith.constant 0 : i32
      %dma_start3A_107 = arith.constant 0 : i32
      %dma_start3A_108 = tpu.memref_slice %arg12[%dma_start3A_106, %dma_start3A_107] : memref<10240x128xf32, #tpu.memory_space<vmem_shared>> -> memref<10240x128xf32, #tpu.memory_space<vmem_shared>>
      tpu.enqueue_indirect_dma source(%arg10 : memref<80x128xf32, #tpu.memory_space<vmem>>) target(%dma_start3A_108 : memref<10240x128xf32, #tpu.memory_space<vmem_shared>>) offsets(%arg6 : memref<80xi32, #tpu.memory_space<vmem>>) semaphore(%arg15 : memref<!tpu.dma_semaphore, #tpu.memory_space<semaphore_mem>>) {add = true}
      %add3A_109 = arith.constant 2 : i32
      %add3A_110 = arith.addi %add3A_89, %add3A_109 : i32
      %lt3A = arith.constant 128 : i32
      %lt3A_111 = arith.cmpi slt, %add3A_110, %lt3A : i32
      %convert_element_type3A = arith.extui %lt3A_111 : i1 to i32
      %cond3A = arith.constant 0 : i32
      %cond3A_112 = arith.cmpi ne, %convert_element_type3A, %cond3A : i32
      scf.if %cond3A_112 {
        %dma_wait3A_143 = arith.constant 0 : i32
        %dma_wait3A_144 = arith.constant 0 : i32
        %dma_wait3A_145 = tpu.memref_slice %arg12[%dma_wait3A_143, %dma_wait3A_144] : memref<10240x128xf32, #tpu.memory_space<vmem_shared>> -> memref<10240x128xf32, #tpu.memory_space<vmem_shared>>
        tpu.wait_indirect_dma semaphore(%arg15 : memref<!tpu.dma_semaphore, #tpu.memory_space<semaphore_mem>>) src(%arg10 : memref<80x128xf32, #tpu.memory_space<vmem>>) dst(%dma_wait3A_145 : memref<10240x128xf32, #tpu.memory_space<vmem_shared>>)
        %add3A_146 = arith.constant 2 : i32
        %add3A_147 = arith.addi %add3A_89, %add3A_146 : i32
        %mul3A_148 = arith.constant 128 : i32
        %mul3A_149 = arith.muli %add3A, %mul3A_148 : i32
        %add3A_150 = arith.addi %mul3A_149, %add3A_147 : i32
        %mul3A_151 = arith.constant 80 : i32
        %mul3A_152 = arith.muli %add3A_150, %mul3A_151 : i32
        %dma_start3A_153 = tpu.memref_slice %arg2[%mul3A_152] : memref<327680xi32, #tpu.memory_space<hbm>> -> memref<80xi32, #tpu.memory_space<hbm>>
        %dma_start3A_154 = tpu.memref_slice %arg2[%mul3A_152] : memref<327680xi32, #tpu.memory_space<hbm>> -> memref<80xi32, #tpu.memory_space<hbm>>
        tpu.enqueue_dma source(%dma_start3A_154 : memref<80xi32, #tpu.memory_space<hbm>>) target(%arg6 : memref<80xi32, #tpu.memory_space<vmem>>) target_semaphore(%arg13 : memref<!tpu.dma_semaphore, #tpu.memory_space<semaphore_mem>>)
        %dma_start3A_155 = arith.constant 0 : i32
        %dma_start3A_156 = tpu.memref_slice %arg3[%mul3A_152, %dma_start3A_155] : memref<327680x16xf32, #tpu.memory_space<hbm>> -> memref<80x16xf32, #tpu.memory_space<hbm>>
        %dma_start3A_157 = arith.constant 0 : i32
        %dma_start3A_158 = tpu.memref_slice %arg3[%mul3A_152, %dma_start3A_157] : memref<327680x16xf32, #tpu.memory_space<hbm>> -> memref<80x16xf32, #tpu.memory_space<hbm>>
        tpu.enqueue_dma source(%dma_start3A_158 : memref<80x16xf32, #tpu.memory_space<hbm>>) target(%arg8 : memref<80x16xf32, #tpu.memory_space<vmem>>) target_semaphore(%arg13 : memref<!tpu.dma_semaphore, #tpu.memory_space<semaphore_mem>>)
      } else {
      }
      %mul3A_113 = arith.constant 2 : i32
      %mul3A_114 = arith.muli %scan3A_85, %mul3A_113 : i32
      %add3A_115 = arith.constant 1 : i32
      %add3A_116 = arith.addi %mul3A_114, %add3A_115 : i32
      %dma_wait3A_117 = arith.constant 0 : i32
      %dma_wait3A_118 = tpu.memref_slice %arg2[%dma_wait3A_117] : memref<327680xi32, #tpu.memory_space<hbm>> -> memref<80xi32, #tpu.memory_space<hbm>>
      %dma_wait3A_119 = arith.constant 0 : i32
      %dma_wait3A_120 = tpu.memref_slice %arg2[%dma_wait3A_119] : memref<327680xi32, #tpu.memory_space<hbm>> -> memref<80xi32, #tpu.memory_space<hbm>>
      tpu.wait_dma2 semaphore(%arg14 : memref<!tpu.dma_semaphore, #tpu.memory_space<semaphore_mem>>) src(%dma_wait3A_120 : memref<80xi32, #tpu.memory_space<hbm>>) dst(%arg7 : memref<80xi32, #tpu.memory_space<vmem>>)
      %dma_wait3A_121 = arith.constant 0 : i32
      %dma_wait3A_122 = arith.constant 0 : i32
      %dma_wait3A_123 = tpu.memref_slice %arg3[%dma_wait3A_121, %dma_wait3A_122] : memref<327680x16xf32, #tpu.memory_space<hbm>> -> memref<80x16xf32, #tpu.memory_space<hbm>>
      %dma_wait3A_124 = arith.constant 0 : i32
      %dma_wait3A_125 = arith.constant 0 : i32
      %dma_wait3A_126 = tpu.memref_slice %arg3[%dma_wait3A_124, %dma_wait3A_125] : memref<327680x16xf32, #tpu.memory_space<hbm>> -> memref<80x16xf32, #tpu.memory_space<hbm>>
      tpu.wait_dma2 semaphore(%arg14 : memref<!tpu.dma_semaphore, #tpu.memory_space<semaphore_mem>>) src(%dma_wait3A_126 : memref<80x16xf32, #tpu.memory_space<hbm>>) dst(%arg9 : memref<80x16xf32, #tpu.memory_space<vmem>>)
      %scan3A_127 = arith.constant 0 : i32
      %scan3A_128 = arith.constant 0 : i32
      %scan3A_129 = arith.constant 80 : i32
      %scan3A_130 = arith.addi %scan3A_128, %scan3A_129 : i32
      %scan3A_131 = arith.constant 1 : i32
      scf.for %scan3A_143 = %scan3A_128 to %scan3A_130 step %scan3A_131  : i32 {
        %get3A = arith.index_cast %scan3A_143 : i32 to index
        %get3A_144 = arith.constant 0 : index
        %get3A_145 = tpu.vector_load %arg9[%get3A, %get3A_144] {strides = array<i32>} : memref<80x16xf32, #tpu.memory_space<vmem>>, vector<1x16xf32>,
        %get3A_146 = vector.shape_cast %get3A_145 : vector<1x16xf32> to vector<16xf32>
        %swap3A = arith.index_cast %scan3A_143 : i32 to index
        %swap3A_147 = arith.constant 0 : index
        %swap3A_148 = tpu.vector_load %arg11[%swap3A, %swap3A_147] {strides = array<i32>} : memref<80x128xf32, #tpu.memory_space<vmem>>, vector<1x16xf32>,
        %swap3A_149 = vector.shape_cast %swap3A_148 : vector<1x16xf32> to vector<16xf32>
        %swap3A_150 = vector.shape_cast %get3A_146 : vector<16xf32> to vector<1x16xf32>
        tpu.vector_store %arg11[%swap3A, %swap3A_147], %swap3A_150 {strides = array<i32>} : memref<80x128xf32, #tpu.memory_space<vmem>>, vector<1x16xf32>,
        %swap3A_151 = arith.index_cast %scan3A_143 : i32 to index
        %swap3A_152 = arith.constant 16 : index
        %swap3A_153 = tpu.vector_load %arg11[%swap3A_151, %swap3A_152] {strides = array<i32>} : memref<80x128xf32, #tpu.memory_space<vmem>>, vector<1x16xf32>,
        %swap3A_154 = vector.shape_cast %swap3A_153 : vector<1x16xf32> to vector<16xf32>
        %swap3A_155 = vector.shape_cast %get3A_146 : vector<16xf32> to vector<1x16xf32>
        tpu.vector_store %arg11[%swap3A_151, %swap3A_152], %swap3A_155 {strides = array<i32>} : memref<80x128xf32, #tpu.memory_space<vmem>>, vector<1x16xf32>,
        %swap3A_156 = arith.index_cast %scan3A_143 : i32 to index
        %swap3A_157 = arith.constant 32 : index
        %swap3A_158 = tpu.vector_load %arg11[%swap3A_156, %swap3A_157] {strides = array<i32>} : memref<80x128xf32, #tpu.memory_space<vmem>>, vector<1x16xf32>,
        %swap3A_159 = vector.shape_cast %swap3A_158 : vector<1x16xf32> to vector<16xf32>
        %swap3A_160 = vector.shape_cast %get3A_146 : vector<16xf32> to vector<1x16xf32>
        tpu.vector_store %arg11[%swap3A_156, %swap3A_157], %swap3A_160 {strides = array<i32>} : memref<80x128xf32, #tpu.memory_space<vmem>>, vector<1x16xf32>,
        %swap3A_161 = arith.index_cast %scan3A_143 : i32 to index
        %swap3A_162 = arith.constant 48 : index
        %swap3A_163 = tpu.vector_load %arg11[%swap3A_161, %swap3A_162] {strides = array<i32>} : memref<80x128xf32, #tpu.memory_space<vmem>>, vector<1x16xf32>,
        %swap3A_164 = vector.shape_cast %swap3A_163 : vector<1x16xf32> to vector<16xf32>
        %swap3A_165 = vector.shape_cast %get3A_146 : vector<16xf32> to vector<1x16xf32>
        tpu.vector_store %arg11[%swap3A_161, %swap3A_162], %swap3A_165 {strides = array<i32>} : memref<80x128xf32, #tpu.memory_space<vmem>>, vector<1x16xf32>,
        %swap3A_166 = arith.index_cast %scan3A_143 : i32 to index
        %swap3A_167 = arith.constant 64 : index
        %swap3A_168 = tpu.vector_load %arg11[%swap3A_166, %swap3A_167] {strides = array<i32>} : memref<80x128xf32, #tpu.memory_space<vmem>>, vector<1x16xf32>,
        %swap3A_169 = vector.shape_cast %swap3A_168 : vector<1x16xf32> to vector<16xf32>
        %swap3A_170 = vector.shape_cast %get3A_146 : vector<16xf32> to vector<1x16xf32>
        tpu.vector_store %arg11[%swap3A_166, %swap3A_167], %swap3A_170 {strides = array<i32>} : memref<80x128xf32, #tpu.memory_space<vmem>>, vector<1x16xf32>,
        %swap3A_171 = arith.index_cast %scan3A_143 : i32 to index
        %swap3A_172 = arith.constant 80 : index
        %swap3A_173 = tpu.vector_load %arg11[%swap3A_171, %swap3A_172] {strides = array<i32>} : memref<80x128xf32, #tpu.memory_space<vmem>>, vector<1x16xf32>,
        %swap3A_174 = vector.shape_cast %swap3A_173 : vector<1x16xf32> to vector<16xf32>
        %swap3A_175 = vector.shape_cast %get3A_146 : vector<16xf32> to vector<1x16xf32>
        tpu.vector_store %arg11[%swap3A_171, %swap3A_172], %swap3A_175 {strides = array<i32>} : memref<80x128xf32, #tpu.memory_space<vmem>>, vector<1x16xf32>,
        %swap3A_176 = arith.index_cast %scan3A_143 : i32 to index
        %swap3A_177 = arith.constant 96 : index
        %swap3A_178 = tpu.vector_load %arg11[%swap3A_176, %swap3A_177] {strides = array<i32>} : memref<80x128xf32, #tpu.memory_space<vmem>>, vector<1x16xf32>,
        %swap3A_179 = vector.shape_cast %swap3A_178 : vector<1x16xf32> to vector<16xf32>
        %swap3A_180 = vector.shape_cast %get3A_146 : vector<16xf32> to vector<1x16xf32>
        tpu.vector_store %arg11[%swap3A_176, %swap3A_177], %swap3A_180 {strides = array<i32>} : memref<80x128xf32, #tpu.memory_space<vmem>>, vector<1x16xf32>,
        %swap3A_181 = arith.index_cast %scan3A_143 : i32 to index
        %swap3A_182 = arith.constant 112 : index
        %swap3A_183 = tpu.vector_load %arg11[%swap3A_181, %swap3A_182] {strides = array<i32>} : memref<80x128xf32, #tpu.memory_space<vmem>>, vector<1x16xf32>,
        %swap3A_184 = vector.shape_cast %swap3A_183 : vector<1x16xf32> to vector<16xf32>
        %swap3A_185 = vector.shape_cast %get3A_146 : vector<16xf32> to vector<1x16xf32>
        tpu.vector_store %arg11[%swap3A_181, %swap3A_182], %swap3A_185 {strides = array<i32>} : memref<80x128xf32, #tpu.memory_space<vmem>>, vector<1x16xf32>,
      }
      %scan3A_132 = arith.constant 80 : i32
      %dma_start3A_133 = arith.constant 0 : i32
      %dma_start3A_134 = arith.constant 0 : i32
      %dma_start3A_135 = tpu.memref_slice %arg12[%dma_start3A_133, %dma_start3A_134] : memref<10240x128xf32, #tpu.memory_space<vmem_shared>> -> memref<10240x128xf32, #tpu.memory_space<vmem_shared>>
      tpu.enqueue_indirect_dma source(%arg11 : memref<80x128xf32, #tpu.memory_space<vmem>>) target(%dma_start3A_135 : memref<10240x128xf32, #tpu.memory_space<vmem_shared>>) offsets(%arg7 : memref<80xi32, #tpu.memory_space<vmem>>) semaphore(%arg16 : memref<!tpu.dma_semaphore, #tpu.memory_space<semaphore_mem>>) {add = true}
      %add3A_136 = arith.constant 2 : i32
      %add3A_137 = arith.addi %add3A_116, %add3A_136 : i32
      %lt3A_138 = arith.constant 128 : i32
      %lt3A_139 = arith.cmpi slt, %add3A_137, %lt3A_138 : i32
      %convert_element_type3A_140 = arith.extui %lt3A_139 : i1 to i32
      %cond3A_141 = arith.constant 0 : i32
      %cond3A_142 = arith.cmpi ne, %convert_element_type3A_140, %cond3A_141 : i32
      scf.if %cond3A_142 {
        %dma_wait3A_143 = arith.constant 0 : i32
        %dma_wait3A_144 = arith.constant 0 : i32
        %dma_wait3A_145 = tpu.memref_slice %arg12[%dma_wait3A_143, %dma_wait3A_144] : memref<10240x128xf32, #tpu.memory_space<vmem_shared>> -> memref<10240x128xf32, #tpu.memory_space<vmem_shared>>
        tpu.wait_indirect_dma semaphore(%arg16 : memref<!tpu.dma_semaphore, #tpu.memory_space<semaphore_mem>>) src(%arg11 : memref<80x128xf32, #tpu.memory_space<vmem>>) dst(%dma_wait3A_145 : memref<10240x128xf32, #tpu.memory_space<vmem_shared>>)
        %add3A_146 = arith.constant 2 : i32
        %add3A_147 = arith.addi %add3A_116, %add3A_146 : i32
        %mul3A_148 = arith.constant 128 : i32
        %mul3A_149 = arith.muli %add3A, %mul3A_148 : i32
        %add3A_150 = arith.addi %mul3A_149, %add3A_147 : i32
        %mul3A_151 = arith.constant 80 : i32
        %mul3A_152 = arith.muli %add3A_150, %mul3A_151 : i32
        %dma_start3A_153 = tpu.memref_slice %arg2[%mul3A_152] : memref<327680xi32, #tpu.memory_space<hbm>> -> memref<80xi32, #tpu.memory_space<hbm>>
        %dma_start3A_154 = tpu.memref_slice %arg2[%mul3A_152] : memref<327680xi32, #tpu.memory_space<hbm>> -> memref<80xi32, #tpu.memory_space<hbm>>
        tpu.enqueue_dma source(%dma_start3A_154 : memref<80xi32, #tpu.memory_space<hbm>>) target(%arg7 : memref<80xi32, #tpu.memory_space<vmem>>) target_semaphore(%arg14 : memref<!tpu.dma_semaphore, #tpu.memory_space<semaphore_mem>>)
        %dma_start3A_155 = arith.constant 0 : i32
        %dma_start3A_156 = tpu.memref_slice %arg3[%mul3A_152, %dma_start3A_155] : memref<327680x16xf32, #tpu.memory_space<hbm>> -> memref<80x16xf32, #tpu.memory_space<hbm>>
        %dma_start3A_157 = arith.constant 0 : i32
        %dma_start3A_158 = tpu.memref_slice %arg3[%mul3A_152, %dma_start3A_157] : memref<327680x16xf32, #tpu.memory_space<hbm>> -> memref<80x16xf32, #tpu.memory_space<hbm>>
        tpu.enqueue_dma source(%dma_start3A_158 : memref<80x16xf32, #tpu.memory_space<hbm>>) target(%arg9 : memref<80x16xf32, #tpu.memory_space<vmem>>) target_semaphore(%arg14 : memref<!tpu.dma_semaphore, #tpu.memory_space<semaphore_mem>>)
      } else {
      }
    }
    %scan3A_46 = arith.constant 64 : i32
    %dma_wait3A = arith.constant 0 : i32
    %dma_wait3A_47 = arith.constant 0 : i32
    %dma_wait3A_48 = tpu.memref_slice %arg12[%dma_wait3A, %dma_wait3A_47] : memref<10240x128xf32, #tpu.memory_space<vmem_shared>> -> memref<10240x128xf32, #tpu.memory_space<vmem_shared>>
    tpu.wait_indirect_dma semaphore(%arg15 : memref<!tpu.dma_semaphore, #tpu.memory_space<semaphore_mem>>) src(%arg10 : memref<80x128xf32, #tpu.memory_space<vmem>>) dst(%dma_wait3A_48 : memref<10240x128xf32, #tpu.memory_space<vmem_shared>>)
    %dma_wait3A_49 = arith.constant 0 : i32
    %dma_wait3A_50 = arith.constant 0 : i32
    %dma_wait3A_51 = tpu.memref_slice %arg12[%dma_wait3A_49, %dma_wait3A_50] : memref<10240x128xf32, #tpu.memory_space<vmem_shared>> -> memref<10240x128xf32, #tpu.memory_space<vmem_shared>>
    tpu.wait_indirect_dma semaphore(%arg16 : memref<!tpu.dma_semaphore, #tpu.memory_space<semaphore_mem>>) src(%arg11 : memref<80x128xf32, #tpu.memory_space<vmem>>) dst(%dma_wait3A_51 : memref<10240x128xf32, #tpu.memory_space<vmem_shared>>)
    %barrier3A_52 = arith.constant 0 : index
    tpu.barrier barrier_id(%barrier3A_52)
    %add3A_53 = arith.constant 0 : i32
    %add3A_54 = arith.addi %mul3A_2, %add3A_53 : i32
    "tpu.region"() ({
      %run_scoped3A = tpu.sem_alloc : memref<!tpu.dma_semaphore, #tpu.memory_space<semaphore_mem>>
      %dma_start3A_85 = arith.constant 0 : i32
      %dma_start3A_86 = tpu.memref_slice %arg12[%add3A_54, %dma_start3A_85] : memref<10240x128xf32, #tpu.memory_space<vmem_shared>> -> memref<80x128xf32, #tpu.memory_space<vmem_shared>>
      %dma_start3A_87 = arith.constant 0 : i32
      %dma_start3A_88 = tpu.memref_slice %arg12[%add3A_54, %dma_start3A_87] : memref<10240x128xf32, #tpu.memory_space<vmem_shared>> -> memref<80x128xf32, #tpu.memory_space<vmem_shared>>
      tpu.enqueue_dma source(%dma_start3A_88 : memref<80x128xf32, #tpu.memory_space<vmem_shared>>) target(%arg10 : memref<80x128xf32, #tpu.memory_space<vmem>>) target_semaphore(%run_scoped3A : memref<!tpu.dma_semaphore, #tpu.memory_space<semaphore_mem>>)
      %dma_wait3A_89 = arith.constant 0 : i32
      %dma_wait3A_90 = tpu.memref_slice %arg12[%add3A_54, %dma_wait3A_89] : memref<10240x128xf32, #tpu.memory_space<vmem_shared>> -> memref<80x128xf32, #tpu.memory_space<vmem_shared>>
      %dma_wait3A_91 = arith.constant 0 : i32
      %dma_wait3A_92 = tpu.memref_slice %arg12[%add3A_54, %dma_wait3A_91] : memref<10240x128xf32, #tpu.memory_space<vmem_shared>> -> memref<80x128xf32, #tpu.memory_space<vmem_shared>>
      tpu.wait_dma2 semaphore(%run_scoped3A : memref<!tpu.dma_semaphore, #tpu.memory_space<semaphore_mem>>) src(%dma_wait3A_92 : memref<80x128xf32, #tpu.memory_space<vmem_shared>>) dst(%arg10 : memref<80x128xf32, #tpu.memory_space<vmem>>)
      tpu.yield
    }) : () -> ()
    %add3A_55 = arith.constant 0 : i32
    %add3A_56 = arith.addi %mul3A_2, %add3A_55 : i32
    "tpu.region"() ({
      %run_scoped3A = tpu.sem_alloc : memref<!tpu.dma_semaphore, #tpu.memory_space<semaphore_mem>>
      %dma_start3A_85 = arith.constant 0 : i32
      %dma_start3A_86 = tpu.memref_slice %arg5[%arg0, %add3A_56, %dma_start3A_85] : memref<2x10240x128xf32, #tpu.memory_space<hbm>> -> memref<1x80x128xf32, #tpu.memory_space<hbm>>
      %dma_start3A_87 = tpu.memref_squeeze %dma_start3A_86 : memref<1x80x128xf32, #tpu.memory_space<hbm>> -> memref<80x128xf32, #tpu.memory_space<hbm>>
      %dma_start3A_88 = arith.constant 0 : i32
      %dma_start3A_89 = tpu.memref_slice %arg5[%arg0, %add3A_56, %dma_start3A_88] : memref<2x10240x128xf32, #tpu.memory_space<hbm>> -> memref<1x80x128xf32, #tpu.memory_space<hbm>>
      %dma_start3A_90 = tpu.memref_squeeze %dma_start3A_89 : memref<1x80x128xf32, #tpu.memory_space<hbm>> -> memref<80x128xf32, #tpu.memory_space<hbm>>
      tpu.enqueue_dma source(%arg10 : memref<80x128xf32, #tpu.memory_space<vmem>>) target(%dma_start3A_90 : memref<80x128xf32, #tpu.memory_space<hbm>>) target_semaphore(%run_scoped3A : memref<!tpu.dma_semaphore, #tpu.memory_space<semaphore_mem>>)
      %dma_wait3A_91 = arith.constant 0 : i32
      %dma_wait3A_92 = tpu.memref_slice %arg5[%arg0, %add3A_56, %dma_wait3A_91] : memref<2x10240x128xf32, #tpu.memory_space<hbm>> -> memref<1x80x128xf32, #tpu.memory_space<hbm>>
      %dma_wait3A_93 = tpu.memref_squeeze %dma_wait3A_92 : memref<1x80x128xf32, #tpu.memory_space<hbm>> -> memref<80x128xf32, #tpu.memory_space<hbm>>
      %dma_wait3A_94 = arith.constant 0 : i32
      %dma_wait3A_95 = tpu.memref_slice %arg5[%arg0, %add3A_56, %dma_wait3A_94] : memref<2x10240x128xf32, #tpu.memory_space<hbm>> -> memref<1x80x128xf32, #tpu.memory_space<hbm>>
      %dma_wait3A_96 = tpu.memref_squeeze %dma_wait3A_95 : memref<1x80x128xf32, #tpu.memory_space<hbm>> -> memref<80x128xf32, #tpu.memory_space<hbm>>
      tpu.wait_dma2 semaphore(%run_scoped3A : memref<!tpu.dma_semaphore, #tpu.memory_space<semaphore_mem>>) src(%arg10 : memref<80x128xf32, #tpu.memory_space<vmem>>) dst(%dma_wait3A_96 : memref<80x128xf32, #tpu.memory_space<hbm>>)
      tpu.yield
    }) : () -> ()
    %add3A_57 = arith.constant 80 : i32
    %add3A_58 = arith.addi %mul3A_2, %add3A_57 : i32
    "tpu.region"() ({
      %run_scoped3A = tpu.sem_alloc : memref<!tpu.dma_semaphore, #tpu.memory_space<semaphore_mem>>
      %dma_start3A_85 = arith.constant 0 : i32
      %dma_start3A_86 = tpu.memref_slice %arg12[%add3A_58, %dma_start3A_85] : memref<10240x128xf32, #tpu.memory_space<vmem_shared>> -> memref<80x128xf32, #tpu.memory_space<vmem_shared>>
      %dma_start3A_87 = arith.constant 0 : i32
      %dma_start3A_88 = tpu.memref_slice %arg12[%add3A_58, %dma_start3A_87] : memref<10240x128xf32, #tpu.memory_space<vmem_shared>> -> memref<80x128xf32, #tpu.memory_space<vmem_shared>>
      tpu.enqueue_dma source(%dma_start3A_88 : memref<80x128xf32, #tpu.memory_space<vmem_shared>>) target(%arg10 : memref<80x128xf32, #tpu.memory_space<vmem>>) target_semaphore(%run_scoped3A : memref<!tpu.dma_semaphore, #tpu.memory_space<semaphore_mem>>)
      %dma_wait3A_89 = arith.constant 0 : i32
      %dma_wait3A_90 = tpu.memref_slice %arg12[%add3A_58, %dma_wait3A_89] : memref<10240x128xf32, #tpu.memory_space<vmem_shared>> -> memref<80x128xf32, #tpu.memory_space<vmem_shared>>
      %dma_wait3A_91 = arith.constant 0 : i32
      %dma_wait3A_92 = tpu.memref_slice %arg12[%add3A_58, %dma_wait3A_91] : memref<10240x128xf32, #tpu.memory_space<vmem_shared>> -> memref<80x128xf32, #tpu.memory_space<vmem_shared>>
      tpu.wait_dma2 semaphore(%run_scoped3A : memref<!tpu.dma_semaphore, #tpu.memory_space<semaphore_mem>>) src(%dma_wait3A_92 : memref<80x128xf32, #tpu.memory_space<vmem_shared>>) dst(%arg10 : memref<80x128xf32, #tpu.memory_space<vmem>>)
      tpu.yield
    }) : () -> ()
    %add3A_59 = arith.constant 80 : i32
    %add3A_60 = arith.addi %mul3A_2, %add3A_59 : i32
    "tpu.region"() ({
      %run_scoped3A = tpu.sem_alloc : memref<!tpu.dma_semaphore, #tpu.memory_space<semaphore_mem>>
      %dma_start3A_85 = arith.constant 0 : i32
      %dma_start3A_86 = tpu.memref_slice %arg5[%arg0, %add3A_60, %dma_start3A_85] : memref<2x10240x128xf32, #tpu.memory_space<hbm>> -> memref<1x80x128xf32, #tpu.memory_space<hbm>>
      %dma_start3A_87 = tpu.memref_squeeze %dma_start3A_86 : memref<1x80x128xf32, #tpu.memory_space<hbm>> -> memref<80x128xf32, #tpu.memory_space<hbm>>
      %dma_start3A_88 = arith.constant 0 : i32
      %dma_start3A_89 = tpu.memref_slice %arg5[%arg0, %add3A_60, %dma_start3A_88] : memref<2x10240x128xf32, #tpu.memory_space<hbm>> -> memref<1x80x128xf32, #tpu.memory_space<hbm>>
      %dma_start3A_90 = tpu.memref_squeeze %dma_start3A_89 : memref<1x80x128xf32, #tpu.memory_space<hbm>> -> memref<80x128xf32, #tpu.memory_space<hbm>>
      tpu.enqueue_dma source(%arg10 : memref<80x128xf32, #tpu.memory_space<vmem>>) target(%dma_start3A_90 : memref<80x128xf32, #tpu.memory_space<hbm>>) target_semaphore(%run_scoped3A : memref<!tpu.dma_semaphore, #tpu.memory_space<semaphore_mem>>)
      %dma_wait3A_91 = arith.constant 0 : i32
      %dma_wait3A_92 = tpu.memref_slice %arg5[%arg0, %add3A_60, %dma_wait3A_91] : memref<2x10240x128xf32, #tpu.memory_space<hbm>> -> memref<1x80x128xf32, #tpu.memory_space<hbm>>
      %dma_wait3A_93 = tpu.memref_squeeze %dma_wait3A_92 : memref<1x80x128xf32, #tpu.memory_space<hbm>> -> memref<80x128xf32, #tpu.memory_space<hbm>>
      %dma_wait3A_94 = arith.constant 0 : i32
      %dma_wait3A_95 = tpu.memref_slice %arg5[%arg0, %add3A_60, %dma_wait3A_94] : memref<2x10240x128xf32, #tpu.memory_space<hbm>> -> memref<1x80x128xf32, #tpu.memory_space<hbm>>
      %dma_wait3A_96 = tpu.memref_squeeze %dma_wait3A_95 : memref<1x80x128xf32, #tpu.memory_space<hbm>> -> memref<80x128xf32, #tpu.memory_space<hbm>>
      tpu.wait_dma2 semaphore(%run_scoped3A : memref<!tpu.dma_semaphore, #tpu.memory_space<semaphore_mem>>) src(%arg10 : memref<80x128xf32, #tpu.memory_space<vmem>>) dst(%dma_wait3A_96 : memref<80x128xf32, #tpu.memory_space<hbm>>)
      tpu.yield
    }) : () -> ()
    %add3A_61 = arith.constant 160 : i32
    %add3A_62 = arith.addi %mul3A_2, %add3A_61 : i32
    "tpu.region"() ({
      %run_scoped3A = tpu.sem_alloc : memref<!tpu.dma_semaphore, #tpu.memory_space<semaphore_mem>>
      %dma_start3A_85 = arith.constant 0 : i32
      %dma_start3A_86 = tpu.memref_slice %arg12[%add3A_62, %dma_start3A_85] : memref<10240x128xf32, #tpu.memory_space<vmem_shared>> -> memref<80x128xf32, #tpu.memory_space<vmem_shared>>
      %dma_start3A_87 = arith.constant 0 : i32
      %dma_start3A_88 = tpu.memref_slice %arg12[%add3A_62, %dma_start3A_87] : memref<10240x128xf32, #tpu.memory_space<vmem_shared>> -> memref<80x128xf32, #tpu.memory_space<vmem_shared>>
      tpu.enqueue_dma source(%dma_start3A_88 : memref<80x128xf32, #tpu.memory_space<vmem_shared>>) target(%arg10 : memref<80x128xf32, #tpu.memory_space<vmem>>) target_semaphore(%run_scoped3A : memref<!tpu.dma_semaphore, #tpu.memory_space<semaphore_mem>>)
      %dma_wait3A_89 = arith.constant 0 : i32
      %dma_wait3A_90 = tpu.memref_slice %arg12[%add3A_62, %dma_wait3A_89] : memref<10240x128xf32, #tpu.memory_space<vmem_shared>> -> memref<80x128xf32, #tpu.memory_space<vmem_shared>>
      %dma_wait3A_91 = arith.constant 0 : i32
      %dma_wait3A_92 = tpu.memref_slice %arg12[%add3A_62, %dma_wait3A_91] : memref<10240x128xf32, #tpu.memory_space<vmem_shared>> -> memref<80x128xf32, #tpu.memory_space<vmem_shared>>
      tpu.wait_dma2 semaphore(%run_scoped3A : memref<!tpu.dma_semaphore, #tpu.memory_space<semaphore_mem>>) src(%dma_wait3A_92 : memref<80x128xf32, #tpu.memory_space<vmem_shared>>) dst(%arg10 : memref<80x128xf32, #tpu.memory_space<vmem>>)
      tpu.yield
    }) : () -> ()
    %add3A_63 = arith.constant 160 : i32
    %add3A_64 = arith.addi %mul3A_2, %add3A_63 : i32
    "tpu.region"() ({
      %run_scoped3A = tpu.sem_alloc : memref<!tpu.dma_semaphore, #tpu.memory_space<semaphore_mem>>
      %dma_start3A_85 = arith.constant 0 : i32
      %dma_start3A_86 = tpu.memref_slice %arg5[%arg0, %add3A_64, %dma_start3A_85] : memref<2x10240x128xf32, #tpu.memory_space<hbm>> -> memref<1x80x128xf32, #tpu.memory_space<hbm>>
      %dma_start3A_87 = tpu.memref_squeeze %dma_start3A_86 : memref<1x80x128xf32, #tpu.memory_space<hbm>> -> memref<80x128xf32, #tpu.memory_space<hbm>>
      %dma_start3A_88 = arith.constant 0 : i32
      %dma_start3A_89 = tpu.memref_slice %arg5[%arg0, %add3A_64, %dma_start3A_88] : memref<2x10240x128xf32, #tpu.memory_space<hbm>> -> memref<1x80x128xf32, #tpu.memory_space<hbm>>
      %dma_start3A_90 = tpu.memref_squeeze %dma_start3A_89 : memref<1x80x128xf32, #tpu.memory_space<hbm>> -> memref<80x128xf32, #tpu.memory_space<hbm>>
      tpu.enqueue_dma source(%arg10 : memref<80x128xf32, #tpu.memory_space<vmem>>) target(%dma_start3A_90 : memref<80x128xf32, #tpu.memory_space<hbm>>) target_semaphore(%run_scoped3A : memref<!tpu.dma_semaphore, #tpu.memory_space<semaphore_mem>>)
      %dma_wait3A_91 = arith.constant 0 : i32
      %dma_wait3A_92 = tpu.memref_slice %arg5[%arg0, %add3A_64, %dma_wait3A_91] : memref<2x10240x128xf32, #tpu.memory_space<hbm>> -> memref<1x80x128xf32, #tpu.memory_space<hbm>>
      %dma_wait3A_93 = tpu.memref_squeeze %dma_wait3A_92 : memref<1x80x128xf32, #tpu.memory_space<hbm>> -> memref<80x128xf32, #tpu.memory_space<hbm>>
      %dma_wait3A_94 = arith.constant 0 : i32
      %dma_wait3A_95 = tpu.memref_slice %arg5[%arg0, %add3A_64, %dma_wait3A_94] : memref<2x10240x128xf32, #tpu.memory_space<hbm>> -> memref<1x80x128xf32, #tpu.memory_space<hbm>>
      %dma_wait3A_96 = tpu.memref_squeeze %dma_wait3A_95 : memref<1x80x128xf32, #tpu.memory_space<hbm>> -> memref<80x128xf32, #tpu.memory_space<hbm>>
      tpu.wait_dma2 semaphore(%run_scoped3A : memref<!tpu.dma_semaphore, #tpu.memory_space<semaphore_mem>>) src(%arg10 : memref<80x128xf32, #tpu.memory_space<vmem>>) dst(%dma_wait3A_96 : memref<80x128xf32, #tpu.memory_space<hbm>>)
      tpu.yield
    }) : () -> ()
    %add3A_65 = arith.constant 240 : i32
    %add3A_66 = arith.addi %mul3A_2, %add3A_65 : i32
    "tpu.region"() ({
      %run_scoped3A = tpu.sem_alloc : memref<!tpu.dma_semaphore, #tpu.memory_space<semaphore_mem>>
      %dma_start3A_85 = arith.constant 0 : i32
      %dma_start3A_86 = tpu.memref_slice %arg12[%add3A_66, %dma_start3A_85] : memref<10240x128xf32, #tpu.memory_space<vmem_shared>> -> memref<80x128xf32, #tpu.memory_space<vmem_shared>>
      %dma_start3A_87 = arith.constant 0 : i32
      %dma_start3A_88 = tpu.memref_slice %arg12[%add3A_66, %dma_start3A_87] : memref<10240x128xf32, #tpu.memory_space<vmem_shared>> -> memref<80x128xf32, #tpu.memory_space<vmem_shared>>
      tpu.enqueue_dma source(%dma_start3A_88 : memref<80x128xf32, #tpu.memory_space<vmem_shared>>) target(%arg10 : memref<80x128xf32, #tpu.memory_space<vmem>>) target_semaphore(%run_scoped3A : memref<!tpu.dma_semaphore, #tpu.memory_space<semaphore_mem>>)
      %dma_wait3A_89 = arith.constant 0 : i32
      %dma_wait3A_90 = tpu.memref_slice %arg12[%add3A_66, %dma_wait3A_89] : memref<10240x128xf32, #tpu.memory_space<vmem_shared>> -> memref<80x128xf32, #tpu.memory_space<vmem_shared>>
      %dma_wait3A_91 = arith.constant 0 : i32
      %dma_wait3A_92 = tpu.memref_slice %arg12[%add3A_66, %dma_wait3A_91] : memref<10240x128xf32, #tpu.memory_space<vmem_shared>> -> memref<80x128xf32, #tpu.memory_space<vmem_shared>>
      tpu.wait_dma2 semaphore(%run_scoped3A : memref<!tpu.dma_semaphore, #tpu.memory_space<semaphore_mem>>) src(%dma_wait3A_92 : memref<80x128xf32, #tpu.memory_space<vmem_shared>>) dst(%arg10 : memref<80x128xf32, #tpu.memory_space<vmem>>)
      tpu.yield
    }) : () -> ()
    %add3A_67 = arith.constant 240 : i32
    %add3A_68 = arith.addi %mul3A_2, %add3A_67 : i32
    "tpu.region"() ({
      %run_scoped3A = tpu.sem_alloc : memref<!tpu.dma_semaphore, #tpu.memory_space<semaphore_mem>>
      %dma_start3A_85 = arith.constant 0 : i32
      %dma_start3A_86 = tpu.memref_slice %arg5[%arg0, %add3A_68, %dma_start3A_85] : memref<2x10240x128xf32, #tpu.memory_space<hbm>> -> memref<1x80x128xf32, #tpu.memory_space<hbm>>
      %dma_start3A_87 = tpu.memref_squeeze %dma_start3A_86 : memref<1x80x128xf32, #tpu.memory_space<hbm>> -> memref<80x128xf32, #tpu.memory_space<hbm>>
      %dma_start3A_88 = arith.constant 0 : i32
      %dma_start3A_89 = tpu.memref_slice %arg5[%arg0, %add3A_68, %dma_start3A_88] : memref<2x10240x128xf32, #tpu.memory_space<hbm>> -> memref<1x80x128xf32, #tpu.memory_space<hbm>>
      %dma_start3A_90 = tpu.memref_squeeze %dma_start3A_89 : memref<1x80x128xf32, #tpu.memory_space<hbm>> -> memref<80x128xf32, #tpu.memory_space<hbm>>
      tpu.enqueue_dma source(%arg10 : memref<80x128xf32, #tpu.memory_space<vmem>>) target(%dma_start3A_90 : memref<80x128xf32, #tpu.memory_space<hbm>>) target_semaphore(%run_scoped3A : memref<!tpu.dma_semaphore, #tpu.memory_space<semaphore_mem>>)
      %dma_wait3A_91 = arith.constant 0 : i32
      %dma_wait3A_92 = tpu.memref_slice %arg5[%arg0, %add3A_68, %dma_wait3A_91] : memref<2x10240x128xf32, #tpu.memory_space<hbm>> -> memref<1x80x128xf32, #tpu.memory_space<hbm>>
      %dma_wait3A_93 = tpu.memref_squeeze %dma_wait3A_92 : memref<1x80x128xf32, #tpu.memory_space<hbm>> -> memref<80x128xf32, #tpu.memory_space<hbm>>
      %dma_wait3A_94 = arith.constant 0 : i32
      %dma_wait3A_95 = tpu.memref_slice %arg5[%arg0, %add3A_68, %dma_wait3A_94] : memref<2x10240x128xf32, #tpu.memory_space<hbm>> -> memref<1x80x128xf32, #tpu.memory_space<hbm>>
      %dma_wait3A_96 = tpu.memref_squeeze %dma_wait3A_95 : memref<1x80x128xf32, #tpu.memory_space<hbm>> -> memref<80x128xf32, #tpu.memory_space<hbm>>
      tpu.wait_dma2 semaphore(%run_scoped3A : memref<!tpu.dma_semaphore, #tpu.memory_space<semaphore_mem>>) src(%arg10 : memref<80x128xf32, #tpu.memory_space<vmem>>) dst(%dma_wait3A_96 : memref<80x128xf32, #tpu.memory_space<hbm>>)
      tpu.yield
    }) : () -> ()
    %add3A_69 = arith.constant 320 : i32
    %add3A_70 = arith.addi %mul3A_2, %add3A_69 : i32
    "tpu.region"() ({
      %run_scoped3A = tpu.sem_alloc : memref<!tpu.dma_semaphore, #tpu.memory_space<semaphore_mem>>
      %dma_start3A_85 = arith.constant 0 : i32
      %dma_start3A_86 = tpu.memref_slice %arg12[%add3A_70, %dma_start3A_85] : memref<10240x128xf32, #tpu.memory_space<vmem_shared>> -> memref<80x128xf32, #tpu.memory_space<vmem_shared>>
      %dma_start3A_87 = arith.constant 0 : i32
      %dma_start3A_88 = tpu.memref_slice %arg12[%add3A_70, %dma_start3A_87] : memref<10240x128xf32, #tpu.memory_space<vmem_shared>> -> memref<80x128xf32, #tpu.memory_space<vmem_shared>>
      tpu.enqueue_dma source(%dma_start3A_88 : memref<80x128xf32, #tpu.memory_space<vmem_shared>>) target(%arg10 : memref<80x128xf32, #tpu.memory_space<vmem>>) target_semaphore(%run_scoped3A : memref<!tpu.dma_semaphore, #tpu.memory_space<semaphore_mem>>)
      %dma_wait3A_89 = arith.constant 0 : i32
      %dma_wait3A_90 = tpu.memref_slice %arg12[%add3A_70, %dma_wait3A_89] : memref<10240x128xf32, #tpu.memory_space<vmem_shared>> -> memref<80x128xf32, #tpu.memory_space<vmem_shared>>
      %dma_wait3A_91 = arith.constant 0 : i32
      %dma_wait3A_92 = tpu.memref_slice %arg12[%add3A_70, %dma_wait3A_91] : memref<10240x128xf32, #tpu.memory_space<vmem_shared>> -> memref<80x128xf32, #tpu.memory_space<vmem_shared>>
      tpu.wait_dma2 semaphore(%run_scoped3A : memref<!tpu.dma_semaphore, #tpu.memory_space<semaphore_mem>>) src(%dma_wait3A_92 : memref<80x128xf32, #tpu.memory_space<vmem_shared>>) dst(%arg10 : memref<80x128xf32, #tpu.memory_space<vmem>>)
      tpu.yield
    }) : () -> ()
    %add3A_71 = arith.constant 320 : i32
    %add3A_72 = arith.addi %mul3A_2, %add3A_71 : i32
    "tpu.region"() ({
      %run_scoped3A = tpu.sem_alloc : memref<!tpu.dma_semaphore, #tpu.memory_space<semaphore_mem>>
      %dma_start3A_85 = arith.constant 0 : i32
      %dma_start3A_86 = tpu.memref_slice %arg5[%arg0, %add3A_72, %dma_start3A_85] : memref<2x10240x128xf32, #tpu.memory_space<hbm>> -> memref<1x80x128xf32, #tpu.memory_space<hbm>>
      %dma_start3A_87 = tpu.memref_squeeze %dma_start3A_86 : memref<1x80x128xf32, #tpu.memory_space<hbm>> -> memref<80x128xf32, #tpu.memory_space<hbm>>
      %dma_start3A_88 = arith.constant 0 : i32
      %dma_start3A_89 = tpu.memref_slice %arg5[%arg0, %add3A_72, %dma_start3A_88] : memref<2x10240x128xf32, #tpu.memory_space<hbm>> -> memref<1x80x128xf32, #tpu.memory_space<hbm>>
      %dma_start3A_90 = tpu.memref_squeeze %dma_start3A_89 : memref<1x80x128xf32, #tpu.memory_space<hbm>> -> memref<80x128xf32, #tpu.memory_space<hbm>>
      tpu.enqueue_dma source(%arg10 : memref<80x128xf32, #tpu.memory_space<vmem>>) target(%dma_start3A_90 : memref<80x128xf32, #tpu.memory_space<hbm>>) target_semaphore(%run_scoped3A : memref<!tpu.dma_semaphore, #tpu.memory_space<semaphore_mem>>)
      %dma_wait3A_91 = arith.constant 0 : i32
      %dma_wait3A_92 = tpu.memref_slice %arg5[%arg0, %add3A_72, %dma_wait3A_91] : memref<2x10240x128xf32, #tpu.memory_space<hbm>> -> memref<1x80x128xf32, #tpu.memory_space<hbm>>
      %dma_wait3A_93 = tpu.memref_squeeze %dma_wait3A_92 : memref<1x80x128xf32, #tpu.memory_space<hbm>> -> memref<80x128xf32, #tpu.memory_space<hbm>>
      %dma_wait3A_94 = arith.constant 0 : i32
      %dma_wait3A_95 = tpu.memref_slice %arg5[%arg0, %add3A_72, %dma_wait3A_94] : memref<2x10240x128xf32, #tpu.memory_space<hbm>> -> memref<1x80x128xf32, #tpu.memory_space<hbm>>
      %dma_wait3A_96 = tpu.memref_squeeze %dma_wait3A_95 : memref<1x80x128xf32, #tpu.memory_space<hbm>> -> memref<80x128xf32, #tpu.memory_space<hbm>>
      tpu.wait_dma2 semaphore(%run_scoped3A : memref<!tpu.dma_semaphore, #tpu.memory_space<semaphore_mem>>) src(%arg10 : memref<80x128xf32, #tpu.memory_space<vmem>>) dst(%dma_wait3A_96 : memref<80x128xf32, #tpu.memory_space<hbm>>)
      tpu.yield
    }) : () -> ()
    %add3A_73 = arith.constant 400 : i32
    %add3A_74 = arith.addi %mul3A_2, %add3A_73 : i32
    "tpu.region"() ({
      %run_scoped3A = tpu.sem_alloc : memref<!tpu.dma_semaphore, #tpu.memory_space<semaphore_mem>>
      %dma_start3A_85 = arith.constant 0 : i32
      %dma_start3A_86 = tpu.memref_slice %arg12[%add3A_74, %dma_start3A_85] : memref<10240x128xf32, #tpu.memory_space<vmem_shared>> -> memref<80x128xf32, #tpu.memory_space<vmem_shared>>
      %dma_start3A_87 = arith.constant 0 : i32
      %dma_start3A_88 = tpu.memref_slice %arg12[%add3A_74, %dma_start3A_87] : memref<10240x128xf32, #tpu.memory_space<vmem_shared>> -> memref<80x128xf32, #tpu.memory_space<vmem_shared>>
      tpu.enqueue_dma source(%dma_start3A_88 : memref<80x128xf32, #tpu.memory_space<vmem_shared>>) target(%arg10 : memref<80x128xf32, #tpu.memory_space<vmem>>) target_semaphore(%run_scoped3A : memref<!tpu.dma_semaphore, #tpu.memory_space<semaphore_mem>>)
      %dma_wait3A_89 = arith.constant 0 : i32
      %dma_wait3A_90 = tpu.memref_slice %arg12[%add3A_74, %dma_wait3A_89] : memref<10240x128xf32, #tpu.memory_space<vmem_shared>> -> memref<80x128xf32, #tpu.memory_space<vmem_shared>>
      %dma_wait3A_91 = arith.constant 0 : i32
      %dma_wait3A_92 = tpu.memref_slice %arg12[%add3A_74, %dma_wait3A_91] : memref<10240x128xf32, #tpu.memory_space<vmem_shared>> -> memref<80x128xf32, #tpu.memory_space<vmem_shared>>
      tpu.wait_dma2 semaphore(%run_scoped3A : memref<!tpu.dma_semaphore, #tpu.memory_space<semaphore_mem>>) src(%dma_wait3A_92 : memref<80x128xf32, #tpu.memory_space<vmem_shared>>) dst(%arg10 : memref<80x128xf32, #tpu.memory_space<vmem>>)
      tpu.yield
    }) : () -> ()
    %add3A_75 = arith.constant 400 : i32
    %add3A_76 = arith.addi %mul3A_2, %add3A_75 : i32
    "tpu.region"() ({
      %run_scoped3A = tpu.sem_alloc : memref<!tpu.dma_semaphore, #tpu.memory_space<semaphore_mem>>
      %dma_start3A_85 = arith.constant 0 : i32
      %dma_start3A_86 = tpu.memref_slice %arg5[%arg0, %add3A_76, %dma_start3A_85] : memref<2x10240x128xf32, #tpu.memory_space<hbm>> -> memref<1x80x128xf32, #tpu.memory_space<hbm>>
      %dma_start3A_87 = tpu.memref_squeeze %dma_start3A_86 : memref<1x80x128xf32, #tpu.memory_space<hbm>> -> memref<80x128xf32, #tpu.memory_space<hbm>>
      %dma_start3A_88 = arith.constant 0 : i32
      %dma_start3A_89 = tpu.memref_slice %arg5[%arg0, %add3A_76, %dma_start3A_88] : memref<2x10240x128xf32, #tpu.memory_space<hbm>> -> memref<1x80x128xf32, #tpu.memory_space<hbm>>
      %dma_start3A_90 = tpu.memref_squeeze %dma_start3A_89 : memref<1x80x128xf32, #tpu.memory_space<hbm>> -> memref<80x128xf32, #tpu.memory_space<hbm>>
      tpu.enqueue_dma source(%arg10 : memref<80x128xf32, #tpu.memory_space<vmem>>) target(%dma_start3A_90 : memref<80x128xf32, #tpu.memory_space<hbm>>) target_semaphore(%run_scoped3A : memref<!tpu.dma_semaphore, #tpu.memory_space<semaphore_mem>>)
      %dma_wait3A_91 = arith.constant 0 : i32
      %dma_wait3A_92 = tpu.memref_slice %arg5[%arg0, %add3A_76, %dma_wait3A_91] : memref<2x10240x128xf32, #tpu.memory_space<hbm>> -> memref<1x80x128xf32, #tpu.memory_space<hbm>>
      %dma_wait3A_93 = tpu.memref_squeeze %dma_wait3A_92 : memref<1x80x128xf32, #tpu.memory_space<hbm>> -> memref<80x128xf32, #tpu.memory_space<hbm>>
      %dma_wait3A_94 = arith.constant 0 : i32
      %dma_wait3A_95 = tpu.memref_slice %arg5[%arg0, %add3A_76, %dma_wait3A_94] : memref<2x10240x128xf32, #tpu.memory_space<hbm>> -> memref<1x80x128xf32, #tpu.memory_space<hbm>>
      %dma_wait3A_96 = tpu.memref_squeeze %dma_wait3A_95 : memref<1x80x128xf32, #tpu.memory_space<hbm>> -> memref<80x128xf32, #tpu.memory_space<hbm>>
      tpu.wait_dma2 semaphore(%run_scoped3A : memref<!tpu.dma_semaphore, #tpu.memory_space<semaphore_mem>>) src(%arg10 : memref<80x128xf32, #tpu.memory_space<vmem>>) dst(%dma_wait3A_96 : memref<80x128xf32, #tpu.memory_space<hbm>>)
      tpu.yield
    }) : () -> ()
    %add3A_77 = arith.constant 480 : i32
    %add3A_78 = arith.addi %mul3A_2, %add3A_77 : i32
    "tpu.region"() ({
      %run_scoped3A = tpu.sem_alloc : memref<!tpu.dma_semaphore, #tpu.memory_space<semaphore_mem>>
      %dma_start3A_85 = arith.constant 0 : i32
      %dma_start3A_86 = tpu.memref_slice %arg12[%add3A_78, %dma_start3A_85] : memref<10240x128xf32, #tpu.memory_space<vmem_shared>> -> memref<80x128xf32, #tpu.memory_space<vmem_shared>>
      %dma_start3A_87 = arith.constant 0 : i32
      %dma_start3A_88 = tpu.memref_slice %arg12[%add3A_78, %dma_start3A_87] : memref<10240x128xf32, #tpu.memory_space<vmem_shared>> -> memref<80x128xf32, #tpu.memory_space<vmem_shared>>
      tpu.enqueue_dma source(%dma_start3A_88 : memref<80x128xf32, #tpu.memory_space<vmem_shared>>) target(%arg10 : memref<80x128xf32, #tpu.memory_space<vmem>>) target_semaphore(%run_scoped3A : memref<!tpu.dma_semaphore, #tpu.memory_space<semaphore_mem>>)
      %dma_wait3A_89 = arith.constant 0 : i32
      %dma_wait3A_90 = tpu.memref_slice %arg12[%add3A_78, %dma_wait3A_89] : memref<10240x128xf32, #tpu.memory_space<vmem_shared>> -> memref<80x128xf32, #tpu.memory_space<vmem_shared>>
      %dma_wait3A_91 = arith.constant 0 : i32
      %dma_wait3A_92 = tpu.memref_slice %arg12[%add3A_78, %dma_wait3A_91] : memref<10240x128xf32, #tpu.memory_space<vmem_shared>> -> memref<80x128xf32, #tpu.memory_space<vmem_shared>>
      tpu.wait_dma2 semaphore(%run_scoped3A : memref<!tpu.dma_semaphore, #tpu.memory_space<semaphore_mem>>) src(%dma_wait3A_92 : memref<80x128xf32, #tpu.memory_space<vmem_shared>>) dst(%arg10 : memref<80x128xf32, #tpu.memory_space<vmem>>)
      tpu.yield
    }) : () -> ()
    %add3A_79 = arith.constant 480 : i32
    %add3A_80 = arith.addi %mul3A_2, %add3A_79 : i32
    "tpu.region"() ({
      %run_scoped3A = tpu.sem_alloc : memref<!tpu.dma_semaphore, #tpu.memory_space<semaphore_mem>>
      %dma_start3A_85 = arith.constant 0 : i32
      %dma_start3A_86 = tpu.memref_slice %arg5[%arg0, %add3A_80, %dma_start3A_85] : memref<2x10240x128xf32, #tpu.memory_space<hbm>> -> memref<1x80x128xf32, #tpu.memory_space<hbm>>
      %dma_start3A_87 = tpu.memref_squeeze %dma_start3A_86 : memref<1x80x128xf32, #tpu.memory_space<hbm>> -> memref<80x128xf32, #tpu.memory_space<hbm>>
      %dma_start3A_88 = arith.constant 0 : i32
      %dma_start3A_89 = tpu.memref_slice %arg5[%arg0, %add3A_80, %dma_start3A_88] : memref<2x10240x128xf32, #tpu.memory_space<hbm>> -> memref<1x80x128xf32, #tpu.memory_space<hbm>>
      %dma_start3A_90 = tpu.memref_squeeze %dma_start3A_89 : memref<1x80x128xf32, #tpu.memory_space<hbm>> -> memref<80x128xf32, #tpu.memory_space<hbm>>
      tpu.enqueue_dma source(%arg10 : memref<80x128xf32, #tpu.memory_space<vmem>>) target(%dma_start3A_90 : memref<80x128xf32, #tpu.memory_space<hbm>>) target_semaphore(%run_scoped3A : memref<!tpu.dma_semaphore, #tpu.memory_space<semaphore_mem>>)
      %dma_wait3A_91 = arith.constant 0 : i32
      %dma_wait3A_92 = tpu.memref_slice %arg5[%arg0, %add3A_80, %dma_wait3A_91] : memref<2x10240x128xf32, #tpu.memory_space<hbm>> -> memref<1x80x128xf32, #tpu.memory_space<hbm>>
      %dma_wait3A_93 = tpu.memref_squeeze %dma_wait3A_92 : memref<1x80x128xf32, #tpu.memory_space<hbm>> -> memref<80x128xf32, #tpu.memory_space<hbm>>
      %dma_wait3A_94 = arith.constant 0 : i32
      %dma_wait3A_95 = tpu.memref_slice %arg5[%arg0, %add3A_80, %dma_wait3A_94] : memref<2x10240x128xf32, #tpu.memory_space<hbm>> -> memref<1x80x128xf32, #tpu.memory_space<hbm>>
      %dma_wait3A_96 = tpu.memref_squeeze %dma_wait3A_95 : memref<1x80x128xf32, #tpu.memory_space<hbm>> -> memref<80x128xf32, #tpu.memory_space<hbm>>
      tpu.wait_dma2 semaphore(%run_scoped3A : memref<!tpu.dma_semaphore, #tpu.memory_space<semaphore_mem>>) src(%arg10 : memref<80x128xf32, #tpu.memory_space<vmem>>) dst(%dma_wait3A_96 : memref<80x128xf32, #tpu.memory_space<hbm>>)
      tpu.yield
    }) : () -> ()
    %add3A_81 = arith.constant 560 : i32
    %add3A_82 = arith.addi %mul3A_2, %add3A_81 : i32
    "tpu.region"() ({
      %run_scoped3A = tpu.sem_alloc : memref<!tpu.dma_semaphore, #tpu.memory_space<semaphore_mem>>
      %dma_start3A_85 = arith.constant 0 : i32
      %dma_start3A_86 = tpu.memref_slice %arg12[%add3A_82, %dma_start3A_85] : memref<10240x128xf32, #tpu.memory_space<vmem_shared>> -> memref<80x128xf32, #tpu.memory_space<vmem_shared>>
      %dma_start3A_87 = arith.constant 0 : i32
      %dma_start3A_88 = tpu.memref_slice %arg12[%add3A_82, %dma_start3A_87] : memref<10240x128xf32, #tpu.memory_space<vmem_shared>> -> memref<80x128xf32, #tpu.memory_space<vmem_shared>>
      tpu.enqueue_dma source(%dma_start3A_88 : memref<80x128xf32, #tpu.memory_space<vmem_shared>>) target(%arg10 : memref<80x128xf32, #tpu.memory_space<vmem>>) target_semaphore(%run_scoped3A : memref<!tpu.dma_semaphore, #tpu.memory_space<semaphore_mem>>)
      %dma_wait3A_89 = arith.constant 0 : i32
      %dma_wait3A_90 = tpu.memref_slice %arg12[%add3A_82, %dma_wait3A_89] : memref<10240x128xf32, #tpu.memory_space<vmem_shared>> -> memref<80x128xf32, #tpu.memory_space<vmem_shared>>
      %dma_wait3A_91 = arith.constant 0 : i32
      %dma_wait3A_92 = tpu.memref_slice %arg12[%add3A_82, %dma_wait3A_91] : memref<10240x128xf32, #tpu.memory_space<vmem_shared>> -> memref<80x128xf32, #tpu.memory_space<vmem_shared>>
      tpu.wait_dma2 semaphore(%run_scoped3A : memref<!tpu.dma_semaphore, #tpu.memory_space<semaphore_mem>>) src(%dma_wait3A_92 : memref<80x128xf32, #tpu.memory_space<vmem_shared>>) dst(%arg10 : memref<80x128xf32, #tpu.memory_space<vmem>>)
      tpu.yield
    }) : () -> ()
    %add3A_83 = arith.constant 560 : i32
    %add3A_84 = arith.addi %mul3A_2, %add3A_83 : i32
    "tpu.region"() ({
      %run_scoped3A = tpu.sem_alloc : memref<!tpu.dma_semaphore, #tpu.memory_space<semaphore_mem>>
      %dma_start3A_85 = arith.constant 0 : i32
      %dma_start3A_86 = tpu.memref_slice %arg5[%arg0, %add3A_84, %dma_start3A_85] : memref<2x10240x128xf32, #tpu.memory_space<hbm>> -> memref<1x80x128xf32, #tpu.memory_space<hbm>>
      %dma_start3A_87 = tpu.memref_squeeze %dma_start3A_86 : memref<1x80x128xf32, #tpu.memory_space<hbm>> -> memref<80x128xf32, #tpu.memory_space<hbm>>
      %dma_start3A_88 = arith.constant 0 : i32
      %dma_start3A_89 = tpu.memref_slice %arg5[%arg0, %add3A_84, %dma_start3A_88] : memref<2x10240x128xf32, #tpu.memory_space<hbm>> -> memref<1x80x128xf32, #tpu.memory_space<hbm>>
      %dma_start3A_90 = tpu.memref_squeeze %dma_start3A_89 : memref<1x80x128xf32, #tpu.memory_space<hbm>> -> memref<80x128xf32, #tpu.memory_space<hbm>>
      tpu.enqueue_dma source(%arg10 : memref<80x128xf32, #tpu.memory_space<vmem>>) target(%dma_start3A_90 : memref<80x128xf32, #tpu.memory_space<hbm>>) target_semaphore(%run_scoped3A : memref<!tpu.dma_semaphore, #tpu.memory_space<semaphore_mem>>)
      %dma_wait3A_91 = arith.constant 0 : i32
      %dma_wait3A_92 = tpu.memref_slice %arg5[%arg0, %add3A_84, %dma_wait3A_91] : memref<2x10240x128xf32, #tpu.memory_space<hbm>> -> memref<1x80x128xf32, #tpu.memory_space<hbm>>
      %dma_wait3A_93 = tpu.memref_squeeze %dma_wait3A_92 : memref<1x80x128xf32, #tpu.memory_space<hbm>> -> memref<80x128xf32, #tpu.memory_space<hbm>>
      %dma_wait3A_94 = arith.constant 0 : i32
      %dma_wait3A_95 = tpu.memref_slice %arg5[%arg0, %add3A_84, %dma_wait3A_94] : memref<2x10240x128xf32, #tpu.memory_space<hbm>> -> memref<1x80x128xf32, #tpu.memory_space<hbm>>
      %dma_wait3A_96 = tpu.memref_squeeze %dma_wait3A_95 : memref<1x80x128xf32, #tpu.memory_space<hbm>> -> memref<80x128xf32, #tpu.memory_space<hbm>>
      tpu.wait_dma2 semaphore(%run_scoped3A : memref<!tpu.dma_semaphore, #tpu.memory_space<semaphore_mem>>) src(%arg10 : memref<80x128xf32, #tpu.memory_space<vmem>>) dst(%dma_wait3A_96 : memref<80x128xf32, #tpu.memory_space<hbm>>)
      tpu.yield
    }) : () -> ()
    return
  }
}

#map = affine_map<(d0, d1) -> (0, 0)>
#map1 = affine_map<(d0, d1) -> (0)>
#map2 = affine_map<(d0, d1) -> (0, 0, 0)>
module attributes {stable_mosaic.version = 14 : i64} {
  func.func @_sc_agg(%arg0: i32, %arg1: i32, %arg2: memref<10240x128xf32, #tpu.memory_space<hbm>>, %arg3: memref<327680xi32, #tpu.memory_space<hbm>>, %arg4: memref<327680xi32, #tpu.memory_space<hbm>>, %arg5: memref<327680x16xf32, #tpu.memory_space<hbm>>, %arg6: memref<10240x128xf32, #tpu.memory_space<hbm>>, %arg7: memref<2x10240x128xf32, #tpu.memory_space<hbm>>, %arg8: memref<80xi32, #tpu.memory_space<vmem>>, %arg9: memref<80xi32, #tpu.memory_space<vmem>>, %arg10: memref<80xi32, #tpu.memory_space<vmem>>, %arg11: memref<80xi32, #tpu.memory_space<vmem>>, %arg12: memref<80x16xf32, #tpu.memory_space<vmem>>, %arg13: memref<80x16xf32, #tpu.memory_space<vmem>>, %arg14: memref<80x128xf32, #tpu.memory_space<vmem>>, %arg15: memref<80x128xf32, #tpu.memory_space<vmem>>, %arg16: memref<10240x128xf32, #tpu.memory_space<vmem_shared>>, %arg17: memref<!tpu.dma_semaphore, #tpu.memory_space<semaphore_mem>>, %arg18: memref<!tpu.dma_semaphore, #tpu.memory_space<semaphore_mem>>, %arg19: memref<!tpu.dma_semaphore, #tpu.memory_space<semaphore_mem>>, %arg20: memref<!tpu.dma_semaphore, #tpu.memory_space<semaphore_mem>>, %arg21: memref<!tpu.dma_semaphore, #tpu.memory_space<semaphore_mem>>, %arg22: memref<!tpu.dma_semaphore, #tpu.memory_space<semaphore_mem>>) attributes {dimension_semantics = [#tpu.dimension_semantics<core_parallel>, #tpu.dimension_semantics<subcore_parallel>], iteration_bounds = array<i64: 2, 16>, scalar_prefetch = 0 : i64, scratch_operands = 15 : i64, tpu.core_type = #tpu.core_type<sc_vector_subcore>, window_params = [{transform_indices = #map}, {transform_indices = #map1}, {transform_indices = #map1}, {transform_indices = #map}, {transform_indices = #map}, {transform_indices = #map2}]} {
    %mul3A = arith.constant 2 : i32
    %mul3A_0 = arith.muli %arg1, %mul3A : i32
    %add3A = arith.addi %mul3A_0, %arg0 : i32
    %mul3A_1 = arith.constant 640 : i32
    %mul3A_2 = arith.muli %arg1, %mul3A_1 : i32
    "tpu.region"() ({
      %run_scoped3A = tpu.sem_alloc : memref<!tpu.dma_semaphore, #tpu.memory_space<semaphore_mem>>
      %dma_start3A_91 = arith.constant 0 : i32
      %dma_start3A_92 = arith.constant 0 : i32
      %dma_start3A_93 = tpu.memref_slice %arg6[%dma_start3A_91, %dma_start3A_92] : memref<10240x128xf32, #tpu.memory_space<hbm>> -> memref<80x128xf32, #tpu.memory_space<hbm>>
      %dma_start3A_94 = arith.constant 0 : i32
      %dma_start3A_95 = arith.constant 0 : i32
      %dma_start3A_96 = tpu.memref_slice %arg6[%dma_start3A_94, %dma_start3A_95] : memref<10240x128xf32, #tpu.memory_space<hbm>> -> memref<80x128xf32, #tpu.memory_space<hbm>>
      tpu.enqueue_dma source(%dma_start3A_96 : memref<80x128xf32, #tpu.memory_space<hbm>>) target(%arg14 : memref<80x128xf32, #tpu.memory_space<vmem>>) target_semaphore(%run_scoped3A : memref<!tpu.dma_semaphore, #tpu.memory_space<semaphore_mem>>)
      %dma_wait3A_97 = arith.constant 0 : i32
      %dma_wait3A_98 = arith.constant 0 : i32
      %dma_wait3A_99 = tpu.memref_slice %arg6[%dma_wait3A_97, %dma_wait3A_98] : memref<10240x128xf32, #tpu.memory_space<hbm>> -> memref<80x128xf32, #tpu.memory_space<hbm>>
      %dma_wait3A_100 = arith.constant 0 : i32
      %dma_wait3A_101 = arith.constant 0 : i32
      %dma_wait3A_102 = tpu.memref_slice %arg6[%dma_wait3A_100, %dma_wait3A_101] : memref<10240x128xf32, #tpu.memory_space<hbm>> -> memref<80x128xf32, #tpu.memory_space<hbm>>
      tpu.wait_dma2 semaphore(%run_scoped3A : memref<!tpu.dma_semaphore, #tpu.memory_space<semaphore_mem>>) src(%dma_wait3A_102 : memref<80x128xf32, #tpu.memory_space<hbm>>) dst(%arg14 : memref<80x128xf32, #tpu.memory_space<vmem>>)
      tpu.yield
    }) : () -> ()
    %add3A_3 = arith.constant 0 : i32
    %add3A_4 = arith.addi %mul3A_2, %add3A_3 : i32
    "tpu.region"() ({
      %run_scoped3A = tpu.sem_alloc : memref<!tpu.dma_semaphore, #tpu.memory_space<semaphore_mem>>
      %dma_start3A_91 = arith.constant 0 : i32
      %dma_start3A_92 = tpu.memref_slice %arg16[%add3A_4, %dma_start3A_91] : memref<10240x128xf32, #tpu.memory_space<vmem_shared>> -> memref<80x128xf32, #tpu.memory_space<vmem_shared>>
      %dma_start3A_93 = arith.constant 0 : i32
      %dma_start3A_94 = tpu.memref_slice %arg16[%add3A_4, %dma_start3A_93] : memref<10240x128xf32, #tpu.memory_space<vmem_shared>> -> memref<80x128xf32, #tpu.memory_space<vmem_shared>>
      tpu.enqueue_dma source(%arg14 : memref<80x128xf32, #tpu.memory_space<vmem>>) target(%dma_start3A_94 : memref<80x128xf32, #tpu.memory_space<vmem_shared>>) target_semaphore(%run_scoped3A : memref<!tpu.dma_semaphore, #tpu.memory_space<semaphore_mem>>)
      %dma_wait3A_95 = arith.constant 0 : i32
      %dma_wait3A_96 = tpu.memref_slice %arg16[%add3A_4, %dma_wait3A_95] : memref<10240x128xf32, #tpu.memory_space<vmem_shared>> -> memref<80x128xf32, #tpu.memory_space<vmem_shared>>
      %dma_wait3A_97 = arith.constant 0 : i32
      %dma_wait3A_98 = tpu.memref_slice %arg16[%add3A_4, %dma_wait3A_97] : memref<10240x128xf32, #tpu.memory_space<vmem_shared>> -> memref<80x128xf32, #tpu.memory_space<vmem_shared>>
      tpu.wait_dma2 semaphore(%run_scoped3A : memref<!tpu.dma_semaphore, #tpu.memory_space<semaphore_mem>>) src(%arg14 : memref<80x128xf32, #tpu.memory_space<vmem>>) dst(%dma_wait3A_98 : memref<80x128xf32, #tpu.memory_space<vmem_shared>>)
      tpu.yield
    }) : () -> ()
    %add3A_5 = arith.constant 80 : i32
    %add3A_6 = arith.addi %mul3A_2, %add3A_5 : i32
    "tpu.region"() ({
      %run_scoped3A = tpu.sem_alloc : memref<!tpu.dma_semaphore, #tpu.memory_space<semaphore_mem>>
      %dma_start3A_91 = arith.constant 0 : i32
      %dma_start3A_92 = tpu.memref_slice %arg16[%add3A_6, %dma_start3A_91] : memref<10240x128xf32, #tpu.memory_space<vmem_shared>> -> memref<80x128xf32, #tpu.memory_space<vmem_shared>>
      %dma_start3A_93 = arith.constant 0 : i32
      %dma_start3A_94 = tpu.memref_slice %arg16[%add3A_6, %dma_start3A_93] : memref<10240x128xf32, #tpu.memory_space<vmem_shared>> -> memref<80x128xf32, #tpu.memory_space<vmem_shared>>
      tpu.enqueue_dma source(%arg14 : memref<80x128xf32, #tpu.memory_space<vmem>>) target(%dma_start3A_94 : memref<80x128xf32, #tpu.memory_space<vmem_shared>>) target_semaphore(%run_scoped3A : memref<!tpu.dma_semaphore, #tpu.memory_space<semaphore_mem>>)
      %dma_wait3A_95 = arith.constant 0 : i32
      %dma_wait3A_96 = tpu.memref_slice %arg16[%add3A_6, %dma_wait3A_95] : memref<10240x128xf32, #tpu.memory_space<vmem_shared>> -> memref<80x128xf32, #tpu.memory_space<vmem_shared>>
      %dma_wait3A_97 = arith.constant 0 : i32
      %dma_wait3A_98 = tpu.memref_slice %arg16[%add3A_6, %dma_wait3A_97] : memref<10240x128xf32, #tpu.memory_space<vmem_shared>> -> memref<80x128xf32, #tpu.memory_space<vmem_shared>>
      tpu.wait_dma2 semaphore(%run_scoped3A : memref<!tpu.dma_semaphore, #tpu.memory_space<semaphore_mem>>) src(%arg14 : memref<80x128xf32, #tpu.memory_space<vmem>>) dst(%dma_wait3A_98 : memref<80x128xf32, #tpu.memory_space<vmem_shared>>)
      tpu.yield
    }) : () -> ()
    %add3A_7 = arith.constant 160 : i32
    %add3A_8 = arith.addi %mul3A_2, %add3A_7 : i32
    "tpu.region"() ({
      %run_scoped3A = tpu.sem_alloc : memref<!tpu.dma_semaphore, #tpu.memory_space<semaphore_mem>>
      %dma_start3A_91 = arith.constant 0 : i32
      %dma_start3A_92 = tpu.memref_slice %arg16[%add3A_8, %dma_start3A_91] : memref<10240x128xf32, #tpu.memory_space<vmem_shared>> -> memref<80x128xf32, #tpu.memory_space<vmem_shared>>
      %dma_start3A_93 = arith.constant 0 : i32
      %dma_start3A_94 = tpu.memref_slice %arg16[%add3A_8, %dma_start3A_93] : memref<10240x128xf32, #tpu.memory_space<vmem_shared>> -> memref<80x128xf32, #tpu.memory_space<vmem_shared>>
      tpu.enqueue_dma source(%arg14 : memref<80x128xf32, #tpu.memory_space<vmem>>) target(%dma_start3A_94 : memref<80x128xf32, #tpu.memory_space<vmem_shared>>) target_semaphore(%run_scoped3A : memref<!tpu.dma_semaphore, #tpu.memory_space<semaphore_mem>>)
      %dma_wait3A_95 = arith.constant 0 : i32
      %dma_wait3A_96 = tpu.memref_slice %arg16[%add3A_8, %dma_wait3A_95] : memref<10240x128xf32, #tpu.memory_space<vmem_shared>> -> memref<80x128xf32, #tpu.memory_space<vmem_shared>>
      %dma_wait3A_97 = arith.constant 0 : i32
      %dma_wait3A_98 = tpu.memref_slice %arg16[%add3A_8, %dma_wait3A_97] : memref<10240x128xf32, #tpu.memory_space<vmem_shared>> -> memref<80x128xf32, #tpu.memory_space<vmem_shared>>
      tpu.wait_dma2 semaphore(%run_scoped3A : memref<!tpu.dma_semaphore, #tpu.memory_space<semaphore_mem>>) src(%arg14 : memref<80x128xf32, #tpu.memory_space<vmem>>) dst(%dma_wait3A_98 : memref<80x128xf32, #tpu.memory_space<vmem_shared>>)
      tpu.yield
    }) : () -> ()
    %add3A_9 = arith.constant 240 : i32
    %add3A_10 = arith.addi %mul3A_2, %add3A_9 : i32
    "tpu.region"() ({
      %run_scoped3A = tpu.sem_alloc : memref<!tpu.dma_semaphore, #tpu.memory_space<semaphore_mem>>
      %dma_start3A_91 = arith.constant 0 : i32
      %dma_start3A_92 = tpu.memref_slice %arg16[%add3A_10, %dma_start3A_91] : memref<10240x128xf32, #tpu.memory_space<vmem_shared>> -> memref<80x128xf32, #tpu.memory_space<vmem_shared>>
      %dma_start3A_93 = arith.constant 0 : i32
      %dma_start3A_94 = tpu.memref_slice %arg16[%add3A_10, %dma_start3A_93] : memref<10240x128xf32, #tpu.memory_space<vmem_shared>> -> memref<80x128xf32, #tpu.memory_space<vmem_shared>>
      tpu.enqueue_dma source(%arg14 : memref<80x128xf32, #tpu.memory_space<vmem>>) target(%dma_start3A_94 : memref<80x128xf32, #tpu.memory_space<vmem_shared>>) target_semaphore(%run_scoped3A : memref<!tpu.dma_semaphore, #tpu.memory_space<semaphore_mem>>)
      %dma_wait3A_95 = arith.constant 0 : i32
      %dma_wait3A_96 = tpu.memref_slice %arg16[%add3A_10, %dma_wait3A_95] : memref<10240x128xf32, #tpu.memory_space<vmem_shared>> -> memref<80x128xf32, #tpu.memory_space<vmem_shared>>
      %dma_wait3A_97 = arith.constant 0 : i32
      %dma_wait3A_98 = tpu.memref_slice %arg16[%add3A_10, %dma_wait3A_97] : memref<10240x128xf32, #tpu.memory_space<vmem_shared>> -> memref<80x128xf32, #tpu.memory_space<vmem_shared>>
      tpu.wait_dma2 semaphore(%run_scoped3A : memref<!tpu.dma_semaphore, #tpu.memory_space<semaphore_mem>>) src(%arg14 : memref<80x128xf32, #tpu.memory_space<vmem>>) dst(%dma_wait3A_98 : memref<80x128xf32, #tpu.memory_space<vmem_shared>>)
      tpu.yield
    }) : () -> ()
    %add3A_11 = arith.constant 320 : i32
    %add3A_12 = arith.addi %mul3A_2, %add3A_11 : i32
    "tpu.region"() ({
      %run_scoped3A = tpu.sem_alloc : memref<!tpu.dma_semaphore, #tpu.memory_space<semaphore_mem>>
      %dma_start3A_91 = arith.constant 0 : i32
      %dma_start3A_92 = tpu.memref_slice %arg16[%add3A_12, %dma_start3A_91] : memref<10240x128xf32, #tpu.memory_space<vmem_shared>> -> memref<80x128xf32, #tpu.memory_space<vmem_shared>>
      %dma_start3A_93 = arith.constant 0 : i32
      %dma_start3A_94 = tpu.memref_slice %arg16[%add3A_12, %dma_start3A_93] : memref<10240x128xf32, #tpu.memory_space<vmem_shared>> -> memref<80x128xf32, #tpu.memory_space<vmem_shared>>
      tpu.enqueue_dma source(%arg14 : memref<80x128xf32, #tpu.memory_space<vmem>>) target(%dma_start3A_94 : memref<80x128xf32, #tpu.memory_space<vmem_shared>>) target_semaphore(%run_scoped3A : memref<!tpu.dma_semaphore, #tpu.memory_space<semaphore_mem>>)
      %dma_wait3A_95 = arith.constant 0 : i32
      %dma_wait3A_96 = tpu.memref_slice %arg16[%add3A_12, %dma_wait3A_95] : memref<10240x128xf32, #tpu.memory_space<vmem_shared>> -> memref<80x128xf32, #tpu.memory_space<vmem_shared>>
      %dma_wait3A_97 = arith.constant 0 : i32
      %dma_wait3A_98 = tpu.memref_slice %arg16[%add3A_12, %dma_wait3A_97] : memref<10240x128xf32, #tpu.memory_space<vmem_shared>> -> memref<80x128xf32, #tpu.memory_space<vmem_shared>>
      tpu.wait_dma2 semaphore(%run_scoped3A : memref<!tpu.dma_semaphore, #tpu.memory_space<semaphore_mem>>) src(%arg14 : memref<80x128xf32, #tpu.memory_space<vmem>>) dst(%dma_wait3A_98 : memref<80x128xf32, #tpu.memory_space<vmem_shared>>)
      tpu.yield
    }) : () -> ()
    %add3A_13 = arith.constant 400 : i32
    %add3A_14 = arith.addi %mul3A_2, %add3A_13 : i32
    "tpu.region"() ({
      %run_scoped3A = tpu.sem_alloc : memref<!tpu.dma_semaphore, #tpu.memory_space<semaphore_mem>>
      %dma_start3A_91 = arith.constant 0 : i32
      %dma_start3A_92 = tpu.memref_slice %arg16[%add3A_14, %dma_start3A_91] : memref<10240x128xf32, #tpu.memory_space<vmem_shared>> -> memref<80x128xf32, #tpu.memory_space<vmem_shared>>
      %dma_start3A_93 = arith.constant 0 : i32
      %dma_start3A_94 = tpu.memref_slice %arg16[%add3A_14, %dma_start3A_93] : memref<10240x128xf32, #tpu.memory_space<vmem_shared>> -> memref<80x128xf32, #tpu.memory_space<vmem_shared>>
      tpu.enqueue_dma source(%arg14 : memref<80x128xf32, #tpu.memory_space<vmem>>) target(%dma_start3A_94 : memref<80x128xf32, #tpu.memory_space<vmem_shared>>) target_semaphore(%run_scoped3A : memref<!tpu.dma_semaphore, #tpu.memory_space<semaphore_mem>>)
      %dma_wait3A_95 = arith.constant 0 : i32
      %dma_wait3A_96 = tpu.memref_slice %arg16[%add3A_14, %dma_wait3A_95] : memref<10240x128xf32, #tpu.memory_space<vmem_shared>> -> memref<80x128xf32, #tpu.memory_space<vmem_shared>>
      %dma_wait3A_97 = arith.constant 0 : i32
      %dma_wait3A_98 = tpu.memref_slice %arg16[%add3A_14, %dma_wait3A_97] : memref<10240x128xf32, #tpu.memory_space<vmem_shared>> -> memref<80x128xf32, #tpu.memory_space<vmem_shared>>
      tpu.wait_dma2 semaphore(%run_scoped3A : memref<!tpu.dma_semaphore, #tpu.memory_space<semaphore_mem>>) src(%arg14 : memref<80x128xf32, #tpu.memory_space<vmem>>) dst(%dma_wait3A_98 : memref<80x128xf32, #tpu.memory_space<vmem_shared>>)
      tpu.yield
    }) : () -> ()
    %add3A_15 = arith.constant 480 : i32
    %add3A_16 = arith.addi %mul3A_2, %add3A_15 : i32
    "tpu.region"() ({
      %run_scoped3A = tpu.sem_alloc : memref<!tpu.dma_semaphore, #tpu.memory_space<semaphore_mem>>
      %dma_start3A_91 = arith.constant 0 : i32
      %dma_start3A_92 = tpu.memref_slice %arg16[%add3A_16, %dma_start3A_91] : memref<10240x128xf32, #tpu.memory_space<vmem_shared>> -> memref<80x128xf32, #tpu.memory_space<vmem_shared>>
      %dma_start3A_93 = arith.constant 0 : i32
      %dma_start3A_94 = tpu.memref_slice %arg16[%add3A_16, %dma_start3A_93] : memref<10240x128xf32, #tpu.memory_space<vmem_shared>> -> memref<80x128xf32, #tpu.memory_space<vmem_shared>>
      tpu.enqueue_dma source(%arg14 : memref<80x128xf32, #tpu.memory_space<vmem>>) target(%dma_start3A_94 : memref<80x128xf32, #tpu.memory_space<vmem_shared>>) target_semaphore(%run_scoped3A : memref<!tpu.dma_semaphore, #tpu.memory_space<semaphore_mem>>)
      %dma_wait3A_95 = arith.constant 0 : i32
      %dma_wait3A_96 = tpu.memref_slice %arg16[%add3A_16, %dma_wait3A_95] : memref<10240x128xf32, #tpu.memory_space<vmem_shared>> -> memref<80x128xf32, #tpu.memory_space<vmem_shared>>
      %dma_wait3A_97 = arith.constant 0 : i32
      %dma_wait3A_98 = tpu.memref_slice %arg16[%add3A_16, %dma_wait3A_97] : memref<10240x128xf32, #tpu.memory_space<vmem_shared>> -> memref<80x128xf32, #tpu.memory_space<vmem_shared>>
      tpu.wait_dma2 semaphore(%run_scoped3A : memref<!tpu.dma_semaphore, #tpu.memory_space<semaphore_mem>>) src(%arg14 : memref<80x128xf32, #tpu.memory_space<vmem>>) dst(%dma_wait3A_98 : memref<80x128xf32, #tpu.memory_space<vmem_shared>>)
      tpu.yield
    }) : () -> ()
    %add3A_17 = arith.constant 560 : i32
    %add3A_18 = arith.addi %mul3A_2, %add3A_17 : i32
    "tpu.region"() ({
      %run_scoped3A = tpu.sem_alloc : memref<!tpu.dma_semaphore, #tpu.memory_space<semaphore_mem>>
      %dma_start3A_91 = arith.constant 0 : i32
      %dma_start3A_92 = tpu.memref_slice %arg16[%add3A_18, %dma_start3A_91] : memref<10240x128xf32, #tpu.memory_space<vmem_shared>> -> memref<80x128xf32, #tpu.memory_space<vmem_shared>>
      %dma_start3A_93 = arith.constant 0 : i32
      %dma_start3A_94 = tpu.memref_slice %arg16[%add3A_18, %dma_start3A_93] : memref<10240x128xf32, #tpu.memory_space<vmem_shared>> -> memref<80x128xf32, #tpu.memory_space<vmem_shared>>
      tpu.enqueue_dma source(%arg14 : memref<80x128xf32, #tpu.memory_space<vmem>>) target(%dma_start3A_94 : memref<80x128xf32, #tpu.memory_space<vmem_shared>>) target_semaphore(%run_scoped3A : memref<!tpu.dma_semaphore, #tpu.memory_space<semaphore_mem>>)
      %dma_wait3A_95 = arith.constant 0 : i32
      %dma_wait3A_96 = tpu.memref_slice %arg16[%add3A_18, %dma_wait3A_95] : memref<10240x128xf32, #tpu.memory_space<vmem_shared>> -> memref<80x128xf32, #tpu.memory_space<vmem_shared>>
      %dma_wait3A_97 = arith.constant 0 : i32
      %dma_wait3A_98 = tpu.memref_slice %arg16[%add3A_18, %dma_wait3A_97] : memref<10240x128xf32, #tpu.memory_space<vmem_shared>> -> memref<80x128xf32, #tpu.memory_space<vmem_shared>>
      tpu.wait_dma2 semaphore(%run_scoped3A : memref<!tpu.dma_semaphore, #tpu.memory_space<semaphore_mem>>) src(%arg14 : memref<80x128xf32, #tpu.memory_space<vmem>>) dst(%dma_wait3A_98 : memref<80x128xf32, #tpu.memory_space<vmem_shared>>)
      tpu.yield
    }) : () -> ()
    %barrier3A = arith.constant 0 : index
    tpu.barrier barrier_id(%barrier3A)
    %mul3A_19 = arith.constant 128 : i32
    %mul3A_20 = arith.muli %add3A, %mul3A_19 : i32
    %add3A_21 = arith.constant 0 : i32
    %add3A_22 = arith.addi %mul3A_20, %add3A_21 : i32
    %mul3A_23 = arith.constant 80 : i32
    %mul3A_24 = arith.muli %add3A_22, %mul3A_23 : i32
    "tpu.region"() ({
      %run_scoped3A = tpu.sem_alloc : memref<!tpu.dma_semaphore, #tpu.memory_space<semaphore_mem>>
      %dma_start3A_91 = tpu.memref_slice %arg3[%mul3A_24] : memref<327680xi32, #tpu.memory_space<hbm>> -> memref<80xi32, #tpu.memory_space<hbm>>
      %dma_start3A_92 = tpu.memref_slice %arg3[%mul3A_24] : memref<327680xi32, #tpu.memory_space<hbm>> -> memref<80xi32, #tpu.memory_space<hbm>>
      tpu.enqueue_dma source(%dma_start3A_92 : memref<80xi32, #tpu.memory_space<hbm>>) target(%arg8 : memref<80xi32, #tpu.memory_space<vmem>>) target_semaphore(%run_scoped3A : memref<!tpu.dma_semaphore, #tpu.memory_space<semaphore_mem>>)
      %dma_wait3A_93 = tpu.memref_slice %arg3[%mul3A_24] : memref<327680xi32, #tpu.memory_space<hbm>> -> memref<80xi32, #tpu.memory_space<hbm>>
      %dma_wait3A_94 = tpu.memref_slice %arg3[%mul3A_24] : memref<327680xi32, #tpu.memory_space<hbm>> -> memref<80xi32, #tpu.memory_space<hbm>>
      tpu.wait_dma2 semaphore(%run_scoped3A : memref<!tpu.dma_semaphore, #tpu.memory_space<semaphore_mem>>) src(%dma_wait3A_94 : memref<80xi32, #tpu.memory_space<hbm>>) dst(%arg8 : memref<80xi32, #tpu.memory_space<vmem>>)
      tpu.yield
    }) : () -> ()
    %dma_start3A = arith.constant 0 : i32
    %dma_start3A_25 = tpu.memref_slice %arg5[%mul3A_24, %dma_start3A] : memref<327680x16xf32, #tpu.memory_space<hbm>> -> memref<80x16xf32, #tpu.memory_space<hbm>>
    %dma_start3A_26 = arith.constant 0 : i32
    %dma_start3A_27 = tpu.memref_slice %arg5[%mul3A_24, %dma_start3A_26] : memref<327680x16xf32, #tpu.memory_space<hbm>> -> memref<80x16xf32, #tpu.memory_space<hbm>>
    tpu.enqueue_dma source(%dma_start3A_27 : memref<80x16xf32, #tpu.memory_space<hbm>>) target(%arg12 : memref<80x16xf32, #tpu.memory_space<vmem>>) target_semaphore(%arg17 : memref<!tpu.dma_semaphore, #tpu.memory_space<semaphore_mem>>)
    %dma_start3A_28 = tpu.memref_slice %arg4[%mul3A_24] : memref<327680xi32, #tpu.memory_space<hbm>> -> memref<80xi32, #tpu.memory_space<hbm>>
    %dma_start3A_29 = tpu.memref_slice %arg4[%mul3A_24] : memref<327680xi32, #tpu.memory_space<hbm>> -> memref<80xi32, #tpu.memory_space<hbm>>
    tpu.enqueue_dma source(%dma_start3A_29 : memref<80xi32, #tpu.memory_space<hbm>>) target(%arg10 : memref<80xi32, #tpu.memory_space<vmem>>) target_semaphore(%arg17 : memref<!tpu.dma_semaphore, #tpu.memory_space<semaphore_mem>>)
    %dma_start3A_30 = arith.constant 0 : i32
    %dma_start3A_31 = arith.constant 0 : i32
    %dma_start3A_32 = tpu.memref_slice %arg2[%dma_start3A_30, %dma_start3A_31] : memref<10240x128xf32, #tpu.memory_space<hbm>> -> memref<10240x128xf32, #tpu.memory_space<hbm>>
    tpu.enqueue_indirect_dma source(%dma_start3A_32 : memref<10240x128xf32, #tpu.memory_space<hbm>>) target(%arg14 : memref<80x128xf32, #tpu.memory_space<vmem>>) offsets(%arg8 : memref<80xi32, #tpu.memory_space<vmem>>) semaphore(%arg19 : memref<!tpu.dma_semaphore, #tpu.memory_space<semaphore_mem>>)
    %mul3A_33 = arith.constant 128 : i32
    %mul3A_34 = arith.muli %add3A, %mul3A_33 : i32
    %add3A_35 = arith.constant 1 : i32
    %add3A_36 = arith.addi %mul3A_34, %add3A_35 : i32
    %mul3A_37 = arith.constant 80 : i32
    %mul3A_38 = arith.muli %add3A_36, %mul3A_37 : i32
    "tpu.region"() ({
      %run_scoped3A = tpu.sem_alloc : memref<!tpu.dma_semaphore, #tpu.memory_space<semaphore_mem>>
      %dma_start3A_91 = tpu.memref_slice %arg3[%mul3A_38] : memref<327680xi32, #tpu.memory_space<hbm>> -> memref<80xi32, #tpu.memory_space<hbm>>
      %dma_start3A_92 = tpu.memref_slice %arg3[%mul3A_38] : memref<327680xi32, #tpu.memory_space<hbm>> -> memref<80xi32, #tpu.memory_space<hbm>>
      tpu.enqueue_dma source(%dma_start3A_92 : memref<80xi32, #tpu.memory_space<hbm>>) target(%arg9 : memref<80xi32, #tpu.memory_space<vmem>>) target_semaphore(%run_scoped3A : memref<!tpu.dma_semaphore, #tpu.memory_space<semaphore_mem>>)
      %dma_wait3A_93 = tpu.memref_slice %arg3[%mul3A_38] : memref<327680xi32, #tpu.memory_space<hbm>> -> memref<80xi32, #tpu.memory_space<hbm>>
      %dma_wait3A_94 = tpu.memref_slice %arg3[%mul3A_38] : memref<327680xi32, #tpu.memory_space<hbm>> -> memref<80xi32, #tpu.memory_space<hbm>>
      tpu.wait_dma2 semaphore(%run_scoped3A : memref<!tpu.dma_semaphore, #tpu.memory_space<semaphore_mem>>) src(%dma_wait3A_94 : memref<80xi32, #tpu.memory_space<hbm>>) dst(%arg9 : memref<80xi32, #tpu.memory_space<vmem>>)
      tpu.yield
    }) : () -> ()
    %dma_start3A_39 = arith.constant 0 : i32
    %dma_start3A_40 = tpu.memref_slice %arg5[%mul3A_38, %dma_start3A_39] : memref<327680x16xf32, #tpu.memory_space<hbm>> -> memref<80x16xf32, #tpu.memory_space<hbm>>
    %dma_start3A_41 = arith.constant 0 : i32
    %dma_start3A_42 = tpu.memref_slice %arg5[%mul3A_38, %dma_start3A_41] : memref<327680x16xf32, #tpu.memory_space<hbm>> -> memref<80x16xf32, #tpu.memory_space<hbm>>
    tpu.enqueue_dma source(%dma_start3A_42 : memref<80x16xf32, #tpu.memory_space<hbm>>) target(%arg13 : memref<80x16xf32, #tpu.memory_space<vmem>>) target_semaphore(%arg18 : memref<!tpu.dma_semaphore, #tpu.memory_space<semaphore_mem>>)
    %dma_start3A_43 = tpu.memref_slice %arg4[%mul3A_38] : memref<327680xi32, #tpu.memory_space<hbm>> -> memref<80xi32, #tpu.memory_space<hbm>>
    %dma_start3A_44 = tpu.memref_slice %arg4[%mul3A_38] : memref<327680xi32, #tpu.memory_space<hbm>> -> memref<80xi32, #tpu.memory_space<hbm>>
    tpu.enqueue_dma source(%dma_start3A_44 : memref<80xi32, #tpu.memory_space<hbm>>) target(%arg11 : memref<80xi32, #tpu.memory_space<vmem>>) target_semaphore(%arg18 : memref<!tpu.dma_semaphore, #tpu.memory_space<semaphore_mem>>)
    %dma_start3A_45 = arith.constant 0 : i32
    %dma_start3A_46 = arith.constant 0 : i32
    %dma_start3A_47 = tpu.memref_slice %arg2[%dma_start3A_45, %dma_start3A_46] : memref<10240x128xf32, #tpu.memory_space<hbm>> -> memref<10240x128xf32, #tpu.memory_space<hbm>>
    tpu.enqueue_indirect_dma source(%dma_start3A_47 : memref<10240x128xf32, #tpu.memory_space<hbm>>) target(%arg15 : memref<80x128xf32, #tpu.memory_space<vmem>>) offsets(%arg9 : memref<80xi32, #tpu.memory_space<vmem>>) semaphore(%arg20 : memref<!tpu.dma_semaphore, #tpu.memory_space<semaphore_mem>>)
    %scan3A = arith.constant 0 : i32
    %scan3A_48 = arith.constant 0 : i32
    %scan3A_49 = arith.constant 64 : i32
    %scan3A_50 = arith.addi %scan3A_48, %scan3A_49 : i32
    %scan3A_51 = arith.constant 1 : i32
    scf.for %scan3A_91 = %scan3A_48 to %scan3A_50 step %scan3A_51  : i32 {
      %mul3A_92 = arith.constant 2 : i32
      %mul3A_93 = arith.muli %scan3A_91, %mul3A_92 : i32
      %add3A_94 = arith.constant 0 : i32
      %add3A_95 = arith.addi %mul3A_93, %add3A_94 : i32
      %dma_wait3A_96 = arith.constant 0 : i32
      %dma_wait3A_97 = arith.constant 0 : i32
      %dma_wait3A_98 = tpu.memref_slice %arg5[%dma_wait3A_96, %dma_wait3A_97] : memref<327680x16xf32, #tpu.memory_space<hbm>> -> memref<80x16xf32, #tpu.memory_space<hbm>>
      %dma_wait3A_99 = arith.constant 0 : i32
      %dma_wait3A_100 = arith.constant 0 : i32
      %dma_wait3A_101 = tpu.memref_slice %arg5[%dma_wait3A_99, %dma_wait3A_100] : memref<327680x16xf32, #tpu.memory_space<hbm>> -> memref<80x16xf32, #tpu.memory_space<hbm>>
      tpu.wait_dma2 semaphore(%arg17 : memref<!tpu.dma_semaphore, #tpu.memory_space<semaphore_mem>>) src(%dma_wait3A_101 : memref<80x16xf32, #tpu.memory_space<hbm>>) dst(%arg12 : memref<80x16xf32, #tpu.memory_space<vmem>>)
      %dma_wait3A_102 = arith.constant 0 : i32
      %dma_wait3A_103 = tpu.memref_slice %arg4[%dma_wait3A_102] : memref<327680xi32, #tpu.memory_space<hbm>> -> memref<80xi32, #tpu.memory_space<hbm>>
      %dma_wait3A_104 = arith.constant 0 : i32
      %dma_wait3A_105 = tpu.memref_slice %arg4[%dma_wait3A_104] : memref<327680xi32, #tpu.memory_space<hbm>> -> memref<80xi32, #tpu.memory_space<hbm>>
      tpu.wait_dma2 semaphore(%arg17 : memref<!tpu.dma_semaphore, #tpu.memory_space<semaphore_mem>>) src(%dma_wait3A_105 : memref<80xi32, #tpu.memory_space<hbm>>) dst(%arg10 : memref<80xi32, #tpu.memory_space<vmem>>)
      %dma_wait3A_106 = arith.constant 0 : i32
      %dma_wait3A_107 = arith.constant 0 : i32
      %dma_wait3A_108 = tpu.memref_slice %arg2[%dma_wait3A_106, %dma_wait3A_107] : memref<10240x128xf32, #tpu.memory_space<hbm>> -> memref<10240x128xf32, #tpu.memory_space<hbm>>
      tpu.wait_indirect_dma semaphore(%arg19 : memref<!tpu.dma_semaphore, #tpu.memory_space<semaphore_mem>>) src(%dma_wait3A_108 : memref<10240x128xf32, #tpu.memory_space<hbm>>) dst(%arg14 : memref<80x128xf32, #tpu.memory_space<vmem>>)
      %scan3A_109 = arith.constant 0 : i32
      %scan3A_110 = arith.constant 0 : i32
      %scan3A_111 = arith.constant 80 : i32
      %scan3A_112 = arith.addi %scan3A_110, %scan3A_111 : i32
      %scan3A_113 = arith.constant 1 : i32
      scf.for %scan3A_155 = %scan3A_110 to %scan3A_112 step %scan3A_113  : i32 {
        %get3A = arith.index_cast %scan3A_155 : i32 to index
        %get3A_156 = arith.constant 0 : index
        %get3A_157 = tpu.vector_load %arg12[%get3A, %get3A_156] {strides = array<i32>} : memref<80x16xf32, #tpu.memory_space<vmem>>, vector<1x16xf32>,
        %get3A_158 = vector.shape_cast %get3A_157 : vector<1x16xf32> to vector<16xf32>
        %get3A_159 = arith.index_cast %scan3A_155 : i32 to index
        %get3A_160 = arith.constant 0 : index
        %get3A_161 = tpu.vector_load %arg14[%get3A_159, %get3A_160] {strides = array<i32>} : memref<80x128xf32, #tpu.memory_space<vmem>>, vector<1x16xf32>,
        %get3A_162 = vector.shape_cast %get3A_161 : vector<1x16xf32> to vector<16xf32>
        %mul3A_163 = arith.mulf %get3A_162, %get3A_158 : vector<16xf32>
        %swap3A = arith.index_cast %scan3A_155 : i32 to index
        %swap3A_164 = arith.constant 0 : index
        %swap3A_165 = tpu.vector_load %arg14[%swap3A, %swap3A_164] {strides = array<i32>} : memref<80x128xf32, #tpu.memory_space<vmem>>, vector<1x16xf32>,
        %swap3A_166 = vector.shape_cast %swap3A_165 : vector<1x16xf32> to vector<16xf32>
        %swap3A_167 = vector.shape_cast %mul3A_163 : vector<16xf32> to vector<1x16xf32>
        tpu.vector_store %arg14[%swap3A, %swap3A_164], %swap3A_167 {strides = array<i32>} : memref<80x128xf32, #tpu.memory_space<vmem>>, vector<1x16xf32>,
        %get3A_168 = arith.index_cast %scan3A_155 : i32 to index
        %get3A_169 = arith.constant 16 : index
        %get3A_170 = tpu.vector_load %arg14[%get3A_168, %get3A_169] {strides = array<i32>} : memref<80x128xf32, #tpu.memory_space<vmem>>, vector<1x16xf32>,
        %get3A_171 = vector.shape_cast %get3A_170 : vector<1x16xf32> to vector<16xf32>
        %mul3A_172 = arith.mulf %get3A_171, %get3A_158 : vector<16xf32>
        %swap3A_173 = arith.index_cast %scan3A_155 : i32 to index
        %swap3A_174 = arith.constant 16 : index
        %swap3A_175 = tpu.vector_load %arg14[%swap3A_173, %swap3A_174] {strides = array<i32>} : memref<80x128xf32, #tpu.memory_space<vmem>>, vector<1x16xf32>,
        %swap3A_176 = vector.shape_cast %swap3A_175 : vector<1x16xf32> to vector<16xf32>
        %swap3A_177 = vector.shape_cast %mul3A_172 : vector<16xf32> to vector<1x16xf32>
        tpu.vector_store %arg14[%swap3A_173, %swap3A_174], %swap3A_177 {strides = array<i32>} : memref<80x128xf32, #tpu.memory_space<vmem>>, vector<1x16xf32>,
        %get3A_178 = arith.index_cast %scan3A_155 : i32 to index
        %get3A_179 = arith.constant 32 : index
        %get3A_180 = tpu.vector_load %arg14[%get3A_178, %get3A_179] {strides = array<i32>} : memref<80x128xf32, #tpu.memory_space<vmem>>, vector<1x16xf32>,
        %get3A_181 = vector.shape_cast %get3A_180 : vector<1x16xf32> to vector<16xf32>
        %mul3A_182 = arith.mulf %get3A_181, %get3A_158 : vector<16xf32>
        %swap3A_183 = arith.index_cast %scan3A_155 : i32 to index
        %swap3A_184 = arith.constant 32 : index
        %swap3A_185 = tpu.vector_load %arg14[%swap3A_183, %swap3A_184] {strides = array<i32>} : memref<80x128xf32, #tpu.memory_space<vmem>>, vector<1x16xf32>,
        %swap3A_186 = vector.shape_cast %swap3A_185 : vector<1x16xf32> to vector<16xf32>
        %swap3A_187 = vector.shape_cast %mul3A_182 : vector<16xf32> to vector<1x16xf32>
        tpu.vector_store %arg14[%swap3A_183, %swap3A_184], %swap3A_187 {strides = array<i32>} : memref<80x128xf32, #tpu.memory_space<vmem>>, vector<1x16xf32>,
        %get3A_188 = arith.index_cast %scan3A_155 : i32 to index
        %get3A_189 = arith.constant 48 : index
        %get3A_190 = tpu.vector_load %arg14[%get3A_188, %get3A_189] {strides = array<i32>} : memref<80x128xf32, #tpu.memory_space<vmem>>, vector<1x16xf32>,
        %get3A_191 = vector.shape_cast %get3A_190 : vector<1x16xf32> to vector<16xf32>
        %mul3A_192 = arith.mulf %get3A_191, %get3A_158 : vector<16xf32>
        %swap3A_193 = arith.index_cast %scan3A_155 : i32 to index
        %swap3A_194 = arith.constant 48 : index
        %swap3A_195 = tpu.vector_load %arg14[%swap3A_193, %swap3A_194] {strides = array<i32>} : memref<80x128xf32, #tpu.memory_space<vmem>>, vector<1x16xf32>,
        %swap3A_196 = vector.shape_cast %swap3A_195 : vector<1x16xf32> to vector<16xf32>
        %swap3A_197 = vector.shape_cast %mul3A_192 : vector<16xf32> to vector<1x16xf32>
        tpu.vector_store %arg14[%swap3A_193, %swap3A_194], %swap3A_197 {strides = array<i32>} : memref<80x128xf32, #tpu.memory_space<vmem>>, vector<1x16xf32>,
        %get3A_198 = arith.index_cast %scan3A_155 : i32 to index
        %get3A_199 = arith.constant 64 : index
        %get3A_200 = tpu.vector_load %arg14[%get3A_198, %get3A_199] {strides = array<i32>} : memref<80x128xf32, #tpu.memory_space<vmem>>, vector<1x16xf32>,
        %get3A_201 = vector.shape_cast %get3A_200 : vector<1x16xf32> to vector<16xf32>
        %mul3A_202 = arith.mulf %get3A_201, %get3A_158 : vector<16xf32>
        %swap3A_203 = arith.index_cast %scan3A_155 : i32 to index
        %swap3A_204 = arith.constant 64 : index
        %swap3A_205 = tpu.vector_load %arg14[%swap3A_203, %swap3A_204] {strides = array<i32>} : memref<80x128xf32, #tpu.memory_space<vmem>>, vector<1x16xf32>,
        %swap3A_206 = vector.shape_cast %swap3A_205 : vector<1x16xf32> to vector<16xf32>
        %swap3A_207 = vector.shape_cast %mul3A_202 : vector<16xf32> to vector<1x16xf32>
        tpu.vector_store %arg14[%swap3A_203, %swap3A_204], %swap3A_207 {strides = array<i32>} : memref<80x128xf32, #tpu.memory_space<vmem>>, vector<1x16xf32>,
        %get3A_208 = arith.index_cast %scan3A_155 : i32 to index
        %get3A_209 = arith.constant 80 : index
        %get3A_210 = tpu.vector_load %arg14[%get3A_208, %get3A_209] {strides = array<i32>} : memref<80x128xf32, #tpu.memory_space<vmem>>, vector<1x16xf32>,
        %get3A_211 = vector.shape_cast %get3A_210 : vector<1x16xf32> to vector<16xf32>
        %mul3A_212 = arith.mulf %get3A_211, %get3A_158 : vector<16xf32>
        %swap3A_213 = arith.index_cast %scan3A_155 : i32 to index
        %swap3A_214 = arith.constant 80 : index
        %swap3A_215 = tpu.vector_load %arg14[%swap3A_213, %swap3A_214] {strides = array<i32>} : memref<80x128xf32, #tpu.memory_space<vmem>>, vector<1x16xf32>,
        %swap3A_216 = vector.shape_cast %swap3A_215 : vector<1x16xf32> to vector<16xf32>
        %swap3A_217 = vector.shape_cast %mul3A_212 : vector<16xf32> to vector<1x16xf32>
        tpu.vector_store %arg14[%swap3A_213, %swap3A_214], %swap3A_217 {strides = array<i32>} : memref<80x128xf32, #tpu.memory_space<vmem>>, vector<1x16xf32>,
        %get3A_218 = arith.index_cast %scan3A_155 : i32 to index
        %get3A_219 = arith.constant 96 : index
        %get3A_220 = tpu.vector_load %arg14[%get3A_218, %get3A_219] {strides = array<i32>} : memref<80x128xf32, #tpu.memory_space<vmem>>, vector<1x16xf32>,
        %get3A_221 = vector.shape_cast %get3A_220 : vector<1x16xf32> to vector<16xf32>
        %mul3A_222 = arith.mulf %get3A_221, %get3A_158 : vector<16xf32>
        %swap3A_223 = arith.index_cast %scan3A_155 : i32 to index
        %swap3A_224 = arith.constant 96 : index
        %swap3A_225 = tpu.vector_load %arg14[%swap3A_223, %swap3A_224] {strides = array<i32>} : memref<80x128xf32, #tpu.memory_space<vmem>>, vector<1x16xf32>,
        %swap3A_226 = vector.shape_cast %swap3A_225 : vector<1x16xf32> to vector<16xf32>
        %swap3A_227 = vector.shape_cast %mul3A_222 : vector<16xf32> to vector<1x16xf32>
        tpu.vector_store %arg14[%swap3A_223, %swap3A_224], %swap3A_227 {strides = array<i32>} : memref<80x128xf32, #tpu.memory_space<vmem>>, vector<1x16xf32>,
        %get3A_228 = arith.index_cast %scan3A_155 : i32 to index
        %get3A_229 = arith.constant 112 : index
        %get3A_230 = tpu.vector_load %arg14[%get3A_228, %get3A_229] {strides = array<i32>} : memref<80x128xf32, #tpu.memory_space<vmem>>, vector<1x16xf32>,
        %get3A_231 = vector.shape_cast %get3A_230 : vector<1x16xf32> to vector<16xf32>
        %mul3A_232 = arith.mulf %get3A_231, %get3A_158 : vector<16xf32>
        %swap3A_233 = arith.index_cast %scan3A_155 : i32 to index
        %swap3A_234 = arith.constant 112 : index
        %swap3A_235 = tpu.vector_load %arg14[%swap3A_233, %swap3A_234] {strides = array<i32>} : memref<80x128xf32, #tpu.memory_space<vmem>>, vector<1x16xf32>,
        %swap3A_236 = vector.shape_cast %swap3A_235 : vector<1x16xf32> to vector<16xf32>
        %swap3A_237 = vector.shape_cast %mul3A_232 : vector<16xf32> to vector<1x16xf32>
        tpu.vector_store %arg14[%swap3A_233, %swap3A_234], %swap3A_237 {strides = array<i32>} : memref<80x128xf32, #tpu.memory_space<vmem>>, vector<1x16xf32>,
      }
      %scan3A_114 = arith.constant 80 : i32
      %dma_start3A_115 = arith.constant 0 : i32
      %dma_start3A_116 = arith.constant 0 : i32
      %dma_start3A_117 = tpu.memref_slice %arg16[%dma_start3A_115, %dma_start3A_116] : memref<10240x128xf32, #tpu.memory_space<vmem_shared>> -> memref<10240x128xf32, #tpu.memory_space<vmem_shared>>
      tpu.enqueue_indirect_dma source(%arg14 : memref<80x128xf32, #tpu.memory_space<vmem>>) target(%dma_start3A_117 : memref<10240x128xf32, #tpu.memory_space<vmem_shared>>) offsets(%arg10 : memref<80xi32, #tpu.memory_space<vmem>>) semaphore(%arg21 : memref<!tpu.dma_semaphore, #tpu.memory_space<semaphore_mem>>) {add = true}
      %add3A_118 = arith.constant 2 : i32
      %add3A_119 = arith.addi %add3A_95, %add3A_118 : i32
      %lt3A = arith.constant 128 : i32
      %lt3A_120 = arith.cmpi slt, %add3A_119, %lt3A : i32
      %convert_element_type3A = arith.extui %lt3A_120 : i1 to i32
      %cond3A = arith.constant 0 : i32
      %cond3A_121 = arith.cmpi ne, %convert_element_type3A, %cond3A : i32
      scf.if %cond3A_121 {
        %dma_wait3A_155 = arith.constant 0 : i32
        %dma_wait3A_156 = arith.constant 0 : i32
        %dma_wait3A_157 = tpu.memref_slice %arg16[%dma_wait3A_155, %dma_wait3A_156] : memref<10240x128xf32, #tpu.memory_space<vmem_shared>> -> memref<10240x128xf32, #tpu.memory_space<vmem_shared>>
        tpu.wait_indirect_dma semaphore(%arg21 : memref<!tpu.dma_semaphore, #tpu.memory_space<semaphore_mem>>) src(%arg14 : memref<80x128xf32, #tpu.memory_space<vmem>>) dst(%dma_wait3A_157 : memref<10240x128xf32, #tpu.memory_space<vmem_shared>>)
        %add3A_158 = arith.constant 2 : i32
        %add3A_159 = arith.addi %add3A_95, %add3A_158 : i32
        %mul3A_160 = arith.constant 128 : i32
        %mul3A_161 = arith.muli %add3A, %mul3A_160 : i32
        %add3A_162 = arith.addi %mul3A_161, %add3A_159 : i32
        %mul3A_163 = arith.constant 80 : i32
        %mul3A_164 = arith.muli %add3A_162, %mul3A_163 : i32
        "tpu.region"() ({
          %run_scoped3A = tpu.sem_alloc : memref<!tpu.dma_semaphore, #tpu.memory_space<semaphore_mem>>
          %dma_start3A_174 = tpu.memref_slice %arg3[%mul3A_164] : memref<327680xi32, #tpu.memory_space<hbm>> -> memref<80xi32, #tpu.memory_space<hbm>>
          %dma_start3A_175 = tpu.memref_slice %arg3[%mul3A_164] : memref<327680xi32, #tpu.memory_space<hbm>> -> memref<80xi32, #tpu.memory_space<hbm>>
          tpu.enqueue_dma source(%dma_start3A_175 : memref<80xi32, #tpu.memory_space<hbm>>) target(%arg8 : memref<80xi32, #tpu.memory_space<vmem>>) target_semaphore(%run_scoped3A : memref<!tpu.dma_semaphore, #tpu.memory_space<semaphore_mem>>)
          %dma_wait3A_176 = tpu.memref_slice %arg3[%mul3A_164] : memref<327680xi32, #tpu.memory_space<hbm>> -> memref<80xi32, #tpu.memory_space<hbm>>
          %dma_wait3A_177 = tpu.memref_slice %arg3[%mul3A_164] : memref<327680xi32, #tpu.memory_space<hbm>> -> memref<80xi32, #tpu.memory_space<hbm>>
          tpu.wait_dma2 semaphore(%run_scoped3A : memref<!tpu.dma_semaphore, #tpu.memory_space<semaphore_mem>>) src(%dma_wait3A_177 : memref<80xi32, #tpu.memory_space<hbm>>) dst(%arg8 : memref<80xi32, #tpu.memory_space<vmem>>)
          tpu.yield
        }) : () -> ()
        %dma_start3A_165 = arith.constant 0 : i32
        %dma_start3A_166 = tpu.memref_slice %arg5[%mul3A_164, %dma_start3A_165] : memref<327680x16xf32, #tpu.memory_space<hbm>> -> memref<80x16xf32, #tpu.memory_space<hbm>>
        %dma_start3A_167 = arith.constant 0 : i32
        %dma_start3A_168 = tpu.memref_slice %arg5[%mul3A_164, %dma_start3A_167] : memref<327680x16xf32, #tpu.memory_space<hbm>> -> memref<80x16xf32, #tpu.memory_space<hbm>>
        tpu.enqueue_dma source(%dma_start3A_168 : memref<80x16xf32, #tpu.memory_space<hbm>>) target(%arg12 : memref<80x16xf32, #tpu.memory_space<vmem>>) target_semaphore(%arg17 : memref<!tpu.dma_semaphore, #tpu.memory_space<semaphore_mem>>)
        %dma_start3A_169 = tpu.memref_slice %arg4[%mul3A_164] : memref<327680xi32, #tpu.memory_space<hbm>> -> memref<80xi32, #tpu.memory_space<hbm>>
        %dma_start3A_170 = tpu.memref_slice %arg4[%mul3A_164] : memref<327680xi32, #tpu.memory_space<hbm>> -> memref<80xi32, #tpu.memory_space<hbm>>
        tpu.enqueue_dma source(%dma_start3A_170 : memref<80xi32, #tpu.memory_space<hbm>>) target(%arg10 : memref<80xi32, #tpu.memory_space<vmem>>) target_semaphore(%arg17 : memref<!tpu.dma_semaphore, #tpu.memory_space<semaphore_mem>>)
        %dma_start3A_171 = arith.constant 0 : i32
        %dma_start3A_172 = arith.constant 0 : i32
        %dma_start3A_173 = tpu.memref_slice %arg2[%dma_start3A_171, %dma_start3A_172] : memref<10240x128xf32, #tpu.memory_space<hbm>> -> memref<10240x128xf32, #tpu.memory_space<hbm>>
        tpu.enqueue_indirect_dma source(%dma_start3A_173 : memref<10240x128xf32, #tpu.memory_space<hbm>>) target(%arg14 : memref<80x128xf32, #tpu.memory_space<vmem>>) offsets(%arg8 : memref<80xi32, #tpu.memory_space<vmem>>) semaphore(%arg19 : memref<!tpu.dma_semaphore, #tpu.memory_space<semaphore_mem>>)
      } else {
      }
      %mul3A_122 = arith.constant 2 : i32
      %mul3A_123 = arith.muli %scan3A_91, %mul3A_122 : i32
      %add3A_124 = arith.constant 1 : i32
      %add3A_125 = arith.addi %mul3A_123, %add3A_124 : i32
      %dma_wait3A_126 = arith.constant 0 : i32
      %dma_wait3A_127 = arith.constant 0 : i32
      %dma_wait3A_128 = tpu.memref_slice %arg5[%dma_wait3A_126, %dma_wait3A_127] : memref<327680x16xf32, #tpu.memory_space<hbm>> -> memref<80x16xf32, #tpu.memory_space<hbm>>
      %dma_wait3A_129 = arith.constant 0 : i32
      %dma_wait3A_130 = arith.constant 0 : i32
      %dma_wait3A_131 = tpu.memref_slice %arg5[%dma_wait3A_129, %dma_wait3A_130] : memref<327680x16xf32, #tpu.memory_space<hbm>> -> memref<80x16xf32, #tpu.memory_space<hbm>>
      tpu.wait_dma2 semaphore(%arg18 : memref<!tpu.dma_semaphore, #tpu.memory_space<semaphore_mem>>) src(%dma_wait3A_131 : memref<80x16xf32, #tpu.memory_space<hbm>>) dst(%arg13 : memref<80x16xf32, #tpu.memory_space<vmem>>)
      %dma_wait3A_132 = arith.constant 0 : i32
      %dma_wait3A_133 = tpu.memref_slice %arg4[%dma_wait3A_132] : memref<327680xi32, #tpu.memory_space<hbm>> -> memref<80xi32, #tpu.memory_space<hbm>>
      %dma_wait3A_134 = arith.constant 0 : i32
      %dma_wait3A_135 = tpu.memref_slice %arg4[%dma_wait3A_134] : memref<327680xi32, #tpu.memory_space<hbm>> -> memref<80xi32, #tpu.memory_space<hbm>>
      tpu.wait_dma2 semaphore(%arg18 : memref<!tpu.dma_semaphore, #tpu.memory_space<semaphore_mem>>) src(%dma_wait3A_135 : memref<80xi32, #tpu.memory_space<hbm>>) dst(%arg11 : memref<80xi32, #tpu.memory_space<vmem>>)
      %dma_wait3A_136 = arith.constant 0 : i32
      %dma_wait3A_137 = arith.constant 0 : i32
      %dma_wait3A_138 = tpu.memref_slice %arg2[%dma_wait3A_136, %dma_wait3A_137] : memref<10240x128xf32, #tpu.memory_space<hbm>> -> memref<10240x128xf32, #tpu.memory_space<hbm>>
      tpu.wait_indirect_dma semaphore(%arg20 : memref<!tpu.dma_semaphore, #tpu.memory_space<semaphore_mem>>) src(%dma_wait3A_138 : memref<10240x128xf32, #tpu.memory_space<hbm>>) dst(%arg15 : memref<80x128xf32, #tpu.memory_space<vmem>>)
      %scan3A_139 = arith.constant 0 : i32
      %scan3A_140 = arith.constant 0 : i32
      %scan3A_141 = arith.constant 80 : i32
      %scan3A_142 = arith.addi %scan3A_140, %scan3A_141 : i32
      %scan3A_143 = arith.constant 1 : i32
      scf.for %scan3A_155 = %scan3A_140 to %scan3A_142 step %scan3A_143  : i32 {
        %get3A = arith.index_cast %scan3A_155 : i32 to index
        %get3A_156 = arith.constant 0 : index
        %get3A_157 = tpu.vector_load %arg13[%get3A, %get3A_156] {strides = array<i32>} : memref<80x16xf32, #tpu.memory_space<vmem>>, vector<1x16xf32>,
        %get3A_158 = vector.shape_cast %get3A_157 : vector<1x16xf32> to vector<16xf32>
        %get3A_159 = arith.index_cast %scan3A_155 : i32 to index
        %get3A_160 = arith.constant 0 : index
        %get3A_161 = tpu.vector_load %arg15[%get3A_159, %get3A_160] {strides = array<i32>} : memref<80x128xf32, #tpu.memory_space<vmem>>, vector<1x16xf32>,
        %get3A_162 = vector.shape_cast %get3A_161 : vector<1x16xf32> to vector<16xf32>
        %mul3A_163 = arith.mulf %get3A_162, %get3A_158 : vector<16xf32>
        %swap3A = arith.index_cast %scan3A_155 : i32 to index
        %swap3A_164 = arith.constant 0 : index
        %swap3A_165 = tpu.vector_load %arg15[%swap3A, %swap3A_164] {strides = array<i32>} : memref<80x128xf32, #tpu.memory_space<vmem>>, vector<1x16xf32>,
        %swap3A_166 = vector.shape_cast %swap3A_165 : vector<1x16xf32> to vector<16xf32>
        %swap3A_167 = vector.shape_cast %mul3A_163 : vector<16xf32> to vector<1x16xf32>
        tpu.vector_store %arg15[%swap3A, %swap3A_164], %swap3A_167 {strides = array<i32>} : memref<80x128xf32, #tpu.memory_space<vmem>>, vector<1x16xf32>,
        %get3A_168 = arith.index_cast %scan3A_155 : i32 to index
        %get3A_169 = arith.constant 16 : index
        %get3A_170 = tpu.vector_load %arg15[%get3A_168, %get3A_169] {strides = array<i32>} : memref<80x128xf32, #tpu.memory_space<vmem>>, vector<1x16xf32>,
        %get3A_171 = vector.shape_cast %get3A_170 : vector<1x16xf32> to vector<16xf32>
        %mul3A_172 = arith.mulf %get3A_171, %get3A_158 : vector<16xf32>
        %swap3A_173 = arith.index_cast %scan3A_155 : i32 to index
        %swap3A_174 = arith.constant 16 : index
        %swap3A_175 = tpu.vector_load %arg15[%swap3A_173, %swap3A_174] {strides = array<i32>} : memref<80x128xf32, #tpu.memory_space<vmem>>, vector<1x16xf32>,
        %swap3A_176 = vector.shape_cast %swap3A_175 : vector<1x16xf32> to vector<16xf32>
        %swap3A_177 = vector.shape_cast %mul3A_172 : vector<16xf32> to vector<1x16xf32>
        tpu.vector_store %arg15[%swap3A_173, %swap3A_174], %swap3A_177 {strides = array<i32>} : memref<80x128xf32, #tpu.memory_space<vmem>>, vector<1x16xf32>,
        %get3A_178 = arith.index_cast %scan3A_155 : i32 to index
        %get3A_179 = arith.constant 32 : index
        %get3A_180 = tpu.vector_load %arg15[%get3A_178, %get3A_179] {strides = array<i32>} : memref<80x128xf32, #tpu.memory_space<vmem>>, vector<1x16xf32>,
        %get3A_181 = vector.shape_cast %get3A_180 : vector<1x16xf32> to vector<16xf32>
        %mul3A_182 = arith.mulf %get3A_181, %get3A_158 : vector<16xf32>
        %swap3A_183 = arith.index_cast %scan3A_155 : i32 to index
        %swap3A_184 = arith.constant 32 : index
        %swap3A_185 = tpu.vector_load %arg15[%swap3A_183, %swap3A_184] {strides = array<i32>} : memref<80x128xf32, #tpu.memory_space<vmem>>, vector<1x16xf32>,
        %swap3A_186 = vector.shape_cast %swap3A_185 : vector<1x16xf32> to vector<16xf32>
        %swap3A_187 = vector.shape_cast %mul3A_182 : vector<16xf32> to vector<1x16xf32>
        tpu.vector_store %arg15[%swap3A_183, %swap3A_184], %swap3A_187 {strides = array<i32>} : memref<80x128xf32, #tpu.memory_space<vmem>>, vector<1x16xf32>,
        %get3A_188 = arith.index_cast %scan3A_155 : i32 to index
        %get3A_189 = arith.constant 48 : index
        %get3A_190 = tpu.vector_load %arg15[%get3A_188, %get3A_189] {strides = array<i32>} : memref<80x128xf32, #tpu.memory_space<vmem>>, vector<1x16xf32>,
        %get3A_191 = vector.shape_cast %get3A_190 : vector<1x16xf32> to vector<16xf32>
        %mul3A_192 = arith.mulf %get3A_191, %get3A_158 : vector<16xf32>
        %swap3A_193 = arith.index_cast %scan3A_155 : i32 to index
        %swap3A_194 = arith.constant 48 : index
        %swap3A_195 = tpu.vector_load %arg15[%swap3A_193, %swap3A_194] {strides = array<i32>} : memref<80x128xf32, #tpu.memory_space<vmem>>, vector<1x16xf32>,
        %swap3A_196 = vector.shape_cast %swap3A_195 : vector<1x16xf32> to vector<16xf32>
        %swap3A_197 = vector.shape_cast %mul3A_192 : vector<16xf32> to vector<1x16xf32>
        tpu.vector_store %arg15[%swap3A_193, %swap3A_194], %swap3A_197 {strides = array<i32>} : memref<80x128xf32, #tpu.memory_space<vmem>>, vector<1x16xf32>,
        %get3A_198 = arith.index_cast %scan3A_155 : i32 to index
        %get3A_199 = arith.constant 64 : index
        %get3A_200 = tpu.vector_load %arg15[%get3A_198, %get3A_199] {strides = array<i32>} : memref<80x128xf32, #tpu.memory_space<vmem>>, vector<1x16xf32>,
        %get3A_201 = vector.shape_cast %get3A_200 : vector<1x16xf32> to vector<16xf32>
        %mul3A_202 = arith.mulf %get3A_201, %get3A_158 : vector<16xf32>
        %swap3A_203 = arith.index_cast %scan3A_155 : i32 to index
        %swap3A_204 = arith.constant 64 : index
        %swap3A_205 = tpu.vector_load %arg15[%swap3A_203, %swap3A_204] {strides = array<i32>} : memref<80x128xf32, #tpu.memory_space<vmem>>, vector<1x16xf32>,
        %swap3A_206 = vector.shape_cast %swap3A_205 : vector<1x16xf32> to vector<16xf32>
        %swap3A_207 = vector.shape_cast %mul3A_202 : vector<16xf32> to vector<1x16xf32>
        tpu.vector_store %arg15[%swap3A_203, %swap3A_204], %swap3A_207 {strides = array<i32>} : memref<80x128xf32, #tpu.memory_space<vmem>>, vector<1x16xf32>,
        %get3A_208 = arith.index_cast %scan3A_155 : i32 to index
        %get3A_209 = arith.constant 80 : index
        %get3A_210 = tpu.vector_load %arg15[%get3A_208, %get3A_209] {strides = array<i32>} : memref<80x128xf32, #tpu.memory_space<vmem>>, vector<1x16xf32>,
        %get3A_211 = vector.shape_cast %get3A_210 : vector<1x16xf32> to vector<16xf32>
        %mul3A_212 = arith.mulf %get3A_211, %get3A_158 : vector<16xf32>
        %swap3A_213 = arith.index_cast %scan3A_155 : i32 to index
        %swap3A_214 = arith.constant 80 : index
        %swap3A_215 = tpu.vector_load %arg15[%swap3A_213, %swap3A_214] {strides = array<i32>} : memref<80x128xf32, #tpu.memory_space<vmem>>, vector<1x16xf32>,
        %swap3A_216 = vector.shape_cast %swap3A_215 : vector<1x16xf32> to vector<16xf32>
        %swap3A_217 = vector.shape_cast %mul3A_212 : vector<16xf32> to vector<1x16xf32>
        tpu.vector_store %arg15[%swap3A_213, %swap3A_214], %swap3A_217 {strides = array<i32>} : memref<80x128xf32, #tpu.memory_space<vmem>>, vector<1x16xf32>,
        %get3A_218 = arith.index_cast %scan3A_155 : i32 to index
        %get3A_219 = arith.constant 96 : index
        %get3A_220 = tpu.vector_load %arg15[%get3A_218, %get3A_219] {strides = array<i32>} : memref<80x128xf32, #tpu.memory_space<vmem>>, vector<1x16xf32>,
        %get3A_221 = vector.shape_cast %get3A_220 : vector<1x16xf32> to vector<16xf32>
        %mul3A_222 = arith.mulf %get3A_221, %get3A_158 : vector<16xf32>
        %swap3A_223 = arith.index_cast %scan3A_155 : i32 to index
        %swap3A_224 = arith.constant 96 : index
        %swap3A_225 = tpu.vector_load %arg15[%swap3A_223, %swap3A_224] {strides = array<i32>} : memref<80x128xf32, #tpu.memory_space<vmem>>, vector<1x16xf32>,
        %swap3A_226 = vector.shape_cast %swap3A_225 : vector<1x16xf32> to vector<16xf32>
        %swap3A_227 = vector.shape_cast %mul3A_222 : vector<16xf32> to vector<1x16xf32>
        tpu.vector_store %arg15[%swap3A_223, %swap3A_224], %swap3A_227 {strides = array<i32>} : memref<80x128xf32, #tpu.memory_space<vmem>>, vector<1x16xf32>,
        %get3A_228 = arith.index_cast %scan3A_155 : i32 to index
        %get3A_229 = arith.constant 112 : index
        %get3A_230 = tpu.vector_load %arg15[%get3A_228, %get3A_229] {strides = array<i32>} : memref<80x128xf32, #tpu.memory_space<vmem>>, vector<1x16xf32>,
        %get3A_231 = vector.shape_cast %get3A_230 : vector<1x16xf32> to vector<16xf32>
        %mul3A_232 = arith.mulf %get3A_231, %get3A_158 : vector<16xf32>
        %swap3A_233 = arith.index_cast %scan3A_155 : i32 to index
        %swap3A_234 = arith.constant 112 : index
        %swap3A_235 = tpu.vector_load %arg15[%swap3A_233, %swap3A_234] {strides = array<i32>} : memref<80x128xf32, #tpu.memory_space<vmem>>, vector<1x16xf32>,
        %swap3A_236 = vector.shape_cast %swap3A_235 : vector<1x16xf32> to vector<16xf32>
        %swap3A_237 = vector.shape_cast %mul3A_232 : vector<16xf32> to vector<1x16xf32>
        tpu.vector_store %arg15[%swap3A_233, %swap3A_234], %swap3A_237 {strides = array<i32>} : memref<80x128xf32, #tpu.memory_space<vmem>>, vector<1x16xf32>,
      }
      %scan3A_144 = arith.constant 80 : i32
      %dma_start3A_145 = arith.constant 0 : i32
      %dma_start3A_146 = arith.constant 0 : i32
      %dma_start3A_147 = tpu.memref_slice %arg16[%dma_start3A_145, %dma_start3A_146] : memref<10240x128xf32, #tpu.memory_space<vmem_shared>> -> memref<10240x128xf32, #tpu.memory_space<vmem_shared>>
      tpu.enqueue_indirect_dma source(%arg15 : memref<80x128xf32, #tpu.memory_space<vmem>>) target(%dma_start3A_147 : memref<10240x128xf32, #tpu.memory_space<vmem_shared>>) offsets(%arg11 : memref<80xi32, #tpu.memory_space<vmem>>) semaphore(%arg22 : memref<!tpu.dma_semaphore, #tpu.memory_space<semaphore_mem>>) {add = true}
      %add3A_148 = arith.constant 2 : i32
      %add3A_149 = arith.addi %add3A_125, %add3A_148 : i32
      %lt3A_150 = arith.constant 128 : i32
      %lt3A_151 = arith.cmpi slt, %add3A_149, %lt3A_150 : i32
      %convert_element_type3A_152 = arith.extui %lt3A_151 : i1 to i32
      %cond3A_153 = arith.constant 0 : i32
      %cond3A_154 = arith.cmpi ne, %convert_element_type3A_152, %cond3A_153 : i32
      scf.if %cond3A_154 {
        %dma_wait3A_155 = arith.constant 0 : i32
        %dma_wait3A_156 = arith.constant 0 : i32
        %dma_wait3A_157 = tpu.memref_slice %arg16[%dma_wait3A_155, %dma_wait3A_156] : memref<10240x128xf32, #tpu.memory_space<vmem_shared>> -> memref<10240x128xf32, #tpu.memory_space<vmem_shared>>
        tpu.wait_indirect_dma semaphore(%arg22 : memref<!tpu.dma_semaphore, #tpu.memory_space<semaphore_mem>>) src(%arg15 : memref<80x128xf32, #tpu.memory_space<vmem>>) dst(%dma_wait3A_157 : memref<10240x128xf32, #tpu.memory_space<vmem_shared>>)
        %add3A_158 = arith.constant 2 : i32
        %add3A_159 = arith.addi %add3A_125, %add3A_158 : i32
        %mul3A_160 = arith.constant 128 : i32
        %mul3A_161 = arith.muli %add3A, %mul3A_160 : i32
        %add3A_162 = arith.addi %mul3A_161, %add3A_159 : i32
        %mul3A_163 = arith.constant 80 : i32
        %mul3A_164 = arith.muli %add3A_162, %mul3A_163 : i32
        "tpu.region"() ({
          %run_scoped3A = tpu.sem_alloc : memref<!tpu.dma_semaphore, #tpu.memory_space<semaphore_mem>>
          %dma_start3A_174 = tpu.memref_slice %arg3[%mul3A_164] : memref<327680xi32, #tpu.memory_space<hbm>> -> memref<80xi32, #tpu.memory_space<hbm>>
          %dma_start3A_175 = tpu.memref_slice %arg3[%mul3A_164] : memref<327680xi32, #tpu.memory_space<hbm>> -> memref<80xi32, #tpu.memory_space<hbm>>
          tpu.enqueue_dma source(%dma_start3A_175 : memref<80xi32, #tpu.memory_space<hbm>>) target(%arg9 : memref<80xi32, #tpu.memory_space<vmem>>) target_semaphore(%run_scoped3A : memref<!tpu.dma_semaphore, #tpu.memory_space<semaphore_mem>>)
          %dma_wait3A_176 = tpu.memref_slice %arg3[%mul3A_164] : memref<327680xi32, #tpu.memory_space<hbm>> -> memref<80xi32, #tpu.memory_space<hbm>>
          %dma_wait3A_177 = tpu.memref_slice %arg3[%mul3A_164] : memref<327680xi32, #tpu.memory_space<hbm>> -> memref<80xi32, #tpu.memory_space<hbm>>
          tpu.wait_dma2 semaphore(%run_scoped3A : memref<!tpu.dma_semaphore, #tpu.memory_space<semaphore_mem>>) src(%dma_wait3A_177 : memref<80xi32, #tpu.memory_space<hbm>>) dst(%arg9 : memref<80xi32, #tpu.memory_space<vmem>>)
          tpu.yield
        }) : () -> ()
        %dma_start3A_165 = arith.constant 0 : i32
        %dma_start3A_166 = tpu.memref_slice %arg5[%mul3A_164, %dma_start3A_165] : memref<327680x16xf32, #tpu.memory_space<hbm>> -> memref<80x16xf32, #tpu.memory_space<hbm>>
        %dma_start3A_167 = arith.constant 0 : i32
        %dma_start3A_168 = tpu.memref_slice %arg5[%mul3A_164, %dma_start3A_167] : memref<327680x16xf32, #tpu.memory_space<hbm>> -> memref<80x16xf32, #tpu.memory_space<hbm>>
        tpu.enqueue_dma source(%dma_start3A_168 : memref<80x16xf32, #tpu.memory_space<hbm>>) target(%arg13 : memref<80x16xf32, #tpu.memory_space<vmem>>) target_semaphore(%arg18 : memref<!tpu.dma_semaphore, #tpu.memory_space<semaphore_mem>>)
        %dma_start3A_169 = tpu.memref_slice %arg4[%mul3A_164] : memref<327680xi32, #tpu.memory_space<hbm>> -> memref<80xi32, #tpu.memory_space<hbm>>
        %dma_start3A_170 = tpu.memref_slice %arg4[%mul3A_164] : memref<327680xi32, #tpu.memory_space<hbm>> -> memref<80xi32, #tpu.memory_space<hbm>>
        tpu.enqueue_dma source(%dma_start3A_170 : memref<80xi32, #tpu.memory_space<hbm>>) target(%arg11 : memref<80xi32, #tpu.memory_space<vmem>>) target_semaphore(%arg18 : memref<!tpu.dma_semaphore, #tpu.memory_space<semaphore_mem>>)
        %dma_start3A_171 = arith.constant 0 : i32
        %dma_start3A_172 = arith.constant 0 : i32
        %dma_start3A_173 = tpu.memref_slice %arg2[%dma_start3A_171, %dma_start3A_172] : memref<10240x128xf32, #tpu.memory_space<hbm>> -> memref<10240x128xf32, #tpu.memory_space<hbm>>
        tpu.enqueue_indirect_dma source(%dma_start3A_173 : memref<10240x128xf32, #tpu.memory_space<hbm>>) target(%arg15 : memref<80x128xf32, #tpu.memory_space<vmem>>) offsets(%arg9 : memref<80xi32, #tpu.memory_space<vmem>>) semaphore(%arg20 : memref<!tpu.dma_semaphore, #tpu.memory_space<semaphore_mem>>)
      } else {
      }
    }
    %scan3A_52 = arith.constant 64 : i32
    %dma_wait3A = arith.constant 0 : i32
    %dma_wait3A_53 = arith.constant 0 : i32
    %dma_wait3A_54 = tpu.memref_slice %arg16[%dma_wait3A, %dma_wait3A_53] : memref<10240x128xf32, #tpu.memory_space<vmem_shared>> -> memref<10240x128xf32, #tpu.memory_space<vmem_shared>>
    tpu.wait_indirect_dma semaphore(%arg21 : memref<!tpu.dma_semaphore, #tpu.memory_space<semaphore_mem>>) src(%arg14 : memref<80x128xf32, #tpu.memory_space<vmem>>) dst(%dma_wait3A_54 : memref<10240x128xf32, #tpu.memory_space<vmem_shared>>)
    %dma_wait3A_55 = arith.constant 0 : i32
    %dma_wait3A_56 = arith.constant 0 : i32
    %dma_wait3A_57 = tpu.memref_slice %arg16[%dma_wait3A_55, %dma_wait3A_56] : memref<10240x128xf32, #tpu.memory_space<vmem_shared>> -> memref<10240x128xf32, #tpu.memory_space<vmem_shared>>
    tpu.wait_indirect_dma semaphore(%arg22 : memref<!tpu.dma_semaphore, #tpu.memory_space<semaphore_mem>>) src(%arg15 : memref<80x128xf32, #tpu.memory_space<vmem>>) dst(%dma_wait3A_57 : memref<10240x128xf32, #tpu.memory_space<vmem_shared>>)
    %barrier3A_58 = arith.constant 0 : index
    tpu.barrier barrier_id(%barrier3A_58)
    %add3A_59 = arith.constant 0 : i32
    %add3A_60 = arith.addi %mul3A_2, %add3A_59 : i32
    "tpu.region"() ({
      %run_scoped3A = tpu.sem_alloc : memref<!tpu.dma_semaphore, #tpu.memory_space<semaphore_mem>>
      %dma_start3A_91 = arith.constant 0 : i32
      %dma_start3A_92 = tpu.memref_slice %arg16[%add3A_60, %dma_start3A_91] : memref<10240x128xf32, #tpu.memory_space<vmem_shared>> -> memref<80x128xf32, #tpu.memory_space<vmem_shared>>
      %dma_start3A_93 = arith.constant 0 : i32
      %dma_start3A_94 = tpu.memref_slice %arg16[%add3A_60, %dma_start3A_93] : memref<10240x128xf32, #tpu.memory_space<vmem_shared>> -> memref<80x128xf32, #tpu.memory_space<vmem_shared>>
      tpu.enqueue_dma source(%dma_start3A_94 : memref<80x128xf32, #tpu.memory_space<vmem_shared>>) target(%arg14 : memref<80x128xf32, #tpu.memory_space<vmem>>) target_semaphore(%run_scoped3A : memref<!tpu.dma_semaphore, #tpu.memory_space<semaphore_mem>>)
      %dma_wait3A_95 = arith.constant 0 : i32
      %dma_wait3A_96 = tpu.memref_slice %arg16[%add3A_60, %dma_wait3A_95] : memref<10240x128xf32, #tpu.memory_space<vmem_shared>> -> memref<80x128xf32, #tpu.memory_space<vmem_shared>>
      %dma_wait3A_97 = arith.constant 0 : i32
      %dma_wait3A_98 = tpu.memref_slice %arg16[%add3A_60, %dma_wait3A_97] : memref<10240x128xf32, #tpu.memory_space<vmem_shared>> -> memref<80x128xf32, #tpu.memory_space<vmem_shared>>
      tpu.wait_dma2 semaphore(%run_scoped3A : memref<!tpu.dma_semaphore, #tpu.memory_space<semaphore_mem>>) src(%dma_wait3A_98 : memref<80x128xf32, #tpu.memory_space<vmem_shared>>) dst(%arg14 : memref<80x128xf32, #tpu.memory_space<vmem>>)
      tpu.yield
    }) : () -> ()
    %add3A_61 = arith.constant 0 : i32
    %add3A_62 = arith.addi %mul3A_2, %add3A_61 : i32
    "tpu.region"() ({
      %run_scoped3A = tpu.sem_alloc : memref<!tpu.dma_semaphore, #tpu.memory_space<semaphore_mem>>
      %dma_start3A_91 = arith.constant 0 : i32
      %dma_start3A_92 = tpu.memref_slice %arg7[%arg0, %add3A_62, %dma_start3A_91] : memref<2x10240x128xf32, #tpu.memory_space<hbm>> -> memref<1x80x128xf32, #tpu.memory_space<hbm>>
      %dma_start3A_93 = tpu.memref_squeeze %dma_start3A_92 : memref<1x80x128xf32, #tpu.memory_space<hbm>> -> memref<80x128xf32, #tpu.memory_space<hbm>>
      %dma_start3A_94 = arith.constant 0 : i32
      %dma_start3A_95 = tpu.memref_slice %arg7[%arg0, %add3A_62, %dma_start3A_94] : memref<2x10240x128xf32, #tpu.memory_space<hbm>> -> memref<1x80x128xf32, #tpu.memory_space<hbm>>
      %dma_start3A_96 = tpu.memref_squeeze %dma_start3A_95 : memref<1x80x128xf32, #tpu.memory_space<hbm>> -> memref<80x128xf32, #tpu.memory_space<hbm>>
      tpu.enqueue_dma source(%arg14 : memref<80x128xf32, #tpu.memory_space<vmem>>) target(%dma_start3A_96 : memref<80x128xf32, #tpu.memory_space<hbm>>) target_semaphore(%run_scoped3A : memref<!tpu.dma_semaphore, #tpu.memory_space<semaphore_mem>>)
      %dma_wait3A_97 = arith.constant 0 : i32
      %dma_wait3A_98 = tpu.memref_slice %arg7[%arg0, %add3A_62, %dma_wait3A_97] : memref<2x10240x128xf32, #tpu.memory_space<hbm>> -> memref<1x80x128xf32, #tpu.memory_space<hbm>>
      %dma_wait3A_99 = tpu.memref_squeeze %dma_wait3A_98 : memref<1x80x128xf32, #tpu.memory_space<hbm>> -> memref<80x128xf32, #tpu.memory_space<hbm>>
      %dma_wait3A_100 = arith.constant 0 : i32
      %dma_wait3A_101 = tpu.memref_slice %arg7[%arg0, %add3A_62, %dma_wait3A_100] : memref<2x10240x128xf32, #tpu.memory_space<hbm>> -> memref<1x80x128xf32, #tpu.memory_space<hbm>>
      %dma_wait3A_102 = tpu.memref_squeeze %dma_wait3A_101 : memref<1x80x128xf32, #tpu.memory_space<hbm>> -> memref<80x128xf32, #tpu.memory_space<hbm>>
      tpu.wait_dma2 semaphore(%run_scoped3A : memref<!tpu.dma_semaphore, #tpu.memory_space<semaphore_mem>>) src(%arg14 : memref<80x128xf32, #tpu.memory_space<vmem>>) dst(%dma_wait3A_102 : memref<80x128xf32, #tpu.memory_space<hbm>>)
      tpu.yield
    }) : () -> ()
    %add3A_63 = arith.constant 80 : i32
    %add3A_64 = arith.addi %mul3A_2, %add3A_63 : i32
    "tpu.region"() ({
      %run_scoped3A = tpu.sem_alloc : memref<!tpu.dma_semaphore, #tpu.memory_space<semaphore_mem>>
      %dma_start3A_91 = arith.constant 0 : i32
      %dma_start3A_92 = tpu.memref_slice %arg16[%add3A_64, %dma_start3A_91] : memref<10240x128xf32, #tpu.memory_space<vmem_shared>> -> memref<80x128xf32, #tpu.memory_space<vmem_shared>>
      %dma_start3A_93 = arith.constant 0 : i32
      %dma_start3A_94 = tpu.memref_slice %arg16[%add3A_64, %dma_start3A_93] : memref<10240x128xf32, #tpu.memory_space<vmem_shared>> -> memref<80x128xf32, #tpu.memory_space<vmem_shared>>
      tpu.enqueue_dma source(%dma_start3A_94 : memref<80x128xf32, #tpu.memory_space<vmem_shared>>) target(%arg14 : memref<80x128xf32, #tpu.memory_space<vmem>>) target_semaphore(%run_scoped3A : memref<!tpu.dma_semaphore, #tpu.memory_space<semaphore_mem>>)
      %dma_wait3A_95 = arith.constant 0 : i32
      %dma_wait3A_96 = tpu.memref_slice %arg16[%add3A_64, %dma_wait3A_95] : memref<10240x128xf32, #tpu.memory_space<vmem_shared>> -> memref<80x128xf32, #tpu.memory_space<vmem_shared>>
      %dma_wait3A_97 = arith.constant 0 : i32
      %dma_wait3A_98 = tpu.memref_slice %arg16[%add3A_64, %dma_wait3A_97] : memref<10240x128xf32, #tpu.memory_space<vmem_shared>> -> memref<80x128xf32, #tpu.memory_space<vmem_shared>>
      tpu.wait_dma2 semaphore(%run_scoped3A : memref<!tpu.dma_semaphore, #tpu.memory_space<semaphore_mem>>) src(%dma_wait3A_98 : memref<80x128xf32, #tpu.memory_space<vmem_shared>>) dst(%arg14 : memref<80x128xf32, #tpu.memory_space<vmem>>)
      tpu.yield
    }) : () -> ()
    %add3A_65 = arith.constant 80 : i32
    %add3A_66 = arith.addi %mul3A_2, %add3A_65 : i32
    "tpu.region"() ({
      %run_scoped3A = tpu.sem_alloc : memref<!tpu.dma_semaphore, #tpu.memory_space<semaphore_mem>>
      %dma_start3A_91 = arith.constant 0 : i32
      %dma_start3A_92 = tpu.memref_slice %arg7[%arg0, %add3A_66, %dma_start3A_91] : memref<2x10240x128xf32, #tpu.memory_space<hbm>> -> memref<1x80x128xf32, #tpu.memory_space<hbm>>
      %dma_start3A_93 = tpu.memref_squeeze %dma_start3A_92 : memref<1x80x128xf32, #tpu.memory_space<hbm>> -> memref<80x128xf32, #tpu.memory_space<hbm>>
      %dma_start3A_94 = arith.constant 0 : i32
      %dma_start3A_95 = tpu.memref_slice %arg7[%arg0, %add3A_66, %dma_start3A_94] : memref<2x10240x128xf32, #tpu.memory_space<hbm>> -> memref<1x80x128xf32, #tpu.memory_space<hbm>>
      %dma_start3A_96 = tpu.memref_squeeze %dma_start3A_95 : memref<1x80x128xf32, #tpu.memory_space<hbm>> -> memref<80x128xf32, #tpu.memory_space<hbm>>
      tpu.enqueue_dma source(%arg14 : memref<80x128xf32, #tpu.memory_space<vmem>>) target(%dma_start3A_96 : memref<80x128xf32, #tpu.memory_space<hbm>>) target_semaphore(%run_scoped3A : memref<!tpu.dma_semaphore, #tpu.memory_space<semaphore_mem>>)
      %dma_wait3A_97 = arith.constant 0 : i32
      %dma_wait3A_98 = tpu.memref_slice %arg7[%arg0, %add3A_66, %dma_wait3A_97] : memref<2x10240x128xf32, #tpu.memory_space<hbm>> -> memref<1x80x128xf32, #tpu.memory_space<hbm>>
      %dma_wait3A_99 = tpu.memref_squeeze %dma_wait3A_98 : memref<1x80x128xf32, #tpu.memory_space<hbm>> -> memref<80x128xf32, #tpu.memory_space<hbm>>
      %dma_wait3A_100 = arith.constant 0 : i32
      %dma_wait3A_101 = tpu.memref_slice %arg7[%arg0, %add3A_66, %dma_wait3A_100] : memref<2x10240x128xf32, #tpu.memory_space<hbm>> -> memref<1x80x128xf32, #tpu.memory_space<hbm>>
      %dma_wait3A_102 = tpu.memref_squeeze %dma_wait3A_101 : memref<1x80x128xf32, #tpu.memory_space<hbm>> -> memref<80x128xf32, #tpu.memory_space<hbm>>
      tpu.wait_dma2 semaphore(%run_scoped3A : memref<!tpu.dma_semaphore, #tpu.memory_space<semaphore_mem>>) src(%arg14 : memref<80x128xf32, #tpu.memory_space<vmem>>) dst(%dma_wait3A_102 : memref<80x128xf32, #tpu.memory_space<hbm>>)
      tpu.yield
    }) : () -> ()
    %add3A_67 = arith.constant 160 : i32
    %add3A_68 = arith.addi %mul3A_2, %add3A_67 : i32
    "tpu.region"() ({
      %run_scoped3A = tpu.sem_alloc : memref<!tpu.dma_semaphore, #tpu.memory_space<semaphore_mem>>
      %dma_start3A_91 = arith.constant 0 : i32
      %dma_start3A_92 = tpu.memref_slice %arg16[%add3A_68, %dma_start3A_91] : memref<10240x128xf32, #tpu.memory_space<vmem_shared>> -> memref<80x128xf32, #tpu.memory_space<vmem_shared>>
      %dma_start3A_93 = arith.constant 0 : i32
      %dma_start3A_94 = tpu.memref_slice %arg16[%add3A_68, %dma_start3A_93] : memref<10240x128xf32, #tpu.memory_space<vmem_shared>> -> memref<80x128xf32, #tpu.memory_space<vmem_shared>>
      tpu.enqueue_dma source(%dma_start3A_94 : memref<80x128xf32, #tpu.memory_space<vmem_shared>>) target(%arg14 : memref<80x128xf32, #tpu.memory_space<vmem>>) target_semaphore(%run_scoped3A : memref<!tpu.dma_semaphore, #tpu.memory_space<semaphore_mem>>)
      %dma_wait3A_95 = arith.constant 0 : i32
      %dma_wait3A_96 = tpu.memref_slice %arg16[%add3A_68, %dma_wait3A_95] : memref<10240x128xf32, #tpu.memory_space<vmem_shared>> -> memref<80x128xf32, #tpu.memory_space<vmem_shared>>
      %dma_wait3A_97 = arith.constant 0 : i32
      %dma_wait3A_98 = tpu.memref_slice %arg16[%add3A_68, %dma_wait3A_97] : memref<10240x128xf32, #tpu.memory_space<vmem_shared>> -> memref<80x128xf32, #tpu.memory_space<vmem_shared>>
      tpu.wait_dma2 semaphore(%run_scoped3A : memref<!tpu.dma_semaphore, #tpu.memory_space<semaphore_mem>>) src(%dma_wait3A_98 : memref<80x128xf32, #tpu.memory_space<vmem_shared>>) dst(%arg14 : memref<80x128xf32, #tpu.memory_space<vmem>>)
      tpu.yield
    }) : () -> ()
    %add3A_69 = arith.constant 160 : i32
    %add3A_70 = arith.addi %mul3A_2, %add3A_69 : i32
    "tpu.region"() ({
      %run_scoped3A = tpu.sem_alloc : memref<!tpu.dma_semaphore, #tpu.memory_space<semaphore_mem>>
      %dma_start3A_91 = arith.constant 0 : i32
      %dma_start3A_92 = tpu.memref_slice %arg7[%arg0, %add3A_70, %dma_start3A_91] : memref<2x10240x128xf32, #tpu.memory_space<hbm>> -> memref<1x80x128xf32, #tpu.memory_space<hbm>>
      %dma_start3A_93 = tpu.memref_squeeze %dma_start3A_92 : memref<1x80x128xf32, #tpu.memory_space<hbm>> -> memref<80x128xf32, #tpu.memory_space<hbm>>
      %dma_start3A_94 = arith.constant 0 : i32
      %dma_start3A_95 = tpu.memref_slice %arg7[%arg0, %add3A_70, %dma_start3A_94] : memref<2x10240x128xf32, #tpu.memory_space<hbm>> -> memref<1x80x128xf32, #tpu.memory_space<hbm>>
      %dma_start3A_96 = tpu.memref_squeeze %dma_start3A_95 : memref<1x80x128xf32, #tpu.memory_space<hbm>> -> memref<80x128xf32, #tpu.memory_space<hbm>>
      tpu.enqueue_dma source(%arg14 : memref<80x128xf32, #tpu.memory_space<vmem>>) target(%dma_start3A_96 : memref<80x128xf32, #tpu.memory_space<hbm>>) target_semaphore(%run_scoped3A : memref<!tpu.dma_semaphore, #tpu.memory_space<semaphore_mem>>)
      %dma_wait3A_97 = arith.constant 0 : i32
      %dma_wait3A_98 = tpu.memref_slice %arg7[%arg0, %add3A_70, %dma_wait3A_97] : memref<2x10240x128xf32, #tpu.memory_space<hbm>> -> memref<1x80x128xf32, #tpu.memory_space<hbm>>
      %dma_wait3A_99 = tpu.memref_squeeze %dma_wait3A_98 : memref<1x80x128xf32, #tpu.memory_space<hbm>> -> memref<80x128xf32, #tpu.memory_space<hbm>>
      %dma_wait3A_100 = arith.constant 0 : i32
      %dma_wait3A_101 = tpu.memref_slice %arg7[%arg0, %add3A_70, %dma_wait3A_100] : memref<2x10240x128xf32, #tpu.memory_space<hbm>> -> memref<1x80x128xf32, #tpu.memory_space<hbm>>
      %dma_wait3A_102 = tpu.memref_squeeze %dma_wait3A_101 : memref<1x80x128xf32, #tpu.memory_space<hbm>> -> memref<80x128xf32, #tpu.memory_space<hbm>>
      tpu.wait_dma2 semaphore(%run_scoped3A : memref<!tpu.dma_semaphore, #tpu.memory_space<semaphore_mem>>) src(%arg14 : memref<80x128xf32, #tpu.memory_space<vmem>>) dst(%dma_wait3A_102 : memref<80x128xf32, #tpu.memory_space<hbm>>)
      tpu.yield
    }) : () -> ()
    %add3A_71 = arith.constant 240 : i32
    %add3A_72 = arith.addi %mul3A_2, %add3A_71 : i32
    "tpu.region"() ({
      %run_scoped3A = tpu.sem_alloc : memref<!tpu.dma_semaphore, #tpu.memory_space<semaphore_mem>>
      %dma_start3A_91 = arith.constant 0 : i32
      %dma_start3A_92 = tpu.memref_slice %arg16[%add3A_72, %dma_start3A_91] : memref<10240x128xf32, #tpu.memory_space<vmem_shared>> -> memref<80x128xf32, #tpu.memory_space<vmem_shared>>
      %dma_start3A_93 = arith.constant 0 : i32
      %dma_start3A_94 = tpu.memref_slice %arg16[%add3A_72, %dma_start3A_93] : memref<10240x128xf32, #tpu.memory_space<vmem_shared>> -> memref<80x128xf32, #tpu.memory_space<vmem_shared>>
      tpu.enqueue_dma source(%dma_start3A_94 : memref<80x128xf32, #tpu.memory_space<vmem_shared>>) target(%arg14 : memref<80x128xf32, #tpu.memory_space<vmem>>) target_semaphore(%run_scoped3A : memref<!tpu.dma_semaphore, #tpu.memory_space<semaphore_mem>>)
      %dma_wait3A_95 = arith.constant 0 : i32
      %dma_wait3A_96 = tpu.memref_slice %arg16[%add3A_72, %dma_wait3A_95] : memref<10240x128xf32, #tpu.memory_space<vmem_shared>> -> memref<80x128xf32, #tpu.memory_space<vmem_shared>>
      %dma_wait3A_97 = arith.constant 0 : i32
      %dma_wait3A_98 = tpu.memref_slice %arg16[%add3A_72, %dma_wait3A_97] : memref<10240x128xf32, #tpu.memory_space<vmem_shared>> -> memref<80x128xf32, #tpu.memory_space<vmem_shared>>
      tpu.wait_dma2 semaphore(%run_scoped3A : memref<!tpu.dma_semaphore, #tpu.memory_space<semaphore_mem>>) src(%dma_wait3A_98 : memref<80x128xf32, #tpu.memory_space<vmem_shared>>) dst(%arg14 : memref<80x128xf32, #tpu.memory_space<vmem>>)
      tpu.yield
    }) : () -> ()
    %add3A_73 = arith.constant 240 : i32
    %add3A_74 = arith.addi %mul3A_2, %add3A_73 : i32
    "tpu.region"() ({
      %run_scoped3A = tpu.sem_alloc : memref<!tpu.dma_semaphore, #tpu.memory_space<semaphore_mem>>
      %dma_start3A_91 = arith.constant 0 : i32
      %dma_start3A_92 = tpu.memref_slice %arg7[%arg0, %add3A_74, %dma_start3A_91] : memref<2x10240x128xf32, #tpu.memory_space<hbm>> -> memref<1x80x128xf32, #tpu.memory_space<hbm>>
      %dma_start3A_93 = tpu.memref_squeeze %dma_start3A_92 : memref<1x80x128xf32, #tpu.memory_space<hbm>> -> memref<80x128xf32, #tpu.memory_space<hbm>>
      %dma_start3A_94 = arith.constant 0 : i32
      %dma_start3A_95 = tpu.memref_slice %arg7[%arg0, %add3A_74, %dma_start3A_94] : memref<2x10240x128xf32, #tpu.memory_space<hbm>> -> memref<1x80x128xf32, #tpu.memory_space<hbm>>
      %dma_start3A_96 = tpu.memref_squeeze %dma_start3A_95 : memref<1x80x128xf32, #tpu.memory_space<hbm>> -> memref<80x128xf32, #tpu.memory_space<hbm>>
      tpu.enqueue_dma source(%arg14 : memref<80x128xf32, #tpu.memory_space<vmem>>) target(%dma_start3A_96 : memref<80x128xf32, #tpu.memory_space<hbm>>) target_semaphore(%run_scoped3A : memref<!tpu.dma_semaphore, #tpu.memory_space<semaphore_mem>>)
      %dma_wait3A_97 = arith.constant 0 : i32
      %dma_wait3A_98 = tpu.memref_slice %arg7[%arg0, %add3A_74, %dma_wait3A_97] : memref<2x10240x128xf32, #tpu.memory_space<hbm>> -> memref<1x80x128xf32, #tpu.memory_space<hbm>>
      %dma_wait3A_99 = tpu.memref_squeeze %dma_wait3A_98 : memref<1x80x128xf32, #tpu.memory_space<hbm>> -> memref<80x128xf32, #tpu.memory_space<hbm>>
      %dma_wait3A_100 = arith.constant 0 : i32
      %dma_wait3A_101 = tpu.memref_slice %arg7[%arg0, %add3A_74, %dma_wait3A_100] : memref<2x10240x128xf32, #tpu.memory_space<hbm>> -> memref<1x80x128xf32, #tpu.memory_space<hbm>>
      %dma_wait3A_102 = tpu.memref_squeeze %dma_wait3A_101 : memref<1x80x128xf32, #tpu.memory_space<hbm>> -> memref<80x128xf32, #tpu.memory_space<hbm>>
      tpu.wait_dma2 semaphore(%run_scoped3A : memref<!tpu.dma_semaphore, #tpu.memory_space<semaphore_mem>>) src(%arg14 : memref<80x128xf32, #tpu.memory_space<vmem>>) dst(%dma_wait3A_102 : memref<80x128xf32, #tpu.memory_space<hbm>>)
      tpu.yield
    }) : () -> ()
    %add3A_75 = arith.constant 320 : i32
    %add3A_76 = arith.addi %mul3A_2, %add3A_75 : i32
    "tpu.region"() ({
      %run_scoped3A = tpu.sem_alloc : memref<!tpu.dma_semaphore, #tpu.memory_space<semaphore_mem>>
      %dma_start3A_91 = arith.constant 0 : i32
      %dma_start3A_92 = tpu.memref_slice %arg16[%add3A_76, %dma_start3A_91] : memref<10240x128xf32, #tpu.memory_space<vmem_shared>> -> memref<80x128xf32, #tpu.memory_space<vmem_shared>>
      %dma_start3A_93 = arith.constant 0 : i32
      %dma_start3A_94 = tpu.memref_slice %arg16[%add3A_76, %dma_start3A_93] : memref<10240x128xf32, #tpu.memory_space<vmem_shared>> -> memref<80x128xf32, #tpu.memory_space<vmem_shared>>
      tpu.enqueue_dma source(%dma_start3A_94 : memref<80x128xf32, #tpu.memory_space<vmem_shared>>) target(%arg14 : memref<80x128xf32, #tpu.memory_space<vmem>>) target_semaphore(%run_scoped3A : memref<!tpu.dma_semaphore, #tpu.memory_space<semaphore_mem>>)
      %dma_wait3A_95 = arith.constant 0 : i32
      %dma_wait3A_96 = tpu.memref_slice %arg16[%add3A_76, %dma_wait3A_95] : memref<10240x128xf32, #tpu.memory_space<vmem_shared>> -> memref<80x128xf32, #tpu.memory_space<vmem_shared>>
      %dma_wait3A_97 = arith.constant 0 : i32
      %dma_wait3A_98 = tpu.memref_slice %arg16[%add3A_76, %dma_wait3A_97] : memref<10240x128xf32, #tpu.memory_space<vmem_shared>> -> memref<80x128xf32, #tpu.memory_space<vmem_shared>>
      tpu.wait_dma2 semaphore(%run_scoped3A : memref<!tpu.dma_semaphore, #tpu.memory_space<semaphore_mem>>) src(%dma_wait3A_98 : memref<80x128xf32, #tpu.memory_space<vmem_shared>>) dst(%arg14 : memref<80x128xf32, #tpu.memory_space<vmem>>)
      tpu.yield
    }) : () -> ()
    %add3A_77 = arith.constant 320 : i32
    %add3A_78 = arith.addi %mul3A_2, %add3A_77 : i32
    "tpu.region"() ({
      %run_scoped3A = tpu.sem_alloc : memref<!tpu.dma_semaphore, #tpu.memory_space<semaphore_mem>>
      %dma_start3A_91 = arith.constant 0 : i32
      %dma_start3A_92 = tpu.memref_slice %arg7[%arg0, %add3A_78, %dma_start3A_91] : memref<2x10240x128xf32, #tpu.memory_space<hbm>> -> memref<1x80x128xf32, #tpu.memory_space<hbm>>
      %dma_start3A_93 = tpu.memref_squeeze %dma_start3A_92 : memref<1x80x128xf32, #tpu.memory_space<hbm>> -> memref<80x128xf32, #tpu.memory_space<hbm>>
      %dma_start3A_94 = arith.constant 0 : i32
      %dma_start3A_95 = tpu.memref_slice %arg7[%arg0, %add3A_78, %dma_start3A_94] : memref<2x10240x128xf32, #tpu.memory_space<hbm>> -> memref<1x80x128xf32, #tpu.memory_space<hbm>>
      %dma_start3A_96 = tpu.memref_squeeze %dma_start3A_95 : memref<1x80x128xf32, #tpu.memory_space<hbm>> -> memref<80x128xf32, #tpu.memory_space<hbm>>
      tpu.enqueue_dma source(%arg14 : memref<80x128xf32, #tpu.memory_space<vmem>>) target(%dma_start3A_96 : memref<80x128xf32, #tpu.memory_space<hbm>>) target_semaphore(%run_scoped3A : memref<!tpu.dma_semaphore, #tpu.memory_space<semaphore_mem>>)
      %dma_wait3A_97 = arith.constant 0 : i32
      %dma_wait3A_98 = tpu.memref_slice %arg7[%arg0, %add3A_78, %dma_wait3A_97] : memref<2x10240x128xf32, #tpu.memory_space<hbm>> -> memref<1x80x128xf32, #tpu.memory_space<hbm>>
      %dma_wait3A_99 = tpu.memref_squeeze %dma_wait3A_98 : memref<1x80x128xf32, #tpu.memory_space<hbm>> -> memref<80x128xf32, #tpu.memory_space<hbm>>
      %dma_wait3A_100 = arith.constant 0 : i32
      %dma_wait3A_101 = tpu.memref_slice %arg7[%arg0, %add3A_78, %dma_wait3A_100] : memref<2x10240x128xf32, #tpu.memory_space<hbm>> -> memref<1x80x128xf32, #tpu.memory_space<hbm>>
      %dma_wait3A_102 = tpu.memref_squeeze %dma_wait3A_101 : memref<1x80x128xf32, #tpu.memory_space<hbm>> -> memref<80x128xf32, #tpu.memory_space<hbm>>
      tpu.wait_dma2 semaphore(%run_scoped3A : memref<!tpu.dma_semaphore, #tpu.memory_space<semaphore_mem>>) src(%arg14 : memref<80x128xf32, #tpu.memory_space<vmem>>) dst(%dma_wait3A_102 : memref<80x128xf32, #tpu.memory_space<hbm>>)
      tpu.yield
    }) : () -> ()
    %add3A_79 = arith.constant 400 : i32
    %add3A_80 = arith.addi %mul3A_2, %add3A_79 : i32
    "tpu.region"() ({
      %run_scoped3A = tpu.sem_alloc : memref<!tpu.dma_semaphore, #tpu.memory_space<semaphore_mem>>
      %dma_start3A_91 = arith.constant 0 : i32
      %dma_start3A_92 = tpu.memref_slice %arg16[%add3A_80, %dma_start3A_91] : memref<10240x128xf32, #tpu.memory_space<vmem_shared>> -> memref<80x128xf32, #tpu.memory_space<vmem_shared>>
      %dma_start3A_93 = arith.constant 0 : i32
      %dma_start3A_94 = tpu.memref_slice %arg16[%add3A_80, %dma_start3A_93] : memref<10240x128xf32, #tpu.memory_space<vmem_shared>> -> memref<80x128xf32, #tpu.memory_space<vmem_shared>>
      tpu.enqueue_dma source(%dma_start3A_94 : memref<80x128xf32, #tpu.memory_space<vmem_shared>>) target(%arg14 : memref<80x128xf32, #tpu.memory_space<vmem>>) target_semaphore(%run_scoped3A : memref<!tpu.dma_semaphore, #tpu.memory_space<semaphore_mem>>)
      %dma_wait3A_95 = arith.constant 0 : i32
      %dma_wait3A_96 = tpu.memref_slice %arg16[%add3A_80, %dma_wait3A_95] : memref<10240x128xf32, #tpu.memory_space<vmem_shared>> -> memref<80x128xf32, #tpu.memory_space<vmem_shared>>
      %dma_wait3A_97 = arith.constant 0 : i32
      %dma_wait3A_98 = tpu.memref_slice %arg16[%add3A_80, %dma_wait3A_97] : memref<10240x128xf32, #tpu.memory_space<vmem_shared>> -> memref<80x128xf32, #tpu.memory_space<vmem_shared>>
      tpu.wait_dma2 semaphore(%run_scoped3A : memref<!tpu.dma_semaphore, #tpu.memory_space<semaphore_mem>>) src(%dma_wait3A_98 : memref<80x128xf32, #tpu.memory_space<vmem_shared>>) dst(%arg14 : memref<80x128xf32, #tpu.memory_space<vmem>>)
      tpu.yield
    }) : () -> ()
    %add3A_81 = arith.constant 400 : i32
    %add3A_82 = arith.addi %mul3A_2, %add3A_81 : i32
    "tpu.region"() ({
      %run_scoped3A = tpu.sem_alloc : memref<!tpu.dma_semaphore, #tpu.memory_space<semaphore_mem>>
      %dma_start3A_91 = arith.constant 0 : i32
      %dma_start3A_92 = tpu.memref_slice %arg7[%arg0, %add3A_82, %dma_start3A_91] : memref<2x10240x128xf32, #tpu.memory_space<hbm>> -> memref<1x80x128xf32, #tpu.memory_space<hbm>>
      %dma_start3A_93 = tpu.memref_squeeze %dma_start3A_92 : memref<1x80x128xf32, #tpu.memory_space<hbm>> -> memref<80x128xf32, #tpu.memory_space<hbm>>
      %dma_start3A_94 = arith.constant 0 : i32
      %dma_start3A_95 = tpu.memref_slice %arg7[%arg0, %add3A_82, %dma_start3A_94] : memref<2x10240x128xf32, #tpu.memory_space<hbm>> -> memref<1x80x128xf32, #tpu.memory_space<hbm>>
      %dma_start3A_96 = tpu.memref_squeeze %dma_start3A_95 : memref<1x80x128xf32, #tpu.memory_space<hbm>> -> memref<80x128xf32, #tpu.memory_space<hbm>>
      tpu.enqueue_dma source(%arg14 : memref<80x128xf32, #tpu.memory_space<vmem>>) target(%dma_start3A_96 : memref<80x128xf32, #tpu.memory_space<hbm>>) target_semaphore(%run_scoped3A : memref<!tpu.dma_semaphore, #tpu.memory_space<semaphore_mem>>)
      %dma_wait3A_97 = arith.constant 0 : i32
      %dma_wait3A_98 = tpu.memref_slice %arg7[%arg0, %add3A_82, %dma_wait3A_97] : memref<2x10240x128xf32, #tpu.memory_space<hbm>> -> memref<1x80x128xf32, #tpu.memory_space<hbm>>
      %dma_wait3A_99 = tpu.memref_squeeze %dma_wait3A_98 : memref<1x80x128xf32, #tpu.memory_space<hbm>> -> memref<80x128xf32, #tpu.memory_space<hbm>>
      %dma_wait3A_100 = arith.constant 0 : i32
      %dma_wait3A_101 = tpu.memref_slice %arg7[%arg0, %add3A_82, %dma_wait3A_100] : memref<2x10240x128xf32, #tpu.memory_space<hbm>> -> memref<1x80x128xf32, #tpu.memory_space<hbm>>
      %dma_wait3A_102 = tpu.memref_squeeze %dma_wait3A_101 : memref<1x80x128xf32, #tpu.memory_space<hbm>> -> memref<80x128xf32, #tpu.memory_space<hbm>>
      tpu.wait_dma2 semaphore(%run_scoped3A : memref<!tpu.dma_semaphore, #tpu.memory_space<semaphore_mem>>) src(%arg14 : memref<80x128xf32, #tpu.memory_space<vmem>>) dst(%dma_wait3A_102 : memref<80x128xf32, #tpu.memory_space<hbm>>)
      tpu.yield
    }) : () -> ()
    %add3A_83 = arith.constant 480 : i32
    %add3A_84 = arith.addi %mul3A_2, %add3A_83 : i32
    "tpu.region"() ({
      %run_scoped3A = tpu.sem_alloc : memref<!tpu.dma_semaphore, #tpu.memory_space<semaphore_mem>>
      %dma_start3A_91 = arith.constant 0 : i32
      %dma_start3A_92 = tpu.memref_slice %arg16[%add3A_84, %dma_start3A_91] : memref<10240x128xf32, #tpu.memory_space<vmem_shared>> -> memref<80x128xf32, #tpu.memory_space<vmem_shared>>
      %dma_start3A_93 = arith.constant 0 : i32
      %dma_start3A_94 = tpu.memref_slice %arg16[%add3A_84, %dma_start3A_93] : memref<10240x128xf32, #tpu.memory_space<vmem_shared>> -> memref<80x128xf32, #tpu.memory_space<vmem_shared>>
      tpu.enqueue_dma source(%dma_start3A_94 : memref<80x128xf32, #tpu.memory_space<vmem_shared>>) target(%arg14 : memref<80x128xf32, #tpu.memory_space<vmem>>) target_semaphore(%run_scoped3A : memref<!tpu.dma_semaphore, #tpu.memory_space<semaphore_mem>>)
      %dma_wait3A_95 = arith.constant 0 : i32
      %dma_wait3A_96 = tpu.memref_slice %arg16[%add3A_84, %dma_wait3A_95] : memref<10240x128xf32, #tpu.memory_space<vmem_shared>> -> memref<80x128xf32, #tpu.memory_space<vmem_shared>>
      %dma_wait3A_97 = arith.constant 0 : i32
      %dma_wait3A_98 = tpu.memref_slice %arg16[%add3A_84, %dma_wait3A_97] : memref<10240x128xf32, #tpu.memory_space<vmem_shared>> -> memref<80x128xf32, #tpu.memory_space<vmem_shared>>
      tpu.wait_dma2 semaphore(%run_scoped3A : memref<!tpu.dma_semaphore, #tpu.memory_space<semaphore_mem>>) src(%dma_wait3A_98 : memref<80x128xf32, #tpu.memory_space<vmem_shared>>) dst(%arg14 : memref<80x128xf32, #tpu.memory_space<vmem>>)
      tpu.yield
    }) : () -> ()
    %add3A_85 = arith.constant 480 : i32
    %add3A_86 = arith.addi %mul3A_2, %add3A_85 : i32
    "tpu.region"() ({
      %run_scoped3A = tpu.sem_alloc : memref<!tpu.dma_semaphore, #tpu.memory_space<semaphore_mem>>
      %dma_start3A_91 = arith.constant 0 : i32
      %dma_start3A_92 = tpu.memref_slice %arg7[%arg0, %add3A_86, %dma_start3A_91] : memref<2x10240x128xf32, #tpu.memory_space<hbm>> -> memref<1x80x128xf32, #tpu.memory_space<hbm>>
      %dma_start3A_93 = tpu.memref_squeeze %dma_start3A_92 : memref<1x80x128xf32, #tpu.memory_space<hbm>> -> memref<80x128xf32, #tpu.memory_space<hbm>>
      %dma_start3A_94 = arith.constant 0 : i32
      %dma_start3A_95 = tpu.memref_slice %arg7[%arg0, %add3A_86, %dma_start3A_94] : memref<2x10240x128xf32, #tpu.memory_space<hbm>> -> memref<1x80x128xf32, #tpu.memory_space<hbm>>
      %dma_start3A_96 = tpu.memref_squeeze %dma_start3A_95 : memref<1x80x128xf32, #tpu.memory_space<hbm>> -> memref<80x128xf32, #tpu.memory_space<hbm>>
      tpu.enqueue_dma source(%arg14 : memref<80x128xf32, #tpu.memory_space<vmem>>) target(%dma_start3A_96 : memref<80x128xf32, #tpu.memory_space<hbm>>) target_semaphore(%run_scoped3A : memref<!tpu.dma_semaphore, #tpu.memory_space<semaphore_mem>>)
      %dma_wait3A_97 = arith.constant 0 : i32
      %dma_wait3A_98 = tpu.memref_slice %arg7[%arg0, %add3A_86, %dma_wait3A_97] : memref<2x10240x128xf32, #tpu.memory_space<hbm>> -> memref<1x80x128xf32, #tpu.memory_space<hbm>>
      %dma_wait3A_99 = tpu.memref_squeeze %dma_wait3A_98 : memref<1x80x128xf32, #tpu.memory_space<hbm>> -> memref<80x128xf32, #tpu.memory_space<hbm>>
      %dma_wait3A_100 = arith.constant 0 : i32
      %dma_wait3A_101 = tpu.memref_slice %arg7[%arg0, %add3A_86, %dma_wait3A_100] : memref<2x10240x128xf32, #tpu.memory_space<hbm>> -> memref<1x80x128xf32, #tpu.memory_space<hbm>>
      %dma_wait3A_102 = tpu.memref_squeeze %dma_wait3A_101 : memref<1x80x128xf32, #tpu.memory_space<hbm>> -> memref<80x128xf32, #tpu.memory_space<hbm>>
      tpu.wait_dma2 semaphore(%run_scoped3A : memref<!tpu.dma_semaphore, #tpu.memory_space<semaphore_mem>>) src(%arg14 : memref<80x128xf32, #tpu.memory_space<vmem>>) dst(%dma_wait3A_102 : memref<80x128xf32, #tpu.memory_space<hbm>>)
      tpu.yield
    }) : () -> ()
    %add3A_87 = arith.constant 560 : i32
    %add3A_88 = arith.addi %mul3A_2, %add3A_87 : i32
    "tpu.region"() ({
      %run_scoped3A = tpu.sem_alloc : memref<!tpu.dma_semaphore, #tpu.memory_space<semaphore_mem>>
      %dma_start3A_91 = arith.constant 0 : i32
      %dma_start3A_92 = tpu.memref_slice %arg16[%add3A_88, %dma_start3A_91] : memref<10240x128xf32, #tpu.memory_space<vmem_shared>> -> memref<80x128xf32, #tpu.memory_space<vmem_shared>>
      %dma_start3A_93 = arith.constant 0 : i32
      %dma_start3A_94 = tpu.memref_slice %arg16[%add3A_88, %dma_start3A_93] : memref<10240x128xf32, #tpu.memory_space<vmem_shared>> -> memref<80x128xf32, #tpu.memory_space<vmem_shared>>
      tpu.enqueue_dma source(%dma_start3A_94 : memref<80x128xf32, #tpu.memory_space<vmem_shared>>) target(%arg14 : memref<80x128xf32, #tpu.memory_space<vmem>>) target_semaphore(%run_scoped3A : memref<!tpu.dma_semaphore, #tpu.memory_space<semaphore_mem>>)
      %dma_wait3A_95 = arith.constant 0 : i32
      %dma_wait3A_96 = tpu.memref_slice %arg16[%add3A_88, %dma_wait3A_95] : memref<10240x128xf32, #tpu.memory_space<vmem_shared>> -> memref<80x128xf32, #tpu.memory_space<vmem_shared>>
      %dma_wait3A_97 = arith.constant 0 : i32
      %dma_wait3A_98 = tpu.memref_slice %arg16[%add3A_88, %dma_wait3A_97] : memref<10240x128xf32, #tpu.memory_space<vmem_shared>> -> memref<80x128xf32, #tpu.memory_space<vmem_shared>>
      tpu.wait_dma2 semaphore(%run_scoped3A : memref<!tpu.dma_semaphore, #tpu.memory_space<semaphore_mem>>) src(%dma_wait3A_98 : memref<80x128xf32, #tpu.memory_space<vmem_shared>>) dst(%arg14 : memref<80x128xf32, #tpu.memory_space<vmem>>)
      tpu.yield
    }) : () -> ()
    %add3A_89 = arith.constant 560 : i32
    %add3A_90 = arith.addi %mul3A_2, %add3A_89 : i32
    "tpu.region"() ({
      %run_scoped3A = tpu.sem_alloc : memref<!tpu.dma_semaphore, #tpu.memory_space<semaphore_mem>>
      %dma_start3A_91 = arith.constant 0 : i32
      %dma_start3A_92 = tpu.memref_slice %arg7[%arg0, %add3A_90, %dma_start3A_91] : memref<2x10240x128xf32, #tpu.memory_space<hbm>> -> memref<1x80x128xf32, #tpu.memory_space<hbm>>
      %dma_start3A_93 = tpu.memref_squeeze %dma_start3A_92 : memref<1x80x128xf32, #tpu.memory_space<hbm>> -> memref<80x128xf32, #tpu.memory_space<hbm>>
      %dma_start3A_94 = arith.constant 0 : i32
      %dma_start3A_95 = tpu.memref_slice %arg7[%arg0, %add3A_90, %dma_start3A_94] : memref<2x10240x128xf32, #tpu.memory_space<hbm>> -> memref<1x80x128xf32, #tpu.memory_space<hbm>>
      %dma_start3A_96 = tpu.memref_squeeze %dma_start3A_95 : memref<1x80x128xf32, #tpu.memory_space<hbm>> -> memref<80x128xf32, #tpu.memory_space<hbm>>
      tpu.enqueue_dma source(%arg14 : memref<80x128xf32, #tpu.memory_space<vmem>>) target(%dma_start3A_96 : memref<80x128xf32, #tpu.memory_space<hbm>>) target_semaphore(%run_scoped3A : memref<!tpu.dma_semaphore, #tpu.memory_space<semaphore_mem>>)
      %dma_wait3A_97 = arith.constant 0 : i32
      %dma_wait3A_98 = tpu.memref_slice %arg7[%arg0, %add3A_90, %dma_wait3A_97] : memref<2x10240x128xf32, #tpu.memory_space<hbm>> -> memref<1x80x128xf32, #tpu.memory_space<hbm>>
      %dma_wait3A_99 = tpu.memref_squeeze %dma_wait3A_98 : memref<1x80x128xf32, #tpu.memory_space<hbm>> -> memref<80x128xf32, #tpu.memory_space<hbm>>
      %dma_wait3A_100 = arith.constant 0 : i32
      %dma_wait3A_101 = tpu.memref_slice %arg7[%arg0, %add3A_90, %dma_wait3A_100] : memref<2x10240x128xf32, #tpu.memory_space<hbm>> -> memref<1x80x128xf32, #tpu.memory_space<hbm>>
      %dma_wait3A_102 = tpu.memref_squeeze %dma_wait3A_101 : memref<1x80x128xf32, #tpu.memory_space<hbm>> -> memref<80x128xf32, #tpu.memory_space<hbm>>
      tpu.wait_dma2 semaphore(%run_scoped3A : memref<!tpu.dma_semaphore, #tpu.memory_space<semaphore_mem>>) src(%arg14 : memref<80x128xf32, #tpu.memory_space<vmem>>) dst(%dma_wait3A_102 : memref<80x128xf32, #tpu.memory_space<hbm>>)
      tpu.yield
    }) : () -> ()
    return
  }
}

module attributes {stable_mosaic.version = 14 : i64} {
  func.func @_wrep_body(%arg0: i32, %arg1: memref<16384x1xf32, #tpu.memory_space<vmem>>, %arg2: memref<16384x16xf32, #tpu.memory_space<vmem>>) attributes {dimension_semantics = [#tpu.dimension_semantics<arbitrary>], iteration_bounds = array<i64: 20>, scalar_prefetch = 0 : i64, scratch_operands = 0 : i64, tpu.core_type = #tpu.core_type<tc>, window_params = [{transform_indices = @transform_0, window_bounds = array<i64: 16384, 1>}, {transform_indices = @transform_1, window_bounds = array<i64: 16384, 16>}]} {
    %get3A = arith.constant 0 : index
    %get3A_0 = arith.constant 0 : index
    %get3A_1 = vector.load %arg1[%get3A, %get3A_0] : memref<16384x1xf32, #tpu.memory_space<vmem>>, vector<16384x1xf32>
    %broadcast_in_dim3A = vector.shape_cast %get3A_1 : vector<16384x1xf32> to vector<16384x1xf32>
    %broadcast_in_dim3A_2 = vector.broadcast %broadcast_in_dim3A : vector<16384x1xf32> to vector<16384x16xf32>
    %swap3A = arith.constant 0 : index
    %swap3A_3 = arith.constant 0 : index
    %swap3A_4 = vector.load %arg2[%swap3A, %swap3A_3] : memref<16384x16xf32, #tpu.memory_space<vmem>>, vector<16384x16xf32>
    tpu.vector_store %arg2[%swap3A, %swap3A_3], %broadcast_in_dim3A_2 {strides = array<i32>} : memref<16384x16xf32, #tpu.memory_space<vmem>>, vector<16384x16xf32>,
    return
  }
  func.func @transform_0(%arg0: i32) -> (i32, i32) {
    %c0_i32 = arith.constant 0 : i32
    %c0_i32_0 = arith.constant 0 : i32
    return %arg0, %c0_i32 : i32, i32
  }
  func.func @transform_1(%arg0: i32) -> (i32, i32) {
    %c0_i32 = arith.constant 0 : i32
    %c0_i32_0 = arith.constant 0 : i32
    return %arg0, %c0_i32 : i32, i32
  }
}

module attributes {stable_mosaic.version = 14 : i64} {
  func.func @_tc1_body(%arg0: i32, %arg1: memref<2048x1xi32, #tpu.memory_space<vmem>>, %arg2: memref<30x128xf32, #tpu.memory_space<vmem>>, %arg3: memref<128x128xf32, #tpu.memory_space<vmem>>, %arg4: memref<2x2048x128xf32, #tpu.memory_space<vmem>>, %arg5: memref<2048x1xf32, #tpu.memory_space<vmem>>, %arg6: memref<2048x128xf32, #tpu.memory_space<vmem>>) attributes {dimension_semantics = [#tpu.dimension_semantics<arbitrary>], iteration_bounds = array<i64: 5>, scalar_prefetch = 0 : i64, scratch_operands = 0 : i64, tpu.core_type = #tpu.core_type<tc>, window_params = [{transform_indices = @transform_0, window_bounds = array<i64: 2048, 1>}, {pipeline_mode = #tpu.pipeline_mode<synchronous>, transform_indices = @transform_1, window_bounds = array<i64: 30, 128>}, {pipeline_mode = #tpu.pipeline_mode<synchronous>, transform_indices = @transform_2, window_bounds = array<i64: 128, 128>}, {transform_indices = @transform_3, window_bounds = array<i64: 2, 2048, 128>}, {transform_indices = @transform_4, window_bounds = array<i64: 2048, 1>}, {transform_indices = @transform_5, window_bounds = array<i64: 2048, 128>}]} {
    %get3A = arith.constant 0 : index
    %get3A_0 = arith.constant 0 : index
    %get3A_1 = vector.load %arg1[%get3A, %get3A_0] : memref<2048x1xi32, #tpu.memory_space<vmem>>, vector<2048x1xi32>
    %iota3A = tpu.iota {dimensions = array<i32: 1>} : vector<2048x30xi32>
    %eq3A = vector.broadcast %get3A_1 : vector<2048x1xi32> to vector<2048x30xi32>
    %eq3A_2 = arith.cmpi eq, %eq3A, %iota3A : vector<2048x30xi32>
    %convert_element_type3A = arith.extui %eq3A_2 : vector<2048x30xi1> to vector<2048x30xi32>
    %convert_element_type3A_3 = arith.sitofp %convert_element_type3A : vector<2048x30xi32> to vector<2048x30xf32>
    %get3A_4 = arith.constant 0 : index
    %get3A_5 = arith.constant 0 : index
    %get3A_6 = vector.load %arg2[%get3A_4, %get3A_5] : memref<30x128xf32, #tpu.memory_space<vmem>>, vector<30x128xf32>
    %dot_general3A = arith.constant dense<0.000000e+00> : vector<2048x128xf32>
    %dot_general3A_7 = tpu.matmul %convert_element_type3A_3, %get3A_6, %dot_general3A {dimension_numbers = #tpu.dot_dimension_numbers<[1], [0], [0], [1], [0, 0, 1, 1], [], []>, precision = #tpu.contract_precision<fp32>, transpose_lhs_hint = false} : vector<2048x30xf32>, vector<30x128xf32>, vector<2048x128xf32> -> vector<2048x128xf32>
    %get3A_8 = arith.constant 0 : index
    %get3A_9 = arith.constant 0 : index
    %get3A_10 = arith.constant 0 : index
    %get3A_11 = vector.load %arg4[%get3A_8, %get3A_9, %get3A_10] : memref<2x2048x128xf32, #tpu.memory_space<vmem>>, vector<1x2048x1xf32>
    %get3A_12 = vector.shape_cast %get3A_11 : vector<1x2048x1xf32> to vector<2048x1xf32>
    %get3A_13 = arith.constant 1 : index
    %get3A_14 = arith.constant 0 : index
    %get3A_15 = arith.constant 0 : index
    %get3A_16 = vector.load %arg4[%get3A_13, %get3A_14, %get3A_15] : memref<2x2048x128xf32, #tpu.memory_space<vmem>>, vector<1x2048x1xf32>
    %get3A_17 = vector.shape_cast %get3A_16 : vector<1x2048x1xf32> to vector<2048x1xf32>
    %add3A = arith.addf %get3A_12, %get3A_17 : vector<2048x1xf32>
    %add3A_18 = arith.constant 1.000000e+00 : f32
    %add3A_19 = vector.broadcast %add3A_18 : f32 to vector<2048x1xf32>
    %add3A_20 = arith.addf %add3A, %add3A_19 : vector<2048x1xf32>
    %rsqrt3A = math.rsqrt %add3A_20 : vector<2048x1xf32>
    %swap3A = arith.constant 0 : index
    %swap3A_21 = arith.constant 0 : index
    %swap3A_22 = vector.load %arg5[%swap3A, %swap3A_21] : memref<2048x1xf32, #tpu.memory_space<vmem>>, vector<2048x1xf32>
    tpu.vector_store %arg5[%swap3A, %swap3A_21], %rsqrt3A {strides = array<i32>} : memref<2048x1xf32, #tpu.memory_space<vmem>>, vector<2048x1xf32>,
    %get3A_23 = arith.constant 0 : index
    %get3A_24 = arith.constant 0 : index
    %get3A_25 = vector.load %arg3[%get3A_23, %get3A_24] : memref<128x128xf32, #tpu.memory_space<vmem>>, vector<128x128xf32>
    %dot_general3A_26 = arith.constant dense<0.000000e+00> : vector<2048x128xf32>
    %dot_general3A_27 = tpu.matmul %dot_general3A_7, %get3A_25, %dot_general3A_26 {dimension_numbers = #tpu.dot_dimension_numbers<[1], [0], [0], [1], [0, 0, 1, 1], [], []>, precision = #tpu.contract_precision<fp32>, transpose_lhs_hint = false} : vector<2048x128xf32>, vector<128x128xf32>, vector<2048x128xf32> -> vector<2048x128xf32>
    %mul3A = vector.broadcast %rsqrt3A : vector<2048x1xf32> to vector<2048x128xf32>
    %mul3A_28 = arith.mulf %dot_general3A_27, %mul3A : vector<2048x128xf32>
    %swap3A_29 = arith.constant 0 : index
    %swap3A_30 = arith.constant 0 : index
    %swap3A_31 = vector.load %arg6[%swap3A_29, %swap3A_30] : memref<2048x128xf32, #tpu.memory_space<vmem>>, vector<2048x128xf32>
    tpu.vector_store %arg6[%swap3A_29, %swap3A_30], %mul3A_28 {strides = array<i32>} : memref<2048x128xf32, #tpu.memory_space<vmem>>, vector<2048x128xf32>,
    return
  }
  func.func @transform_0(%arg0: i32) -> (i32, i32) {
    %c0_i32 = arith.constant 0 : i32
    %c0_i32_0 = arith.constant 0 : i32
    return %arg0, %c0_i32 : i32, i32
  }
  func.func @transform_1(%arg0: i32) -> (i32, i32) {
    %c0_i32 = arith.constant 0 : i32
    %c0_i32_0 = arith.constant 0 : i32
    %c0_i32_1 = arith.constant 0 : i32
    return %c0_i32, %c0_i32_0 : i32, i32
  }
  func.func @transform_2(%arg0: i32) -> (i32, i32) {
    %c0_i32 = arith.constant 0 : i32
    %c0_i32_0 = arith.constant 0 : i32
    %c0_i32_1 = arith.constant 0 : i32
    return %c0_i32, %c0_i32_0 : i32, i32
  }
  func.func @transform_3(%arg0: i32) -> (i32, i32, i32) {
    %c0_i32 = arith.constant 0 : i32
    %c0_i32_0 = arith.constant 0 : i32
    %c0_i32_1 = arith.constant 0 : i32
    return %c0_i32, %arg0, %c0_i32_0 : i32, i32, i32
  }
  func.func @transform_4(%arg0: i32) -> (i32, i32) {
    %c0_i32 = arith.constant 0 : i32
    %c0_i32_0 = arith.constant 0 : i32
    return %arg0, %c0_i32 : i32, i32
  }
  func.func @transform_5(%arg0: i32) -> (i32, i32) {
    %c0_i32 = arith.constant 0 : i32
    %c0_i32_0 = arith.constant 0 : i32
    return %arg0, %c0_i32 : i32, i32
  }
}

module attributes {stable_mosaic.version = 14 : i64} {
  func.func @_tc_mid_body(%arg0: i32, %arg1: memref<2x2048x128xf32, #tpu.memory_space<vmem>>, %arg2: memref<2048x128xf32, #tpu.memory_space<vmem>>, %arg3: memref<2048x1xf32, #tpu.memory_space<vmem>>, %arg4: memref<1x128xf32, #tpu.memory_space<vmem>>, %arg5: memref<128x128xf32, #tpu.memory_space<vmem>>, %arg6: memref<2048x128xf32, #tpu.memory_space<vmem>>) attributes {dimension_semantics = [#tpu.dimension_semantics<arbitrary>], iteration_bounds = array<i64: 5>, scalar_prefetch = 0 : i64, scratch_operands = 0 : i64, tpu.core_type = #tpu.core_type<tc>, window_params = [{transform_indices = @transform_0, window_bounds = array<i64: 2, 2048, 128>}, {transform_indices = @transform_1, window_bounds = array<i64: 2048, 128>}, {transform_indices = @transform_2, window_bounds = array<i64: 2048, 1>}, {pipeline_mode = #tpu.pipeline_mode<synchronous>, transform_indices = @transform_3, window_bounds = array<i64: 1, 128>}, {pipeline_mode = #tpu.pipeline_mode<synchronous>, transform_indices = @transform_4, window_bounds = array<i64: 128, 128>}, {transform_indices = @transform_5, window_bounds = array<i64: 2048, 128>}]} {
    %get3A = arith.constant 0 : index
    %get3A_0 = arith.constant 0 : index
    %get3A_1 = vector.load %arg3[%get3A, %get3A_0] : memref<2048x1xf32, #tpu.memory_space<vmem>>, vector<2048x1xf32>
    %get3A_2 = arith.constant 0 : index
    %get3A_3 = arith.constant 0 : index
    %get3A_4 = arith.constant 0 : index
    %get3A_5 = vector.load %arg1[%get3A_2, %get3A_3, %get3A_4] : memref<2x2048x128xf32, #tpu.memory_space<vmem>>, vector<1x2048x128xf32>
    %get3A_6 = vector.shape_cast %get3A_5 : vector<1x2048x128xf32> to vector<2048x128xf32>
    %get3A_7 = arith.constant 1 : index
    %get3A_8 = arith.constant 0 : index
    %get3A_9 = arith.constant 0 : index
    %get3A_10 = vector.load %arg1[%get3A_7, %get3A_8, %get3A_9] : memref<2x2048x128xf32, #tpu.memory_space<vmem>>, vector<1x2048x128xf32>
    %get3A_11 = vector.shape_cast %get3A_10 : vector<1x2048x128xf32> to vector<2048x128xf32>
    %add3A = arith.addf %get3A_6, %get3A_11 : vector<2048x128xf32>
    %get3A_12 = arith.constant 0 : index
    %get3A_13 = arith.constant 0 : index
    %get3A_14 = vector.load %arg2[%get3A_12, %get3A_13] : memref<2048x128xf32, #tpu.memory_space<vmem>>, vector<2048x128xf32>
    %add3A_15 = arith.addf %add3A, %get3A_14 : vector<2048x128xf32>
    %mul3A = vector.broadcast %get3A_1 : vector<2048x1xf32> to vector<2048x128xf32>
    %mul3A_16 = arith.mulf %mul3A, %add3A_15 : vector<2048x128xf32>
    %get3A_17 = arith.constant 0 : index
    %get3A_18 = arith.constant 0 : index
    %get3A_19 = vector.load %arg4[%get3A_17, %get3A_18] : memref<1x128xf32, #tpu.memory_space<vmem>>, vector<1x128xf32>
    %add3A_20 = vector.broadcast %get3A_19 : vector<1x128xf32> to vector<2048x128xf32>
    %add3A_21 = arith.addf %mul3A_16, %add3A_20 : vector<2048x128xf32>
    %max3A = arith.constant 0.000000e+00 : f32
    %max3A_22 = vector.broadcast %max3A : f32 to vector<2048x128xf32>
    %max3A_23 = arith.maximumf %add3A_21, %max3A_22 : vector<2048x128xf32>
    %get3A_24 = arith.constant 0 : index
    %get3A_25 = arith.constant 0 : index
    %get3A_26 = vector.load %arg5[%get3A_24, %get3A_25] : memref<128x128xf32, #tpu.memory_space<vmem>>, vector<128x128xf32>
    %dot_general3A = arith.constant dense<0.000000e+00> : vector<2048x128xf32>
    %dot_general3A_27 = tpu.matmul %max3A_23, %get3A_26, %dot_general3A {dimension_numbers = #tpu.dot_dimension_numbers<[1], [0], [0], [1], [0, 0, 1, 1], [], []>, precision = #tpu.contract_precision<fp32>, transpose_lhs_hint = false} : vector<2048x128xf32>, vector<128x128xf32>, vector<2048x128xf32> -> vector<2048x128xf32>
    %mul3A_28 = vector.broadcast %get3A_1 : vector<2048x1xf32> to vector<2048x128xf32>
    %mul3A_29 = arith.mulf %dot_general3A_27, %mul3A_28 : vector<2048x128xf32>
    %swap3A = arith.constant 0 : index
    %swap3A_30 = arith.constant 0 : index
    %swap3A_31 = vector.load %arg6[%swap3A, %swap3A_30] : memref<2048x128xf32, #tpu.memory_space<vmem>>, vector<2048x128xf32>
    tpu.vector_store %arg6[%swap3A, %swap3A_30], %mul3A_29 {strides = array<i32>} : memref<2048x128xf32, #tpu.memory_space<vmem>>, vector<2048x128xf32>,
    return
  }
  func.func @transform_0(%arg0: i32) -> (i32, i32, i32) {
    %c0_i32 = arith.constant 0 : i32
    %c0_i32_0 = arith.constant 0 : i32
    %c0_i32_1 = arith.constant 0 : i32
    return %c0_i32, %arg0, %c0_i32_0 : i32, i32, i32
  }
  func.func @transform_1(%arg0: i32) -> (i32, i32) {
    %c0_i32 = arith.constant 0 : i32
    %c0_i32_0 = arith.constant 0 : i32
    return %arg0, %c0_i32 : i32, i32
  }
  func.func @transform_2(%arg0: i32) -> (i32, i32) {
    %c0_i32 = arith.constant 0 : i32
    %c0_i32_0 = arith.constant 0 : i32
    return %arg0, %c0_i32 : i32, i32
  }
  func.func @transform_3(%arg0: i32) -> (i32, i32) {
    %c0_i32 = arith.constant 0 : i32
    %c0_i32_0 = arith.constant 0 : i32
    %c0_i32_1 = arith.constant 0 : i32
    return %c0_i32, %c0_i32_0 : i32, i32
  }
  func.func @transform_4(%arg0: i32) -> (i32, i32) {
    %c0_i32 = arith.constant 0 : i32
    %c0_i32_0 = arith.constant 0 : i32
    %c0_i32_1 = arith.constant 0 : i32
    return %c0_i32, %c0_i32_0 : i32, i32
  }
  func.func @transform_5(%arg0: i32) -> (i32, i32) {
    %c0_i32 = arith.constant 0 : i32
    %c0_i32_0 = arith.constant 0 : i32
    return %arg0, %c0_i32 : i32, i32
  }
}

module attributes {stable_mosaic.version = 14 : i64} {
  func.func @_img_body(%arg0: i32, %arg1: memref<168x7168xf32, #tpu.memory_space<vmem>>, %arg2: memref<168x8xf32, #tpu.memory_space<vmem>>) attributes {dimension_semantics = [#tpu.dimension_semantics<arbitrary>], iteration_bounds = array<i64: 8>, scalar_prefetch = 0 : i64, scratch_operands = 0 : i64, tpu.core_type = #tpu.core_type<tc>, window_params = [{transform_indices = @transform_0, window_bounds = array<i64: 168, 7168>}, {transform_indices = @transform_1, window_bounds = array<i64: 168, 8>}]} {
    %iota3A = tpu.iota {dimensions = array<i32: 0>} : vector<7168x8xi32>
    %iota3A_0 = tpu.iota {dimensions = array<i32: 1>} : vector<7168x8xi32>
    %jit3A = arith.constant 224 : i32
    %eq3A = arith.constant 0 : i32
    %eq3A_1 = arith.cmpi eq, %jit3A, %eq3A : i32
    %jit3A_2 = arith.constant 1 : i32
    %select_n3A = arith.select %eq3A_1, %jit3A_2, %jit3A : i32
    %rem3A = vector.broadcast %select_n3A : i32 to vector<7168x8xi32>
    %rem3A_3 = arith.remsi %iota3A, %rem3A : vector<7168x8xi32>
    %ne3A = arith.constant 0 : i32
    %ne3A_4 = vector.broadcast %ne3A : i32 to vector<7168x8xi32>
    %ne3A_5 = arith.cmpi ne, %rem3A_3, %ne3A_4 : vector<7168x8xi32>
    %lt3A = arith.constant 0 : i32
    %lt3A_6 = vector.broadcast %lt3A : i32 to vector<7168x8xi32>
    %lt3A_7 = arith.cmpi slt, %rem3A_3, %lt3A_6 : vector<7168x8xi32>
    %lt3A_8 = arith.constant 0 : i32
    %lt3A_9 = arith.cmpi slt, %select_n3A, %lt3A_8 : i32
    %ne3A_10 = vector.broadcast %lt3A_9 : i1 to vector<7168x8xi1>
    %ne3A_11 = vector.broadcast %ne3A_10 : vector<7168x8xi1> to vector<7168x8xi1>
    %ne3A_12 = arith.xori %lt3A_7, %ne3A_11 : vector<7168x8xi1>
    %and3A = arith.andi %ne3A_12, %ne3A_5 : vector<7168x8xi1>
    %add3A = vector.broadcast %select_n3A : i32 to vector<7168x8xi32>
    %add3A_13 = arith.addi %rem3A_3, %add3A : vector<7168x8xi32>
    %select_n3A_14 = arith.select %and3A, %add3A_13, %rem3A_3 : vector<7168x8xi1>, vector<7168x8xi32>
    %jit3A_15 = arith.constant 32 : i32
    %div3A = vector.broadcast %jit3A_15 : i32 to vector<7168x8xi32>
    %div3A_16 = arith.divsi %select_n3A_14, %div3A : vector<7168x8xi32>
    %sign3A = arith.constant 0 : i32
    %sign3A_17 = vector.broadcast %sign3A : i32 to vector<7168x8xi32>
    %sign3A_18 = arith.cmpi sgt, %select_n3A_14, %sign3A_17 : vector<7168x8xi32>
    %sign3A_19 = arith.extui %sign3A_18 : vector<7168x8xi1> to vector<7168x8xi32>
    %sign3A_20 = arith.constant 0 : i32
    %sign3A_21 = vector.broadcast %sign3A_20 : i32 to vector<7168x8xi32>
    %sign3A_22 = arith.cmpi slt, %select_n3A_14, %sign3A_21 : vector<7168x8xi32>
    %sign3A_23 = arith.extui %sign3A_22 : vector<7168x8xi1> to vector<7168x8xi32>
    %sign3A_24 = arith.subi %sign3A_19, %sign3A_23 : vector<7168x8xi32>
    %sign3A_25 = arith.constant 0 : i32
    %sign3A_26 = arith.cmpi sgt, %jit3A_15, %sign3A_25 : i32
    %sign3A_27 = arith.extui %sign3A_26 : i1 to i32
    %sign3A_28 = arith.constant 0 : i32
    %sign3A_29 = arith.cmpi slt, %jit3A_15, %sign3A_28 : i32
    %sign3A_30 = arith.extui %sign3A_29 : i1 to i32
    %sign3A_31 = arith.subi %sign3A_27, %sign3A_30 : i32
    %ne3A_32 = vector.broadcast %sign3A_31 : i32 to vector<7168x8xi32>
    %ne3A_33 = arith.cmpi ne, %sign3A_24, %ne3A_32 : vector<7168x8xi32>
    %rem3A_34 = vector.broadcast %jit3A_15 : i32 to vector<7168x8xi32>
    %rem3A_35 = arith.remsi %select_n3A_14, %rem3A_34 : vector<7168x8xi32>
    %ne3A_36 = arith.constant 0 : i32
    %ne3A_37 = vector.broadcast %ne3A_36 : i32 to vector<7168x8xi32>
    %ne3A_38 = arith.cmpi ne, %rem3A_35, %ne3A_37 : vector<7168x8xi32>
    %and3A_39 = arith.andi %ne3A_33, %ne3A_38 : vector<7168x8xi1>
    %sub3A = arith.constant 1 : i32
    %sub3A_40 = vector.broadcast %sub3A : i32 to vector<7168x8xi32>
    %sub3A_41 = arith.subi %div3A_16, %sub3A_40 : vector<7168x8xi32>
    %select_n3A_42 = arith.select %and3A_39, %sub3A_41, %div3A_16 : vector<7168x8xi1>, vector<7168x8xi32>
    %eq3A_43 = arith.cmpi eq, %select_n3A_42, %iota3A_0 : vector<7168x8xi32>
    %jit3A_44 = arith.constant 9.765625E-4 : f32
    %jit3A_45 = arith.constant 0.000000e+00 : f32
    %broadcast_in_dim3A = vector.broadcast %jit3A_44 : f32 to vector<7168x8xf32>
    %broadcast_in_dim3A_46 = vector.broadcast %jit3A_45 : f32 to vector<7168x8xf32>
    %select_n3A_47 = arith.select %eq3A_43, %broadcast_in_dim3A, %broadcast_in_dim3A_46 : vector<7168x8xi1>, vector<7168x8xf32>
    %get3A = arith.constant 0 : index
    %get3A_48 = arith.constant 0 : index
    %get3A_49 = vector.load %arg1[%get3A, %get3A_48] : memref<168x7168xf32, #tpu.memory_space<vmem>>, vector<168x7168xf32>
    %dot_general3A = arith.constant dense<0.000000e+00> : vector<168x8xf32>
    %dot_general3A_50 = tpu.matmul %get3A_49, %select_n3A_47, %dot_general3A {dimension_numbers = #tpu.dot_dimension_numbers<[1], [0], [0], [1], [0, 0, 1, 1], [], []>, precision = #tpu.contract_precision<fp32>, transpose_lhs_hint = false} : vector<168x7168xf32>, vector<7168x8xf32>, vector<168x8xf32> -> vector<168x8xf32>
    %swap3A = arith.constant 0 : index
    %swap3A_51 = arith.constant 0 : index
    %swap3A_52 = vector.load %arg2[%swap3A, %swap3A_51] : memref<168x8xf32, #tpu.memory_space<vmem>>, vector<168x8xf32>
    tpu.vector_store %arg2[%swap3A, %swap3A_51], %dot_general3A_50 {strides = array<i32>} : memref<168x8xf32, #tpu.memory_space<vmem>>, vector<168x8xf32>,
    return
  }
  func.func @transform_0(%arg0: i32) -> (i32, i32) {
    %c0_i32 = arith.constant 0 : i32
    %c0_i32_0 = arith.constant 0 : i32
    return %arg0, %c0_i32 : i32, i32
  }
  func.func @transform_1(%arg0: i32) -> (i32, i32) {
    %c0_i32 = arith.constant 0 : i32
    %c0_i32_0 = arith.constant 0 : i32
    return %arg0, %c0_i32 : i32, i32
  }
}

module attributes {stable_mosaic.version = 14 : i64} {
  func.func @_tc_fin_a_body(%arg0: i32, %arg1: memref<2x2048x128xf32, #tpu.memory_space<vmem>>, %arg2: memref<2048x128xf32, #tpu.memory_space<vmem>>, %arg3: memref<2048x1xf32, #tpu.memory_space<vmem>>, %arg4: memref<1x128xf32, #tpu.memory_space<vmem>>, %arg5: memref<2048x128xf32, #tpu.memory_space<vmem>>) attributes {dimension_semantics = [#tpu.dimension_semantics<arbitrary>], iteration_bounds = array<i64: 5>, scalar_prefetch = 0 : i64, scratch_operands = 0 : i64, tpu.core_type = #tpu.core_type<tc>, window_params = [{transform_indices = @transform_0, window_bounds = array<i64: 2, 2048, 128>}, {transform_indices = @transform_1, window_bounds = array<i64: 2048, 128>}, {transform_indices = @transform_2, window_bounds = array<i64: 2048, 1>}, {pipeline_mode = #tpu.pipeline_mode<synchronous>, transform_indices = @transform_3, window_bounds = array<i64: 1, 128>}, {transform_indices = @transform_4, window_bounds = array<i64: 2048, 128>}]} {
    %get3A = arith.constant 0 : index
    %get3A_0 = arith.constant 0 : index
    %get3A_1 = vector.load %arg3[%get3A, %get3A_0] : memref<2048x1xf32, #tpu.memory_space<vmem>>, vector<2048x1xf32>
    %get3A_2 = arith.constant 0 : index
    %get3A_3 = arith.constant 0 : index
    %get3A_4 = arith.constant 0 : index
    %get3A_5 = vector.load %arg1[%get3A_2, %get3A_3, %get3A_4] : memref<2x2048x128xf32, #tpu.memory_space<vmem>>, vector<1x2048x128xf32>
    %get3A_6 = vector.shape_cast %get3A_5 : vector<1x2048x128xf32> to vector<2048x128xf32>
    %get3A_7 = arith.constant 1 : index
    %get3A_8 = arith.constant 0 : index
    %get3A_9 = arith.constant 0 : index
    %get3A_10 = vector.load %arg1[%get3A_7, %get3A_8, %get3A_9] : memref<2x2048x128xf32, #tpu.memory_space<vmem>>, vector<1x2048x128xf32>
    %get3A_11 = vector.shape_cast %get3A_10 : vector<1x2048x128xf32> to vector<2048x128xf32>
    %add3A = arith.addf %get3A_6, %get3A_11 : vector<2048x128xf32>
    %get3A_12 = arith.constant 0 : index
    %get3A_13 = arith.constant 0 : index
    %get3A_14 = vector.load %arg2[%get3A_12, %get3A_13] : memref<2048x128xf32, #tpu.memory_space<vmem>>, vector<2048x128xf32>
    %add3A_15 = arith.addf %add3A, %get3A_14 : vector<2048x128xf32>
    %mul3A = vector.broadcast %get3A_1 : vector<2048x1xf32> to vector<2048x128xf32>
    %mul3A_16 = arith.mulf %mul3A, %add3A_15 : vector<2048x128xf32>
    %get3A_17 = arith.constant 0 : index
    %get3A_18 = arith.constant 0 : index
    %get3A_19 = vector.load %arg4[%get3A_17, %get3A_18] : memref<1x128xf32, #tpu.memory_space<vmem>>, vector<1x128xf32>
    %add3A_20 = vector.broadcast %get3A_19 : vector<1x128xf32> to vector<2048x128xf32>
    %add3A_21 = arith.addf %mul3A_16, %add3A_20 : vector<2048x128xf32>
    %swap3A = arith.constant 0 : index
    %swap3A_22 = arith.constant 0 : index
    %swap3A_23 = vector.load %arg5[%swap3A, %swap3A_22] : memref<2048x128xf32, #tpu.memory_space<vmem>>, vector<2048x128xf32>
    tpu.vector_store %arg5[%swap3A, %swap3A_22], %add3A_21 {strides = array<i32>} : memref<2048x128xf32, #tpu.memory_space<vmem>>, vector<2048x128xf32>,
    return
  }
  func.func @transform_0(%arg0: i32) -> (i32, i32, i32) {
    %c0_i32 = arith.constant 0 : i32
    %c0_i32_0 = arith.constant 0 : i32
    %c0_i32_1 = arith.constant 0 : i32
    return %c0_i32, %arg0, %c0_i32_0 : i32, i32, i32
  }
  func.func @transform_1(%arg0: i32) -> (i32, i32) {
    %c0_i32 = arith.constant 0 : i32
    %c0_i32_0 = arith.constant 0 : i32
    return %arg0, %c0_i32 : i32, i32
  }
  func.func @transform_2(%arg0: i32) -> (i32, i32) {
    %c0_i32 = arith.constant 0 : i32
    %c0_i32_0 = arith.constant 0 : i32
    return %arg0, %c0_i32 : i32, i32
  }
  func.func @transform_3(%arg0: i32) -> (i32, i32) {
    %c0_i32 = arith.constant 0 : i32
    %c0_i32_0 = arith.constant 0 : i32
    %c0_i32_1 = arith.constant 0 : i32
    return %c0_i32, %c0_i32_0 : i32, i32
  }
  func.func @transform_4(%arg0: i32) -> (i32, i32) {
    %c0_i32 = arith.constant 0 : i32
    %c0_i32_0 = arith.constant 0 : i32
    return %arg0, %c0_i32 : i32, i32
  }
}

module attributes {stable_mosaic.version = 14 : i64} {
  func.func @_tc_fin_b_body(%arg0: memref<10240x128xf32, #tpu.memory_space<vmem>>, %arg1: memref<1x10240xi32, #tpu.memory_space<vmem>>, %arg2: memref<128x128xf32, #tpu.memory_space<vmem>>, %arg3: memref<1x128xf32, #tpu.memory_space<vmem>>, %arg4: memref<64x147xf32, #tpu.memory_space<vmem>>, %arg5: memref<147x4096xf32, #tpu.memory_space<vmem>>, %arg6: memref<1x4096xf32, #tpu.memory_space<vmem>>, %arg7: memref<4096x128xf32, #tpu.memory_space<vmem>>, %arg8: memref<1x128xf32, #tpu.memory_space<vmem>>, %arg9: memref<64x128xf32, #tpu.memory_space<vmem>>, %arg10: memref<64x128xf32, #tpu.memory_space<vmem>>) attributes {dimension_semantics = [], scalar_prefetch = 0 : i64, scratch_operands = 0 : i64, tpu.core_type = #tpu.core_type<tc>} {
    %iota3A = tpu.iota {dimensions = array<i32: 0>} : vector<64x10240xi32>
    %get3A = arith.constant 0 : index
    %get3A_0 = arith.constant 0 : index
    %get3A_1 = vector.load %arg1[%get3A, %get3A_0] : memref<1x10240xi32, #tpu.memory_space<vmem>>, vector<1x10240xi32>
    %eq3A = vector.broadcast %get3A_1 : vector<1x10240xi32> to vector<64x10240xi32>
    %eq3A_2 = arith.cmpi eq, %iota3A, %eq3A : vector<64x10240xi32>
    %convert_element_type3A = arith.extui %eq3A_2 : vector<64x10240xi1> to vector<64x10240xi32>
    %convert_element_type3A_3 = arith.sitofp %convert_element_type3A : vector<64x10240xi32> to vector<64x10240xf32>
    %get3A_4 = arith.constant 0 : index
    %get3A_5 = arith.constant 0 : index
    %get3A_6 = vector.load %arg0[%get3A_4, %get3A_5] : memref<10240x128xf32, #tpu.memory_space<vmem>>, vector<10240x128xf32>
    %dot_general3A = arith.constant dense<0.000000e+00> : vector<64x128xf32>
    %dot_general3A_7 = tpu.matmul %convert_element_type3A_3, %get3A_6, %dot_general3A {dimension_numbers = #tpu.dot_dimension_numbers<[1], [0], [0], [1], [0, 0, 1, 1], [], []>, precision = #tpu.contract_precision<fp32>, transpose_lhs_hint = false} : vector<64x10240xf32>, vector<10240x128xf32>, vector<64x128xf32> -> vector<64x128xf32>
    %reduce_sum3A = arith.constant dense<0.000000e+00> : vector<64xf32>
    %reduce_sum3A_8 = vector.multi_reduction <add>, %convert_element_type3A_3, %reduce_sum3A [1] : vector<64x10240xf32> to vector<64xf32>
    %broadcast_in_dim3A = vector.shape_cast %reduce_sum3A_8 : vector<64xf32> to vector<64x1xf32>
    %max3A = arith.constant 1.000000e+00 : f32
    %max3A_9 = vector.broadcast %max3A : f32 to vector<64x1xf32>
    %max3A_10 = arith.maximumf %broadcast_in_dim3A, %max3A_9 : vector<64x1xf32>
    %div3A = vector.broadcast %max3A_10 : vector<64x1xf32> to vector<64x128xf32>
    %div3A_11 = arith.divf %dot_general3A_7, %div3A : vector<64x128xf32>
    %get3A_12 = arith.constant 0 : index
    %get3A_13 = arith.constant 0 : index
    %get3A_14 = vector.load %arg2[%get3A_12, %get3A_13] : memref<128x128xf32, #tpu.memory_space<vmem>>, vector<128x128xf32>
    %dot_general3A_15 = arith.constant dense<0.000000e+00> : vector<64x128xf32>
    %dot_general3A_16 = tpu.matmul %div3A_11, %get3A_14, %dot_general3A_15 {dimension_numbers = #tpu.dot_dimension_numbers<[1], [0], [0], [1], [0, 0, 1, 1], [], []>, precision = #tpu.contract_precision<fp32>, transpose_lhs_hint = false} : vector<64x128xf32>, vector<128x128xf32>, vector<64x128xf32> -> vector<64x128xf32>
    %get3A_17 = arith.constant 0 : index
    %get3A_18 = arith.constant 0 : index
    %get3A_19 = vector.load %arg3[%get3A_17, %get3A_18] : memref<1x128xf32, #tpu.memory_space<vmem>>, vector<1x128xf32>
    %add3A = vector.broadcast %get3A_19 : vector<1x128xf32> to vector<64x128xf32>
    %add3A_20 = arith.addf %dot_general3A_16, %add3A : vector<64x128xf32>
    %mul3A = arith.mulf %add3A_20, %add3A_20 : vector<64x128xf32>
    %reduce_sum3A_21 = arith.constant dense<0.000000e+00> : vector<64xf32>
    %reduce_sum3A_22 = vector.multi_reduction <add>, %mul3A, %reduce_sum3A_21 [1] : vector<64x128xf32> to vector<64xf32>
    %broadcast_in_dim3A_23 = vector.shape_cast %reduce_sum3A_22 : vector<64xf32> to vector<64x1xf32>
    %sqrt3A = math.sqrt %broadcast_in_dim3A_23 : vector<64x1xf32>
    %div3A_24 = vector.broadcast %sqrt3A : vector<64x1xf32> to vector<64x128xf32>
    %div3A_25 = arith.divf %add3A_20, %div3A_24 : vector<64x128xf32>
    %swap3A = arith.constant 0 : index
    %swap3A_26 = arith.constant 0 : index
    %swap3A_27 = vector.load %arg10[%swap3A, %swap3A_26] : memref<64x128xf32, #tpu.memory_space<vmem>>, vector<64x128xf32>
    tpu.vector_store %arg10[%swap3A, %swap3A_26], %div3A_25 {strides = array<i32>} : memref<64x128xf32, #tpu.memory_space<vmem>>, vector<64x128xf32>,
    %get3A_28 = arith.constant 0 : index
    %get3A_29 = arith.constant 0 : index
    %get3A_30 = vector.load %arg5[%get3A_28, %get3A_29] : memref<147x4096xf32, #tpu.memory_space<vmem>>, vector<147x4096xf32>
    %get3A_31 = arith.constant 0 : index
    %get3A_32 = arith.constant 0 : index
    %get3A_33 = vector.load %arg7[%get3A_31, %get3A_32] : memref<4096x128xf32, #tpu.memory_space<vmem>>, vector<4096x128xf32>
    %dot_general3A_34 = arith.constant dense<0.000000e+00> : vector<147x128xf32>
    %dot_general3A_35 = tpu.matmul %get3A_30, %get3A_33, %dot_general3A_34 {dimension_numbers = #tpu.dot_dimension_numbers<[1], [0], [0], [1], [0, 0, 1, 1], [], []>, precision = #tpu.contract_precision<fp32>, transpose_lhs_hint = false} : vector<147x4096xf32>, vector<4096x128xf32>, vector<147x128xf32> -> vector<147x128xf32>
    %get3A_36 = arith.constant 0 : index
    %get3A_37 = arith.constant 0 : index
    %get3A_38 = vector.load %arg6[%get3A_36, %get3A_37] : memref<1x4096xf32, #tpu.memory_space<vmem>>, vector<1x4096xf32>
    %get3A_39 = arith.constant 0 : index
    %get3A_40 = arith.constant 0 : index
    %get3A_41 = vector.load %arg7[%get3A_39, %get3A_40] : memref<4096x128xf32, #tpu.memory_space<vmem>>, vector<4096x128xf32>
    %dot_general3A_42 = arith.constant dense<0.000000e+00> : vector<1x128xf32>
    %dot_general3A_43 = tpu.matmul %get3A_38, %get3A_41, %dot_general3A_42 {dimension_numbers = #tpu.dot_dimension_numbers<[1], [0], [0], [1], [0, 0, 1, 1], [], []>, precision = #tpu.contract_precision<fp32>, transpose_lhs_hint = false} : vector<1x4096xf32>, vector<4096x128xf32>, vector<1x128xf32> -> vector<1x128xf32>
    %get3A_44 = arith.constant 0 : index
    %get3A_45 = arith.constant 0 : index
    %get3A_46 = vector.load %arg8[%get3A_44, %get3A_45] : memref<1x128xf32, #tpu.memory_space<vmem>>, vector<1x128xf32>
    %add3A_47 = arith.addf %dot_general3A_43, %get3A_46 : vector<1x128xf32>
    %get3A_48 = arith.constant 0 : index
    %get3A_49 = arith.constant 0 : index
    %get3A_50 = vector.load %arg4[%get3A_48, %get3A_49] : memref<64x147xf32, #tpu.memory_space<vmem>>, vector<64x147xf32>
    %dot_general3A_51 = arith.constant dense<0.000000e+00> : vector<64x128xf32>
    %dot_general3A_52 = tpu.matmul %get3A_50, %dot_general3A_35, %dot_general3A_51 {dimension_numbers = #tpu.dot_dimension_numbers<[1], [0], [0], [1], [0, 0, 1, 1], [], []>, precision = #tpu.contract_precision<fp32>, transpose_lhs_hint = false} : vector<64x147xf32>, vector<147x128xf32>, vector<64x128xf32> -> vector<64x128xf32>
    %add3A_53 = vector.broadcast %add3A_47 : vector<1x128xf32> to vector<64x128xf32>
    %add3A_54 = arith.addf %dot_general3A_52, %add3A_53 : vector<64x128xf32>
    %mul3A_55 = arith.mulf %add3A_54, %add3A_54 : vector<64x128xf32>
    %reduce_sum3A_56 = arith.constant dense<0.000000e+00> : vector<64xf32>
    %reduce_sum3A_57 = vector.multi_reduction <add>, %mul3A_55, %reduce_sum3A_56 [1] : vector<64x128xf32> to vector<64xf32>
    %broadcast_in_dim3A_58 = vector.shape_cast %reduce_sum3A_57 : vector<64xf32> to vector<64x1xf32>
    %sqrt3A_59 = math.sqrt %broadcast_in_dim3A_58 : vector<64x1xf32>
    %div3A_60 = vector.broadcast %sqrt3A_59 : vector<64x1xf32> to vector<64x128xf32>
    %div3A_61 = arith.divf %add3A_54, %div3A_60 : vector<64x128xf32>
    %swap3A_62 = arith.constant 0 : index
    %swap3A_63 = arith.constant 0 : index
    %swap3A_64 = vector.load %arg9[%swap3A_62, %swap3A_63] : memref<64x128xf32, #tpu.memory_space<vmem>>, vector<64x128xf32>
    tpu.vector_store %arg9[%swap3A_62, %swap3A_63], %div3A_61 {strides = array<i32>} : memref<64x128xf32, #tpu.memory_space<vmem>>, vector<64x128xf32>,
    return
  }
}

</mosaic_0001>

<sc_bundles>
// kernel: kernel.13.cloned.1.call-start
scs
__scs_entry_jumppad:
0x0: {  	(pc) =	sbr.rel $0x88, $3  }
0x1: {  	(tag) =	ssettag $0x0;
	lr =	simm.s32 $0x1  }
0x2: {  	[smem:$0x3F8F] =	sst lr;
	_ =	strace $0xD0000000  }
0x3: {  	_ = 	snop  }
0x4: {  	_ = 	snop  }
0x5: {  	_ = 	snop  }
0x6: {  	_ = 	snop  }
0x7: {  	_ = 	snop  }
__scs_overlays_trampoline_lowered:
0x8: {  	[smem:$0x3F9E] =	sst s0  }
0x9: {  	[smem:$0x3F9F] =	sst s1  }
0xa: {  	[smem:$0x3FA0] =	sst s2  }
0xb: {  	[smem:$0x3FA1] =	sst s3  }
0xc: {  	[smem:$0x3FA2] =	sst s4  }
0xd: {  	[smem:$0x3FA3] =	sst s5  }
0xe: {  	[smem:$0x3FA4] =	sst s6  }
0xf: {  	[smem:$0x3FA5] =	sst s7  }
0x10: {  	[smem:$0x3FA6] =	sst s8  }
0x11: {  	[smem:$0x3FA7] =	sst s9;
	s0 =	simm.s32 @!p0 $0x0  }
0x12: {  	s1 =	sld [smem:$0x3F8D];
	s0 =	simm.s32 @p0 $0x1  }
0x13: {  	[smem:$0x3FA8] =	sst s0;
	s0 =	simm.s32 @!p1 $0x0  }
0x14: {  	s2 =	sld [smem:$0x3F8C];
	s0 =	simm.s32 @p1 $0x1  }
0x15: {  	[smem:$0x3FA9] =	sst s0;
	s0 =	simm.s32 @!p2 $0x0  }
0x16: {  	s3 =	sld [smem:$0x3FDB];
	s0 =	simm.s32 @p2 $0x1  }
0x17: {  	s4 =	simm.s32 $0x1BF5;
	[smem:$0x3FAB] =	sst s0  }
0x18: {  	s0 =	sld [smem:$0x3F8E];
	_ =	swait.ge [sflag:s4], $0x0  }
0x19: {  	s7 =	sld [smem:$0x3F8F]  }
0x1a: {  	s8 =	sadd.s32 $0xFFFFE003, lr  }
0x1b: {  	s9 =	sadd.s32 $0xFFFFFEF7, lr;
	s5 =	simm.s32 $0xFFFFFFFF;
	p2 =	slt.u32 s8, $0xFFFFF086  }
0x1c: {  	p1 =	slt.u32 s9, $0xF7A;
	s5 =	simm.s32 @!p2 $0x0  }
0x1d: {  	s5 =	simm.s32 @p1 $0x1;
	p0 =	seq.s32 s7, s2  }
0x1e: {  	s7 =	smul.u32 @!p0 $0xF7A, s2;
	p2 =	seq.s32 @!p0 s5, $0x0  }
0x1f: {  	s9 =	smul.u32 $0xF7A, s1;
	s8 =	simm.s32 @!p0 $0x1BF5;
	p2 =	por !p2, p0  }
0x20: {  	[sflag:s8] =	ssyncset.s32 @!p0 $0xFFFFF086;
	s6 =	sadd.s32 @!p0 s3, s7;
	s7 =	simm.s32 @!p0 $0x108  }
0x21: {  	s3 =	sadd.s32 s3, s9;
	s6 =	sadd.s32 @!p0 $0x88, s6;
	s7 =	simm.s32 @p2 $0x1082  }
0x22: {  	[simem:s7], [sflag:s8] =	dma.local @!p0 [hbm:s6], $0xF7A  }
0x23: {  	s9 =	sor.u32 $0xD0000000, s2;
	s6 =	simm.s32 $0x108;
	_ =	swait.ge @!p0 [sflag:s8], $0x0  }
0x24: {  	s3 =	sadd.s32 $0x88, s3;
	s6 =	simm.s32 @!p1 $0x1082;
	[sflag:s4] =	ssyncset.s32 $0xFFFFF086  }
0x25: {  	[simem:s6], [sflag:s4] =	dma.local [hbm:s3], $0xF7A  }
0x26: {  	[smem:$0x3F8F] =	sst s1;
	(tag) =	ssettag s2;
	_ =	strace s9  }
0x27: {  	s1 =	sld [smem:$0x3F9F]  }
0x28: {  	s2 =	sld [smem:$0x3FA0]  }
0x29: {  	s4 =	sld [smem:$0x3FA2]  }
0x2a: {  	p0 =	seq.s32 s5, $0x0;
	s5 =	sld [smem:$0x3FA3]  }
0x2b: {  	s6 =	sld [smem:$0x3FA4]  }
0x2c: {  	s7 =	sld [smem:$0x3FA5]  }
0x2d: {  	s3 =	simm.s32 $0x108;
	s8 =	sld [smem:$0x3FA6]  }
0x2e: {  	s3 =	simm.s32 @!p0 $0x1082;
	s9 =	sld [smem:$0x3FA7]  }
0x2f: {  	lr =	sadd.s32 s0, s3;
	s0 =	sld [smem:$0x3F9E]  }
0x30: {  	s3 =	sld [smem:$0x3FA1]  }
0x31: {  	[smem:$0x3FAA] =	sst s10  }
0x32: {  	s10 =	sld [smem:$0x3FA8];
	_ =	sdelay $0x3  }
0x33: {  	p0 =	seq.s32 s10, $0x1;
	s10 =	sld [smem:$0x3FAA];
	_ =	sdelay $0x3  }
0x34: {  	[smem:$0x3FAA] =	sst s10  }
0x35: {  	s10 =	sld [smem:$0x3FA9];
	_ =	sdelay $0x3  }
0x36: {  	p1 =	seq.s32 s10, $0x1;
	s10 =	sld [smem:$0x3FAA];
	_ =	sdelay $0x3  }
0x37: {  	[smem:$0x3FAA] =	sst s10  }
0x38: {  	s10 =	sld [smem:$0x3FAB]  }
0x39: {  	_ = 	snop;
	(pc) =	sbr.ind lr, $3  }
0x3a: {  	_ = 	snop  }
0x3b: {  	_ = 	snop  }
0x3c: {  	p2 =	seq.s32 s10, $0x1;
	s10 =	sld [smem:$0x3FAA]  }
0x3d: {  	_ =	shalt  }
0x3e: {  	_ =	shalt  }
0x3f: {  	_ =	shalt  }
0x40: {  	_ =	shalt  }
0x41: {  	_ =	shalt  }
0x42: {  	_ =	shalt  }
0x43: {  	_ =	shalt  }
0x44: {  	_ =	shalt  }
0x45: {  	_ =	shalt  }
0x46: {  	_ =	shalt  }
0x47: {  	_ =	shalt  }
0x48: {  	_ =	shalt  }
0x49: {  	_ =	shalt  }
0x4a: {  	_ =	shalt  }
0x4b: {  	_ =	shalt  }
0x4c: {  	_ =	shalt  }
0x4d: {  	_ =	shalt  }
0x4e: {  	_ =	shalt  }
0x4f: {  	_ =	shalt  }
0x50: {  	_ =	shalt  }
0x51: {  	_ =	shalt  }
0x52: {  	_ =	shalt  }
0x53: {  	_ =	shalt  }
0x54: {  	_ =	shalt  }
0x55: {  	_ =	shalt  }
0x56: {  	_ =	shalt  }
0x57: {  	_ =	shalt  }
0x58: {  	_ =	shalt  }
0x59: {  	_ =	shalt  }
0x5a: {  	_ =	shalt  }
0x5b: {  	_ =	shalt  }
0x5c: {  	_ =	shalt  }
0x5d: {  	_ =	shalt  }
0x5e: {  	_ =	shalt  }
0x5f: {  	_ =	shalt  }
0x60: {  	_ =	shalt  }
0x61: {  	_ =	shalt  }
0x62: {  	_ =	shalt  }
0x63: {  	_ =	shalt  }
0x64: {  	_ =	shalt  }
0x65: {  	_ =	shalt  }
0x66: {  	_ =	shalt  }
0x67: {  	_ =	shalt  }
0x68: {  	_ =	shalt  }
0x69: {  	_ =	shalt  }
0x6a: {  	_ =	shalt  }
0x6b: {  	_ =	shalt  }
0x6c: {  	_ =	shalt  }
0x6d: {  	_ =	shalt  }
0x6e: {  	_ =	shalt  }
0x6f: {  	_ =	shalt  }
0x70: {  	_ =	shalt  }
0x71: {  	_ =	shalt  }
0x72: {  	_ =	shalt  }
0x73: {  	_ =	shalt  }
0x74: {  	_ =	shalt  }
0x75: {  	_ =	shalt  }
0x76: {  	_ =	shalt  }
0x77: {  	_ =	shalt  }
0x78: {  	_ =	shalt  }
0x79: {  	_ =	shalt  }
0x7a: {  	_ =	shalt  }
0x7b: {  	_ =	shalt  }
0x7c: {  	_ =	shalt  }
0x7d: {  	_ =	shalt  }
0x7e: {  	_ =	shalt  }
0x7f: {  	_ =	shalt  }
0x80: {  	_ =	shalt  }
0x81: {  	_ =	shalt  }
0x82: {  	_ =	shalt  }
0x83: {  	_ =	shalt  }
0x84: {  	_ =	shalt  }
0x85: {  	_ =	shalt  }
0x86: {  	_ =	shalt  }
0x87: {  	_ =	shalt  }
.Lfunc_end0:
.L_simem_size_0:
called_computation_lowered:
.L_overlay_start_0:
0x88: {  	s2 =	sld [smem:$0x3FD9]  }
0x89: {  	s3 =	sld [smem:$0x3FFE];
	_ =	sdelay $0x1  }
0x8a: {  	s1 =	srdreg.scid  }
0x8b: {  	s0 =	sand.u32 $0x1, s1  }
0x8c: {  	s16 =	sshll.u32 s0, $0xA;
	s2 =	sadd.s32 s3, s2  }
0x8d: {  	s2 =	sadd.s32 s2, s16  }
0x8e: {  	[smem:$0x3FB6] =	sst s2  }
0x8f: {  	_ = 	snop  }
0x90: {  	(tm) =	ssettm $0x1  }
0x91: {  	s17 =	sld [smem:$0x3FFB];
	_ =	sdelay $0x3  }
0x92: {  	_ =	strace s17  }
0x93: {  	s2 =	sld [smem:$0x3FFC];
	_ =	sdelay $0x3  }
0x94: {  	_ =	strace s2  }
0x95: {  	s2 =	sld [smem:$0x3FFD];
	_ =	sdelay $0x3  }
0x96: {  	_ =	strace s2  }
0x97: {  	_ =	strace $0x8FFFFFFF  }
0x98: {  	s18 =	sld [smem:$0x3FDB];
	_ =	sdelay $0x1  }
0x99: {  	s19 =	simm.s32 $_scs_section_size  }
0x9a: {  	s4 =	simm.s32 $_size__tile_overlayer_lowered;
	s5 =	simm.s32 $_tile_overlayer_lowered  }
0x9b: {  	s22 =	simm.s32 $0x1BFF;
	s21 =	sshll.u32 s5, $0x1;
	s2 =	sadd.s32 s19, s18  }
0x9c: {  	s6 =	simm.s32 $0x0;
	s20 =	sshll.u32 s4, $0x1;
	s4 =	sadd.s32 s21, s2  }
0x9d: {  	[timem:s6], [sflag:s22] =	dma.local [hbm:s4], s20  }
0x9e: {  	_ =	swait.ge [sflag:s22], s20  }
0x9f: {  	s3 =	ssub.s32 $0x0, s20;
	[sflag:s22] =	ssyncset.done $0x0  }
0xa0: {  	[sflag:s22] =	ssyncadd.s32 s3;
	_ =	sdelay $0x1  }
0xa1: {  	s23 =	simm.s32 $0x1B8B  }
0xa2: {  	_ =	swait.ge [sflag:s23], $0x1  }
0xa3: {  	[sflag:s23] =	ssyncset.done $0x0  }
0xa4: {  	s25 =	simm.s32 $0x1B8E;
	s24 =	sld [smem:$0x3FFE];
	[sflag:s23] =	ssyncadd.s32 $0xFFFFFFFF  }
0xa5: {  	s26 =	simm.s32 $execute0_lowered;
	[smem:$0x3FD2] =	sst s25  }
0xa6: {  	s4 =	sshll.u32 s26, $0x1;
	_ =	strace $0x80000046;
	[dreg:$0x1] =	wrdreg $0xFFFFFFFF  }
0xa7: {  	s28 =	simm.s32 $_size_execute0_lowered;
	s2 =	sadd.s32 s2, s4;
	[dreg:$0x0] =	wrdreg $0x0  }
0xa8: {  	s4 =	sshll.u32 s28, $0x1;
	[dreg:$0x2] =	wrdreg s2  }
0xa9: {  	[dreg:$0x3] =	wrdreg s4  }
0xaa: {  	[dreg:$0x4] =	wrdreg $0xC0  }
0xab: {  	_ =	task [dreg:s6], $0x5FFFF  }
0xac: {  	[dreg:$0x1] =	wrdreg $0xFFFFFFFF  }
0xad: {  	[dreg:$0x0] =	wrdreg $0x60  }
0xae: {  	[dreg:$0x2] =	wrdreg s24  }
0xaf: {  	[dreg:$0x3] =	wrdreg $0xA1000  }
0xb0: {  	[dreg:$0x4] =	wrdreg $0x9  }
0xb1: {  	_ =	task.clear_ibuf [dreg:s6], $0x5FFFF;
	_ =	strace $0x90000046  }
0xb2: {  	s29 =	simm.s32 $0x9;
	_ =	strace $0x80000048  }
0xb3: {  	_ =	swait.ge [sflag:s29], $0x1  }
0xb4: {  	[sflag:s29] =	ssyncadd.s32 $0xFFFFFFFF  }
0xb5: {  	_ =	strace $0x90000048  }
0xb6: {  	_ =	sfence  }
0xb7: {  	s30 =	sld [smem:$0x0];
	_ =	sdelay $0x2  }
0xb8: {  	s31 =	sshll.u32 s1, $0xD;
	s1 =	sshrl.u32 s1, $0x2  }
0xb9: {  	s3 =	sand.u32 $0x4000, s31;
	s1 =	sadd.s32 s1, s30  }
0xba: {  	s0 =	sor.u32 s3, s0;
	s1 =	sshll.u32 s1, $0x11  }
0xbb: {  	s0 =	sor.u32 s1, s0  }
0xbc: {  	s0 =	sadd.s32 $0x8F2B, s0  }
0xbd: {  	[sflag:s0] =	ssyncadd.remote.s32 $0x1  }
0xbe: {  	_ =	sfence.sel $0xFFFF  }
0xbf: {  	[dreg:$0x0] =	wrdreg $0xFFFFFFFF;
	(pc) =	sbr.abs _section_cstart, $3  }
0xc0: {  	[dreg:$0x1] =	wrdreg $0xFFFFFFFF  }
0xc1: {  	_ =	task.clear_ibuf [dreg:s6], $0x2FFFF;
	_ =	strace $0x9FFFFFFF  }
0xc2: {  	(tm) =	ssettm $0x7FFFFFFF  }
0xc3: {  	_ =	shalt  }
tec
execute0_lowered:
.L_overlay_start_1:
0x0: {  	(tag) =	ssettag $0x1  }
0x1: {  	s0 =	rddreg [dreg:$0x0]  }
0x2: {  	s1 =	rddreg [dreg:$0x1];
	s2 =	simm.s32 $0x0  }
0x3: {  	s3 =	srdreg.scid;
	s10 =	stileid.u32;
	s31 =	simm.s32 $0x5100  }
0x4: {  	[smem:$0x7FF] =	sst s2;
	s4 =	sadd.s32 $0xDE00, s0;
	s5 =	sadd.s32 $0x50DE00, s0  }
0x5: {  	s6 =	sadd.s32 $0x17E00, s0;
	s3 =	sand.u32 $0x1, s3;
	s7 =	smul.u32 $0x50000, s10  }
0x6: {  	s0 =	sadd.s32 $0x3FE00, s0;
	s9 =	sshll.u32 s10, $0x1;
	s10 =	smul.u32 $0x14000, s10  }
0x7: {  	_ =	strace $0x80000047;
	[dreg:$0x3] =	wrdreg s6;
	s17 =	ssub.s32 $0x2, s3  }
0x8: {  	s11 =	sor.u32 s3, s9;
	s3 =	smul.u32 $0x140000, s3;
	s8 =	sshrl.u32 s17, $0x1  }
0x9: {  	s7 =	sshrl.u32 s7, $0x2;
	s12 =	sor.u32 $0x2800, s10;
	s13 =	sadd.s32 $0x5000, s10  }
0xa: {  	s14 =	sadd.s32 $0x7800, s10;
	s15 =	sadd.s32 $0xA000, s10;
	s16 =	sadd.s32 $0xC800, s10  }
0xb: {  	s6 =	ssub.s32 s17, s8;
	s7 =	sadd.s32 s7, s1;
	s8 =	sadd.s32 s12, s1  }
0xc: {  	s9 =	sadd.s32 s13, s1;
	s17 =	sadd.s32 $0xF000, s10;
	s18 =	sadd.s32 s10, s3  }
0xd: {  	s12 =	sadd.s32 s3, s12;
	s10 =	sadd.s32 $0x11800, s10;
	s19 =	sadd.s32 s3, s14  }
0xe: {  	s20 =	sadd.s32 s3, s15;
	s24 =	sadd.s32 s3, s16;
	s18 =	sshrl.u32 s18, $0x3  }
0xf: {  	s12 =	sshrl.u32 s12, $0x3;
	s21 =	sshrl.u32 s19, $0x3;
	s22 =	sshrl.u32 s20, $0x3  }
0x10: {  	s25 =	sadd.s32 s3, s17;
	s19 =	sadd.s32 s15, s1;
	s15 =	smul.u32 $0x2800, s11  }
0x11: {  	s20 =	sadd.s32 s16, s1;
	s30 =	smax.u32 s6, $0x1;
	s6 =	simm.s32 $0x2900  }
0x12: {  	s16 =	simm.s32 $0x0;
	s18 =	sadd.s32 s0, s18;
	s12 =	sadd.s32 s0, s12  }
0x13: {  	s23 =	sadd.s32 s0, s22;
	s26 =	sshrl.u32 s25, $0x3;
	[dreg:$0x4] =	wrdreg s18  }
0x14: {  	s22 =	sadd.s32 s10, s1;
	[dreg:$0x5] =	wrdreg s12;
	s18 =	sadd.s32 s3, s13  }
0x15: {  	[dreg:$0x8] =	wrdreg s23;
	s3 =	sadd.s32 s3, s10;
	s13 =	smul.u32 $0x500, s11  }
0x16: {  	s23 =	sor.u32 $0x50, s15;
	s10 =	simm.s32 $0x1;
	s12 =	sshrl.u32 s18, $0x3  }
0x17: {  	s15 =	simm.s32 $0x4;
	s3 =	sshrl.u32 s3, $0x3;
	s12 =	sadd.s32 s0, s12  }
0x18: {  	[dreg:$0x6] =	wrdreg s12;
	s12 =	sadd.s32 s0, s21;
	s21 =	sadd.s32 s17, s1  }
0x19: {  	s17 =	smul.u32 $0x28000, s11;
	[dreg:$0x7] =	wrdreg s12;
	s12 =	sshrl.u32 s24, $0x3  }
0x1a: {  	s18 =	sadd.s32 s14, s1;
	s25 =	sshrl.u32 s23, $0x3;
	s12 =	sadd.s32 s0, s12  }
0x1b: {  	s14 =	simm.s32 $0x3;
	s24 =	sadd.s32 s5, s17;
	[dreg:$0x9] =	wrdreg s12  }
0x1c: {  	s12 =	sadd.s32 s0, s26;
	s0 =	sadd.s32 s0, s3;
	[dreg:$0xd] =	wrdreg s24  }
0x1d: {  	s26 =	sshll.u32 s11, $0x7;
	s3 =	sadd.s32 s4, s25;
	[dreg:$0xa] =	wrdreg s12  }
.Ltmp0:
0x1e: {  	s11 =	simm.s32 $0x50;
	[dreg:$0xb] =	wrdreg s0;
	(pc) =	sbr.rel .LBB2_1-.Ltmp0, $4  }
0x1f: {  	s0 =	sadd.s32 s4, s13;
	[dreg:$0xe] =	wrdreg s3;
	s28 =	sor.u32 $0x2, s26  }
0x20: {  	s29 =	sor.u32 $0x3, s26;
	[dreg:$0xc] =	wrdreg s0;
	s0 =	sshll.u32 s23, $0x4  }
0x21: {  	s3 =	simm.s32 $0x80;
	s12 =	simm.s32 $0x2;
	s0 =	sadd.s32 s5, s0  }
0x22: {  	s13 =	simm.s32 $0x7900;
	[dreg:$0xf] =	wrdreg s0;
	s0 =	simm.s32 $0x5  }
.LBB2_8:
0x23: {  	_ =	swait.ge [sflag:s14], $0x2800  }
0x24: {  	[sflag:s14] =	ssyncset.done $0x0  }
0x25: {  	[sflag:s14] =	ssyncadd.s32 $0xFFFFD800  }
0x26: {  	_ =	swait.ge [sflag:s15], $0x2800  }
0x27: {  	[sflag:s15] =	ssyncset.done $0x0  }
0x28: {  	[sflag:s15] =	ssyncadd.s32 $0xFFFFD800  }
0x29: {  	[bflag:$0x0] =	sbarrier.arrive $0xFFFF  }
0x2a: {  	[tilespmem:s31], [sflag:$0x5] =	stream.linear.gather [spmem:s7], $0x2800, $0x38;
	[tilespmem:$0x1E100] =	vst v63  }
0x2b: {  	_ =	swait.ge [sflag:s0], $0x2800  }
0x2c: {  	[sflag:s0] =	ssyncset.done $0x0  }
0x2d: {  	s17 =	rddreg [dreg:$0x4];
	[sflag:s0] =	ssyncadd.s32 $0xFFFFD800  }
0x2e: {  	[hbm4b:s17+s2] =	stream.linear.scatter [tilespmem:s31], [sflag:$0x5], $0x2800, $0x38;
	[tilespmem:$0x1E100] =	vst v63  }
0x2f: {  	_ =	swait.ge [sflag:s0], $0x2800  }
0x30: {  	[sflag:s0] =	ssyncset.done $0x0  }
0x31: {  	[sflag:s0] =	ssyncadd.s32 $0xFFFFD800  }
0x32: {  	[tilespmem:s31], [sflag:$0x5] =	stream.linear.gather [spmem:s8], $0x2800, $0x38;
	[tilespmem:$0x1E100] =	vst v63  }
0x33: {  	_ =	swait.ge [sflag:s0], $0x2800  }
0x34: {  	[sflag:s0] =	ssyncset.done $0x0  }
0x35: {  	s24 =	rddreg [dreg:$0x5];
	[sflag:s0] =	ssyncadd.s32 $0xFFFFD800  }
0x36: {  	[hbm4b:s24+s2] =	stream.linear.scatter [tilespmem:s31], [sflag:$0x5], $0x2800, $0x38;
	[tilespmem:$0x1E100] =	vst v63  }
0x37: {  	_ =	swait.ge [sflag:s0], $0x2800  }
0x38: {  	[sflag:s0] =	ssyncset.done $0x0  }
0x39: {  	[sflag:s0] =	ssyncadd.s32 $0xFFFFD800  }
0x3a: {  	[tilespmem:s31], [sflag:$0x5] =	stream.linear.gather [spmem:s9], $0x2800, $0x38;
	[tilespmem:$0x1E100] =	vst v63  }
0x3b: {  	_ =	swait.ge [sflag:s0], $0x2800  }
0x3c: {  	[sflag:s0] =	ssyncset.done $0x0  }
0x3d: {  	s25 =	rddreg [dreg:$0x6];
	[sflag:s0] =	ssyncadd.s32 $0xFFFFD800  }
0x3e: {  	[hbm4b:s25+s2] =	stream.linear.scatter [tilespmem:s31], [sflag:$0x5], $0x2800, $0x38;
	[tilespmem:$0x1E100] =	vst v63  }
0x3f: {  	_ =	swait.ge [sflag:s0], $0x2800  }
0x40: {  	[sflag:s0] =	ssyncset.done $0x0  }
0x41: {  	[sflag:s0] =	ssyncadd.s32 $0xFFFFD800  }
0x42: {  	[tilespmem:s31], [sflag:$0x5] =	stream.linear.gather [spmem:s18], $0x2800, $0x38;
	[tilespmem:$0x1E100] =	vst v63  }
0x43: {  	_ =	swait.ge [sflag:s0], $0x2800  }
0x44: {  	[sflag:s0] =	ssyncset.done $0x0  }
0x45: {  	s26 =	rddreg [dreg:$0x7];
	[sflag:s0] =	ssyncadd.s32 $0xFFFFD800  }
0x46: {  	[hbm4b:s26+s2] =	stream.linear.scatter [tilespmem:s31], [sflag:$0x5], $0x2800, $0x38;
	[tilespmem:$0x1E100] =	vst v63  }
0x47: {  	_ =	swait.ge [sflag:s0], $0x2800  }
0x48: {  	[sflag:s0] =	ssyncset.done $0x0  }
0x49: {  	[sflag:s0] =	ssyncadd.s32 $0xFFFFD800  }
0x4a: {  	[tilespmem:s31], [sflag:$0x5] =	stream.linear.gather [spmem:s19], $0x2800, $0x38;
	[tilespmem:$0x1E100] =	vst v63  }
0x4b: {  	_ =	swait.ge [sflag:s0], $0x2800  }
0x4c: {  	[sflag:s0] =	ssyncset.done $0x0  }
0x4d: {  	s23 =	rddreg [dreg:$0x8];
	[sflag:s0] =	ssyncadd.s32 $0xFFFFD800  }
0x4e: {  	[hbm4b:s23+s2] =	stream.linear.scatter [tilespmem:s31], [sflag:$0x5], $0x2800, $0x38;
	[tilespmem:$0x1E100] =	vst v63  }
0x4f: {  	_ =	swait.ge [sflag:s0], $0x2800  }
0x50: {  	[sflag:s0] =	ssyncset.done $0x0  }
0x51: {  	[sflag:s0] =	ssyncadd.s32 $0xFFFFD800  }
0x52: {  	[tilespmem:s31], [sflag:$0x5] =	stream.linear.gather [spmem:s20], $0x2800, $0x38;
	[tilespmem:$0x1E100] =	vst v63  }
0x53: {  	_ =	swait.ge [sflag:s0], $0x2800  }
0x54: {  	[sflag:s0] =	ssyncset.done $0x0  }
0x55: {  	s24 =	rddreg [dreg:$0x9];
	[sflag:s0] =	ssyncadd.s32 $0xFFFFD800  }
0x56: {  	[hbm4b:s24+s2] =	stream.linear.scatter [tilespmem:s31], [sflag:$0x5], $0x2800, $0x38;
	[tilespmem:$0x1E100] =	vst v63  }
0x57: {  	_ =	swait.ge [sflag:s0], $0x2800  }
0x58: {  	[sflag:s0] =	ssyncset.done $0x0  }
0x59: {  	[sflag:s0] =	ssyncadd.s32 $0xFFFFD800  }
0x5a: {  	[tilespmem:s31], [sflag:$0x5] =	stream.linear.gather [spmem:s21], $0x2800, $0x38;
	[tilespmem:$0x1E100] =	vst v63  }
0x5b: {  	_ =	swait.ge [sflag:s0], $0x2800  }
0x5c: {  	[sflag:s0] =	ssyncset.done $0x0  }
0x5d: {  	s25 =	rddreg [dreg:$0xa];
	[sflag:s0] =	ssyncadd.s32 $0xFFFFD800  }
0x5e: {  	[hbm4b:s25+s2] =	stream.linear.scatter [tilespmem:s31], [sflag:$0x5], $0x2800, $0x38;
	[tilespmem:$0x1E100] =	vst v63  }
0x5f: {  	_ =	swait.ge [sflag:s0], $0x2800  }
0x60: {  	[sflag:s0] =	ssyncset.done $0x0  }
0x61: {  	[sflag:s0] =	ssyncadd.s32 $0xFFFFD800  }
0x62: {  	[tilespmem:s31], [sflag:$0x5] =	stream.linear.gather [spmem:s22], $0x2800, $0x38;
	[tilespmem:$0x1E100] =	vst v63  }
0x63: {  	s16 =	sadd.s32 $0x1, s16;
	_ =	swait.ge [sflag:s0], $0x2800  }
0x64: {  	p0 =	sne.s32 s16, s30;
	[sflag:s0] =	ssyncset.done $0x0  }
.Ltmp1:
0x65: {  	s26 =	rddreg [dreg:$0xb];
	[sflag:s0] =	ssyncadd.s32 $0xFFFFD800;
	(pc) =	sbr.rel @!p0 .LBB2_9-.Ltmp1, $4  }
0x66: {  	[hbm4b:s26+s2] =	stream.linear.scatter [tilespmem:s31], [sflag:$0x5], $0x2800, $0x38;
	[tilespmem:$0x1E100] =	vst v63  }
0x67: {  	_ =	swait.ge [sflag:s0], $0x2800  }
0x68: {  	[sflag:s0] =	ssyncset.done $0x0  }
0x69: {  	[sflag:s0] =	ssyncadd.s32 $0xFFFFD800  }
.LBB2_1:
0x6a: {  	s17 =	rddreg [dreg:$0x3]  }
0x6b: {  	[tilespmem:s31], [sflag:$0x5] =	stream.linear.gather [hbm4b:s17+s2], $0x2800, $0x38;
	[tilespmem:$0x1E100] =	vst v63  }
0x6c: {  	_ =	swait.ge [sflag:s0], $0x2800  }
0x6d: {  	[sflag:s0] =	ssyncset.done $0x0  }
0x6e: {  	[sflag:s0] =	ssyncadd.s32 $0xFFFFD800  }
0x6f: {  	[spmem:s7] =	stream.linear.scatter [tilespmem:s31], [sflag:$0x5], $0x2800, $0x38;
	[tilespmem:$0x1E100] =	vst v63  }
0x70: {  	_ =	swait.ge [sflag:s0], $0x2800  }
0x71: {  	[sflag:s0] =	ssyncset.done $0x0  }
0x72: {  	[sflag:s0] =	ssyncadd.s32 $0xFFFFD800  }
0x73: {  	[spmem:s8] =	stream.linear.scatter [tilespmem:s31], [sflag:$0x5], $0x2800, $0x38;
	[tilespmem:$0x1E100] =	vst v63  }
0x74: {  	_ =	swait.ge [sflag:s0], $0x2800  }
0x75: {  	[sflag:s0] =	ssyncset.done $0x0  }
0x76: {  	[sflag:s0] =	ssyncadd.s32 $0xFFFFD800  }
0x77: {  	[spmem:s9] =	stream.linear.scatter [tilespmem:s31], [sflag:$0x5], $0x2800, $0x38;
	[tilespmem:$0x1E100] =	vst v63  }
0x78: {  	_ =	swait.ge [sflag:s0], $0x2800  }
0x79: {  	[sflag:s0] =	ssyncset.done $0x0  }
0x7a: {  	[sflag:s0] =	ssyncadd.s32 $0xFFFFD800  }
0x7b: {  	[spmem:s18] =	stream.linear.scatter [tilespmem:s31], [sflag:$0x5], $0x2800, $0x38;
	[tilespmem:$0x1E100] =	vst v63  }
0x7c: {  	_ =	swait.ge [sflag:s0], $0x2800  }
0x7d: {  	[sflag:s0] =	ssyncset.done $0x0  }
0x7e: {  	[sflag:s0] =	ssyncadd.s32 $0xFFFFD800  }
0x7f: {  	[spmem:s19] =	stream.linear.scatter [tilespmem:s31], [sflag:$0x5], $0x2800, $0x38;
	[tilespmem:$0x1E100] =	vst v63  }
0x80: {  	_ =	swait.ge [sflag:s0], $0x2800  }
0x81: {  	[sflag:s0] =	ssyncset.done $0x0  }
0x82: {  	[sflag:s0] =	ssyncadd.s32 $0xFFFFD800  }
0x83: {  	[spmem:s20] =	stream.linear.scatter [tilespmem:s31], [sflag:$0x5], $0x2800, $0x38;
	[tilespmem:$0x1E100] =	vst v63  }
0x84: {  	_ =	swait.ge [sflag:s0], $0x2800  }
0x85: {  	[sflag:s0] =	ssyncset.done $0x0  }
0x86: {  	[sflag:s0] =	ssyncadd.s32 $0xFFFFD800  }
0x87: {  	[spmem:s21] =	stream.linear.scatter [tilespmem:s31], [sflag:$0x5], $0x2800, $0x38;
	[tilespmem:$0x1E100] =	vst v63  }
0x88: {  	_ =	swait.ge [sflag:s0], $0x2800  }
0x89: {  	[sflag:s0] =	ssyncset.done $0x0  }
0x8a: {  	[sflag:s0] =	ssyncadd.s32 $0xFFFFD800  }
0x8b: {  	[spmem:s22] =	stream.linear.scatter [tilespmem:s31], [sflag:$0x5], $0x2800, $0x38;
	[tilespmem:$0x1E100] =	vst v63  }
0x8c: {  	_ =	swait.ge [sflag:s0], $0x2800  }
0x8d: {  	[sflag:s0] =	ssyncset.done $0x0  }
0x8e: {  	[sflag:s0] =	ssyncadd.s32 $0xFFFFD800  }
0x8f: {  	[bflag:$0x0] =	sbarrier.arrive $0xFFFF  }
0x90: {  	s23 =	rddreg [dreg:$0xc]  }
0x91: {  	[tilespmem:s2], [sflag:$0x1] =	stream.linear.gather [hbm4b:s23+s2], $0x50, $0x38;
	[tilespmem:$0x1E100] =	vst v63  }
0x92: {  	s24 =	rddreg [dreg:$0xd];
	s23 =	simm.s32 $0x100  }
0x93: {  	[tilespmem:s23], [sflag:$0x1] =	stream.linear.gather [hbm4b:s24+s2], $0x2800, $0x38;
	[tilespmem:$0x1E100] =	vst v63  }
0x94: {  	s25 =	rddreg [dreg:$0xe]  }
0x95: {  	[tilespmem:s3], [sflag:$0x2] =	stream.linear.gather [hbm4b:s25+s2], $0x50, $0x38;
	[tilespmem:$0x1E100] =	vst v63  }
0x96: {  	s17 =	simm.s32 $0x0;
	s26 =	rddreg [dreg:$0xf]  }
0x97: {  	[tilespmem:s6], [sflag:$0x2] =	stream.linear.gather [hbm4b:s26+s2], $0x2800, $0x38;
	[tilespmem:$0x1E100] =	vst v63  }
.LBB2_2:
0x98: {  	_ =	swait.ge [sflag:s10], $0x50  }
0x99: {  	[sflag:s10] =	ssyncset.done $0x0  }
0x9a: {  	[sflag:s10] =	ssyncadd.s32 $0xFFFFFFB0  }
0x9b: {  	_ =	swait.ge [sflag:s10], $0x2800  }
0x9c: {  	[sflag:s10] =	ssyncset.done $0x0  }
0x9d: {  	s23 =	simm.s32 $0x0;
	[sflag:s10] =	ssyncadd.s32 $0xFFFFD800  }
0x9e: {  	v0 =	vld [tilespmem:s23+$0x100];
	_ =	sdelay $0x4  }
0x9f: {  	[tilespmem:s23+$0x5170] =	vst v0  }
0xa0: {  	[tilespmem:s23+$0x5100] =	vst v0  }
0xa1: {  	s24 =	simm.s32 $0x80;
	s25 =	simm.s32 $0x400;
	[tilespmem:s23+$0x5110] =	vst v0  }
.LBB2_3:
0xa2: {  	p0 =	sne.s32 s25, $0x9E00;
	v1 =	vld [tilespmem:s24+$0x100];
	[tilespmem:s23+$0x5120] =	vst v0  }
0xa3: {  	[tilespmem:s23+$0x5130] =	vst v0  }
0xa4: {  	[tilespmem:s23+$0x5140] =	vst v0  }
.Ltmp2:
0xa5: {  	[tilespmem:s23+$0x5150] =	vst v0;
	(pc) =	sbr.rel @p0 .LBB2_3-.Ltmp2, $4  }
0xa6: {  	[tilespmem:s23+$0x5160] =	vst v0;
	s23 =	smov.u32 s24  }
0xa7: {  	[tilespmem:s23+$0x5170] =	vst v1;
	v0 =	vmov v1  }
0xa8: {  	[tilespmem:s23+$0x5100] =	vst v0  }
0xa9: {  	s24 =	sshra.s32 s25, $0x2;
	s25 =	sadd.s32 $0x200, s25;
	[tilespmem:s23+$0x5110] =	vst v0  }
0xaa: {  	v1 =	vld [tilespmem:s24+$0x100];
	[tilespmem:s23+$0x5120] =	vst v0  }
0xab: {  	[tilespmem:s23+$0x5130] =	vst v0  }
0xac: {  	[tilespmem:s23+$0x5140] =	vst v0  }
0xad: {  	[tilespmem:s23+$0x5150] =	vst v0  }
0xae: {  	[tilespmem:s23+$0x5160] =	vst v0  }
0xaf: {  	[tilespmem:s24+$0x5170] =	vst v1  }
0xb0: {  	[tilespmem:s24+$0x5100] =	vst v1  }
0xb1: {  	[tilespmem:s24+$0x5110] =	vst v1  }
0xb2: {  	[tilespmem:s24+$0x5120] =	vst v1  }
0xb3: {  	[tilespmem:s24+$0x5130] =	vst v1  }
0xb4: {  	[tilespmem:s24+$0x5140] =	vst v1  }
0xb5: {  	p0 =	seq.s32 s17, $0x3F;
	s23 =	sshll.u32 s17, $0x1;
	[tilespmem:s24+$0x5150] =	vst v1  }
0xb6: {  	s25 =	sadd.s32 @!p0 s23, s28;
	[tilespmem:s24+$0x5160] =	vst v1;
	s24 =	simm.s32 @!p0 $0x3  }
0xb7: {  	[spmem:s1] =	stream.indirect.scatter.add.f32 [tilespmem:s31], [sflag:$0x3], $0x80, s2, s11, $0xb8;
	[tilespmem:$0x1E100] =	vst v63  }
0xb8: {  	s26 =	smul.u32 @!p0 $0xA, s25;
	_ =	swait.ge @!p0 [sflag:s24], $0x2800  }
0xb9: {  	s25 =	smul.u32 @!p0 $0x500, s25;
	[sflag:s24] =	ssyncset.done @!p0 $0x0  }
0xba: {  	[sflag:s24] =	ssyncadd.s32 @!p0 $0xFFFFD800;
	s24 =	sadd.s32 @!p0 s4, s26;
	s26 =	simm.s32 @!p0 $0x0  }
0xbb: {  	[tilespmem:s26], [sflag:$0x1] =	stream.linear.gather @!p0 [hbm4b:s24+s26], $0x50, $0x38;
	[tilespmem:$0x1E100] =	vst v63  }
0xbc: {  	s24 =	sadd.s32 @!p0 s5, s25;
	s25 =	simm.s32 @!p0 $0x100  }
0xbd: {  	[tilespmem:s25], [sflag:$0x1] =	stream.linear.gather @!p0 [hbm4b:s24+s26], $0x2800, $0x38;
	[tilespmem:$0x1E100] =	vst v63  }
0xbe: {  	_ =	swait.ge [sflag:s12], $0x50  }
0xbf: {  	[sflag:s12] =	ssyncset.done $0x0  }
0xc0: {  	[sflag:s12] =	ssyncadd.s32 $0xFFFFFFB0  }
0xc1: {  	_ =	swait.ge [sflag:s12], $0x2800  }
0xc2: {  	[sflag:s12] =	ssyncset.done $0x0  }
0xc3: {  	s24 =	simm.s32 $0x0;
	[sflag:s12] =	ssyncadd.s32 $0xFFFFD800  }
0xc4: {  	v0 =	vld [tilespmem:s24+$0x2900];
	_ =	sdelay $0x4  }
0xc5: {  	[tilespmem:s24+$0x7970] =	vst v0  }
0xc6: {  	[tilespmem:s24+$0x7900] =	vst v0  }
0xc7: {  	s25 =	simm.s32 $0x80;
	s26 =	simm.s32 $0x400;
	[tilespmem:s24+$0x7910] =	vst v0  }
.LBB2_5:
0xc8: {  	p1 =	sne.s32 s26, $0x9E00;
	v1 =	vld [tilespmem:s25+$0x2900];
	[tilespmem:s24+$0x7920] =	vst v0  }
0xc9: {  	[tilespmem:s24+$0x7930] =	vst v0  }
0xca: {  	[tilespmem:s24+$0x7940] =	vst v0  }
.Ltmp3:
0xcb: {  	[tilespmem:s24+$0x7950] =	vst v0;
	(pc) =	sbr.rel @p1 .LBB2_5-.Ltmp3, $4  }
0xcc: {  	[tilespmem:s24+$0x7960] =	vst v0;
	s24 =	smov.u32 s25  }
0xcd: {  	[tilespmem:s24+$0x7970] =	vst v1;
	v0 =	vmov v1  }
0xce: {  	[tilespmem:s24+$0x7900] =	vst v0  }
0xcf: {  	s25 =	sshra.s32 s26, $0x2;
	s26 =	sadd.s32 $0x200, s26;
	[tilespmem:s24+$0x7910] =	vst v0  }
0xd0: {  	v1 =	vld [tilespmem:s25+$0x2900];
	[tilespmem:s24+$0x7920] =	vst v0  }
0xd1: {  	[tilespmem:s24+$0x7930] =	vst v0  }
0xd2: {  	[tilespmem:s24+$0x7940] =	vst v0  }
0xd3: {  	[tilespmem:s24+$0x7950] =	vst v0  }
0xd4: {  	[tilespmem:s24+$0x7960] =	vst v0  }
0xd5: {  	[tilespmem:s25+$0x7970] =	vst v1  }
0xd6: {  	[tilespmem:s25+$0x7900] =	vst v1  }
0xd7: {  	[tilespmem:s25+$0x7910] =	vst v1  }
0xd8: {  	[tilespmem:s25+$0x7920] =	vst v1  }
.Ltmp4:
0xd9: {  	[tilespmem:s25+$0x7930] =	vst v1;
	(pc) =	sbr.rel @p0 .LBB2_8-.Ltmp4, $4  }
0xda: {  	[tilespmem:s25+$0x7940] =	vst v1  }
0xdb: {  	[tilespmem:s25+$0x7950] =	vst v1  }
0xdc: {  	[tilespmem:s25+$0x7960] =	vst v1  }
0xdd: {  	[spmem:s1] =	stream.indirect.scatter.add.f32 [tilespmem:s13], [sflag:$0x4], $0x80, s3, s11, $0xb8;
	[tilespmem:$0x1E100] =	vst v63  }
0xde: {  	s23 =	sadd.s32 s23, s29  }
0xdf: {  	_ =	swait.ge [sflag:s15], $0x2800;
	s24 =	smul.u32 $0xA, s23  }
.Ltmp5:
0xe0: {  	[sflag:s15] =	ssyncset.done $0x0;
	(pc) =	sbr.rel .LBB2_2-.Ltmp5, $4  }
0xe1: {  	s23 =	smul.u32 $0x500, s23;
	[sflag:s15] =	ssyncadd.s32 $0xFFFFD800;
	s24 =	sadd.s32 s4, s24  }
0xe2: {  	[tilespmem:s3], [sflag:$0x2] =	stream.linear.gather [hbm4b:s24+s2], $0x50, $0x38;
	[tilespmem:$0x1E100] =	vst v63  }
0xe3: {  	s17 =	sadd.s32 $0x1, s17;
	s23 =	sadd.s32 s5, s23  }
0xe4: {  	[tilespmem:s6], [sflag:$0x2] =	stream.linear.gather [hbm4b:s23+s2], $0x2800, $0x38;
	[tilespmem:$0x1E100] =	vst v63  }
.LBB2_9:
0xe5: {  	_ =	sfence.sel $0x180000  }
0xe6: {  	[bflag:$0x0] =	sbarrier.arrive $0xFFFF  }
0xe7: {  	_ =	strace $0x90000047  }
0xe8: {  	s0 =	stileid.u32;
	[bflag:$0x2] =	sbarrier.arrive $0xFFFF  }
0xe9: {  	p0 =	sne.s32 s0, $0x0;
	s0 =	rddreg [dreg:$0x2]  }
0xea: {  	s0 =	sadd.s32 @!p0 $0x100000, s0  }
0xeb: {  	[sflag:s0] =	ssyncadd.tile.s32 @!p0 $0x1;
	_ =	shalt  }
.Lfunc_end2:
_tile_overlayer_lowered:
.L_overlay_start_2:
0xec: {  	(tag) =	ssettag $0x2  }
0xed: {  	s0 =	rddreg [dreg:$0x0];
	s2 =	stileid.u32  }
0xee: {  	s1 =	rddreg [dreg:$0x1];
	p0 =	sne.s32 s2, $0x0  }
0xef: {  	s3 =	rddreg [dreg:$0x2];
	[bflag:$0x3] =	sbarrier.arrive $0xFFFF;
	s2 =	simm.s32 @!p0 $0x1C05  }
0xf0: {  	[timem:s3], [sflag:s2] =	dma.local @!p0 [hbm:s0], s1  }
0xf1: {  	s0 =	simm.s32 @!p0 $0x5  }
0xf2: {  	_ =	swait.ge @!p0 [sflag:s0], s1  }
0xf3: {  	s1 =	ssub.s32 @!p0 $0x0, s1;
	[sflag:s0] =	ssyncset.done @!p0 $0x0  }
0xf4: {  	[sflag:s0] =	ssyncadd.s32 @!p0 s1  }
0xf5: {  	[bflag:$0x3] =	sbarrier.arrive $0xFFFF  }
0xf6: {  	_ =	shalt  }

// kernel: kernel.16.cloned.1.call-start
scs
__scs_entry_jumppad:
0x0: {  	(pc) =	sbr.rel $0x88, $3  }
0x1: {  	(tag) =	ssettag $0x0;
	lr =	simm.s32 $0x1  }
0x2: {  	[smem:$0x3F8F] =	sst lr;
	_ =	strace $0xD0000000  }
0x3: {  	_ = 	snop  }
0x4: {  	_ = 	snop  }
0x5: {  	_ = 	snop  }
0x6: {  	_ = 	snop  }
0x7: {  	_ = 	snop  }
__scs_overlays_trampoline_lowered:
0x8: {  	[smem:$0x3F9E] =	sst s0  }
0x9: {  	[smem:$0x3F9F] =	sst s1  }
0xa: {  	[smem:$0x3FA0] =	sst s2  }
0xb: {  	[smem:$0x3FA1] =	sst s3  }
0xc: {  	[smem:$0x3FA2] =	sst s4  }
0xd: {  	[smem:$0x3FA3] =	sst s5  }
0xe: {  	[smem:$0x3FA4] =	sst s6  }
0xf: {  	[smem:$0x3FA5] =	sst s7  }
0x10: {  	[smem:$0x3FA6] =	sst s8  }
0x11: {  	[smem:$0x3FA7] =	sst s9;
	s0 =	simm.s32 @!p0 $0x0  }
0x12: {  	s1 =	sld [smem:$0x3F8D];
	s0 =	simm.s32 @p0 $0x1  }
0x13: {  	[smem:$0x3FA8] =	sst s0;
	s0 =	simm.s32 @!p1 $0x0  }
0x14: {  	s2 =	sld [smem:$0x3F8C];
	s0 =	simm.s32 @p1 $0x1  }
0x15: {  	[smem:$0x3FA9] =	sst s0;
	s0 =	simm.s32 @!p2 $0x0  }
0x16: {  	s3 =	sld [smem:$0x3FDB];
	s0 =	simm.s32 @p2 $0x1  }
0x17: {  	s4 =	simm.s32 $0x1BF5;
	[smem:$0x3FAB] =	sst s0  }
0x18: {  	s0 =	sld [smem:$0x3F8E];
	_ =	swait.ge [sflag:s4], $0x0  }
0x19: {  	s7 =	sld [smem:$0x3F8F]  }
0x1a: {  	s8 =	sadd.s32 $0xFFFFE003, lr  }
0x1b: {  	s9 =	sadd.s32 $0xFFFFFEF7, lr;
	s5 =	simm.s32 $0xFFFFFFFF;
	p2 =	slt.u32 s8, $0xFFFFF086  }
0x1c: {  	p1 =	slt.u32 s9, $0xF7A;
	s5 =	simm.s32 @!p2 $0x0  }
0x1d: {  	s5 =	simm.s32 @p1 $0x1;
	p0 =	seq.s32 s7, s2  }
0x1e: {  	s7 =	smul.u32 @!p0 $0xF7A, s2;
	p2 =	seq.s32 @!p0 s5, $0x0  }
0x1f: {  	s9 =	smul.u32 $0xF7A, s1;
	s8 =	simm.s32 @!p0 $0x1BF5;
	p2 =	por !p2, p0  }
0x20: {  	[sflag:s8] =	ssyncset.s32 @!p0 $0xFFFFF086;
	s6 =	sadd.s32 @!p0 s3, s7;
	s7 =	simm.s32 @!p0 $0x108  }
0x21: {  	s3 =	sadd.s32 s3, s9;
	s6 =	sadd.s32 @!p0 $0x88, s6;
	s7 =	simm.s32 @p2 $0x1082  }
0x22: {  	[simem:s7], [sflag:s8] =	dma.local @!p0 [hbm:s6], $0xF7A  }
0x23: {  	s9 =	sor.u32 $0xD0000000, s2;
	s6 =	simm.s32 $0x108;
	_ =	swait.ge @!p0 [sflag:s8], $0x0  }
0x24: {  	s3 =	sadd.s32 $0x88, s3;
	s6 =	simm.s32 @!p1 $0x1082;
	[sflag:s4] =	ssyncset.s32 $0xFFFFF086  }
0x25: {  	[simem:s6], [sflag:s4] =	dma.local [hbm:s3], $0xF7A  }
0x26: {  	[smem:$0x3F8F] =	sst s1;
	(tag) =	ssettag s2;
	_ =	strace s9  }
0x27: {  	s1 =	sld [smem:$0x3F9F]  }
0x28: {  	s2 =	sld [smem:$0x3FA0]  }
0x29: {  	s4 =	sld [smem:$0x3FA2]  }
0x2a: {  	p0 =	seq.s32 s5, $0x0;
	s5 =	sld [smem:$0x3FA3]  }
0x2b: {  	s6 =	sld [smem:$0x3FA4]  }
0x2c: {  	s7 =	sld [smem:$0x3FA5]  }
0x2d: {  	s3 =	simm.s32 $0x108;
	s8 =	sld [smem:$0x3FA6]  }
0x2e: {  	s3 =	simm.s32 @!p0 $0x1082;
	s9 =	sld [smem:$0x3FA7]  }
0x2f: {  	lr =	sadd.s32 s0, s3;
	s0 =	sld [smem:$0x3F9E]  }
0x30: {  	s3 =	sld [smem:$0x3FA1]  }
0x31: {  	[smem:$0x3FAA] =	sst s10  }
0x32: {  	s10 =	sld [smem:$0x3FA8];
	_ =	sdelay $0x3  }
0x33: {  	p0 =	seq.s32 s10, $0x1;
	s10 =	sld [smem:$0x3FAA];
	_ =	sdelay $0x3  }
0x34: {  	[smem:$0x3FAA] =	sst s10  }
0x35: {  	s10 =	sld [smem:$0x3FA9];
	_ =	sdelay $0x3  }
0x36: {  	p1 =	seq.s32 s10, $0x1;
	s10 =	sld [smem:$0x3FAA];
	_ =	sdelay $0x3  }
0x37: {  	[smem:$0x3FAA] =	sst s10  }
0x38: {  	s10 =	sld [smem:$0x3FAB]  }
0x39: {  	_ = 	snop;
	(pc) =	sbr.ind lr, $3  }
0x3a: {  	_ = 	snop  }
0x3b: {  	_ = 	snop  }
0x3c: {  	p2 =	seq.s32 s10, $0x1;
	s10 =	sld [smem:$0x3FAA]  }
0x3d: {  	_ =	shalt  }
0x3e: {  	_ =	shalt  }
0x3f: {  	_ =	shalt  }
0x40: {  	_ =	shalt  }
0x41: {  	_ =	shalt  }
0x42: {  	_ =	shalt  }
0x43: {  	_ =	shalt  }
0x44: {  	_ =	shalt  }
0x45: {  	_ =	shalt  }
0x46: {  	_ =	shalt  }
0x47: {  	_ =	shalt  }
0x48: {  	_ =	shalt  }
0x49: {  	_ =	shalt  }
0x4a: {  	_ =	shalt  }
0x4b: {  	_ =	shalt  }
0x4c: {  	_ =	shalt  }
0x4d: {  	_ =	shalt  }
0x4e: {  	_ =	shalt  }
0x4f: {  	_ =	shalt  }
0x50: {  	_ =	shalt  }
0x51: {  	_ =	shalt  }
0x52: {  	_ =	shalt  }
0x53: {  	_ =	shalt  }
0x54: {  	_ =	shalt  }
0x55: {  	_ =	shalt  }
0x56: {  	_ =	shalt  }
0x57: {  	_ =	shalt  }
0x58: {  	_ =	shalt  }
0x59: {  	_ =	shalt  }
0x5a: {  	_ =	shalt  }
0x5b: {  	_ =	shalt  }
0x5c: {  	_ =	shalt  }
0x5d: {  	_ =	shalt  }
0x5e: {  	_ =	shalt  }
0x5f: {  	_ =	shalt  }
0x60: {  	_ =	shalt  }
0x61: {  	_ =	shalt  }
0x62: {  	_ =	shalt  }
0x63: {  	_ =	shalt  }
0x64: {  	_ =	shalt  }
0x65: {  	_ =	shalt  }
0x66: {  	_ =	shalt  }
0x67: {  	_ =	shalt  }
0x68: {  	_ =	shalt  }
0x69: {  	_ =	shalt  }
0x6a: {  	_ =	shalt  }
0x6b: {  	_ =	shalt  }
0x6c: {  	_ =	shalt  }
0x6d: {  	_ =	shalt  }
0x6e: {  	_ =	shalt  }
0x6f: {  	_ =	shalt  }
0x70: {  	_ =	shalt  }
0x71: {  	_ =	shalt  }
0x72: {  	_ =	shalt  }
0x73: {  	_ =	shalt  }
0x74: {  	_ =	shalt  }
0x75: {  	_ =	shalt  }
0x76: {  	_ =	shalt  }
0x77: {  	_ =	shalt  }
0x78: {  	_ =	shalt  }
0x79: {  	_ =	shalt  }
0x7a: {  	_ =	shalt  }
0x7b: {  	_ =	shalt  }
0x7c: {  	_ =	shalt  }
0x7d: {  	_ =	shalt  }
0x7e: {  	_ =	shalt  }
0x7f: {  	_ =	shalt  }
0x80: {  	_ =	shalt  }
0x81: {  	_ =	shalt  }
0x82: {  	_ =	shalt  }
0x83: {  	_ =	shalt  }
0x84: {  	_ =	shalt  }
0x85: {  	_ =	shalt  }
0x86: {  	_ =	shalt  }
0x87: {  	_ =	shalt  }
.Lfunc_end0:
.L_simem_size_0:
called_computation.1_lowered:
.L_overlay_start_0:
0x88: {  	s2 =	sld [smem:$0x3FD9]  }
0x89: {  	s3 =	sld [smem:$0x3FFE];
	_ =	sdelay $0x1  }
0x8a: {  	s1 =	srdreg.scid  }
0x8b: {  	s0 =	sand.u32 $0x1, s1  }
0x8c: {  	s16 =	sshll.u32 s0, $0xA;
	s2 =	sadd.s32 s3, s2  }
0x8d: {  	s2 =	sadd.s32 s2, s16  }
0x8e: {  	[smem:$0x3FB6] =	sst s2  }
0x8f: {  	_ = 	snop  }
0x90: {  	(tm) =	ssettm $0x1  }
0x91: {  	s17 =	sld [smem:$0x3FFB];
	_ =	sdelay $0x3  }
0x92: {  	_ =	strace s17  }
0x93: {  	s2 =	sld [smem:$0x3FFC];
	_ =	sdelay $0x3  }
0x94: {  	_ =	strace s2  }
0x95: {  	s2 =	sld [smem:$0x3FFD];
	_ =	sdelay $0x3  }
0x96: {  	_ =	strace s2  }
0x97: {  	_ =	strace $0x8FFFFFFF  }
0x98: {  	s18 =	sld [smem:$0x3FDB];
	_ =	sdelay $0x1  }
0x99: {  	s19 =	simm.s32 $_scs_section_size  }
0x9a: {  	s4 =	simm.s32 $_size__tile_overlayer_lowered;
	s5 =	simm.s32 $_tile_overlayer_lowered  }
0x9b: {  	s22 =	simm.s32 $0x1BFF;
	s21 =	sshll.u32 s5, $0x1;
	s2 =	sadd.s32 s19, s18  }
0x9c: {  	s6 =	simm.s32 $0x0;
	s20 =	sshll.u32 s4, $0x1;
	s4 =	sadd.s32 s21, s2  }
0x9d: {  	[timem:s6], [sflag:s22] =	dma.local [hbm:s4], s20  }
0x9e: {  	_ =	swait.ge [sflag:s22], s20  }
0x9f: {  	s3 =	ssub.s32 $0x0, s20;
	[sflag:s22] =	ssyncset.done $0x0  }
0xa0: {  	[sflag:s22] =	ssyncadd.s32 s3;
	_ =	sdelay $0x1  }
0xa1: {  	s23 =	simm.s32 $0x1B8B  }
0xa2: {  	_ =	swait.ge [sflag:s23], $0x1  }
0xa3: {  	[sflag:s23] =	ssyncset.done $0x0  }
0xa4: {  	s25 =	simm.s32 $0x1B8E;
	s24 =	sld [smem:$0x3FFE];
	[sflag:s23] =	ssyncadd.s32 $0xFFFFFFFF  }
0xa5: {  	s26 =	simm.s32 $execute0_lowered;
	[smem:$0x3FD2] =	sst s25  }
0xa6: {  	s4 =	sshll.u32 s26, $0x1;
	_ =	strace $0x80000049;
	[dreg:$0x1] =	wrdreg $0xFFFFFFFF  }
0xa7: {  	s28 =	simm.s32 $_size_execute0_lowered;
	s2 =	sadd.s32 s2, s4;
	[dreg:$0x0] =	wrdreg $0x0  }
0xa8: {  	s4 =	sshll.u32 s28, $0x1;
	[dreg:$0x2] =	wrdreg s2  }
0xa9: {  	[dreg:$0x3] =	wrdreg s4  }
0xaa: {  	[dreg:$0x4] =	wrdreg $0xC0  }
0xab: {  	_ =	task [dreg:s6], $0x5FFFF  }
0xac: {  	[dreg:$0x1] =	wrdreg $0xFFFFFFFF  }
0xad: {  	[dreg:$0x0] =	wrdreg $0x60  }
0xae: {  	[dreg:$0x2] =	wrdreg s24  }
0xaf: {  	[dreg:$0x3] =	wrdreg $0xA2000  }
0xb0: {  	[dreg:$0x4] =	wrdreg $0x9  }
0xb1: {  	_ =	task.clear_ibuf [dreg:s6], $0x5FFFF;
	_ =	strace $0x90000049  }
0xb2: {  	s29 =	simm.s32 $0x9;
	_ =	strace $0x8000004B  }
0xb3: {  	_ =	swait.ge [sflag:s29], $0x1  }
0xb4: {  	[sflag:s29] =	ssyncadd.s32 $0xFFFFFFFF  }
0xb5: {  	_ =	strace $0x9000004B  }
0xb6: {  	_ =	sfence  }
0xb7: {  	s30 =	sld [smem:$0x0];
	_ =	sdelay $0x2  }
0xb8: {  	s31 =	sshll.u32 s1, $0xD;
	s1 =	sshrl.u32 s1, $0x2  }
0xb9: {  	s3 =	sand.u32 $0x4000, s31;
	s1 =	sadd.s32 s1, s30  }
0xba: {  	s0 =	sor.u32 s3, s0;
	s1 =	sshll.u32 s1, $0x11  }
0xbb: {  	s0 =	sor.u32 s1, s0  }
0xbc: {  	s0 =	sadd.s32 $0x8F2B, s0  }
0xbd: {  	[sflag:s0] =	ssyncadd.remote.s32 $0x1  }
0xbe: {  	_ =	sfence.sel $0xFFFF  }
0xbf: {  	[dreg:$0x0] =	wrdreg $0xFFFFFFFF;
	(pc) =	sbr.abs _section_cstart, $3  }
0xc0: {  	[dreg:$0x1] =	wrdreg $0xFFFFFFFF  }
0xc1: {  	_ =	task.clear_ibuf [dreg:s6], $0x2FFFF;
	_ =	strace $0x9FFFFFFF  }
0xc2: {  	(tm) =	ssettm $0x7FFFFFFF  }
0xc3: {  	_ =	shalt  }
tec
execute0_lowered:
.L_overlay_start_1:
0x0: {  	(tag) =	ssettag $0x1  }
0x1: {  	s0 =	rddreg [dreg:$0x0]  }
0x2: {  	s1 =	rddreg [dreg:$0x1];
	s2 =	simm.s32 $0x0;
	s3 =	srdreg.scid  }
0x3: {  	s11 =	stileid.u32;
	s28 =	simm.s32 $0x2;
	s29 =	simm.s32 $0x4  }
0x4: {  	s31 =	simm.s32 $0x6;
	[smem:$0x7FF] =	sst s2;
	s4 =	sadd.s32 $0x3FE00, s0  }
0x5: {  	s5 =	sadd.s32 $0x8FE00, s0;
	s3 =	sand.u32 $0x1, s3;
	s8 =	smul.u32 $0x50000, s11  }
0x6: {  	s10 =	sshll.u32 s11, $0x1;
	s11 =	smul.u32 $0x14000, s11;
	s7 =	ssub.s32 $0x2, s3  }
0x7: {  	s6 =	sadd.s32 $0x99E00, s0;
	_ =	strace $0x8000004A;
	s9 =	sshrl.u32 s7, $0x1  }
0x8: {  	s12 =	sadd.s32 $0x5000, s11;
	s13 =	sadd.s32 $0x7800, s11;
	s16 =	sadd.s32 $0xA000, s11  }
0x9: {  	s17 =	sadd.s32 $0xC800, s11;
	s18 =	sadd.s32 $0xF000, s11;
	s25 =	sshrl.u32 s8, $0x2  }
0xa: {  	s7 =	ssub.s32 s7, s9;
	s9 =	sor.u32 s3, s10;
	s3 =	smul.u32 $0x140000, s3  }
0xb: {  	s10 =	sor.u32 $0x2800, s11;
	s30 =	sadd.s32 s13, s1;
	s8 =	smul.u32 $0x2800, s9  }
0xc: {  	[dreg:$0xc] =	wrdreg s30;
	s14 =	sadd.s32 s11, s3;
	s15 =	sadd.s32 s3, s10  }
0xd: {  	s11 =	sadd.s32 $0x11800, s11;
	s19 =	sadd.s32 s3, s13;
	s14 =	sshrl.u32 s14, $0x3  }
0xe: {  	s22 =	sadd.s32 s3, s17;
	s26 =	sshrl.u32 s15, $0x3;
	s14 =	sadd.s32 s6, s14  }
0xf: {  	s23 =	sadd.s32 s3, s18;
	[dreg:$0x3] =	wrdreg s14;
	s14 =	sadd.s32 s6, s26  }
0x10: {  	s15 =	sadd.s32 s3, s12;
	s26 =	smul.u32 $0x28000, s9;
	[dreg:$0x4] =	wrdreg s14  }
0x11: {  	s14 =	sshrl.u32 s15, $0x3;
	s15 =	sshrl.u32 s19, $0x3;
	s19 =	sadd.s32 s3, s16  }
0x12: {  	s3 =	sadd.s32 s3, s11;
	s14 =	sadd.s32 s6, s14;
	s20 =	sadd.s32 s6, s15  }
0x13: {  	s21 =	sshrl.u32 s19, $0x3;
	s15 =	sshrl.u32 s23, $0x3;
	s3 =	sshrl.u32 s3, $0x3  }
0x14: {  	s19 =	sadd.s32 s25, s1;
	s23 =	sadd.s32 s18, s1;
	[dreg:$0x5] =	wrdreg s14  }
0x15: {  	[dreg:$0x6] =	wrdreg s20;
	s14 =	sadd.s32 s6, s21;
	s24 =	sadd.s32 s6, s15  }
0x16: {  	s3 =	sadd.s32 s6, s3;
	s15 =	sadd.s32 $0x50DE00, s0;
	[dreg:$0xf] =	wrdreg s23  }
0x17: {  	s20 =	sadd.s32 s10, s1;
	s21 =	sadd.s32 s12, s1;
	[dreg:$0x7] =	wrdreg s14  }
0x18: {  	s10 =	smul.u32 $0x500, s9;
	s14 =	sshrl.u32 s22, $0x3;
	[dreg:$0x9] =	wrdreg s24  }
0x19: {  	[dreg:$0xa] =	wrdreg s3;
	s3 =	sadd.s32 s16, s1;
	s22 =	sadd.s32 s17, s1  }
0x1a: {  	s24 =	sadd.s32 s11, s1;
	s11 =	sor.u32 $0x50, s8;
	s17 =	sshll.u32 s9, $0x7  }
0x1b: {  	s8 =	simm.s32 $0x7;
	s9 =	simm.s32 $0x100;
	[dreg:$0xe] =	wrdreg s22  }
0x1c: {  	s14 =	sadd.s32 s6, s14;
	s18 =	smov.u32 s3;
	[dreg:$0x10] =	wrdreg s24  }
0x1d: {  	s12 =	sadd.s32 s5, s10;
	s16 =	sshll.u32 s11, $0x4;
	[dreg:$0x8] =	wrdreg s14  }
0x1e: {  	s6 =	simm.s32 $0x0;
	s14 =	sadd.s32 $0xDE00, s0;
	[dreg:$0x12] =	wrdreg s12  }
0x1f: {  	s0 =	sadd.s32 $0x17E00, s0;
	s3 =	sadd.s32 s15, s16;
	[dreg:$0xd] =	wrdreg s18  }
0x20: {  	s12 =	simm.s32 $0x2A00;
	s16 =	simm.s32 $0x7A00;
	[dreg:$0xb] =	wrdreg s0  }
0x21: {  	s0 =	sadd.s32 s15, s26;
	s13 =	sadd.s32 s14, s10;
	[dreg:$0x14] =	wrdreg s3  }
0x22: {  	s3 =	sor.u32 $0x3, s17;
	s26 =	smax.u32 s7, $0x1;
	[dreg:$0x11] =	wrdreg s0  }
.Ltmp0:
0x23: {  	s7 =	simm.s32 $0x5200;
	[dreg:$0x13] =	wrdreg s13;
	(pc) =	sbr.rel .LBB2_1-.Ltmp0, $4  }
0x24: {  	s10 =	simm.s32 $0x50;
	s0 =	sshrl.u32 s11, $0x3;
	[dreg:$0x17] =	wrdreg s26  }
0x25: {  	s11 =	simm.s32 $0x80;
	s13 =	simm.s32 $0x180;
	s25 =	sadd.s32 s5, s0  }
0x26: {  	s26 =	simm.s32 $0x3;
	s0 =	sadd.s32 s14, s0;
	[dreg:$0x15] =	wrdreg s25  }
0x27: {  	[dreg:$0x16] =	wrdreg s0;
	s0 =	sor.u32 $0x2, s17;
	s25 =	simm.s32 $0x1  }
.LBB2_8:
0x28: {  	s17 =	simm.s32 $0x5  }
0x29: {  	_ =	swait.ge [sflag:s17], $0x2800  }
0x2a: {  	[sflag:s17] =	ssyncset.done $0x0  }
0x2b: {  	[sflag:s17] =	ssyncadd.s32 $0xFFFFD800  }
0x2c: {  	_ =	swait.ge [sflag:s31], $0x2800  }
0x2d: {  	[sflag:s31] =	ssyncset.done $0x0  }
0x2e: {  	[sflag:s31] =	ssyncadd.s32 $0xFFFFD800  }
0x2f: {  	[bflag:$0x0] =	sbarrier.arrive $0xFFFF  }
0x30: {  	[tilespmem:s7], [sflag:$0x7] =	stream.linear.gather [spmem:s22], $0x2800, $0x38;
	[tilespmem:$0x1E200] =	vst v63  }
0x31: {  	_ =	swait.ge [sflag:s8], $0x2800  }
0x32: {  	[sflag:s8] =	ssyncset.done $0x0  }
0x33: {  	s19 =	smov.u32 s22;
	s22 =	rddreg [dreg:$0x3];
	[sflag:s8] =	ssyncadd.s32 $0xFFFFD800  }
0x34: {  	[hbm4b:s22+s2] =	stream.linear.scatter [tilespmem:s7], [sflag:$0x7], $0x2800, $0x38;
	[tilespmem:$0x1E200] =	vst v63  }
0x35: {  	_ =	swait.ge [sflag:s8], $0x2800  }
0x36: {  	[sflag:s8] =	ssyncset.done $0x0  }
0x37: {  	[sflag:s8] =	ssyncadd.s32 $0xFFFFD800  }
0x38: {  	[tilespmem:s7], [sflag:$0x7] =	stream.linear.gather [spmem:s23], $0x2800, $0x38;
	[tilespmem:$0x1E200] =	vst v63  }
0x39: {  	_ =	swait.ge [sflag:s8], $0x2800  }
0x3a: {  	[sflag:s8] =	ssyncset.done $0x0  }
0x3b: {  	s20 =	smov.u32 s23;
	s23 =	rddreg [dreg:$0x4];
	[sflag:s8] =	ssyncadd.s32 $0xFFFFD800  }
0x3c: {  	[hbm4b:s23+s2] =	stream.linear.scatter [tilespmem:s7], [sflag:$0x7], $0x2800, $0x38;
	[tilespmem:$0x1E200] =	vst v63  }
0x3d: {  	_ =	swait.ge [sflag:s8], $0x2800  }
0x3e: {  	[sflag:s8] =	ssyncset.done $0x0  }
0x3f: {  	[sflag:s8] =	ssyncadd.s32 $0xFFFFD800  }
0x40: {  	[tilespmem:s7], [sflag:$0x7] =	stream.linear.gather [spmem:s24], $0x2800, $0x38;
	[tilespmem:$0x1E200] =	vst v63  }
0x41: {  	_ =	swait.ge [sflag:s8], $0x2800  }
0x42: {  	[sflag:s8] =	ssyncset.done $0x0  }
0x43: {  	s21 =	smov.u32 s24;
	s24 =	rddreg [dreg:$0x5];
	[sflag:s8] =	ssyncadd.s32 $0xFFFFD800  }
0x44: {  	[hbm4b:s24+s2] =	stream.linear.scatter [tilespmem:s7], [sflag:$0x7], $0x2800, $0x38;
	[tilespmem:$0x1E200] =	vst v63  }
0x45: {  	_ =	swait.ge [sflag:s8], $0x2800  }
0x46: {  	[sflag:s8] =	ssyncset.done $0x0  }
0x47: {  	s30 =	rddreg [dreg:$0xc];
	[sflag:s8] =	ssyncadd.s32 $0xFFFFD800  }
0x48: {  	[tilespmem:s7], [sflag:$0x7] =	stream.linear.gather [spmem:s30], $0x2800, $0x38;
	[tilespmem:$0x1E200] =	vst v63  }
0x49: {  	_ =	swait.ge [sflag:s8], $0x2800  }
0x4a: {  	[sflag:s8] =	ssyncset.done $0x0  }
0x4b: {  	s18 =	rddreg [dreg:$0x6];
	[sflag:s8] =	ssyncadd.s32 $0xFFFFD800  }
0x4c: {  	[hbm4b:s18+s2] =	stream.linear.scatter [tilespmem:s7], [sflag:$0x7], $0x2800, $0x38;
	[tilespmem:$0x1E200] =	vst v63  }
0x4d: {  	_ =	swait.ge [sflag:s8], $0x2800  }
0x4e: {  	[sflag:s8] =	ssyncset.done $0x0  }
0x4f: {  	s18 =	rddreg [dreg:$0xd];
	[sflag:s8] =	ssyncadd.s32 $0xFFFFD800  }
0x50: {  	[tilespmem:s7], [sflag:$0x7] =	stream.linear.gather [spmem:s18], $0x2800, $0x38;
	[tilespmem:$0x1E200] =	vst v63  }
0x51: {  	_ =	swait.ge [sflag:s8], $0x2800  }
0x52: {  	[sflag:s8] =	ssyncset.done $0x0  }
0x53: {  	s22 =	rddreg [dreg:$0x7];
	[sflag:s8] =	ssyncadd.s32 $0xFFFFD800  }
0x54: {  	[hbm4b:s22+s2] =	stream.linear.scatter [tilespmem:s7], [sflag:$0x7], $0x2800, $0x38;
	[tilespmem:$0x1E200] =	vst v63  }
0x55: {  	_ =	swait.ge [sflag:s8], $0x2800  }
0x56: {  	[sflag:s8] =	ssyncset.done $0x0  }
0x57: {  	s22 =	rddreg [dreg:$0xe];
	[sflag:s8] =	ssyncadd.s32 $0xFFFFD800  }
0x58: {  	[tilespmem:s7], [sflag:$0x7] =	stream.linear.gather [spmem:s22], $0x2800, $0x38;
	[tilespmem:$0x1E200] =	vst v63  }
0x59: {  	_ =	swait.ge [sflag:s8], $0x2800  }
0x5a: {  	[sflag:s8] =	ssyncset.done $0x0  }
0x5b: {  	s23 =	rddreg [dreg:$0x8];
	[sflag:s8] =	ssyncadd.s32 $0xFFFFD800  }
0x5c: {  	[hbm4b:s23+s2] =	stream.linear.scatter [tilespmem:s7], [sflag:$0x7], $0x2800, $0x38;
	[tilespmem:$0x1E200] =	vst v63  }
0x5d: {  	_ =	swait.ge [sflag:s8], $0x2800  }
0x5e: {  	[sflag:s8] =	ssyncset.done $0x0  }
0x5f: {  	s23 =	rddreg [dreg:$0xf];
	[sflag:s8] =	ssyncadd.s32 $0xFFFFD800  }
0x60: {  	[tilespmem:s7], [sflag:$0x7] =	stream.linear.gather [spmem:s23], $0x2800, $0x38;
	[tilespmem:$0x1E200] =	vst v63  }
0x61: {  	_ =	swait.ge [sflag:s8], $0x2800  }
0x62: {  	[sflag:s8] =	ssyncset.done $0x0  }
0x63: {  	s24 =	rddreg [dreg:$0x9];
	[sflag:s8] =	ssyncadd.s32 $0xFFFFD800  }
0x64: {  	[hbm4b:s24+s2] =	stream.linear.scatter [tilespmem:s7], [sflag:$0x7], $0x2800, $0x38;
	[tilespmem:$0x1E200] =	vst v63  }
0x65: {  	_ =	swait.ge [sflag:s8], $0x2800  }
0x66: {  	[sflag:s8] =	ssyncset.done $0x0  }
0x67: {  	s24 =	rddreg [dreg:$0x10];
	[sflag:s8] =	ssyncadd.s32 $0xFFFFD800  }
0x68: {  	[tilespmem:s7], [sflag:$0x7] =	stream.linear.gather [spmem:s24], $0x2800, $0x38;
	[tilespmem:$0x1E200] =	vst v63  }
0x69: {  	_ =	swait.ge [sflag:s8], $0x2800  }
0x6a: {  	[sflag:s8] =	ssyncset.done $0x0  }
0x6b: {  	s17 =	rddreg [dreg:$0xa];
	[sflag:s8] =	ssyncadd.s32 $0xFFFFD800  }
0x6c: {  	[hbm4b:s17+s2] =	stream.linear.scatter [tilespmem:s7], [sflag:$0x7], $0x2800, $0x38;
	[tilespmem:$0x1E200] =	vst v63  }
0x6d: {  	_ =	swait.ge [sflag:s8], $0x2800  }
0x6e: {  	s6 =	sadd.s32 $0x1, s6;
	s17 =	rddreg [dreg:$0x17]  }
0x6f: {  	p0 =	sne.s32 s6, s17  }
.Ltmp1:
0x70: {  	_ = 	snop;
	(pc) =	sbr.rel @!p0 .LBB2_9-.Ltmp1, $3  }
0x71: {  	_ =	sdelay $0x1  }
0x72: {  	[sflag:s8] =	ssyncset.done $0x0  }
0x73: {  	[sflag:s8] =	ssyncadd.s32 $0xFFFFD800  }
.LBB2_1:
0x74: {  	s17 =	rddreg [dreg:$0xb]  }
0x75: {  	[tilespmem:s7], [sflag:$0x7] =	stream.linear.gather [hbm4b:s17+s2], $0x2800, $0x38;
	[tilespmem:$0x1E200] =	vst v63  }
0x76: {  	_ =	swait.ge [sflag:s8], $0x2800  }
0x77: {  	[sflag:s8] =	ssyncset.done $0x0  }
0x78: {  	[sflag:s8] =	ssyncadd.s32 $0xFFFFD800  }
0x79: {  	[spmem:s19] =	stream.linear.scatter [tilespmem:s7], [sflag:$0x7], $0x2800, $0x38;
	[tilespmem:$0x1E200] =	vst v63  }
0x7a: {  	_ =	swait.ge [sflag:s8], $0x2800  }
0x7b: {  	[sflag:s8] =	ssyncset.done $0x0  }
0x7c: {  	[sflag:s8] =	ssyncadd.s32 $0xFFFFD800  }
0x7d: {  	[spmem:s20] =	stream.linear.scatter [tilespmem:s7], [sflag:$0x7], $0x2800, $0x38;
	[tilespmem:$0x1E200] =	vst v63  }
0x7e: {  	_ =	swait.ge [sflag:s8], $0x2800  }
0x7f: {  	[sflag:s8] =	ssyncset.done $0x0  }
0x80: {  	[sflag:s8] =	ssyncadd.s32 $0xFFFFD800  }
0x81: {  	[spmem:s21] =	stream.linear.scatter [tilespmem:s7], [sflag:$0x7], $0x2800, $0x38;
	[tilespmem:$0x1E200] =	vst v63  }
0x82: {  	_ =	swait.ge [sflag:s8], $0x2800  }
0x83: {  	[sflag:s8] =	ssyncset.done $0x0  }
0x84: {  	[sflag:s8] =	ssyncadd.s32 $0xFFFFD800  }
0x85: {  	[spmem:s30] =	stream.linear.scatter [tilespmem:s7], [sflag:$0x7], $0x2800, $0x38;
	[tilespmem:$0x1E200] =	vst v63  }
0x86: {  	_ =	swait.ge [sflag:s8], $0x2800  }
0x87: {  	[sflag:s8] =	ssyncset.done $0x0  }
0x88: {  	[sflag:s8] =	ssyncadd.s32 $0xFFFFD800  }
0x89: {  	[spmem:s18] =	stream.linear.scatter [tilespmem:s7], [sflag:$0x7], $0x2800, $0x38;
	[tilespmem:$0x1E200] =	vst v63  }
0x8a: {  	_ =	swait.ge [sflag:s8], $0x2800  }
0x8b: {  	[sflag:s8] =	ssyncset.done $0x0  }
0x8c: {  	s17 =	smov.u32 s22;
	[sflag:s8] =	ssyncadd.s32 $0xFFFFD800  }
0x8d: {  	[spmem:s17] =	stream.linear.scatter [tilespmem:s7], [sflag:$0x7], $0x2800, $0x38;
	[tilespmem:$0x1E200] =	vst v63  }
0x8e: {  	_ =	swait.ge [sflag:s8], $0x2800  }
0x8f: {  	[sflag:s8] =	ssyncset.done $0x0  }
0x90: {  	s22 =	smov.u32 s19;
	s19 =	smov.u32 s23;
	[sflag:s8] =	ssyncadd.s32 $0xFFFFD800  }
0x91: {  	[spmem:s19] =	stream.linear.scatter [tilespmem:s7], [sflag:$0x7], $0x2800, $0x38;
	[tilespmem:$0x1E200] =	vst v63  }
0x92: {  	_ =	swait.ge [sflag:s8], $0x2800  }
0x93: {  	[sflag:s8] =	ssyncset.done $0x0  }
0x94: {  	s23 =	smov.u32 s20;
	s20 =	smov.u32 s24;
	[sflag:s8] =	ssyncadd.s32 $0xFFFFD800  }
0x95: {  	[spmem:s20] =	stream.linear.scatter [tilespmem:s7], [sflag:$0x7], $0x2800, $0x38;
	[tilespmem:$0x1E200] =	vst v63  }
0x96: {  	_ =	swait.ge [sflag:s8], $0x2800  }
0x97: {  	[sflag:s8] =	ssyncset.done $0x0  }
0x98: {  	[sflag:s8] =	ssyncadd.s32 $0xFFFFD800  }
0x99: {  	[bflag:$0x0] =	sbarrier.arrive $0xFFFF  }
0x9a: {  	s19 =	rddreg [dreg:$0x12]  }
0x9b: {  	[tilespmem:s2], [sflag:$0x7] =	stream.linear.gather [hbm4b:s19+s2], $0x50, $0x38;
	[tilespmem:$0x1E200] =	vst v63  }
0x9c: {  	_ =	swait.ge [sflag:s8], $0x50  }
0x9d: {  	s24 =	smov.u32 s21;
	[sflag:s8] =	ssyncset.done $0x0  }
0x9e: {  	s21 =	simm.s32 $0x200;
	s20 =	rddreg [dreg:$0x11];
	[sflag:s8] =	ssyncadd.s32 $0xFFFFFFB0  }
0x9f: {  	[tilespmem:s21], [sflag:$0x1] =	stream.linear.gather [hbm4b:s20+s2], $0x2800, $0x38;
	[tilespmem:$0x1E200] =	vst v63  }
0xa0: {  	s18 =	rddreg [dreg:$0x13]  }
0xa1: {  	[tilespmem:s9], [sflag:$0x1] =	stream.linear.gather [hbm4b:s18+s2], $0x50, $0x38;
	[tilespmem:$0x1E200] =	vst v63  }
0xa2: {  	_ = 	snop  }
0xa3: {  	[tilespmem:s7], [sflag:$0x3] =	stream.indirect.gather [hbm4b:s4+s10], $0x80, s2, s10, $0xb8;
	[tilespmem:$0x1E200] =	vst v63  }
0xa4: {  	s19 =	rddreg [dreg:$0x15]  }
0xa5: {  	[tilespmem:s11], [sflag:$0x7] =	stream.linear.gather [hbm4b:s19+s2], $0x50, $0x38;
	[tilespmem:$0x1E200] =	vst v63  }
0xa6: {  	_ =	swait.ge [sflag:s8], $0x50  }
0xa7: {  	[sflag:s8] =	ssyncset.done $0x0  }
0xa8: {  	s20 =	rddreg [dreg:$0x14];
	[sflag:s8] =	ssyncadd.s32 $0xFFFFFFB0  }
0xa9: {  	[tilespmem:s12], [sflag:$0x2] =	stream.linear.gather [hbm4b:s20+s2], $0x2800, $0x38;
	[tilespmem:$0x1E200] =	vst v63  }
0xaa: {  	s21 =	rddreg [dreg:$0x16]  }
0xab: {  	[tilespmem:s13], [sflag:$0x2] =	stream.linear.gather [hbm4b:s21+s2], $0x50, $0x38;
	[tilespmem:$0x1E200] =	vst v63  }
0xac: {  	s30 =	simm.s32 $0x0  }
0xad: {  	[tilespmem:s16], [sflag:$0x4] =	stream.indirect.gather [hbm4b:s4+s10], $0x80, s11, s10, $0xb8;
	[tilespmem:$0x1E200] =	vst v63  }
.LBB2_2:
0xae: {  	_ =	swait.ge [sflag:s25], $0x2800  }
0xaf: {  	[sflag:s25] =	ssyncset.done $0x0  }
0xb0: {  	[sflag:s25] =	ssyncadd.s32 $0xFFFFD800  }
0xb1: {  	_ =	swait.ge [sflag:s25], $0x50  }
0xb2: {  	[sflag:s25] =	ssyncset.done $0x0  }
0xb3: {  	[sflag:s25] =	ssyncadd.s32 $0xFFFFFFB0  }
0xb4: {  	_ =	swait.ge [sflag:s26], $0x2800  }
0xb5: {  	[sflag:s26] =	ssyncset.done $0x0  }
0xb6: {  	s17 =	simm.s32 $0x0;
	[sflag:s26] =	ssyncadd.s32 $0xFFFFD800  }
0xb7: {  	v0 =	vld [tilespmem:s17+$0x200]  }
0xb8: {  	v4 =	vld [tilespmem:s17+$0x5200]  }
0xb9: {  	v6 =	vld [tilespmem:s17+$0x5210]  }
0xba: {  	v5 =	vld [tilespmem:s17+$0x5220]  }
0xbb: {  	v3 =	vld [tilespmem:s17+$0x5230]  }
0xbc: {  	v1 =	vld [tilespmem:s17+$0x5240]  }
0xbd: {  	v2 =	vld [tilespmem:s17+$0x5250];
	v7 =	vmul.f32 v4, v0  }
0xbe: {  	s18 =	simm.s32 $0x200;
	v6 =	vmul.f32 v6, v0;
	v4 =	vld [tilespmem:s17+$0x5260]  }
.LBB2_3:
0xbf: {  	s19 =	sshra.s32 s18, $0x2;
	p0 =	sne.s32 s18, $0x9E00;
	[tilespmem:s17+$0x5200] =	vst v7;
	v5 =	vmul.f32 v5, v0;
	v7 =	vld [tilespmem:s17+$0x5270]  }
0xc0: {  	v8 =	vld [tilespmem:s19+$0x200];
	[tilespmem:s17+$0x5210] =	vst v6;
	v3 =	vmul.f32 v3, v0  }
0xc1: {  	v6 =	vld [tilespmem:s19+$0x5200];
	[tilespmem:s17+$0x5220] =	vst v5;
	v1 =	vmul.f32 v1, v0  }
0xc2: {  	v9 =	vld [tilespmem:s19+$0x5210];
	[tilespmem:s17+$0x5230] =	vst v3;
	v2 =	vmul.f32 v2, v0  }
.Ltmp2:
0xc3: {  	v5 =	vld [tilespmem:s19+$0x5220];
	[tilespmem:s17+$0x5240] =	vst v1;
	v4 =	vmul.f32 v4, v0;
	(pc) =	sbr.rel @p0 .LBB2_3-.Ltmp2, $4  }
0xc4: {  	v3 =	vld [tilespmem:s19+$0x5230];
	[tilespmem:s17+$0x5250] =	vst v2;
	v10 =	vmul.f32 v7, v0  }
0xc5: {  	v1 =	vld [tilespmem:s19+$0x5240];
	[tilespmem:s17+$0x5260] =	vst v4;
	v0 =	vmov v8  }
0xc6: {  	v7 =	vmul.f32 v6, v0;
	v2 =	vld [tilespmem:s19+$0x5250];
	[tilespmem:s17+$0x5270] =	vst v10;
	s17 =	smov.u32 s19  }
0xc7: {  	s18 =	sadd.s32 $0x200, s18;
	v6 =	vmul.f32 v9, v0;
	v4 =	vld [tilespmem:s17+$0x5260]  }
0xc8: {  	[tilespmem:s17+$0x5200] =	vst v7;
	v5 =	vmul.f32 v5, v0;
	v7 =	vld [tilespmem:s17+$0x5270]  }
0xc9: {  	[tilespmem:s17+$0x5210] =	vst v6;
	v3 =	vmul.f32 v3, v0  }
0xca: {  	[tilespmem:s17+$0x5220] =	vst v5;
	v1 =	vmul.f32 v1, v0  }
0xcb: {  	[tilespmem:s17+$0x5230] =	vst v3;
	v2 =	vmul.f32 v2, v0  }
0xcc: {  	[tilespmem:s17+$0x5240] =	vst v1;
	v1 =	vmul.f32 v4, v0  }
0xcd: {  	[tilespmem:s17+$0x5250] =	vst v2;
	v0 =	vmul.f32 v7, v0  }
0xce: {  	[tilespmem:s17+$0x5260] =	vst v1  }
0xcf: {  	p0 =	seq.s32 s30, $0x3F;
	[tilespmem:s17+$0x5270] =	vst v0;
	s17 =	sshll.u32 s30, $0x1  }
0xd0: {  	[spmem:s1] =	stream.indirect.scatter.add.f32 [tilespmem:s7], [sflag:$0x5], $0x80, s9, s10, $0xb8;
	[tilespmem:$0x1E200] =	vst v63  }
0xd1: {  	s18 =	simm.s32 @!p0 $0x5;
	s19 =	sadd.s32 @!p0 s17, s0  }
0xd2: {  	_ =	swait.ge @!p0 [sflag:s18], $0x2800;
	s20 =	smul.u32 @!p0 $0xA, s19  }
0xd3: {  	[sflag:s18] =	ssyncset.done @!p0 $0x0  }
0xd4: {  	s21 =	simm.s32 @!p0 $0x0;
	[sflag:s18] =	ssyncadd.s32 @!p0 $0xFFFFD800;
	s18 =	sadd.s32 @!p0 s5, s20  }
0xd5: {  	[tilespmem:s21], [sflag:$0x7] =	stream.linear.gather @!p0 [hbm4b:s18+s21], $0x50, $0x38;
	[tilespmem:$0x1E200] =	vst v63  }
0xd6: {  	s18 =	simm.s32 @!p0 $0x7  }
0xd7: {  	s19 =	smul.u32 @!p0 $0x500, s19;
	_ =	swait.ge @!p0 [sflag:s18], $0x50  }
0xd8: {  	[sflag:s18] =	ssyncset.done @!p0 $0x0  }
0xd9: {  	[sflag:s18] =	ssyncadd.s32 @!p0 $0xFFFFFFB0;
	s18 =	sadd.s32 @!p0 s15, s19;
	s19 =	simm.s32 @!p0 $0x200  }
0xda: {  	[tilespmem:s19], [sflag:$0x1] =	stream.linear.gather @!p0 [hbm4b:s18+s21], $0x2800, $0x38;
	[tilespmem:$0x1E200] =	vst v63  }
0xdb: {  	s18 =	sadd.s32 @!p0 s14, s20;
	s19 =	simm.s32 @!p0 $0x100  }
0xdc: {  	[tilespmem:s19], [sflag:$0x1] =	stream.linear.gather @!p0 [hbm4b:s18+s21], $0x50, $0x38;
	[tilespmem:$0x1E200] =	vst v63  }
0xdd: {  	s18 =	simm.s32 @!p0 $0x50;
	s19 =	simm.s32 @!p0 $0x5200  }
0xde: {  	[tilespmem:s19], [sflag:$0x3] =	stream.indirect.gather @!p0 [hbm4b:s4+s18], $0x80, s21, s18, $0xb8;
	[tilespmem:$0x1E200] =	vst v63  }
0xdf: {  	_ =	swait.ge [sflag:s28], $0x2800  }
0xe0: {  	[sflag:s28] =	ssyncset.done $0x0  }
0xe1: {  	[sflag:s28] =	ssyncadd.s32 $0xFFFFD800  }
0xe2: {  	_ =	swait.ge [sflag:s28], $0x50  }
0xe3: {  	[sflag:s28] =	ssyncset.done $0x0  }
0xe4: {  	[sflag:s28] =	ssyncadd.s32 $0xFFFFFFB0  }
0xe5: {  	_ =	swait.ge [sflag:s29], $0x2800  }
0xe6: {  	[sflag:s29] =	ssyncset.done $0x0  }
0xe7: {  	s18 =	simm.s32 $0x0;
	[sflag:s29] =	ssyncadd.s32 $0xFFFFD800  }
0xe8: {  	v0 =	vld [tilespmem:s18+$0x2A00]  }
0xe9: {  	v4 =	vld [tilespmem:s18+$0x7A00]  }
0xea: {  	v6 =	vld [tilespmem:s18+$0x7A10]  }
0xeb: {  	v5 =	vld [tilespmem:s18+$0x7A20]  }
0xec: {  	v3 =	vld [tilespmem:s18+$0x7A30]  }
0xed: {  	v1 =	vld [tilespmem:s18+$0x7A40]  }
0xee: {  	v2 =	vld [tilespmem:s18+$0x7A50];
	v7 =	vmul.f32 v4, v0  }
0xef: {  	s19 =	simm.s32 $0x200;
	v6 =	vmul.f32 v6, v0;
	v4 =	vld [tilespmem:s18+$0x7A60]  }
.LBB2_5:
0xf0: {  	s20 =	sshra.s32 s19, $0x2;
	p1 =	sne.s32 s19, $0x9E00;
	[tilespmem:s18+$0x7A00] =	vst v7;
	v5 =	vmul.f32 v5, v0;
	v7 =	vld [tilespmem:s18+$0x7A70]  }
0xf1: {  	v8 =	vld [tilespmem:s20+$0x2A00];
	[tilespmem:s18+$0x7A10] =	vst v6;
	v3 =	vmul.f32 v3, v0  }
0xf2: {  	v6 =	vld [tilespmem:s20+$0x7A00];
	[tilespmem:s18+$0x7A20] =	vst v5;
	v1 =	vmul.f32 v1, v0  }
0xf3: {  	v9 =	vld [tilespmem:s20+$0x7A10];
	[tilespmem:s18+$0x7A30] =	vst v3;
	v2 =	vmul.f32 v2, v0  }
.Ltmp3:
0xf4: {  	v5 =	vld [tilespmem:s20+$0x7A20];
	[tilespmem:s18+$0x7A40] =	vst v1;
	v4 =	vmul.f32 v4, v0;
	(pc) =	sbr.rel @p1 .LBB2_5-.Ltmp3, $4  }
0xf5: {  	v3 =	vld [tilespmem:s20+$0x7A30];
	[tilespmem:s18+$0x7A50] =	vst v2;
	v10 =	vmul.f32 v7, v0  }
0xf6: {  	v1 =	vld [tilespmem:s20+$0x7A40];
	[tilespmem:s18+$0x7A60] =	vst v4;
	v0 =	vmov v8  }
0xf7: {  	v7 =	vmul.f32 v6, v0;
	v2 =	vld [tilespmem:s20+$0x7A50];
	[tilespmem:s18+$0x7A70] =	vst v10;
	s18 =	smov.u32 s20  }
0xf8: {  	s19 =	sadd.s32 $0x200, s19;
	v6 =	vmul.f32 v9, v0;
	v4 =	vld [tilespmem:s18+$0x7A60]  }
0xf9: {  	[tilespmem:s18+$0x7A00] =	vst v7;
	v5 =	vmul.f32 v5, v0;
	v61 =	vld [tilespmem:s18+$0x7A70]  }
0xfa: {  	[tilespmem:s18+$0x7A10] =	vst v6;
	v3 =	vmul.f32 v3, v0  }
0xfb: {  	[tilespmem:s18+$0x7A20] =	vst v5;
	v1 =	vmul.f32 v1, v0  }
0xfc: {  	[tilespmem:s18+$0x7A30] =	vst v3;
	v2 =	vmul.f32 v2, v0  }
.Ltmp4:
0xfd: {  	[tilespmem:s18+$0x7A40] =	vst v1;
	v62 =	vmul.f32 v4, v0;
	(pc) =	sbr.rel @p0 .LBB2_8-.Ltmp4, $4  }
0xfe: {  	[tilespmem:s18+$0x7A50] =	vst v2;
	v63 =	vmul.f32 v61, v0  }
0xff: {  	[tilespmem:s18+$0x7A60] =	vst v62  }
0x100: {  	[tilespmem:s18+$0x7A70] =	vst v63  }
0x101: {  	[spmem:s1] =	stream.indirect.scatter.add.f32 [tilespmem:s16], [sflag:$0x6], $0x80, s13, s10, $0xb8;
	[tilespmem:$0x1E200] =	vst v63  }
0x102: {  	s17 =	sadd.s32 s17, s3  }
0x103: {  	_ =	swait.ge [sflag:s31], $0x2800;
	s18 =	smul.u32 $0xA, s17  }
0x104: {  	[sflag:s31] =	ssyncset.done $0x0  }
0x105: {  	[sflag:s31] =	ssyncadd.s32 $0xFFFFD800;
	s19 =	sadd.s32 s5, s18  }
0x106: {  	[tilespmem:s11], [sflag:$0x7] =	stream.linear.gather [hbm4b:s19+s2], $0x50, $0x38;
	[tilespmem:$0x1E200] =	vst v63  }
0x107: {  	s17 =	smul.u32 $0x500, s17;
	_ =	swait.ge [sflag:s8], $0x50  }
0x108: {  	[sflag:s8] =	ssyncset.done $0x0  }
0x109: {  	s17 =	sadd.s32 s15, s17;
	[sflag:s8] =	ssyncadd.s32 $0xFFFFFFB0  }
0x10a: {  	[tilespmem:s12], [sflag:$0x2] =	stream.linear.gather [hbm4b:s17+s2], $0x2800, $0x38;
	[tilespmem:$0x1E200] =	vst v63  }
.Ltmp5:
0x10b: {  	_ = 	snop;
	(pc) =	sbr.rel .LBB2_2-.Ltmp5, $4  }
0x10c: {  	s21 =	sadd.s32 s14, s18  }
0x10d: {  	[tilespmem:s13], [sflag:$0x2] =	stream.linear.gather [hbm4b:s21+s2], $0x50, $0x38;
	[tilespmem:$0x1E200] =	vst v63  }
0x10e: {  	s30 =	sadd.s32 $0x1, s30  }
0x10f: {  	[tilespmem:s16], [sflag:$0x4] =	stream.indirect.gather [hbm4b:s4+s10], $0x80, s11, s10, $0xb8;
	[tilespmem:$0x1E200] =	vst v63  }
.LBB2_9:
0x110: {  	_ =	sfence.sel $0x180000  }
0x111: {  	[bflag:$0x0] =	sbarrier.arrive $0xFFFF  }
0x112: {  	_ =	strace $0x9000004A  }
0x113: {  	s0 =	stileid.u32;
	[bflag:$0x2] =	sbarrier.arrive $0xFFFF  }
0x114: {  	p0 =	sne.s32 s0, $0x0;
	s0 =	rddreg [dreg:$0x2]  }
0x115: {  	s0 =	sadd.s32 @!p0 $0x100000, s0  }
0x116: {  	[sflag:s0] =	ssyncadd.tile.s32 @!p0 $0x1;
	_ =	shalt  }
.Lfunc_end2:
_tile_overlayer_lowered:
.L_overlay_start_2:
0x117: {  	(tag) =	ssettag $0x2  }
0x118: {  	s0 =	rddreg [dreg:$0x0];
	s2 =	stileid.u32  }
0x119: {  	s1 =	rddreg [dreg:$0x1];
	p0 =	sne.s32 s2, $0x0  }
0x11a: {  	s3 =	rddreg [dreg:$0x2];
	[bflag:$0x3] =	sbarrier.arrive $0xFFFF;
	s2 =	simm.s32 @!p0 $0x1C07  }
0x11b: {  	[timem:s3], [sflag:s2] =	dma.local @!p0 [hbm:s0], s1  }
0x11c: {  	s0 =	simm.s32 @!p0 $0x7  }
0x11d: {  	_ =	swait.ge @!p0 [sflag:s0], s1  }
0x11e: {  	s1 =	ssub.s32 @!p0 $0x0, s1;
	[sflag:s0] =	ssyncset.done @!p0 $0x0  }
0x11f: {  	[sflag:s0] =	ssyncadd.s32 @!p0 s1  }
0x120: {  	[bflag:$0x3] =	sbarrier.arrive $0xFFFF  }
0x121: {  	_ =	shalt  }

// kernel: kernel.19.cloned.1.call-start
scs
__scs_entry_jumppad:
0x0: {  	(pc) =	sbr.rel $0x88, $3  }
0x1: {  	(tag) =	ssettag $0x0;
	lr =	simm.s32 $0x1  }
0x2: {  	[smem:$0x3F8F] =	sst lr;
	_ =	strace $0xD0000000  }
0x3: {  	_ = 	snop  }
0x4: {  	_ = 	snop  }
0x5: {  	_ = 	snop  }
0x6: {  	_ = 	snop  }
0x7: {  	_ = 	snop  }
__scs_overlays_trampoline_lowered:
0x8: {  	[smem:$0x3F9E] =	sst s0  }
0x9: {  	[smem:$0x3F9F] =	sst s1  }
0xa: {  	[smem:$0x3FA0] =	sst s2  }
0xb: {  	[smem:$0x3FA1] =	sst s3  }
0xc: {  	[smem:$0x3FA2] =	sst s4  }
0xd: {  	[smem:$0x3FA3] =	sst s5  }
0xe: {  	[smem:$0x3FA4] =	sst s6  }
0xf: {  	[smem:$0x3FA5] =	sst s7  }
0x10: {  	[smem:$0x3FA6] =	sst s8  }
0x11: {  	[smem:$0x3FA7] =	sst s9;
	s0 =	simm.s32 @!p0 $0x0  }
0x12: {  	s1 =	sld [smem:$0x3F8D];
	s0 =	simm.s32 @p0 $0x1  }
0x13: {  	[smem:$0x3FA8] =	sst s0;
	s0 =	simm.s32 @!p1 $0x0  }
0x14: {  	s2 =	sld [smem:$0x3F8C];
	s0 =	simm.s32 @p1 $0x1  }
0x15: {  	[smem:$0x3FA9] =	sst s0;
	s0 =	simm.s32 @!p2 $0x0  }
0x16: {  	s3 =	sld [smem:$0x3FDB];
	s0 =	simm.s32 @p2 $0x1  }
0x17: {  	s4 =	simm.s32 $0x1BF5;
	[smem:$0x3FAB] =	sst s0  }
0x18: {  	s0 =	sld [smem:$0x3F8E];
	_ =	swait.ge [sflag:s4], $0x0  }
0x19: {  	s7 =	sld [smem:$0x3F8F]  }
0x1a: {  	s8 =	sadd.s32 $0xFFFFE003, lr  }
0x1b: {  	s9 =	sadd.s32 $0xFFFFFEF7, lr;
	s5 =	simm.s32 $0xFFFFFFFF;
	p2 =	slt.u32 s8, $0xFFFFF086  }
0x1c: {  	p1 =	slt.u32 s9, $0xF7A;
	s5 =	simm.s32 @!p2 $0x0  }
0x1d: {  	s5 =	simm.s32 @p1 $0x1;
	p0 =	seq.s32 s7, s2  }
0x1e: {  	s7 =	smul.u32 @!p0 $0xF7A, s2;
	p2 =	seq.s32 @!p0 s5, $0x0  }
0x1f: {  	s9 =	smul.u32 $0xF7A, s1;
	s8 =	simm.s32 @!p0 $0x1BF5;
	p2 =	por !p2, p0  }
0x20: {  	[sflag:s8] =	ssyncset.s32 @!p0 $0xFFFFF086;
	s6 =	sadd.s32 @!p0 s3, s7;
	s7 =	simm.s32 @!p0 $0x108  }
0x21: {  	s3 =	sadd.s32 s3, s9;
	s6 =	sadd.s32 @!p0 $0x88, s6;
	s7 =	simm.s32 @p2 $0x1082  }
0x22: {  	[simem:s7], [sflag:s8] =	dma.local @!p0 [hbm:s6], $0xF7A  }
0x23: {  	s9 =	sor.u32 $0xD0000000, s2;
	s6 =	simm.s32 $0x108;
	_ =	swait.ge @!p0 [sflag:s8], $0x0  }
0x24: {  	s3 =	sadd.s32 $0x88, s3;
	s6 =	simm.s32 @!p1 $0x1082;
	[sflag:s4] =	ssyncset.s32 $0xFFFFF086  }
0x25: {  	[simem:s6], [sflag:s4] =	dma.local [hbm:s3], $0xF7A  }
0x26: {  	[smem:$0x3F8F] =	sst s1;
	(tag) =	ssettag s2;
	_ =	strace s9  }
0x27: {  	s1 =	sld [smem:$0x3F9F]  }
0x28: {  	s2 =	sld [smem:$0x3FA0]  }
0x29: {  	s4 =	sld [smem:$0x3FA2]  }
0x2a: {  	p0 =	seq.s32 s5, $0x0;
	s5 =	sld [smem:$0x3FA3]  }
0x2b: {  	s6 =	sld [smem:$0x3FA4]  }
0x2c: {  	s7 =	sld [smem:$0x3FA5]  }
0x2d: {  	s3 =	simm.s32 $0x108;
	s8 =	sld [smem:$0x3FA6]  }
0x2e: {  	s3 =	simm.s32 @!p0 $0x1082;
	s9 =	sld [smem:$0x3FA7]  }
0x2f: {  	lr =	sadd.s32 s0, s3;
	s0 =	sld [smem:$0x3F9E]  }
0x30: {  	s3 =	sld [smem:$0x3FA1]  }
0x31: {  	[smem:$0x3FAA] =	sst s10  }
0x32: {  	s10 =	sld [smem:$0x3FA8];
	_ =	sdelay $0x3  }
0x33: {  	p0 =	seq.s32 s10, $0x1;
	s10 =	sld [smem:$0x3FAA];
	_ =	sdelay $0x3  }
0x34: {  	[smem:$0x3FAA] =	sst s10  }
0x35: {  	s10 =	sld [smem:$0x3FA9];
	_ =	sdelay $0x3  }
0x36: {  	p1 =	seq.s32 s10, $0x1;
	s10 =	sld [smem:$0x3FAA];
	_ =	sdelay $0x3  }
0x37: {  	[smem:$0x3FAA] =	sst s10  }
0x38: {  	s10 =	sld [smem:$0x3FAB]  }
0x39: {  	_ = 	snop;
	(pc) =	sbr.ind lr, $3  }
0x3a: {  	_ = 	snop  }
0x3b: {  	_ = 	snop  }
0x3c: {  	p2 =	seq.s32 s10, $0x1;
	s10 =	sld [smem:$0x3FAA]  }
0x3d: {  	_ =	shalt  }
0x3e: {  	_ =	shalt  }
0x3f: {  	_ =	shalt  }
0x40: {  	_ =	shalt  }
0x41: {  	_ =	shalt  }
0x42: {  	_ =	shalt  }
0x43: {  	_ =	shalt  }
0x44: {  	_ =	shalt  }
0x45: {  	_ =	shalt  }
0x46: {  	_ =	shalt  }
0x47: {  	_ =	shalt  }
0x48: {  	_ =	shalt  }
0x49: {  	_ =	shalt  }
0x4a: {  	_ =	shalt  }
0x4b: {  	_ =	shalt  }
0x4c: {  	_ =	shalt  }
0x4d: {  	_ =	shalt  }
0x4e: {  	_ =	shalt  }
0x4f: {  	_ =	shalt  }
0x50: {  	_ =	shalt  }
0x51: {  	_ =	shalt  }
0x52: {  	_ =	shalt  }
0x53: {  	_ =	shalt  }
0x54: {  	_ =	shalt  }
0x55: {  	_ =	shalt  }
0x56: {  	_ =	shalt  }
0x57: {  	_ =	shalt  }
0x58: {  	_ =	shalt  }
0x59: {  	_ =	shalt  }
0x5a: {  	_ =	shalt  }
0x5b: {  	_ =	shalt  }
0x5c: {  	_ =	shalt  }
0x5d: {  	_ =	shalt  }
0x5e: {  	_ =	shalt  }
0x5f: {  	_ =	shalt  }
0x60: {  	_ =	shalt  }
0x61: {  	_ =	shalt  }
0x62: {  	_ =	shalt  }
0x63: {  	_ =	shalt  }
0x64: {  	_ =	shalt  }
0x65: {  	_ =	shalt  }
0x66: {  	_ =	shalt  }
0x67: {  	_ =	shalt  }
0x68: {  	_ =	shalt  }
0x69: {  	_ =	shalt  }
0x6a: {  	_ =	shalt  }
0x6b: {  	_ =	shalt  }
0x6c: {  	_ =	shalt  }
0x6d: {  	_ =	shalt  }
0x6e: {  	_ =	shalt  }
0x6f: {  	_ =	shalt  }
0x70: {  	_ =	shalt  }
0x71: {  	_ =	shalt  }
0x72: {  	_ =	shalt  }
0x73: {  	_ =	shalt  }
0x74: {  	_ =	shalt  }
0x75: {  	_ =	shalt  }
0x76: {  	_ =	shalt  }
0x77: {  	_ =	shalt  }
0x78: {  	_ =	shalt  }
0x79: {  	_ =	shalt  }
0x7a: {  	_ =	shalt  }
0x7b: {  	_ =	shalt  }
0x7c: {  	_ =	shalt  }
0x7d: {  	_ =	shalt  }
0x7e: {  	_ =	shalt  }
0x7f: {  	_ =	shalt  }
0x80: {  	_ =	shalt  }
0x81: {  	_ =	shalt  }
0x82: {  	_ =	shalt  }
0x83: {  	_ =	shalt  }
0x84: {  	_ =	shalt  }
0x85: {  	_ =	shalt  }
0x86: {  	_ =	shalt  }
0x87: {  	_ =	shalt  }
.Lfunc_end0:
.L_simem_size_0:
called_computation.2_lowered:
.L_overlay_start_0:
0x88: {  	s2 =	sld [smem:$0x3FD9]  }
0x89: {  	s3 =	sld [smem:$0x3FFE];
	_ =	sdelay $0x1  }
0x8a: {  	s1 =	srdreg.scid  }
0x8b: {  	s0 =	sand.u32 $0x1, s1  }
0x8c: {  	s16 =	sshll.u32 s0, $0xA;
	s2 =	sadd.s32 s3, s2  }
0x8d: {  	s2 =	sadd.s32 s2, s16  }
0x8e: {  	[smem:$0x3FB6] =	sst s2  }
0x8f: {  	_ = 	snop  }
0x90: {  	(tm) =	ssettm $0x1  }
0x91: {  	s17 =	sld [smem:$0x3FFB];
	_ =	sdelay $0x3  }
0x92: {  	_ =	strace s17  }
0x93: {  	s2 =	sld [smem:$0x3FFC];
	_ =	sdelay $0x3  }
0x94: {  	_ =	strace s2  }
0x95: {  	s2 =	sld [smem:$0x3FFD];
	_ =	sdelay $0x3  }
0x96: {  	_ =	strace s2  }
0x97: {  	_ =	strace $0x8FFFFFFF  }
0x98: {  	s18 =	sld [smem:$0x3FDB];
	_ =	sdelay $0x1  }
0x99: {  	s19 =	simm.s32 $_scs_section_size  }
0x9a: {  	s4 =	simm.s32 $_size__tile_overlayer_lowered;
	s5 =	simm.s32 $_tile_overlayer_lowered  }
0x9b: {  	s22 =	simm.s32 $0x1BFF;
	s21 =	sshll.u32 s5, $0x1;
	s2 =	sadd.s32 s19, s18  }
0x9c: {  	s6 =	simm.s32 $0x0;
	s20 =	sshll.u32 s4, $0x1;
	s4 =	sadd.s32 s21, s2  }
0x9d: {  	[timem:s6], [sflag:s22] =	dma.local [hbm:s4], s20  }
0x9e: {  	_ =	swait.ge [sflag:s22], s20  }
0x9f: {  	s3 =	ssub.s32 $0x0, s20;
	[sflag:s22] =	ssyncset.done $0x0  }
0xa0: {  	[sflag:s22] =	ssyncadd.s32 s3;
	_ =	sdelay $0x1  }
0xa1: {  	s23 =	simm.s32 $0x1B8B  }
0xa2: {  	_ =	swait.ge [sflag:s23], $0x1  }
0xa3: {  	[sflag:s23] =	ssyncset.done $0x0  }
0xa4: {  	s25 =	simm.s32 $0x1B8E;
	s24 =	sld [smem:$0x3FFE];
	[sflag:s23] =	ssyncadd.s32 $0xFFFFFFFF  }
0xa5: {  	s26 =	simm.s32 $execute0_lowered;
	[smem:$0x3FD2] =	sst s25  }
0xa6: {  	s4 =	sshll.u32 s26, $0x1;
	_ =	strace $0x8000004C;
	[dreg:$0x1] =	wrdreg $0xFFFFFFFF  }
0xa7: {  	s28 =	simm.s32 $_size_execute0_lowered;
	s2 =	sadd.s32 s2, s4;
	[dreg:$0x0] =	wrdreg $0x0  }
0xa8: {  	s4 =	sshll.u32 s28, $0x1;
	[dreg:$0x2] =	wrdreg s2  }
0xa9: {  	[dreg:$0x3] =	wrdreg s4  }
0xaa: {  	[dreg:$0x4] =	wrdreg $0xC0  }
0xab: {  	_ =	task [dreg:s6], $0x5FFFF  }
0xac: {  	[dreg:$0x1] =	wrdreg $0xFFFFFFFF  }
0xad: {  	[dreg:$0x0] =	wrdreg $0x60  }
0xae: {  	[dreg:$0x2] =	wrdreg s24  }
0xaf: {  	[dreg:$0x3] =	wrdreg $0xA2000  }
0xb0: {  	[dreg:$0x4] =	wrdreg $0x9  }
0xb1: {  	_ =	task.clear_ibuf [dreg:s6], $0x5FFFF;
	_ =	strace $0x9000004C  }
0xb2: {  	s29 =	simm.s32 $0x9;
	_ =	strace $0x8000004E  }
0xb3: {  	_ =	swait.ge [sflag:s29], $0x1  }
0xb4: {  	[sflag:s29] =	ssyncadd.s32 $0xFFFFFFFF  }
0xb5: {  	_ =	strace $0x9000004E  }
0xb6: {  	_ =	sfence  }
0xb7: {  	s30 =	sld [smem:$0x0];
	_ =	sdelay $0x2  }
0xb8: {  	s31 =	sshll.u32 s1, $0xD;
	s1 =	sshrl.u32 s1, $0x2  }
0xb9: {  	s3 =	sand.u32 $0x4000, s31;
	s1 =	sadd.s32 s1, s30  }
0xba: {  	s0 =	sor.u32 s3, s0;
	s1 =	sshll.u32 s1, $0x11  }
0xbb: {  	s0 =	sor.u32 s1, s0  }
0xbc: {  	s0 =	sadd.s32 $0x8F2B, s0  }
0xbd: {  	[sflag:s0] =	ssyncadd.remote.s32 $0x1  }
0xbe: {  	_ =	sfence.sel $0xFFFF  }
0xbf: {  	[dreg:$0x0] =	wrdreg $0xFFFFFFFF;
	(pc) =	sbr.abs _section_cstart, $3  }
0xc0: {  	[dreg:$0x1] =	wrdreg $0xFFFFFFFF  }
0xc1: {  	_ =	task.clear_ibuf [dreg:s6], $0x2FFFF;
	_ =	strace $0x9FFFFFFF  }
0xc2: {  	(tm) =	ssettm $0x7FFFFFFF  }
0xc3: {  	_ =	shalt  }
tec
execute0_lowered:
.L_overlay_start_1:
0x0: {  	(tag) =	ssettag $0x1  }
0x1: {  	s0 =	rddreg [dreg:$0x0]  }
0x2: {  	s1 =	rddreg [dreg:$0x1];
	s2 =	simm.s32 $0x0;
	s3 =	srdreg.scid  }
0x3: {  	s11 =	stileid.u32;
	s28 =	simm.s32 $0x2;
	s29 =	simm.s32 $0x4  }
0x4: {  	s31 =	simm.s32 $0x6;
	[smem:$0x7FF] =	sst s2;
	s4 =	sadd.s32 $0x3FE00, s0  }
0x5: {  	s5 =	sadd.s32 $0x8FE00, s0;
	s3 =	sand.u32 $0x1, s3;
	s8 =	smul.u32 $0x50000, s11  }
0x6: {  	s10 =	sshll.u32 s11, $0x1;
	s11 =	smul.u32 $0x14000, s11;
	s7 =	ssub.s32 $0x2, s3  }
0x7: {  	s6 =	sadd.s32 $0x99E00, s0;
	_ =	strace $0x8000004D;
	s9 =	sshrl.u32 s7, $0x1  }
0x8: {  	s12 =	sadd.s32 $0x5000, s11;
	s13 =	sadd.s32 $0x7800, s11;
	s16 =	sadd.s32 $0xA000, s11  }
0x9: {  	s17 =	sadd.s32 $0xC800, s11;
	s18 =	sadd.s32 $0xF000, s11;
	s25 =	sshrl.u32 s8, $0x2  }
0xa: {  	s7 =	ssub.s32 s7, s9;
	s9 =	sor.u32 s3, s10;
	s3 =	smul.u32 $0x140000, s3  }
0xb: {  	s10 =	sor.u32 $0x2800, s11;
	s30 =	sadd.s32 s13, s1;
	s8 =	smul.u32 $0x2800, s9  }
0xc: {  	[dreg:$0xc] =	wrdreg s30;
	s14 =	sadd.s32 s11, s3;
	s15 =	sadd.s32 s3, s10  }
0xd: {  	s11 =	sadd.s32 $0x11800, s11;
	s19 =	sadd.s32 s3, s13;
	s14 =	sshrl.u32 s14, $0x3  }
0xe: {  	s22 =	sadd.s32 s3, s17;
	s26 =	sshrl.u32 s15, $0x3;
	s14 =	sadd.s32 s6, s14  }
0xf: {  	s23 =	sadd.s32 s3, s18;
	[dreg:$0x3] =	wrdreg s14;
	s14 =	sadd.s32 s6, s26  }
0x10: {  	s15 =	sadd.s32 s3, s12;
	s26 =	smul.u32 $0x28000, s9;
	[dreg:$0x4] =	wrdreg s14  }
0x11: {  	s14 =	sshrl.u32 s15, $0x3;
	s15 =	sshrl.u32 s19, $0x3;
	s19 =	sadd.s32 s3, s16  }
0x12: {  	s3 =	sadd.s32 s3, s11;
	s14 =	sadd.s32 s6, s14;
	s20 =	sadd.s32 s6, s15  }
0x13: {  	s21 =	sshrl.u32 s19, $0x3;
	s15 =	sshrl.u32 s23, $0x3;
	s3 =	sshrl.u32 s3, $0x3  }
0x14: {  	s19 =	sadd.s32 s25, s1;
	s23 =	sadd.s32 s18, s1;
	[dreg:$0x5] =	wrdreg s14  }
0x15: {  	[dreg:$0x6] =	wrdreg s20;
	s14 =	sadd.s32 s6, s21;
	s24 =	sadd.s32 s6, s15  }
0x16: {  	s3 =	sadd.s32 s6, s3;
	s15 =	sadd.s32 $0x50DE00, s0;
	[dreg:$0xf] =	wrdreg s23  }
0x17: {  	s20 =	sadd.s32 s10, s1;
	s21 =	sadd.s32 s12, s1;
	[dreg:$0x7] =	wrdreg s14  }
0x18: {  	s10 =	smul.u32 $0x500, s9;
	s14 =	sshrl.u32 s22, $0x3;
	[dreg:$0x9] =	wrdreg s24  }
0x19: {  	[dreg:$0xa] =	wrdreg s3;
	s3 =	sadd.s32 s16, s1;
	s22 =	sadd.s32 s17, s1  }
0x1a: {  	s24 =	sadd.s32 s11, s1;
	s11 =	sor.u32 $0x50, s8;
	s17 =	sshll.u32 s9, $0x7  }
0x1b: {  	s8 =	simm.s32 $0x7;
	s9 =	simm.s32 $0x100;
	[dreg:$0xe] =	wrdreg s22  }
0x1c: {  	s14 =	sadd.s32 s6, s14;
	s18 =	smov.u32 s3;
	[dreg:$0x10] =	wrdreg s24  }
0x1d: {  	s12 =	sadd.s32 s5, s10;
	s16 =	sshll.u32 s11, $0x4;
	[dreg:$0x8] =	wrdreg s14  }
0x1e: {  	s6 =	simm.s32 $0x0;
	s14 =	sadd.s32 $0xDE00, s0;
	[dreg:$0x12] =	wrdreg s12  }
0x1f: {  	s0 =	sadd.s32 $0x17E00, s0;
	s3 =	sadd.s32 s15, s16;
	[dreg:$0xd] =	wrdreg s18  }
0x20: {  	s12 =	simm.s32 $0x2A00;
	s16 =	simm.s32 $0x7A00;
	[dreg:$0xb] =	wrdreg s0  }
0x21: {  	s0 =	sadd.s32 s15, s26;
	s13 =	sadd.s32 s14, s10;
	[dreg:$0x14] =	wrdreg s3  }
0x22: {  	s3 =	sor.u32 $0x3, s17;
	s26 =	smax.u32 s7, $0x1;
	[dreg:$0x11] =	wrdreg s0  }
.Ltmp0:
0x23: {  	s7 =	simm.s32 $0x5200;
	[dreg:$0x13] =	wrdreg s13;
	(pc) =	sbr.rel .LBB2_1-.Ltmp0, $4  }
0x24: {  	s10 =	simm.s32 $0x50;
	s0 =	sshrl.u32 s11, $0x3;
	[dreg:$0x17] =	wrdreg s26  }
0x25: {  	s11 =	simm.s32 $0x80;
	s13 =	simm.s32 $0x180;
	s25 =	sadd.s32 s5, s0  }
0x26: {  	s26 =	simm.s32 $0x3;
	s0 =	sadd.s32 s14, s0;
	[dreg:$0x15] =	wrdreg s25  }
0x27: {  	[dreg:$0x16] =	wrdreg s0;
	s0 =	sor.u32 $0x2, s17;
	s25 =	simm.s32 $0x1  }
.LBB2_8:
0x28: {  	s17 =	simm.s32 $0x5  }
0x29: {  	_ =	swait.ge [sflag:s17], $0x2800  }
0x2a: {  	[sflag:s17] =	ssyncset.done $0x0  }
0x2b: {  	[sflag:s17] =	ssyncadd.s32 $0xFFFFD800  }
0x2c: {  	_ =	swait.ge [sflag:s31], $0x2800  }
0x2d: {  	[sflag:s31] =	ssyncset.done $0x0  }
0x2e: {  	[sflag:s31] =	ssyncadd.s32 $0xFFFFD800  }
0x2f: {  	[bflag:$0x0] =	sbarrier.arrive $0xFFFF  }
0x30: {  	[tilespmem:s7], [sflag:$0x7] =	stream.linear.gather [spmem:s22], $0x2800, $0x38;
	[tilespmem:$0x1E200] =	vst v63  }
0x31: {  	_ =	swait.ge [sflag:s8], $0x2800  }
0x32: {  	[sflag:s8] =	ssyncset.done $0x0  }
0x33: {  	s19 =	smov.u32 s22;
	s22 =	rddreg [dreg:$0x3];
	[sflag:s8] =	ssyncadd.s32 $0xFFFFD800  }
0x34: {  	[hbm4b:s22+s2] =	stream.linear.scatter [tilespmem:s7], [sflag:$0x7], $0x2800, $0x38;
	[tilespmem:$0x1E200] =	vst v63  }
0x35: {  	_ =	swait.ge [sflag:s8], $0x2800  }
0x36: {  	[sflag:s8] =	ssyncset.done $0x0  }
0x37: {  	[sflag:s8] =	ssyncadd.s32 $0xFFFFD800  }
0x38: {  	[tilespmem:s7], [sflag:$0x7] =	stream.linear.gather [spmem:s23], $0x2800, $0x38;
	[tilespmem:$0x1E200] =	vst v63  }
0x39: {  	_ =	swait.ge [sflag:s8], $0x2800  }
0x3a: {  	[sflag:s8] =	ssyncset.done $0x0  }
0x3b: {  	s20 =	smov.u32 s23;
	s23 =	rddreg [dreg:$0x4];
	[sflag:s8] =	ssyncadd.s32 $0xFFFFD800  }
0x3c: {  	[hbm4b:s23+s2] =	stream.linear.scatter [tilespmem:s7], [sflag:$0x7], $0x2800, $0x38;
	[tilespmem:$0x1E200] =	vst v63  }
0x3d: {  	_ =	swait.ge [sflag:s8], $0x2800  }
0x3e: {  	[sflag:s8] =	ssyncset.done $0x0  }
0x3f: {  	[sflag:s8] =	ssyncadd.s32 $0xFFFFD800  }
0x40: {  	[tilespmem:s7], [sflag:$0x7] =	stream.linear.gather [spmem:s24], $0x2800, $0x38;
	[tilespmem:$0x1E200] =	vst v63  }
0x41: {  	_ =	swait.ge [sflag:s8], $0x2800  }
0x42: {  	[sflag:s8] =	ssyncset.done $0x0  }
0x43: {  	s21 =	smov.u32 s24;
	s24 =	rddreg [dreg:$0x5];
	[sflag:s8] =	ssyncadd.s32 $0xFFFFD800  }
0x44: {  	[hbm4b:s24+s2] =	stream.linear.scatter [tilespmem:s7], [sflag:$0x7], $0x2800, $0x38;
	[tilespmem:$0x1E200] =	vst v63  }
0x45: {  	_ =	swait.ge [sflag:s8], $0x2800  }
0x46: {  	[sflag:s8] =	ssyncset.done $0x0  }
0x47: {  	s30 =	rddreg [dreg:$0xc];
	[sflag:s8] =	ssyncadd.s32 $0xFFFFD800  }
0x48: {  	[tilespmem:s7], [sflag:$0x7] =	stream.linear.gather [spmem:s30], $0x2800, $0x38;
	[tilespmem:$0x1E200] =	vst v63  }
0x49: {  	_ =	swait.ge [sflag:s8], $0x2800  }
0x4a: {  	[sflag:s8] =	ssyncset.done $0x0  }
0x4b: {  	s18 =	rddreg [dreg:$0x6];
	[sflag:s8] =	ssyncadd.s32 $0xFFFFD800  }
0x4c: {  	[hbm4b:s18+s2] =	stream.linear.scatter [tilespmem:s7], [sflag:$0x7], $0x2800, $0x38;
	[tilespmem:$0x1E200] =	vst v63  }
0x4d: {  	_ =	swait.ge [sflag:s8], $0x2800  }
0x4e: {  	[sflag:s8] =	ssyncset.done $0x0  }
0x4f: {  	s18 =	rddreg [dreg:$0xd];
	[sflag:s8] =	ssyncadd.s32 $0xFFFFD800  }
0x50: {  	[tilespmem:s7], [sflag:$0x7] =	stream.linear.gather [spmem:s18], $0x2800, $0x38;
	[tilespmem:$0x1E200] =	vst v63  }
0x51: {  	_ =	swait.ge [sflag:s8], $0x2800  }
0x52: {  	[sflag:s8] =	ssyncset.done $0x0  }
0x53: {  	s22 =	rddreg [dreg:$0x7];
	[sflag:s8] =	ssyncadd.s32 $0xFFFFD800  }
0x54: {  	[hbm4b:s22+s2] =	stream.linear.scatter [tilespmem:s7], [sflag:$0x7], $0x2800, $0x38;
	[tilespmem:$0x1E200] =	vst v63  }
0x55: {  	_ =	swait.ge [sflag:s8], $0x2800  }
0x56: {  	[sflag:s8] =	ssyncset.done $0x0  }
0x57: {  	s22 =	rddreg [dreg:$0xe];
	[sflag:s8] =	ssyncadd.s32 $0xFFFFD800  }
0x58: {  	[tilespmem:s7], [sflag:$0x7] =	stream.linear.gather [spmem:s22], $0x2800, $0x38;
	[tilespmem:$0x1E200] =	vst v63  }
0x59: {  	_ =	swait.ge [sflag:s8], $0x2800  }
0x5a: {  	[sflag:s8] =	ssyncset.done $0x0  }
0x5b: {  	s23 =	rddreg [dreg:$0x8];
	[sflag:s8] =	ssyncadd.s32 $0xFFFFD800  }
0x5c: {  	[hbm4b:s23+s2] =	stream.linear.scatter [tilespmem:s7], [sflag:$0x7], $0x2800, $0x38;
	[tilespmem:$0x1E200] =	vst v63  }
0x5d: {  	_ =	swait.ge [sflag:s8], $0x2800  }
0x5e: {  	[sflag:s8] =	ssyncset.done $0x0  }
0x5f: {  	s23 =	rddreg [dreg:$0xf];
	[sflag:s8] =	ssyncadd.s32 $0xFFFFD800  }
0x60: {  	[tilespmem:s7], [sflag:$0x7] =	stream.linear.gather [spmem:s23], $0x2800, $0x38;
	[tilespmem:$0x1E200] =	vst v63  }
0x61: {  	_ =	swait.ge [sflag:s8], $0x2800  }
0x62: {  	[sflag:s8] =	ssyncset.done $0x0  }
0x63: {  	s24 =	rddreg [dreg:$0x9];
	[sflag:s8] =	ssyncadd.s32 $0xFFFFD800  }
0x64: {  	[hbm4b:s24+s2] =	stream.linear.scatter [tilespmem:s7], [sflag:$0x7], $0x2800, $0x38;
	[tilespmem:$0x1E200] =	vst v63  }
0x65: {  	_ =	swait.ge [sflag:s8], $0x2800  }
0x66: {  	[sflag:s8] =	ssyncset.done $0x0  }
0x67: {  	s24 =	rddreg [dreg:$0x10];
	[sflag:s8] =	ssyncadd.s32 $0xFFFFD800  }
0x68: {  	[tilespmem:s7], [sflag:$0x7] =	stream.linear.gather [spmem:s24], $0x2800, $0x38;
	[tilespmem:$0x1E200] =	vst v63  }
0x69: {  	_ =	swait.ge [sflag:s8], $0x2800  }
0x6a: {  	[sflag:s8] =	ssyncset.done $0x0  }
0x6b: {  	s17 =	rddreg [dreg:$0xa];
	[sflag:s8] =	ssyncadd.s32 $0xFFFFD800  }
0x6c: {  	[hbm4b:s17+s2] =	stream.linear.scatter [tilespmem:s7], [sflag:$0x7], $0x2800, $0x38;
	[tilespmem:$0x1E200] =	vst v63  }
0x6d: {  	_ =	swait.ge [sflag:s8], $0x2800  }
0x6e: {  	s6 =	sadd.s32 $0x1, s6;
	s17 =	rddreg [dreg:$0x17]  }
0x6f: {  	p0 =	sne.s32 s6, s17  }
.Ltmp1:
0x70: {  	_ = 	snop;
	(pc) =	sbr.rel @!p0 .LBB2_9-.Ltmp1, $3  }
0x71: {  	_ =	sdelay $0x1  }
0x72: {  	[sflag:s8] =	ssyncset.done $0x0  }
0x73: {  	[sflag:s8] =	ssyncadd.s32 $0xFFFFD800  }
.LBB2_1:
0x74: {  	s17 =	rddreg [dreg:$0xb]  }
0x75: {  	[tilespmem:s7], [sflag:$0x7] =	stream.linear.gather [hbm4b:s17+s2], $0x2800, $0x38;
	[tilespmem:$0x1E200] =	vst v63  }
0x76: {  	_ =	swait.ge [sflag:s8], $0x2800  }
0x77: {  	[sflag:s8] =	ssyncset.done $0x0  }
0x78: {  	[sflag:s8] =	ssyncadd.s32 $0xFFFFD800  }
0x79: {  	[spmem:s19] =	stream.linear.scatter [tilespmem:s7], [sflag:$0x7], $0x2800, $0x38;
	[tilespmem:$0x1E200] =	vst v63  }
0x7a: {  	_ =	swait.ge [sflag:s8], $0x2800  }
0x7b: {  	[sflag:s8] =	ssyncset.done $0x0  }
0x7c: {  	[sflag:s8] =	ssyncadd.s32 $0xFFFFD800  }
0x7d: {  	[spmem:s20] =	stream.linear.scatter [tilespmem:s7], [sflag:$0x7], $0x2800, $0x38;
	[tilespmem:$0x1E200] =	vst v63  }
0x7e: {  	_ =	swait.ge [sflag:s8], $0x2800  }
0x7f: {  	[sflag:s8] =	ssyncset.done $0x0  }
0x80: {  	[sflag:s8] =	ssyncadd.s32 $0xFFFFD800  }
0x81: {  	[spmem:s21] =	stream.linear.scatter [tilespmem:s7], [sflag:$0x7], $0x2800, $0x38;
	[tilespmem:$0x1E200] =	vst v63  }
0x82: {  	_ =	swait.ge [sflag:s8], $0x2800  }
0x83: {  	[sflag:s8] =	ssyncset.done $0x0  }
0x84: {  	[sflag:s8] =	ssyncadd.s32 $0xFFFFD800  }
0x85: {  	[spmem:s30] =	stream.linear.scatter [tilespmem:s7], [sflag:$0x7], $0x2800, $0x38;
	[tilespmem:$0x1E200] =	vst v63  }
0x86: {  	_ =	swait.ge [sflag:s8], $0x2800  }
0x87: {  	[sflag:s8] =	ssyncset.done $0x0  }
0x88: {  	[sflag:s8] =	ssyncadd.s32 $0xFFFFD800  }
0x89: {  	[spmem:s18] =	stream.linear.scatter [tilespmem:s7], [sflag:$0x7], $0x2800, $0x38;
	[tilespmem:$0x1E200] =	vst v63  }
0x8a: {  	_ =	swait.ge [sflag:s8], $0x2800  }
0x8b: {  	[sflag:s8] =	ssyncset.done $0x0  }
0x8c: {  	s17 =	smov.u32 s22;
	[sflag:s8] =	ssyncadd.s32 $0xFFFFD800  }
0x8d: {  	[spmem:s17] =	stream.linear.scatter [tilespmem:s7], [sflag:$0x7], $0x2800, $0x38;
	[tilespmem:$0x1E200] =	vst v63  }
0x8e: {  	_ =	swait.ge [sflag:s8], $0x2800  }
0x8f: {  	[sflag:s8] =	ssyncset.done $0x0  }
0x90: {  	s22 =	smov.u32 s19;
	s19 =	smov.u32 s23;
	[sflag:s8] =	ssyncadd.s32 $0xFFFFD800  }
0x91: {  	[spmem:s19] =	stream.linear.scatter [tilespmem:s7], [sflag:$0x7], $0x2800, $0x38;
	[tilespmem:$0x1E200] =	vst v63  }
0x92: {  	_ =	swait.ge [sflag:s8], $0x2800  }
0x93: {  	[sflag:s8] =	ssyncset.done $0x0  }
0x94: {  	s23 =	smov.u32 s20;
	s20 =	smov.u32 s24;
	[sflag:s8] =	ssyncadd.s32 $0xFFFFD800  }
0x95: {  	[spmem:s20] =	stream.linear.scatter [tilespmem:s7], [sflag:$0x7], $0x2800, $0x38;
	[tilespmem:$0x1E200] =	vst v63  }
0x96: {  	_ =	swait.ge [sflag:s8], $0x2800  }
0x97: {  	[sflag:s8] =	ssyncset.done $0x0  }
0x98: {  	[sflag:s8] =	ssyncadd.s32 $0xFFFFD800  }
0x99: {  	[bflag:$0x0] =	sbarrier.arrive $0xFFFF  }
0x9a: {  	s19 =	rddreg [dreg:$0x12]  }
0x9b: {  	[tilespmem:s2], [sflag:$0x7] =	stream.linear.gather [hbm4b:s19+s2], $0x50, $0x38;
	[tilespmem:$0x1E200] =	vst v63  }
0x9c: {  	_ =	swait.ge [sflag:s8], $0x50  }
0x9d: {  	s24 =	smov.u32 s21;
	[sflag:s8] =	ssyncset.done $0x0  }
0x9e: {  	s21 =	simm.s32 $0x200;
	s20 =	rddreg [dreg:$0x11];
	[sflag:s8] =	ssyncadd.s32 $0xFFFFFFB0  }
0x9f: {  	[tilespmem:s21], [sflag:$0x1] =	stream.linear.gather [hbm4b:s20+s2], $0x2800, $0x38;
	[tilespmem:$0x1E200] =	vst v63  }
0xa0: {  	s18 =	rddreg [dreg:$0x13]  }
0xa1: {  	[tilespmem:s9], [sflag:$0x1] =	stream.linear.gather [hbm4b:s18+s2], $0x50, $0x38;
	[tilespmem:$0x1E200] =	vst v63  }
0xa2: {  	_ = 	snop  }
0xa3: {  	[tilespmem:s7], [sflag:$0x3] =	stream.indirect.gather [hbm4b:s4+s10], $0x80, s2, s10, $0xb8;
	[tilespmem:$0x1E200] =	vst v63  }
0xa4: {  	s19 =	rddreg [dreg:$0x15]  }
0xa5: {  	[tilespmem:s11], [sflag:$0x7] =	stream.linear.gather [hbm4b:s19+s2], $0x50, $0x38;
	[tilespmem:$0x1E200] =	vst v63  }
0xa6: {  	_ =	swait.ge [sflag:s8], $0x50  }
0xa7: {  	[sflag:s8] =	ssyncset.done $0x0  }
0xa8: {  	s20 =	rddreg [dreg:$0x14];
	[sflag:s8] =	ssyncadd.s32 $0xFFFFFFB0  }
0xa9: {  	[tilespmem:s12], [sflag:$0x2] =	stream.linear.gather [hbm4b:s20+s2], $0x2800, $0x38;
	[tilespmem:$0x1E200] =	vst v63  }
0xaa: {  	s21 =	rddreg [dreg:$0x16]  }
0xab: {  	[tilespmem:s13], [sflag:$0x2] =	stream.linear.gather [hbm4b:s21+s2], $0x50, $0x38;
	[tilespmem:$0x1E200] =	vst v63  }
0xac: {  	s30 =	simm.s32 $0x0  }
0xad: {  	[tilespmem:s16], [sflag:$0x4] =	stream.indirect.gather [hbm4b:s4+s10], $0x80, s11, s10, $0xb8;
	[tilespmem:$0x1E200] =	vst v63  }
.LBB2_2:
0xae: {  	_ =	swait.ge [sflag:s25], $0x2800  }
0xaf: {  	[sflag:s25] =	ssyncset.done $0x0  }
0xb0: {  	[sflag:s25] =	ssyncadd.s32 $0xFFFFD800  }
0xb1: {  	_ =	swait.ge [sflag:s25], $0x50  }
0xb2: {  	[sflag:s25] =	ssyncset.done $0x0  }
0xb3: {  	[sflag:s25] =	ssyncadd.s32 $0xFFFFFFB0  }
0xb4: {  	_ =	swait.ge [sflag:s26], $0x2800  }
0xb5: {  	[sflag:s26] =	ssyncset.done $0x0  }
0xb6: {  	s17 =	simm.s32 $0x0;
	[sflag:s26] =	ssyncadd.s32 $0xFFFFD800  }
0xb7: {  	v0 =	vld [tilespmem:s17+$0x200]  }
0xb8: {  	v4 =	vld [tilespmem:s17+$0x5200]  }
0xb9: {  	v6 =	vld [tilespmem:s17+$0x5210]  }
0xba: {  	v5 =	vld [tilespmem:s17+$0x5220]  }
0xbb: {  	v3 =	vld [tilespmem:s17+$0x5230]  }
0xbc: {  	v1 =	vld [tilespmem:s17+$0x5240]  }
0xbd: {  	v2 =	vld [tilespmem:s17+$0x5250];
	v7 =	vmul.f32 v4, v0  }
0xbe: {  	s18 =	simm.s32 $0x200;
	v6 =	vmul.f32 v6, v0;
	v4 =	vld [tilespmem:s17+$0x5260]  }
.LBB2_3:
0xbf: {  	s19 =	sshra.s32 s18, $0x2;
	p0 =	sne.s32 s18, $0x9E00;
	[tilespmem:s17+$0x5200] =	vst v7;
	v5 =	vmul.f32 v5, v0;
	v7 =	vld [tilespmem:s17+$0x5270]  }
0xc0: {  	v8 =	vld [tilespmem:s19+$0x200];
	[tilespmem:s17+$0x5210] =	vst v6;
	v3 =	vmul.f32 v3, v0  }
0xc1: {  	v6 =	vld [tilespmem:s19+$0x5200];
	[tilespmem:s17+$0x5220] =	vst v5;
	v1 =	vmul.f32 v1, v0  }
0xc2: {  	v9 =	vld [tilespmem:s19+$0x5210];
	[tilespmem:s17+$0x5230] =	vst v3;
	v2 =	vmul.f32 v2, v0  }
.Ltmp2:
0xc3: {  	v5 =	vld [tilespmem:s19+$0x5220];
	[tilespmem:s17+$0x5240] =	vst v1;
	v4 =	vmul.f32 v4, v0;
	(pc) =	sbr.rel @p0 .LBB2_3-.Ltmp2, $4  }
0xc4: {  	v3 =	vld [tilespmem:s19+$0x5230];
	[tilespmem:s17+$0x5250] =	vst v2;
	v10 =	vmul.f32 v7, v0  }
0xc5: {  	v1 =	vld [tilespmem:s19+$0x5240];
	[tilespmem:s17+$0x5260] =	vst v4;
	v0 =	vmov v8  }
0xc6: {  	v7 =	vmul.f32 v6, v0;
	v2 =	vld [tilespmem:s19+$0x5250];
	[tilespmem:s17+$0x5270] =	vst v10;
	s17 =	smov.u32 s19  }
0xc7: {  	s18 =	sadd.s32 $0x200, s18;
	v6 =	vmul.f32 v9, v0;
	v4 =	vld [tilespmem:s17+$0x5260]  }
0xc8: {  	[tilespmem:s17+$0x5200] =	vst v7;
	v5 =	vmul.f32 v5, v0;
	v7 =	vld [tilespmem:s17+$0x5270]  }
0xc9: {  	[tilespmem:s17+$0x5210] =	vst v6;
	v3 =	vmul.f32 v3, v0  }
0xca: {  	[tilespmem:s17+$0x5220] =	vst v5;
	v1 =	vmul.f32 v1, v0  }
0xcb: {  	[tilespmem:s17+$0x5230] =	vst v3;
	v2 =	vmul.f32 v2, v0  }
0xcc: {  	[tilespmem:s17+$0x5240] =	vst v1;
	v1 =	vmul.f32 v4, v0  }
0xcd: {  	[tilespmem:s17+$0x5250] =	vst v2;
	v0 =	vmul.f32 v7, v0  }
0xce: {  	[tilespmem:s17+$0x5260] =	vst v1  }
0xcf: {  	p0 =	seq.s32 s30, $0x3F;
	[tilespmem:s17+$0x5270] =	vst v0;
	s17 =	sshll.u32 s30, $0x1  }
0xd0: {  	[spmem:s1] =	stream.indirect.scatter.add.f32 [tilespmem:s7], [sflag:$0x5], $0x80, s9, s10, $0xb8;
	[tilespmem:$0x1E200] =	vst v63  }
0xd1: {  	s18 =	simm.s32 @!p0 $0x5;
	s19 =	sadd.s32 @!p0 s17, s0  }
0xd2: {  	_ =	swait.ge @!p0 [sflag:s18], $0x2800;
	s20 =	smul.u32 @!p0 $0xA, s19  }
0xd3: {  	[sflag:s18] =	ssyncset.done @!p0 $0x0  }
0xd4: {  	s21 =	simm.s32 @!p0 $0x0;
	[sflag:s18] =	ssyncadd.s32 @!p0 $0xFFFFD800;
	s18 =	sadd.s32 @!p0 s5, s20  }
0xd5: {  	[tilespmem:s21], [sflag:$0x7] =	stream.linear.gather @!p0 [hbm4b:s18+s21], $0x50, $0x38;
	[tilespmem:$0x1E200] =	vst v63  }
0xd6: {  	s18 =	simm.s32 @!p0 $0x7  }
0xd7: {  	s19 =	smul.u32 @!p0 $0x500, s19;
	_ =	swait.ge @!p0 [sflag:s18], $0x50  }
0xd8: {  	[sflag:s18] =	ssyncset.done @!p0 $0x0  }
0xd9: {  	[sflag:s18] =	ssyncadd.s32 @!p0 $0xFFFFFFB0;
	s18 =	sadd.s32 @!p0 s15, s19;
	s19 =	simm.s32 @!p0 $0x200  }
0xda: {  	[tilespmem:s19], [sflag:$0x1] =	stream.linear.gather @!p0 [hbm4b:s18+s21], $0x2800, $0x38;
	[tilespmem:$0x1E200] =	vst v63  }
0xdb: {  	s18 =	sadd.s32 @!p0 s14, s20;
	s19 =	simm.s32 @!p0 $0x100  }
0xdc: {  	[tilespmem:s19], [sflag:$0x1] =	stream.linear.gather @!p0 [hbm4b:s18+s21], $0x50, $0x38;
	[tilespmem:$0x1E200] =	vst v63  }
0xdd: {  	s18 =	simm.s32 @!p0 $0x50;
	s19 =	simm.s32 @!p0 $0x5200  }
0xde: {  	[tilespmem:s19], [sflag:$0x3] =	stream.indirect.gather @!p0 [hbm4b:s4+s18], $0x80, s21, s18, $0xb8;
	[tilespmem:$0x1E200] =	vst v63  }
0xdf: {  	_ =	swait.ge [sflag:s28], $0x2800  }
0xe0: {  	[sflag:s28] =	ssyncset.done $0x0  }
0xe1: {  	[sflag:s28] =	ssyncadd.s32 $0xFFFFD800  }
0xe2: {  	_ =	swait.ge [sflag:s28], $0x50  }
0xe3: {  	[sflag:s28] =	ssyncset.done $0x0  }
0xe4: {  	[sflag:s28] =	ssyncadd.s32 $0xFFFFFFB0  }
0xe5: {  	_ =	swait.ge [sflag:s29], $0x2800  }
0xe6: {  	[sflag:s29] =	ssyncset.done $0x0  }
0xe7: {  	s18 =	simm.s32 $0x0;
	[sflag:s29] =	ssyncadd.s32 $0xFFFFD800  }
0xe8: {  	v0 =	vld [tilespmem:s18+$0x2A00]  }
0xe9: {  	v4 =	vld [tilespmem:s18+$0x7A00]  }
0xea: {  	v6 =	vld [tilespmem:s18+$0x7A10]  }
0xeb: {  	v5 =	vld [tilespmem:s18+$0x7A20]  }
0xec: {  	v3 =	vld [tilespmem:s18+$0x7A30]  }
0xed: {  	v1 =	vld [tilespmem:s18+$0x7A40]  }
0xee: {  	v2 =	vld [tilespmem:s18+$0x7A50];
	v7 =	vmul.f32 v4, v0  }
0xef: {  	s19 =	simm.s32 $0x200;
	v6 =	vmul.f32 v6, v0;
	v4 =	vld [tilespmem:s18+$0x7A60]  }
.LBB2_5:
0xf0: {  	s20 =	sshra.s32 s19, $0x2;
	p1 =	sne.s32 s19, $0x9E00;
	[tilespmem:s18+$0x7A00] =	vst v7;
	v5 =	vmul.f32 v5, v0;
	v7 =	vld [tilespmem:s18+$0x7A70]  }
0xf1: {  	v8 =	vld [tilespmem:s20+$0x2A00];
	[tilespmem:s18+$0x7A10] =	vst v6;
	v3 =	vmul.f32 v3, v0  }
0xf2: {  	v6 =	vld [tilespmem:s20+$0x7A00];
	[tilespmem:s18+$0x7A20] =	vst v5;
	v1 =	vmul.f32 v1, v0  }
0xf3: {  	v9 =	vld [tilespmem:s20+$0x7A10];
	[tilespmem:s18+$0x7A30] =	vst v3;
	v2 =	vmul.f32 v2, v0  }
.Ltmp3:
0xf4: {  	v5 =	vld [tilespmem:s20+$0x7A20];
	[tilespmem:s18+$0x7A40] =	vst v1;
	v4 =	vmul.f32 v4, v0;
	(pc) =	sbr.rel @p1 .LBB2_5-.Ltmp3, $4  }
0xf5: {  	v3 =	vld [tilespmem:s20+$0x7A30];
	[tilespmem:s18+$0x7A50] =	vst v2;
	v10 =	vmul.f32 v7, v0  }
0xf6: {  	v1 =	vld [tilespmem:s20+$0x7A40];
	[tilespmem:s18+$0x7A60] =	vst v4;
	v0 =	vmov v8  }
0xf7: {  	v7 =	vmul.f32 v6, v0;
	v2 =	vld [tilespmem:s20+$0x7A50];
	[tilespmem:s18+$0x7A70] =	vst v10;
	s18 =	smov.u32 s20  }
0xf8: {  	s19 =	sadd.s32 $0x200, s19;
	v6 =	vmul.f32 v9, v0;
	v4 =	vld [tilespmem:s18+$0x7A60]  }
0xf9: {  	[tilespmem:s18+$0x7A00] =	vst v7;
	v5 =	vmul.f32 v5, v0;
	v61 =	vld [tilespmem:s18+$0x7A70]  }
0xfa: {  	[tilespmem:s18+$0x7A10] =	vst v6;
	v3 =	vmul.f32 v3, v0  }
0xfb: {  	[tilespmem:s18+$0x7A20] =	vst v5;
	v1 =	vmul.f32 v1, v0  }
0xfc: {  	[tilespmem:s18+$0x7A30] =	vst v3;
	v2 =	vmul.f32 v2, v0  }
.Ltmp4:
0xfd: {  	[tilespmem:s18+$0x7A40] =	vst v1;
	v62 =	vmul.f32 v4, v0;
	(pc) =	sbr.rel @p0 .LBB2_8-.Ltmp4, $4  }
0xfe: {  	[tilespmem:s18+$0x7A50] =	vst v2;
	v63 =	vmul.f32 v61, v0  }
0xff: {  	[tilespmem:s18+$0x7A60] =	vst v62  }
0x100: {  	[tilespmem:s18+$0x7A70] =	vst v63  }
0x101: {  	[spmem:s1] =	stream.indirect.scatter.add.f32 [tilespmem:s16], [sflag:$0x6], $0x80, s13, s10, $0xb8;
	[tilespmem:$0x1E200] =	vst v63  }
0x102: {  	s17 =	sadd.s32 s17, s3  }
0x103: {  	_ =	swait.ge [sflag:s31], $0x2800;
	s18 =	smul.u32 $0xA, s17  }
0x104: {  	[sflag:s31] =	ssyncset.done $0x0  }
0x105: {  	[sflag:s31] =	ssyncadd.s32 $0xFFFFD800;
	s19 =	sadd.s32 s5, s18  }
0x106: {  	[tilespmem:s11], [sflag:$0x7] =	stream.linear.gather [hbm4b:s19+s2], $0x50, $0x38;
	[tilespmem:$0x1E200] =	vst v63  }
0x107: {  	s17 =	smul.u32 $0x500, s17;
	_ =	swait.ge [sflag:s8], $0x50  }
0x108: {  	[sflag:s8] =	ssyncset.done $0x0  }
0x109: {  	s17 =	sadd.s32 s15, s17;
	[sflag:s8] =	ssyncadd.s32 $0xFFFFFFB0  }
0x10a: {  	[tilespmem:s12], [sflag:$0x2] =	stream.linear.gather [hbm4b:s17+s2], $0x2800, $0x38;
	[tilespmem:$0x1E200] =	vst v63  }
.Ltmp5:
0x10b: {  	_ = 	snop;
	(pc) =	sbr.rel .LBB2_2-.Ltmp5, $4  }
0x10c: {  	s21 =	sadd.s32 s14, s18  }
0x10d: {  	[tilespmem:s13], [sflag:$0x2] =	stream.linear.gather [hbm4b:s21+s2], $0x50, $0x38;
	[tilespmem:$0x1E200] =	vst v63  }
0x10e: {  	s30 =	sadd.s32 $0x1, s30  }
0x10f: {  	[tilespmem:s16], [sflag:$0x4] =	stream.indirect.gather [hbm4b:s4+s10], $0x80, s11, s10, $0xb8;
	[tilespmem:$0x1E200] =	vst v63  }
.LBB2_9:
0x110: {  	_ =	sfence.sel $0x180000  }
0x111: {  	[bflag:$0x0] =	sbarrier.arrive $0xFFFF  }
0x112: {  	_ =	strace $0x9000004D  }
0x113: {  	s0 =	stileid.u32;
	[bflag:$0x2] =	sbarrier.arrive $0xFFFF  }
0x114: {  	p0 =	sne.s32 s0, $0x0;
	s0 =	rddreg [dreg:$0x2]  }
0x115: {  	s0 =	sadd.s32 @!p0 $0x100000, s0  }
0x116: {  	[sflag:s0] =	ssyncadd.tile.s32 @!p0 $0x1;
	_ =	shalt  }
.Lfunc_end2:
_tile_overlayer_lowered:
.L_overlay_start_2:
0x117: {  	(tag) =	ssettag $0x2  }
0x118: {  	s0 =	rddreg [dreg:$0x0];
	s2 =	stileid.u32  }
0x119: {  	s1 =	rddreg [dreg:$0x1];
	p0 =	sne.s32 s2, $0x0  }
0x11a: {  	s3 =	rddreg [dreg:$0x2];
	[bflag:$0x3] =	sbarrier.arrive $0xFFFF;
	s2 =	simm.s32 @!p0 $0x1C07  }
0x11b: {  	[timem:s3], [sflag:s2] =	dma.local @!p0 [hbm:s0], s1  }
0x11c: {  	s0 =	simm.s32 @!p0 $0x7  }
0x11d: {  	_ =	swait.ge @!p0 [sflag:s0], s1  }
0x11e: {  	s1 =	ssub.s32 @!p0 $0x0, s1;
	[sflag:s0] =	ssyncset.done @!p0 $0x0  }
0x11f: {  	[sflag:s0] =	ssyncadd.s32 @!p0 s1  }
0x120: {  	[bflag:$0x3] =	sbarrier.arrive $0xFFFF  }
0x121: {  	_ =	shalt  }

// kernel: kernel.22.cloned.1.call-start
scs
__scs_entry_jumppad:
0x0: {  	(pc) =	sbr.rel $0x88, $3  }
0x1: {  	(tag) =	ssettag $0x0;
	lr =	simm.s32 $0x1  }
0x2: {  	[smem:$0x3F8F] =	sst lr;
	_ =	strace $0xD0000000  }
0x3: {  	_ = 	snop  }
0x4: {  	_ = 	snop  }
0x5: {  	_ = 	snop  }
0x6: {  	_ = 	snop  }
0x7: {  	_ = 	snop  }
__scs_overlays_trampoline_lowered:
0x8: {  	[smem:$0x3F9E] =	sst s0  }
0x9: {  	[smem:$0x3F9F] =	sst s1  }
0xa: {  	[smem:$0x3FA0] =	sst s2  }
0xb: {  	[smem:$0x3FA1] =	sst s3  }
0xc: {  	[smem:$0x3FA2] =	sst s4  }
0xd: {  	[smem:$0x3FA3] =	sst s5  }
0xe: {  	[smem:$0x3FA4] =	sst s6  }
0xf: {  	[smem:$0x3FA5] =	sst s7  }
0x10: {  	[smem:$0x3FA6] =	sst s8  }
0x11: {  	[smem:$0x3FA7] =	sst s9;
	s0 =	simm.s32 @!p0 $0x0  }
0x12: {  	s1 =	sld [smem:$0x3F8D];
	s0 =	simm.s32 @p0 $0x1  }
0x13: {  	[smem:$0x3FA8] =	sst s0;
	s0 =	simm.s32 @!p1 $0x0  }
0x14: {  	s2 =	sld [smem:$0x3F8C];
	s0 =	simm.s32 @p1 $0x1  }
0x15: {  	[smem:$0x3FA9] =	sst s0;
	s0 =	simm.s32 @!p2 $0x0  }
0x16: {  	s3 =	sld [smem:$0x3FDB];
	s0 =	simm.s32 @p2 $0x1  }
0x17: {  	s4 =	simm.s32 $0x1BF5;
	[smem:$0x3FAB] =	sst s0  }
0x18: {  	s0 =	sld [smem:$0x3F8E];
	_ =	swait.ge [sflag:s4], $0x0  }
0x19: {  	s7 =	sld [smem:$0x3F8F]  }
0x1a: {  	s8 =	sadd.s32 $0xFFFFE003, lr  }
0x1b: {  	s9 =	sadd.s32 $0xFFFFFEF7, lr;
	s5 =	simm.s32 $0xFFFFFFFF;
	p2 =	slt.u32 s8, $0xFFFFF086  }
0x1c: {  	p1 =	slt.u32 s9, $0xF7A;
	s5 =	simm.s32 @!p2 $0x0  }
0x1d: {  	s5 =	simm.s32 @p1 $0x1;
	p0 =	seq.s32 s7, s2  }
0x1e: {  	s7 =	smul.u32 @!p0 $0xF7A, s2;
	p2 =	seq.s32 @!p0 s5, $0x0  }
0x1f: {  	s9 =	smul.u32 $0xF7A, s1;
	s8 =	simm.s32 @!p0 $0x1BF5;
	p2 =	por !p2, p0  }
0x20: {  	[sflag:s8] =	ssyncset.s32 @!p0 $0xFFFFF086;
	s6 =	sadd.s32 @!p0 s3, s7;
	s7 =	simm.s32 @!p0 $0x108  }
0x21: {  	s3 =	sadd.s32 s3, s9;
	s6 =	sadd.s32 @!p0 $0x88, s6;
	s7 =	simm.s32 @p2 $0x1082  }
0x22: {  	[simem:s7], [sflag:s8] =	dma.local @!p0 [hbm:s6], $0xF7A  }
0x23: {  	s9 =	sor.u32 $0xD0000000, s2;
	s6 =	simm.s32 $0x108;
	_ =	swait.ge @!p0 [sflag:s8], $0x0  }
0x24: {  	s3 =	sadd.s32 $0x88, s3;
	s6 =	simm.s32 @!p1 $0x1082;
	[sflag:s4] =	ssyncset.s32 $0xFFFFF086  }
0x25: {  	[simem:s6], [sflag:s4] =	dma.local [hbm:s3], $0xF7A  }
0x26: {  	[smem:$0x3F8F] =	sst s1;
	(tag) =	ssettag s2;
	_ =	strace s9  }
0x27: {  	s1 =	sld [smem:$0x3F9F]  }
0x28: {  	s2 =	sld [smem:$0x3FA0]  }
0x29: {  	s4 =	sld [smem:$0x3FA2]  }
0x2a: {  	p0 =	seq.s32 s5, $0x0;
	s5 =	sld [smem:$0x3FA3]  }
0x2b: {  	s6 =	sld [smem:$0x3FA4]  }
0x2c: {  	s7 =	sld [smem:$0x3FA5]  }
0x2d: {  	s3 =	simm.s32 $0x108;
	s8 =	sld [smem:$0x3FA6]  }
0x2e: {  	s3 =	simm.s32 @!p0 $0x1082;
	s9 =	sld [smem:$0x3FA7]  }
0x2f: {  	lr =	sadd.s32 s0, s3;
	s0 =	sld [smem:$0x3F9E]  }
0x30: {  	s3 =	sld [smem:$0x3FA1]  }
0x31: {  	[smem:$0x3FAA] =	sst s10  }
0x32: {  	s10 =	sld [smem:$0x3FA8];
	_ =	sdelay $0x3  }
0x33: {  	p0 =	seq.s32 s10, $0x1;
	s10 =	sld [smem:$0x3FAA];
	_ =	sdelay $0x3  }
0x34: {  	[smem:$0x3FAA] =	sst s10  }
0x35: {  	s10 =	sld [smem:$0x3FA9];
	_ =	sdelay $0x3  }
0x36: {  	p1 =	seq.s32 s10, $0x1;
	s10 =	sld [smem:$0x3FAA];
	_ =	sdelay $0x3  }
0x37: {  	[smem:$0x3FAA] =	sst s10  }
0x38: {  	s10 =	sld [smem:$0x3FAB]  }
0x39: {  	_ = 	snop;
	(pc) =	sbr.ind lr, $3  }
0x3a: {  	_ = 	snop  }
0x3b: {  	_ = 	snop  }
0x3c: {  	p2 =	seq.s32 s10, $0x1;
	s10 =	sld [smem:$0x3FAA]  }
0x3d: {  	_ =	shalt  }
0x3e: {  	_ =	shalt  }
0x3f: {  	_ =	shalt  }
0x40: {  	_ =	shalt  }
0x41: {  	_ =	shalt  }
0x42: {  	_ =	shalt  }
0x43: {  	_ =	shalt  }
0x44: {  	_ =	shalt  }
0x45: {  	_ =	shalt  }
0x46: {  	_ =	shalt  }
0x47: {  	_ =	shalt  }
0x48: {  	_ =	shalt  }
0x49: {  	_ =	shalt  }
0x4a: {  	_ =	shalt  }
0x4b: {  	_ =	shalt  }
0x4c: {  	_ =	shalt  }
0x4d: {  	_ =	shalt  }
0x4e: {  	_ =	shalt  }
0x4f: {  	_ =	shalt  }
0x50: {  	_ =	shalt  }
0x51: {  	_ =	shalt  }
0x52: {  	_ =	shalt  }
0x53: {  	_ =	shalt  }
0x54: {  	_ =	shalt  }
0x55: {  	_ =	shalt  }
0x56: {  	_ =	shalt  }
0x57: {  	_ =	shalt  }
0x58: {  	_ =	shalt  }
0x59: {  	_ =	shalt  }
0x5a: {  	_ =	shalt  }
0x5b: {  	_ =	shalt  }
0x5c: {  	_ =	shalt  }
0x5d: {  	_ =	shalt  }
0x5e: {  	_ =	shalt  }
0x5f: {  	_ =	shalt  }
0x60: {  	_ =	shalt  }
0x61: {  	_ =	shalt  }
0x62: {  	_ =	shalt  }
0x63: {  	_ =	shalt  }
0x64: {  	_ =	shalt  }
0x65: {  	_ =	shalt  }
0x66: {  	_ =	shalt  }
0x67: {  	_ =	shalt  }
0x68: {  	_ =	shalt  }
0x69: {  	_ =	shalt  }
0x6a: {  	_ =	shalt  }
0x6b: {  	_ =	shalt  }
0x6c: {  	_ =	shalt  }
0x6d: {  	_ =	shalt  }
0x6e: {  	_ =	shalt  }
0x6f: {  	_ =	shalt  }
0x70: {  	_ =	shalt  }
0x71: {  	_ =	shalt  }
0x72: {  	_ =	shalt  }
0x73: {  	_ =	shalt  }
0x74: {  	_ =	shalt  }
0x75: {  	_ =	shalt  }
0x76: {  	_ =	shalt  }
0x77: {  	_ =	shalt  }
0x78: {  	_ =	shalt  }
0x79: {  	_ =	shalt  }
0x7a: {  	_ =	shalt  }
0x7b: {  	_ =	shalt  }
0x7c: {  	_ =	shalt  }
0x7d: {  	_ =	shalt  }
0x7e: {  	_ =	shalt  }
0x7f: {  	_ =	shalt  }
0x80: {  	_ =	shalt  }
0x81: {  	_ =	shalt  }
0x82: {  	_ =	shalt  }
0x83: {  	_ =	shalt  }
0x84: {  	_ =	shalt  }
0x85: {  	_ =	shalt  }
0x86: {  	_ =	shalt  }
0x87: {  	_ =	shalt  }
.Lfunc_end0:
.L_simem_size_0:
called_computation.3_lowered:
.L_overlay_start_0:
0x88: {  	s2 =	sld [smem:$0x3FD9]  }
0x89: {  	s3 =	sld [smem:$0x3FFE];
	_ =	sdelay $0x1  }
0x8a: {  	s1 =	srdreg.scid  }
0x8b: {  	s0 =	sand.u32 $0x1, s1  }
0x8c: {  	s16 =	sshll.u32 s0, $0xA;
	s2 =	sadd.s32 s3, s2  }
0x8d: {  	s2 =	sadd.s32 s2, s16  }
0x8e: {  	[smem:$0x3FB6] =	sst s2  }
0x8f: {  	_ = 	snop  }
0x90: {  	(tm) =	ssettm $0x1  }
0x91: {  	s17 =	sld [smem:$0x3FFB];
	_ =	sdelay $0x3  }
0x92: {  	_ =	strace s17  }
0x93: {  	s2 =	sld [smem:$0x3FFC];
	_ =	sdelay $0x3  }
0x94: {  	_ =	strace s2  }
0x95: {  	s2 =	sld [smem:$0x3FFD];
	_ =	sdelay $0x3  }
0x96: {  	_ =	strace s2  }
0x97: {  	_ =	strace $0x8FFFFFFF  }
0x98: {  	s18 =	sld [smem:$0x3FDB];
	_ =	sdelay $0x1  }
0x99: {  	s19 =	simm.s32 $_scs_section_size  }
0x9a: {  	s4 =	simm.s32 $_size__tile_overlayer_lowered;
	s5 =	simm.s32 $_tile_overlayer_lowered  }
0x9b: {  	s22 =	simm.s32 $0x1BFF;
	s21 =	sshll.u32 s5, $0x1;
	s2 =	sadd.s32 s19, s18  }
0x9c: {  	s6 =	simm.s32 $0x0;
	s20 =	sshll.u32 s4, $0x1;
	s4 =	sadd.s32 s21, s2  }
0x9d: {  	[timem:s6], [sflag:s22] =	dma.local [hbm:s4], s20  }
0x9e: {  	_ =	swait.ge [sflag:s22], s20  }
0x9f: {  	s3 =	ssub.s32 $0x0, s20;
	[sflag:s22] =	ssyncset.done $0x0  }
0xa0: {  	[sflag:s22] =	ssyncadd.s32 s3;
	_ =	sdelay $0x1  }
0xa1: {  	s23 =	simm.s32 $0x1B8B  }
0xa2: {  	_ =	swait.ge [sflag:s23], $0x1  }
0xa3: {  	[sflag:s23] =	ssyncset.done $0x0  }
0xa4: {  	s25 =	simm.s32 $0x1B8E;
	s24 =	sld [smem:$0x3FFE];
	[sflag:s23] =	ssyncadd.s32 $0xFFFFFFFF  }
0xa5: {  	s26 =	simm.s32 $execute0_lowered;
	[smem:$0x3FD2] =	sst s25  }
0xa6: {  	s4 =	sshll.u32 s26, $0x1;
	_ =	strace $0x8000004F;
	[dreg:$0x1] =	wrdreg $0xFFFFFFFF  }
0xa7: {  	s28 =	simm.s32 $_size_execute0_lowered;
	s2 =	sadd.s32 s2, s4;
	[dreg:$0x0] =	wrdreg $0x0  }
0xa8: {  	s4 =	sshll.u32 s28, $0x1;
	[dreg:$0x2] =	wrdreg s2  }
0xa9: {  	[dreg:$0x3] =	wrdreg s4  }
0xaa: {  	[dreg:$0x4] =	wrdreg $0xC0  }
0xab: {  	_ =	task [dreg:s6], $0x5FFFF  }
0xac: {  	[dreg:$0x1] =	wrdreg $0xFFFFFFFF  }
0xad: {  	[dreg:$0x0] =	wrdreg $0x60  }
0xae: {  	[dreg:$0x2] =	wrdreg s24  }
0xaf: {  	[dreg:$0x3] =	wrdreg $0xA2000  }
0xb0: {  	[dreg:$0x4] =	wrdreg $0x9  }
0xb1: {  	_ =	task.clear_ibuf [dreg:s6], $0x5FFFF;
	_ =	strace $0x9000004F  }
0xb2: {  	s29 =	simm.s32 $0x9;
	_ =	strace $0x80000051  }
0xb3: {  	_ =	swait.ge [sflag:s29], $0x1  }
0xb4: {  	[sflag:s29] =	ssyncadd.s32 $0xFFFFFFFF  }
0xb5: {  	_ =	strace $0x90000051  }
0xb6: {  	_ =	sfence  }
0xb7: {  	s30 =	sld [smem:$0x0];
	_ =	sdelay $0x2  }
0xb8: {  	s31 =	sshll.u32 s1, $0xD;
	s1 =	sshrl.u32 s1, $0x2  }
0xb9: {  	s3 =	sand.u32 $0x4000, s31;
	s1 =	sadd.s32 s1, s30  }
0xba: {  	s0 =	sor.u32 s3, s0;
	s1 =	sshll.u32 s1, $0x11  }
0xbb: {  	s0 =	sor.u32 s1, s0  }
0xbc: {  	s0 =	sadd.s32 $0x8F2B, s0  }
0xbd: {  	[sflag:s0] =	ssyncadd.remote.s32 $0x1  }
0xbe: {  	_ =	sfence.sel $0xFFFF  }
0xbf: {  	[dreg:$0x0] =	wrdreg $0xFFFFFFFF;
	(pc) =	sbr.abs _section_cstart, $3  }
0xc0: {  	[dreg:$0x1] =	wrdreg $0xFFFFFFFF  }
0xc1: {  	_ =	task.clear_ibuf [dreg:s6], $0x2FFFF;
	_ =	strace $0x9FFFFFFF  }
0xc2: {  	(tm) =	ssettm $0x7FFFFFFF  }
0xc3: {  	_ =	shalt  }
tec
execute0_lowered:
.L_overlay_start_1:
0x0: {  	(tag) =	ssettag $0x1  }
0x1: {  	s0 =	rddreg [dreg:$0x0]  }
0x2: {  	s1 =	rddreg [dreg:$0x1];
	s2 =	simm.s32 $0x0;
	s3 =	srdreg.scid  }
0x3: {  	s11 =	stileid.u32;
	s28 =	simm.s32 $0x2;
	s29 =	simm.s32 $0x4  }
0x4: {  	s31 =	simm.s32 $0x6;
	[smem:$0x7FF] =	sst s2;
	s4 =	sadd.s32 $0x3FE00, s0  }
0x5: {  	s5 =	sadd.s32 $0x8FE00, s0;
	s3 =	sand.u32 $0x1, s3;
	s8 =	smul.u32 $0x50000, s11  }
0x6: {  	s10 =	sshll.u32 s11, $0x1;
	s11 =	smul.u32 $0x14000, s11;
	s7 =	ssub.s32 $0x2, s3  }
0x7: {  	s6 =	sadd.s32 $0x99E00, s0;
	_ =	strace $0x80000050;
	s9 =	sshrl.u32 s7, $0x1  }
0x8: {  	s12 =	sadd.s32 $0x5000, s11;
	s13 =	sadd.s32 $0x7800, s11;
	s16 =	sadd.s32 $0xA000, s11  }
0x9: {  	s17 =	sadd.s32 $0xC800, s11;
	s18 =	sadd.s32 $0xF000, s11;
	s25 =	sshrl.u32 s8, $0x2  }
0xa: {  	s7 =	ssub.s32 s7, s9;
	s9 =	sor.u32 s3, s10;
	s3 =	smul.u32 $0x140000, s3  }
0xb: {  	s10 =	sor.u32 $0x2800, s11;
	s30 =	sadd.s32 s13, s1;
	s8 =	smul.u32 $0x2800, s9  }
0xc: {  	[dreg:$0xc] =	wrdreg s30;
	s14 =	sadd.s32 s11, s3;
	s15 =	sadd.s32 s3, s10  }
0xd: {  	s11 =	sadd.s32 $0x11800, s11;
	s19 =	sadd.s32 s3, s13;
	s14 =	sshrl.u32 s14, $0x3  }
0xe: {  	s22 =	sadd.s32 s3, s17;
	s26 =	sshrl.u32 s15, $0x3;
	s14 =	sadd.s32 s6, s14  }
0xf: {  	s23 =	sadd.s32 s3, s18;
	[dreg:$0x3] =	wrdreg s14;
	s14 =	sadd.s32 s6, s26  }
0x10: {  	s15 =	sadd.s32 s3, s12;
	s26 =	smul.u32 $0x28000, s9;
	[dreg:$0x4] =	wrdreg s14  }
0x11: {  	s14 =	sshrl.u32 s15, $0x3;
	s15 =	sshrl.u32 s19, $0x3;
	s19 =	sadd.s32 s3, s16  }
0x12: {  	s3 =	sadd.s32 s3, s11;
	s14 =	sadd.s32 s6, s14;
	s20 =	sadd.s32 s6, s15  }
0x13: {  	s21 =	sshrl.u32 s19, $0x3;
	s15 =	sshrl.u32 s23, $0x3;
	s3 =	sshrl.u32 s3, $0x3  }
0x14: {  	s19 =	sadd.s32 s25, s1;
	s23 =	sadd.s32 s18, s1;
	[dreg:$0x5] =	wrdreg s14  }
0x15: {  	[dreg:$0x6] =	wrdreg s20;
	s14 =	sadd.s32 s6, s21;
	s24 =	sadd.s32 s6, s15  }
0x16: {  	s3 =	sadd.s32 s6, s3;
	s15 =	sadd.s32 $0x50DE00, s0;
	[dreg:$0xf] =	wrdreg s23  }
0x17: {  	s20 =	sadd.s32 s10, s1;
	s21 =	sadd.s32 s12, s1;
	[dreg:$0x7] =	wrdreg s14  }
0x18: {  	s10 =	smul.u32 $0x500, s9;
	s14 =	sshrl.u32 s22, $0x3;
	[dreg:$0x9] =	wrdreg s24  }
0x19: {  	[dreg:$0xa] =	wrdreg s3;
	s3 =	sadd.s32 s16, s1;
	s22 =	sadd.s32 s17, s1  }
0x1a: {  	s24 =	sadd.s32 s11, s1;
	s11 =	sor.u32 $0x50, s8;
	s17 =	sshll.u32 s9, $0x7  }
0x1b: {  	s8 =	simm.s32 $0x7;
	s9 =	simm.s32 $0x100;
	[dreg:$0xe] =	wrdreg s22  }
0x1c: {  	s14 =	sadd.s32 s6, s14;
	s18 =	smov.u32 s3;
	[dreg:$0x10] =	wrdreg s24  }
0x1d: {  	s12 =	sadd.s32 s5, s10;
	s16 =	sshll.u32 s11, $0x4;
	[dreg:$0x8] =	wrdreg s14  }
0x1e: {  	s6 =	simm.s32 $0x0;
	s14 =	sadd.s32 $0xDE00, s0;
	[dreg:$0x12] =	wrdreg s12  }
0x1f: {  	s0 =	sadd.s32 $0x17E00, s0;
	s3 =	sadd.s32 s15, s16;
	[dreg:$0xd] =	wrdreg s18  }
0x20: {  	s12 =	simm.s32 $0x2A00;
	s16 =	simm.s32 $0x7A00;
	[dreg:$0xb] =	wrdreg s0  }
0x21: {  	s0 =	sadd.s32 s15, s26;
	s13 =	sadd.s32 s14, s10;
	[dreg:$0x14] =	wrdreg s3  }
0x22: {  	s3 =	sor.u32 $0x3, s17;
	s26 =	smax.u32 s7, $0x1;
	[dreg:$0x11] =	wrdreg s0  }
.Ltmp0:
0x23: {  	s7 =	simm.s32 $0x5200;
	[dreg:$0x13] =	wrdreg s13;
	(pc) =	sbr.rel .LBB2_1-.Ltmp0, $4  }
0x24: {  	s10 =	simm.s32 $0x50;
	s0 =	sshrl.u32 s11, $0x3;
	[dreg:$0x17] =	wrdreg s26  }
0x25: {  	s11 =	simm.s32 $0x80;
	s13 =	simm.s32 $0x180;
	s25 =	sadd.s32 s5, s0  }
0x26: {  	s26 =	simm.s32 $0x3;
	s0 =	sadd.s32 s14, s0;
	[dreg:$0x15] =	wrdreg s25  }
0x27: {  	[dreg:$0x16] =	wrdreg s0;
	s0 =	sor.u32 $0x2, s17;
	s25 =	simm.s32 $0x1  }
.LBB2_8:
0x28: {  	s17 =	simm.s32 $0x5  }
0x29: {  	_ =	swait.ge [sflag:s17], $0x2800  }
0x2a: {  	[sflag:s17] =	ssyncset.done $0x0  }
0x2b: {  	[sflag:s17] =	ssyncadd.s32 $0xFFFFD800  }
0x2c: {  	_ =	swait.ge [sflag:s31], $0x2800  }
0x2d: {  	[sflag:s31] =	ssyncset.done $0x0  }
0x2e: {  	[sflag:s31] =	ssyncadd.s32 $0xFFFFD800  }
0x2f: {  	[bflag:$0x0] =	sbarrier.arrive $0xFFFF  }
0x30: {  	[tilespmem:s7], [sflag:$0x7] =	stream.linear.gather [spmem:s22], $0x2800, $0x38;
	[tilespmem:$0x1E200] =	vst v63  }
0x31: {  	_ =	swait.ge [sflag:s8], $0x2800  }
0x32: {  	[sflag:s8] =	ssyncset.done $0x0  }
0x33: {  	s19 =	smov.u32 s22;
	s22 =	rddreg [dreg:$0x3];
	[sflag:s8] =	ssyncadd.s32 $0xFFFFD800  }
0x34: {  	[hbm4b:s22+s2] =	stream.linear.scatter [tilespmem:s7], [sflag:$0x7], $0x2800, $0x38;
	[tilespmem:$0x1E200] =	vst v63  }
0x35: {  	_ =	swait.ge [sflag:s8], $0x2800  }
0x36: {  	[sflag:s8] =	ssyncset.done $0x0  }
0x37: {  	[sflag:s8] =	ssyncadd.s32 $0xFFFFD800  }
0x38: {  	[tilespmem:s7], [sflag:$0x7] =	stream.linear.gather [spmem:s23], $0x2800, $0x38;
	[tilespmem:$0x1E200] =	vst v63  }
0x39: {  	_ =	swait.ge [sflag:s8], $0x2800  }
0x3a: {  	[sflag:s8] =	ssyncset.done $0x0  }
0x3b: {  	s20 =	smov.u32 s23;
	s23 =	rddreg [dreg:$0x4];
	[sflag:s8] =	ssyncadd.s32 $0xFFFFD800  }
0x3c: {  	[hbm4b:s23+s2] =	stream.linear.scatter [tilespmem:s7], [sflag:$0x7], $0x2800, $0x38;
	[tilespmem:$0x1E200] =	vst v63  }
0x3d: {  	_ =	swait.ge [sflag:s8], $0x2800  }
0x3e: {  	[sflag:s8] =	ssyncset.done $0x0  }
0x3f: {  	[sflag:s8] =	ssyncadd.s32 $0xFFFFD800  }
0x40: {  	[tilespmem:s7], [sflag:$0x7] =	stream.linear.gather [spmem:s24], $0x2800, $0x38;
	[tilespmem:$0x1E200] =	vst v63  }
0x41: {  	_ =	swait.ge [sflag:s8], $0x2800  }
0x42: {  	[sflag:s8] =	ssyncset.done $0x0  }
0x43: {  	s21 =	smov.u32 s24;
	s24 =	rddreg [dreg:$0x5];
	[sflag:s8] =	ssyncadd.s32 $0xFFFFD800  }
0x44: {  	[hbm4b:s24+s2] =	stream.linear.scatter [tilespmem:s7], [sflag:$0x7], $0x2800, $0x38;
	[tilespmem:$0x1E200] =	vst v63  }
0x45: {  	_ =	swait.ge [sflag:s8], $0x2800  }
0x46: {  	[sflag:s8] =	ssyncset.done $0x0  }
0x47: {  	s30 =	rddreg [dreg:$0xc];
	[sflag:s8] =	ssyncadd.s32 $0xFFFFD800  }
0x48: {  	[tilespmem:s7], [sflag:$0x7] =	stream.linear.gather [spmem:s30], $0x2800, $0x38;
	[tilespmem:$0x1E200] =	vst v63  }
0x49: {  	_ =	swait.ge [sflag:s8], $0x2800  }
0x4a: {  	[sflag:s8] =	ssyncset.done $0x0  }
0x4b: {  	s18 =	rddreg [dreg:$0x6];
	[sflag:s8] =	ssyncadd.s32 $0xFFFFD800  }
0x4c: {  	[hbm4b:s18+s2] =	stream.linear.scatter [tilespmem:s7], [sflag:$0x7], $0x2800, $0x38;
	[tilespmem:$0x1E200] =	vst v63  }
0x4d: {  	_ =	swait.ge [sflag:s8], $0x2800  }
0x4e: {  	[sflag:s8] =	ssyncset.done $0x0  }
0x4f: {  	s18 =	rddreg [dreg:$0xd];
	[sflag:s8] =	ssyncadd.s32 $0xFFFFD800  }
0x50: {  	[tilespmem:s7], [sflag:$0x7] =	stream.linear.gather [spmem:s18], $0x2800, $0x38;
	[tilespmem:$0x1E200] =	vst v63  }
0x51: {  	_ =	swait.ge [sflag:s8], $0x2800  }
0x52: {  	[sflag:s8] =	ssyncset.done $0x0  }
0x53: {  	s22 =	rddreg [dreg:$0x7];
	[sflag:s8] =	ssyncadd.s32 $0xFFFFD800  }
0x54: {  	[hbm4b:s22+s2] =	stream.linear.scatter [tilespmem:s7], [sflag:$0x7], $0x2800, $0x38;
	[tilespmem:$0x1E200] =	vst v63  }
0x55: {  	_ =	swait.ge [sflag:s8], $0x2800  }
0x56: {  	[sflag:s8] =	ssyncset.done $0x0  }
0x57: {  	s22 =	rddreg [dreg:$0xe];
	[sflag:s8] =	ssyncadd.s32 $0xFFFFD800  }
0x58: {  	[tilespmem:s7], [sflag:$0x7] =	stream.linear.gather [spmem:s22], $0x2800, $0x38;
	[tilespmem:$0x1E200] =	vst v63  }
0x59: {  	_ =	swait.ge [sflag:s8], $0x2800  }
0x5a: {  	[sflag:s8] =	ssyncset.done $0x0  }
0x5b: {  	s23 =	rddreg [dreg:$0x8];
	[sflag:s8] =	ssyncadd.s32 $0xFFFFD800  }
0x5c: {  	[hbm4b:s23+s2] =	stream.linear.scatter [tilespmem:s7], [sflag:$0x7], $0x2800, $0x38;
	[tilespmem:$0x1E200] =	vst v63  }
0x5d: {  	_ =	swait.ge [sflag:s8], $0x2800  }
0x5e: {  	[sflag:s8] =	ssyncset.done $0x0  }
0x5f: {  	s23 =	rddreg [dreg:$0xf];
	[sflag:s8] =	ssyncadd.s32 $0xFFFFD800  }
0x60: {  	[tilespmem:s7], [sflag:$0x7] =	stream.linear.gather [spmem:s23], $0x2800, $0x38;
	[tilespmem:$0x1E200] =	vst v63  }
0x61: {  	_ =	swait.ge [sflag:s8], $0x2800  }
0x62: {  	[sflag:s8] =	ssyncset.done $0x0  }
0x63: {  	s24 =	rddreg [dreg:$0x9];
	[sflag:s8] =	ssyncadd.s32 $0xFFFFD800  }
0x64: {  	[hbm4b:s24+s2] =	stream.linear.scatter [tilespmem:s7], [sflag:$0x7], $0x2800, $0x38;
	[tilespmem:$0x1E200] =	vst v63  }
0x65: {  	_ =	swait.ge [sflag:s8], $0x2800  }
0x66: {  	[sflag:s8] =	ssyncset.done $0x0  }
0x67: {  	s24 =	rddreg [dreg:$0x10];
	[sflag:s8] =	ssyncadd.s32 $0xFFFFD800  }
0x68: {  	[tilespmem:s7], [sflag:$0x7] =	stream.linear.gather [spmem:s24], $0x2800, $0x38;
	[tilespmem:$0x1E200] =	vst v63  }
0x69: {  	_ =	swait.ge [sflag:s8], $0x2800  }
0x6a: {  	[sflag:s8] =	ssyncset.done $0x0  }
0x6b: {  	s17 =	rddreg [dreg:$0xa];
	[sflag:s8] =	ssyncadd.s32 $0xFFFFD800  }
0x6c: {  	[hbm4b:s17+s2] =	stream.linear.scatter [tilespmem:s7], [sflag:$0x7], $0x2800, $0x38;
	[tilespmem:$0x1E200] =	vst v63  }
0x6d: {  	_ =	swait.ge [sflag:s8], $0x2800  }
0x6e: {  	s6 =	sadd.s32 $0x1, s6;
	s17 =	rddreg [dreg:$0x17]  }
0x6f: {  	p0 =	sne.s32 s6, s17  }
.Ltmp1:
0x70: {  	_ = 	snop;
	(pc) =	sbr.rel @!p0 .LBB2_9-.Ltmp1, $3  }
0x71: {  	_ =	sdelay $0x1  }
0x72: {  	[sflag:s8] =	ssyncset.done $0x0  }
0x73: {  	[sflag:s8] =	ssyncadd.s32 $0xFFFFD800  }
.LBB2_1:
0x74: {  	s17 =	rddreg [dreg:$0xb]  }
0x75: {  	[tilespmem:s7], [sflag:$0x7] =	stream.linear.gather [hbm4b:s17+s2], $0x2800, $0x38;
	[tilespmem:$0x1E200] =	vst v63  }
0x76: {  	_ =	swait.ge [sflag:s8], $0x2800  }
0x77: {  	[sflag:s8] =	ssyncset.done $0x0  }
0x78: {  	[sflag:s8] =	ssyncadd.s32 $0xFFFFD800  }
0x79: {  	[spmem:s19] =	stream.linear.scatter [tilespmem:s7], [sflag:$0x7], $0x2800, $0x38;
	[tilespmem:$0x1E200] =	vst v63  }
0x7a: {  	_ =	swait.ge [sflag:s8], $0x2800  }
0x7b: {  	[sflag:s8] =	ssyncset.done $0x0  }
0x7c: {  	[sflag:s8] =	ssyncadd.s32 $0xFFFFD800  }
0x7d: {  	[spmem:s20] =	stream.linear.scatter [tilespmem:s7], [sflag:$0x7], $0x2800, $0x38;
	[tilespmem:$0x1E200] =	vst v63  }
0x7e: {  	_ =	swait.ge [sflag:s8], $0x2800  }
0x7f: {  	[sflag:s8] =	ssyncset.done $0x0  }
0x80: {  	[sflag:s8] =	ssyncadd.s32 $0xFFFFD800  }
0x81: {  	[spmem:s21] =	stream.linear.scatter [tilespmem:s7], [sflag:$0x7], $0x2800, $0x38;
	[tilespmem:$0x1E200] =	vst v63  }
0x82: {  	_ =	swait.ge [sflag:s8], $0x2800  }
0x83: {  	[sflag:s8] =	ssyncset.done $0x0  }
0x84: {  	[sflag:s8] =	ssyncadd.s32 $0xFFFFD800  }
0x85: {  	[spmem:s30] =	stream.linear.scatter [tilespmem:s7], [sflag:$0x7], $0x2800, $0x38;
	[tilespmem:$0x1E200] =	vst v63  }
0x86: {  	_ =	swait.ge [sflag:s8], $0x2800  }
0x87: {  	[sflag:s8] =	ssyncset.done $0x0  }
0x88: {  	[sflag:s8] =	ssyncadd.s32 $0xFFFFD800  }
0x89: {  	[spmem:s18] =	stream.linear.scatter [tilespmem:s7], [sflag:$0x7], $0x2800, $0x38;
	[tilespmem:$0x1E200] =	vst v63  }
0x8a: {  	_ =	swait.ge [sflag:s8], $0x2800  }
0x8b: {  	[sflag:s8] =	ssyncset.done $0x0  }
0x8c: {  	s17 =	smov.u32 s22;
	[sflag:s8] =	ssyncadd.s32 $0xFFFFD800  }
0x8d: {  	[spmem:s17] =	stream.linear.scatter [tilespmem:s7], [sflag:$0x7], $0x2800, $0x38;
	[tilespmem:$0x1E200] =	vst v63  }
0x8e: {  	_ =	swait.ge [sflag:s8], $0x2800  }
0x8f: {  	[sflag:s8] =	ssyncset.done $0x0  }
0x90: {  	s22 =	smov.u32 s19;
	s19 =	smov.u32 s23;
	[sflag:s8] =	ssyncadd.s32 $0xFFFFD800  }
0x91: {  	[spmem:s19] =	stream.linear.scatter [tilespmem:s7], [sflag:$0x7], $0x2800, $0x38;
	[tilespmem:$0x1E200] =	vst v63  }
0x92: {  	_ =	swait.ge [sflag:s8], $0x2800  }
0x93: {  	[sflag:s8] =	ssyncset.done $0x0  }
0x94: {  	s23 =	smov.u32 s20;
	s20 =	smov.u32 s24;
	[sflag:s8] =	ssyncadd.s32 $0xFFFFD800  }
0x95: {  	[spmem:s20] =	stream.linear.scatter [tilespmem:s7], [sflag:$0x7], $0x2800, $0x38;
	[tilespmem:$0x1E200] =	vst v63  }
0x96: {  	_ =	swait.ge [sflag:s8], $0x2800  }
0x97: {  	[sflag:s8] =	ssyncset.done $0x0  }
0x98: {  	[sflag:s8] =	ssyncadd.s32 $0xFFFFD800  }
0x99: {  	[bflag:$0x0] =	sbarrier.arrive $0xFFFF  }
0x9a: {  	s19 =	rddreg [dreg:$0x12]  }
0x9b: {  	[tilespmem:s2], [sflag:$0x7] =	stream.linear.gather [hbm4b:s19+s2], $0x50, $0x38;
	[tilespmem:$0x1E200] =	vst v63  }
0x9c: {  	_ =	swait.ge [sflag:s8], $0x50  }
0x9d: {  	s24 =	smov.u32 s21;
	[sflag:s8] =	ssyncset.done $0x0  }
0x9e: {  	s21 =	simm.s32 $0x200;
	s20 =	rddreg [dreg:$0x11];
	[sflag:s8] =	ssyncadd.s32 $0xFFFFFFB0  }
0x9f: {  	[tilespmem:s21], [sflag:$0x1] =	stream.linear.gather [hbm4b:s20+s2], $0x2800, $0x38;
	[tilespmem:$0x1E200] =	vst v63  }
0xa0: {  	s18 =	rddreg [dreg:$0x13]  }
0xa1: {  	[tilespmem:s9], [sflag:$0x1] =	stream.linear.gather [hbm4b:s18+s2], $0x50, $0x38;
	[tilespmem:$0x1E200] =	vst v63  }
0xa2: {  	_ = 	snop  }
0xa3: {  	[tilespmem:s7], [sflag:$0x3] =	stream.indirect.gather [hbm4b:s4+s10], $0x80, s2, s10, $0xb8;
	[tilespmem:$0x1E200] =	vst v63  }
0xa4: {  	s19 =	rddreg [dreg:$0x15]  }
0xa5: {  	[tilespmem:s11], [sflag:$0x7] =	stream.linear.gather [hbm4b:s19+s2], $0x50, $0x38;
	[tilespmem:$0x1E200] =	vst v63  }
0xa6: {  	_ =	swait.ge [sflag:s8], $0x50  }
0xa7: {  	[sflag:s8] =	ssyncset.done $0x0  }
0xa8: {  	s20 =	rddreg [dreg:$0x14];
	[sflag:s8] =	ssyncadd.s32 $0xFFFFFFB0  }
0xa9: {  	[tilespmem:s12], [sflag:$0x2] =	stream.linear.gather [hbm4b:s20+s2], $0x2800, $0x38;
	[tilespmem:$0x1E200] =	vst v63  }
0xaa: {  	s21 =	rddreg [dreg:$0x16]  }
0xab: {  	[tilespmem:s13], [sflag:$0x2] =	stream.linear.gather [hbm4b:s21+s2], $0x50, $0x38;
	[tilespmem:$0x1E200] =	vst v63  }
0xac: {  	s30 =	simm.s32 $0x0  }
0xad: {  	[tilespmem:s16], [sflag:$0x4] =	stream.indirect.gather [hbm4b:s4+s10], $0x80, s11, s10, $0xb8;
	[tilespmem:$0x1E200] =	vst v63  }
.LBB2_2:
0xae: {  	_ =	swait.ge [sflag:s25], $0x2800  }
0xaf: {  	[sflag:s25] =	ssyncset.done $0x0  }
0xb0: {  	[sflag:s25] =	ssyncadd.s32 $0xFFFFD800  }
0xb1: {  	_ =	swait.ge [sflag:s25], $0x50  }
0xb2: {  	[sflag:s25] =	ssyncset.done $0x0  }
0xb3: {  	[sflag:s25] =	ssyncadd.s32 $0xFFFFFFB0  }
0xb4: {  	_ =	swait.ge [sflag:s26], $0x2800  }
0xb5: {  	[sflag:s26] =	ssyncset.done $0x0  }
0xb6: {  	s17 =	simm.s32 $0x0;
	[sflag:s26] =	ssyncadd.s32 $0xFFFFD800  }
0xb7: {  	v0 =	vld [tilespmem:s17+$0x200]  }
0xb8: {  	v4 =	vld [tilespmem:s17+$0x5200]  }
0xb9: {  	v6 =	vld [tilespmem:s17+$0x5210]  }
0xba: {  	v5 =	vld [tilespmem:s17+$0x5220]  }
0xbb: {  	v3 =	vld [tilespmem:s17+$0x5230]  }
0xbc: {  	v1 =	vld [tilespmem:s17+$0x5240]  }
0xbd: {  	v2 =	vld [tilespmem:s17+$0x5250];
	v7 =	vmul.f32 v4, v0  }
0xbe: {  	s18 =	simm.s32 $0x200;
	v6 =	vmul.f32 v6, v0;
	v4 =	vld [tilespmem:s17+$0x5260]  }
.LBB2_3:
0xbf: {  	s19 =	sshra.s32 s18, $0x2;
	p0 =	sne.s32 s18, $0x9E00;
	[tilespmem:s17+$0x5200] =	vst v7;
	v5 =	vmul.f32 v5, v0;
	v7 =	vld [tilespmem:s17+$0x5270]  }
0xc0: {  	v8 =	vld [tilespmem:s19+$0x200];
	[tilespmem:s17+$0x5210] =	vst v6;
	v3 =	vmul.f32 v3, v0  }
0xc1: {  	v6 =	vld [tilespmem:s19+$0x5200];
	[tilespmem:s17+$0x5220] =	vst v5;
	v1 =	vmul.f32 v1, v0  }
0xc2: {  	v9 =	vld [tilespmem:s19+$0x5210];
	[tilespmem:s17+$0x5230] =	vst v3;
	v2 =	vmul.f32 v2, v0  }
.Ltmp2:
0xc3: {  	v5 =	vld [tilespmem:s19+$0x5220];
	[tilespmem:s17+$0x5240] =	vst v1;
	v4 =	vmul.f32 v4, v0;
	(pc) =	sbr.rel @p0 .LBB2_3-.Ltmp2, $4  }
0xc4: {  	v3 =	vld [tilespmem:s19+$0x5230];
	[tilespmem:s17+$0x5250] =	vst v2;
	v10 =	vmul.f32 v7, v0  }
0xc5: {  	v1 =	vld [tilespmem:s19+$0x5240];
	[tilespmem:s17+$0x5260] =	vst v4;
	v0 =	vmov v8  }
0xc6: {  	v7 =	vmul.f32 v6, v0;
	v2 =	vld [tilespmem:s19+$0x5250];
	[tilespmem:s17+$0x5270] =	vst v10;
	s17 =	smov.u32 s19  }
0xc7: {  	s18 =	sadd.s32 $0x200, s18;
	v6 =	vmul.f32 v9, v0;
	v4 =	vld [tilespmem:s17+$0x5260]  }
0xc8: {  	[tilespmem:s17+$0x5200] =	vst v7;
	v5 =	vmul.f32 v5, v0;
	v7 =	vld [tilespmem:s17+$0x5270]  }
0xc9: {  	[tilespmem:s17+$0x5210] =	vst v6;
	v3 =	vmul.f32 v3, v0  }
0xca: {  	[tilespmem:s17+$0x5220] =	vst v5;
	v1 =	vmul.f32 v1, v0  }
0xcb: {  	[tilespmem:s17+$0x5230] =	vst v3;
	v2 =	vmul.f32 v2, v0  }
0xcc: {  	[tilespmem:s17+$0x5240] =	vst v1;
	v1 =	vmul.f32 v4, v0  }
0xcd: {  	[tilespmem:s17+$0x5250] =	vst v2;
	v0 =	vmul.f32 v7, v0  }
0xce: {  	[tilespmem:s17+$0x5260] =	vst v1  }
0xcf: {  	p0 =	seq.s32 s30, $0x3F;
	[tilespmem:s17+$0x5270] =	vst v0;
	s17 =	sshll.u32 s30, $0x1  }
0xd0: {  	[spmem:s1] =	stream.indirect.scatter.add.f32 [tilespmem:s7], [sflag:$0x5], $0x80, s9, s10, $0xb8;
	[tilespmem:$0x1E200] =	vst v63  }
0xd1: {  	s18 =	simm.s32 @!p0 $0x5;
	s19 =	sadd.s32 @!p0 s17, s0  }
0xd2: {  	_ =	swait.ge @!p0 [sflag:s18], $0x2800;
	s20 =	smul.u32 @!p0 $0xA, s19  }
0xd3: {  	[sflag:s18] =	ssyncset.done @!p0 $0x0  }
0xd4: {  	s21 =	simm.s32 @!p0 $0x0;
	[sflag:s18] =	ssyncadd.s32 @!p0 $0xFFFFD800;
	s18 =	sadd.s32 @!p0 s5, s20  }
0xd5: {  	[tilespmem:s21], [sflag:$0x7] =	stream.linear.gather @!p0 [hbm4b:s18+s21], $0x50, $0x38;
	[tilespmem:$0x1E200] =	vst v63  }
0xd6: {  	s18 =	simm.s32 @!p0 $0x7  }
0xd7: {  	s19 =	smul.u32 @!p0 $0x500, s19;
	_ =	swait.ge @!p0 [sflag:s18], $0x50  }
0xd8: {  	[sflag:s18] =	ssyncset.done @!p0 $0x0  }
0xd9: {  	[sflag:s18] =	ssyncadd.s32 @!p0 $0xFFFFFFB0;
	s18 =	sadd.s32 @!p0 s15, s19;
	s19 =	simm.s32 @!p0 $0x200  }
0xda: {  	[tilespmem:s19], [sflag:$0x1] =	stream.linear.gather @!p0 [hbm4b:s18+s21], $0x2800, $0x38;
	[tilespmem:$0x1E200] =	vst v63  }
0xdb: {  	s18 =	sadd.s32 @!p0 s14, s20;
	s19 =	simm.s32 @!p0 $0x100  }
0xdc: {  	[tilespmem:s19], [sflag:$0x1] =	stream.linear.gather @!p0 [hbm4b:s18+s21], $0x50, $0x38;
	[tilespmem:$0x1E200] =	vst v63  }
0xdd: {  	s18 =	simm.s32 @!p0 $0x50;
	s19 =	simm.s32 @!p0 $0x5200  }
0xde: {  	[tilespmem:s19], [sflag:$0x3] =	stream.indirect.gather @!p0 [hbm4b:s4+s18], $0x80, s21, s18, $0xb8;
	[tilespmem:$0x1E200] =	vst v63  }
0xdf: {  	_ =	swait.ge [sflag:s28], $0x2800  }
0xe0: {  	[sflag:s28] =	ssyncset.done $0x0  }
0xe1: {  	[sflag:s28] =	ssyncadd.s32 $0xFFFFD800  }
0xe2: {  	_ =	swait.ge [sflag:s28], $0x50  }
0xe3: {  	[sflag:s28] =	ssyncset.done $0x0  }
0xe4: {  	[sflag:s28] =	ssyncadd.s32 $0xFFFFFFB0  }
0xe5: {  	_ =	swait.ge [sflag:s29], $0x2800  }
0xe6: {  	[sflag:s29] =	ssyncset.done $0x0  }
0xe7: {  	s18 =	simm.s32 $0x0;
	[sflag:s29] =	ssyncadd.s32 $0xFFFFD800  }
0xe8: {  	v0 =	vld [tilespmem:s18+$0x2A00]  }
0xe9: {  	v4 =	vld [tilespmem:s18+$0x7A00]  }
0xea: {  	v6 =	vld [tilespmem:s18+$0x7A10]  }
0xeb: {  	v5 =	vld [tilespmem:s18+$0x7A20]  }
0xec: {  	v3 =	vld [tilespmem:s18+$0x7A30]  }
0xed: {  	v1 =	vld [tilespmem:s18+$0x7A40]  }
0xee: {  	v2 =	vld [tilespmem:s18+$0x7A50];
	v7 =	vmul.f32 v4, v0  }
0xef: {  	s19 =	simm.s32 $0x200;
	v6 =	vmul.f32 v6, v0;
	v4 =	vld [tilespmem:s18+$0x7A60]  }
.LBB2_5:
0xf0: {  	s20 =	sshra.s32 s19, $0x2;
	p1 =	sne.s32 s19, $0x9E00;
	[tilespmem:s18+$0x7A00] =	vst v7;
	v5 =	vmul.f32 v5, v0;
	v7 =	vld [tilespmem:s18+$0x7A70]  }
0xf1: {  	v8 =	vld [tilespmem:s20+$0x2A00];
	[tilespmem:s18+$0x7A10] =	vst v6;
	v3 =	vmul.f32 v3, v0  }
0xf2: {  	v6 =	vld [tilespmem:s20+$0x7A00];
	[tilespmem:s18+$0x7A20] =	vst v5;
	v1 =	vmul.f32 v1, v0  }
0xf3: {  	v9 =	vld [tilespmem:s20+$0x7A10];
	[tilespmem:s18+$0x7A30] =	vst v3;
	v2 =	vmul.f32 v2, v0  }
.Ltmp3:
0xf4: {  	v5 =	vld [tilespmem:s20+$0x7A20];
	[tilespmem:s18+$0x7A40] =	vst v1;
	v4 =	vmul.f32 v4, v0;
	(pc) =	sbr.rel @p1 .LBB2_5-.Ltmp3, $4  }
0xf5: {  	v3 =	vld [tilespmem:s20+$0x7A30];
	[tilespmem:s18+$0x7A50] =	vst v2;
	v10 =	vmul.f32 v7, v0  }
0xf6: {  	v1 =	vld [tilespmem:s20+$0x7A40];
	[tilespmem:s18+$0x7A60] =	vst v4;
	v0 =	vmov v8  }
0xf7: {  	v7 =	vmul.f32 v6, v0;
	v2 =	vld [tilespmem:s20+$0x7A50];
	[tilespmem:s18+$0x7A70] =	vst v10;
	s18 =	smov.u32 s20  }
0xf8: {  	s19 =	sadd.s32 $0x200, s19;
	v6 =	vmul.f32 v9, v0;
	v4 =	vld [tilespmem:s18+$0x7A60]  }
0xf9: {  	[tilespmem:s18+$0x7A00] =	vst v7;
	v5 =	vmul.f32 v5, v0;
	v61 =	vld [tilespmem:s18+$0x7A70]  }
0xfa: {  	[tilespmem:s18+$0x7A10] =	vst v6;
	v3 =	vmul.f32 v3, v0  }
0xfb: {  	[tilespmem:s18+$0x7A20] =	vst v5;
	v1 =	vmul.f32 v1, v0  }
0xfc: {  	[tilespmem:s18+$0x7A30] =	vst v3;
	v2 =	vmul.f32 v2, v0  }
.Ltmp4:
0xfd: {  	[tilespmem:s18+$0x7A40] =	vst v1;
	v62 =	vmul.f32 v4, v0;
	(pc) =	sbr.rel @p0 .LBB2_8-.Ltmp4, $4  }
0xfe: {  	[tilespmem:s18+$0x7A50] =	vst v2;
	v63 =	vmul.f32 v61, v0  }
0xff: {  	[tilespmem:s18+$0x7A60] =	vst v62  }
0x100: {  	[tilespmem:s18+$0x7A70] =	vst v63  }
0x101: {  	[spmem:s1] =	stream.indirect.scatter.add.f32 [tilespmem:s16], [sflag:$0x6], $0x80, s13, s10, $0xb8;
	[tilespmem:$0x1E200] =	vst v63  }
0x102: {  	s17 =	sadd.s32 s17, s3  }
0x103: {  	_ =	swait.ge [sflag:s31], $0x2800;
	s18 =	smul.u32 $0xA, s17  }
0x104: {  	[sflag:s31] =	ssyncset.done $0x0  }
0x105: {  	[sflag:s31] =	ssyncadd.s32 $0xFFFFD800;
	s19 =	sadd.s32 s5, s18  }
0x106: {  	[tilespmem:s11], [sflag:$0x7] =	stream.linear.gather [hbm4b:s19+s2], $0x50, $0x38;
	[tilespmem:$0x1E200] =	vst v63  }
0x107: {  	s17 =	smul.u32 $0x500, s17;
	_ =	swait.ge [sflag:s8], $0x50  }
0x108: {  	[sflag:s8] =	ssyncset.done $0x0  }
0x109: {  	s17 =	sadd.s32 s15, s17;
	[sflag:s8] =	ssyncadd.s32 $0xFFFFFFB0  }
0x10a: {  	[tilespmem:s12], [sflag:$0x2] =	stream.linear.gather [hbm4b:s17+s2], $0x2800, $0x38;
	[tilespmem:$0x1E200] =	vst v63  }
.Ltmp5:
0x10b: {  	_ = 	snop;
	(pc) =	sbr.rel .LBB2_2-.Ltmp5, $4  }
0x10c: {  	s21 =	sadd.s32 s14, s18  }
0x10d: {  	[tilespmem:s13], [sflag:$0x2] =	stream.linear.gather [hbm4b:s21+s2], $0x50, $0x38;
	[tilespmem:$0x1E200] =	vst v63  }
0x10e: {  	s30 =	sadd.s32 $0x1, s30  }
0x10f: {  	[tilespmem:s16], [sflag:$0x4] =	stream.indirect.gather [hbm4b:s4+s10], $0x80, s11, s10, $0xb8;
	[tilespmem:$0x1E200] =	vst v63  }
.LBB2_9:
0x110: {  	_ =	sfence.sel $0x180000  }
0x111: {  	[bflag:$0x0] =	sbarrier.arrive $0xFFFF  }
0x112: {  	_ =	strace $0x90000050  }
0x113: {  	s0 =	stileid.u32;
	[bflag:$0x2] =	sbarrier.arrive $0xFFFF  }
0x114: {  	p0 =	sne.s32 s0, $0x0;
	s0 =	rddreg [dreg:$0x2]  }
0x115: {  	s0 =	sadd.s32 @!p0 $0x100000, s0  }
0x116: {  	[sflag:s0] =	ssyncadd.tile.s32 @!p0 $0x1;
	_ =	shalt  }
.Lfunc_end2:
_tile_overlayer_lowered:
.L_overlay_start_2:
0x117: {  	(tag) =	ssettag $0x2  }
0x118: {  	s0 =	rddreg [dreg:$0x0];
	s2 =	stileid.u32  }
0x119: {  	s1 =	rddreg [dreg:$0x1];
	p0 =	sne.s32 s2, $0x0  }
0x11a: {  	s3 =	rddreg [dreg:$0x2];
	[bflag:$0x3] =	sbarrier.arrive $0xFFFF;
	s2 =	simm.s32 @!p0 $0x1C07  }
0x11b: {  	[timem:s3], [sflag:s2] =	dma.local @!p0 [hbm:s0], s1  }
0x11c: {  	s0 =	simm.s32 @!p0 $0x7  }
0x11d: {  	_ =	swait.ge @!p0 [sflag:s0], s1  }
0x11e: {  	s1 =	ssub.s32 @!p0 $0x0, s1;
	[sflag:s0] =	ssyncset.done @!p0 $0x0  }
0x11f: {  	[sflag:s0] =	ssyncadd.s32 @!p0 s1  }
0x120: {  	[bflag:$0x3] =	sbarrier.arrive $0xFFFF  }
0x121: {  	_ =	shalt  }

</sc_bundles>
